<compile_context>
chip_gen: v7x
topology: tpu7x:2x2x1
jax: 0.10.2.dev20260603
libtpu: 0.0.44.dev20260713+nightly
codegen_flags: <defaults>
</compile_context>

<pallas_src>
import functools

import numpy as np
import jax
import jax.numpy as jnp
from jax import lax
from jax.experimental import pallas as pl
from jax.experimental.pallas import tpu as pltpu
from jax.experimental.pallas import tpu_sc as plsc

_N = 4096
_D = 256
_K = 15
_NP = 105
_SELF0 = _NP
_PAD = 128
_BLK = 256
_GRID = _N // _BLK
_NQ = 2
_QBLKS = _GRID // _NQ
_QROWS = _N // _NQ
_NW = 32
_PER_W = _QROWS * _PAD // _NW
_CHUNK = 128
_DEPTH = 24

_iu, _ju = np.triu_indices(_K, k=1)
_m1 = np.zeros((16, _PAD), np.float32)
_m1[_iu + 1, np.arange(_NP)] += 4096.0
_m1[_ju + 1, np.arange(_NP)] += 1.0
_m1[np.arange(_K) + 1, _SELF0 + np.arange(_K)] = 1.0
_M1 = _m1

_oh2a = np.zeros((_PAD, _PAD), np.float32)
_oh2b = np.zeros((_PAD, _PAD), np.float32)
_oh2a[_SELF0 + _iu, np.arange(_NP)] = 1.0
_oh2b[_SELF0 + _ju, np.arange(_NP)] = 1.0
_OH2A = _oh2a
_OH2B = _oh2b

_HI = lax.Precision.HIGHEST


def _dot(a, b):
    return lax.dot_general(a, b, (((1,), (0,)), ((), ())), precision=_HI)


def _tca_body(x_ref, emb_ref, d2_ref, sqc_ref):
    i = pl.program_id(0)
    x = x_ref[...]
    emb = emb_ref[...]
    sq_r = jnp.sum(x * x, axis=1, keepdims=True)

    @pl.when(i == 0)
    def _():
        sqc_ref[...] = lax.dot_general(
            jnp.ones((1, _D), jnp.float32), emb * emb,
            (((1,), (1,)), ((), ())), precision=_HI)

    g = lax.dot_general(x, emb, (((1,), (1,)), ((), ())), precision=_HI)
    d2_ref[...] = jnp.maximum(sq_r + sqc_ref[...] - 2.0 * g, 1e-12)


_tca = pl.pallas_call(
    _tca_body,
    grid=(_GRID,),
    in_specs=[
        pl.BlockSpec((_BLK, _D), lambda i: (i, 0)),
        pl.BlockSpec((_N, _D), lambda i: (0, 0)),
    ],
    out_specs=pl.BlockSpec((_BLK, _N), lambda i: (i, 0)),
    out_shape=jax.ShapeDtypeStruct((_N, _N), jnp.float32),
    scratch_shapes=[pltpu.VMEM((1, _N), jnp.float32)],
)


def _tcb_body(q, d2_ref, m1_ref, pi_ref):
    i = pl.program_id(0)
    d2 = d2_ref[...]
    row0 = (q * _QBLKS + i) * _BLK

    lane = lax.broadcasted_iota(jnp.int32, (_BLK, _N), 1)
    ikey = ((jnp.minimum(d2, 1023.0) * 256.0).astype(jnp.int32) << 12) | lane
    fkey = lax.bitcast_convert_type(ikey, jnp.float32)
    rows = row0 + lax.broadcasted_iota(jnp.int32, (_BLK, 1), 0)
    fkey = jnp.where(lane == rows, jnp.inf, fkey)
    idxs = [rows]
    for _ in range(_K):
        fkm = jnp.min(fkey, axis=1, keepdims=True)
        idxs.append(lax.bitcast_convert_type(fkm, jnp.int32) & 0xFFF)
        fkey = jnp.where(fkey == fkm, jnp.inf, fkey)
    ki = jnp.concatenate(idxs, axis=1)
    kif = ki.astype(jnp.float32)

    base = _dot(kif, m1_ref[...])
    lane128 = lax.broadcasted_iota(jnp.int32, (_BLK, _PAD), 1)
    selfm = (lane128 >= _SELF0) & (lane128 < _SELF0 + _K)
    rowterm = rows.astype(jnp.float32) * np.float32(_N)
    flat = base + jnp.where(selfm, rowterm, 0.0)
    pi_ref[...] = flat.astype(jnp.int32)


def _make_tcb(q):
    return pl.pallas_call(
        functools.partial(_tcb_body, q),
        grid=(_QBLKS,),
        in_specs=[
            pl.BlockSpec((_BLK, _N), lambda i: (q * _QBLKS + i, 0)),
            pl.BlockSpec((16, _PAD), lambda i: (0, 0)),
        ],
        out_specs=pl.BlockSpec((_BLK, _PAD), lambda i: (i, 0)),
        out_shape=jax.ShapeDtypeStruct((_QROWS, _PAD), jnp.int32),
    )


_tcbs = [_make_tcb(q) for q in range(_NQ)]


@functools.cache
def _make_sc_gather():
    @functools.partial(
        pl.kernel,
        out_type=jax.ShapeDtypeStruct((_QROWS * _PAD,), jnp.float32),
        mesh=plsc.VectorSubcoreMesh(core_axis_name="c", subcore_axis_name="s"),
        scratch_types=[
            pltpu.VMEM((_PER_W,), jnp.int32),
            pltpu.VMEM((_PER_W,), jnp.float32),
            pltpu.SemaphoreType.DMA,
        ],
    )
    def _sc_gather(d2_hbm, idx_hbm, out_hbm, idx_v, rows_v, sem):
        wid = lax.axis_index("s") * 2 + lax.axis_index("c")
        base = wid * _PER_W
        pltpu.sync_copy(idx_hbm.at[pl.ds(base, _PER_W)], idx_v)

        nch = _PER_W // _CHUNK

        def fire(c):
            off = c * _CHUNK
            return pltpu.async_copy(
                d2_hbm.at[idx_v.at[pl.ds(off, _CHUNK)]],
                rows_v.at[pl.ds(off, _CHUNK)],
                sem,
            )

        def retire_one():
            pltpu.make_async_copy(
                d2_hbm.at[idx_v.at[pl.ds(0, _CHUNK)]],
                rows_v.at[pl.ds(0, _CHUNK)],
                sem,
            ).wait()

        for j in range(_DEPTH):
            fire(j)

        def body(c, carry):
            fire(c + _DEPTH)
            retire_one()
            return carry

        lax.fori_loop(0, nch - _DEPTH, body, 0)
        for j in range(_DEPTH):
            retire_one()
        pltpu.sync_copy(rows_v, out_hbm.at[pl.ds(base, _PER_W)])

    return _sc_gather


def _bitonic128(x):
    lane = lax.broadcasted_iota(jnp.int32, x.shape, 1)
    k = 2
    while k <= _PAD:
        j = k // 2
        while j >= 1:
            is_lo = (lane & j) == 0
            xp = jnp.where(is_lo, pltpu.roll(x, _PAD - j, 1), pltpu.roll(x, j, 1))
            up = (lane & k) == 0
            take_min = up == is_lo
            x = jnp.where(take_min, jnp.minimum(x, xp), jnp.maximum(x, xp))
            j //= 2
        k *= 2
    return x


def _tcc_body(gth_ref, refc_ref, refa_ref, oha_ref, ohb_ref, out_ref):
    i = pl.program_id(0)
    gv = gth_ref[...]
    lane = lax.broadcasted_iota(jnp.int32, (_BLK, _PAD), 1)
    selfm = (lane >= _SELF0) & (lane < _SELF0 + _K)
    gs = jnp.sqrt(gv)
    kd = jnp.where(selfm, gs, 0.0)
    mean = jnp.sum(kd, axis=1, keepdims=True) / _K + 1e-8
    cerr = jnp.where(selfm, (gs / mean - refc_ref[...]) ** 2, 0.0)
    csum = jnp.sum(cerr)

    ad = _dot(kd, oha_ref[...])
    bd = _dot(kd, ohb_ref[...])
    cosv = (ad * ad + bd * bd - gv) / (2.0 * ad * bd)
    pairm = lane < _NP
    srt = _bitonic128(jnp.where(pairm, cosv, jnp.inf))
    aerr = jnp.where(pairm, (srt - refa_ref[...]) ** 2, 0.0)
    asum = jnp.sum(aerr)

    part = 0.3 * csum / (_N * _K) + 0.7 * asum / (_N * _NP)

    @pl.when(i == 0)
    def _():
        out_ref[...] = jnp.zeros((1, 1), jnp.float32)

    out_ref[...] = out_ref[...] + part


def _make_tcc(q):
    return pl.pallas_call(
        _tcc_body,
        grid=(_QBLKS,),
        in_specs=[
            pl.BlockSpec((_BLK, _PAD), lambda i: (i, 0)),
            pl.BlockSpec((_BLK, _PAD), lambda i: (q * _QBLKS + i, 0)),
            pl.BlockSpec((_BLK, _PAD), lambda i: (q * _QBLKS + i, 0)),
            pl.BlockSpec((_PAD, _PAD), lambda i: (0, 0)),
            pl.BlockSpec((_PAD, _PAD), lambda i: (0, 0)),
        ],
        out_specs=pl.BlockSpec((1, 1), lambda i: (0, 0)),
        out_shape=jax.ShapeDtypeStruct((1, 1), jnp.float32),
    )


_tccs = [_make_tcc(q) for q in range(_NQ)]


def kernel(embeddings, ref_curv_sig, ref_ang_sig):
    emb = embeddings.astype(jnp.float32)
    d2 = _tca(emb, emb)
    d2f = d2.reshape(-1)
    refc = jnp.pad(ref_curv_sig, ((0, 0), (_SELF0, _PAD - _SELF0 - _K)))
    refa = jnp.pad(ref_ang_sig, ((0, 0), (0, _PAD - _NP)))
    sc = _make_sc_gather()
    pis = [_tcbs[q](d2, _M1) for q in range(_NQ)]
    gs = [sc(d2f, pis[q].reshape(-1)) for q in range(_NQ)]
    outs = [_tccs[q](gs[q].reshape(_QROWS, _PAD), refc, refa, _OH2A, _OH2B)
            for q in range(_NQ)]
    total = outs[0][0, 0]
    for o in outs[1:]:
        total = total + o[0, 0]
    return total

# --- scband reference (transcript-rebuilt; emitter-appended) ---
"""Pipeline reference for scband-curvature-only-regularizer-73005854097887 (READ-ONLY COPY).

The authoritative reference and input builder live on the scoring server;
editing this copy changes nothing except your own understanding.
"""

import jax, jax.numpy as jnp
import numpy as np

N = 4096
D = 256
K = 15


def _knn(emb, k):
    sq = jnp.sum(emb * emb, axis=1)
    d2 = sq[:, None] + sq[None, :] - 2.0 * (emb @ emb.T)
    dists = jnp.sqrt(jnp.maximum(d2, 1e-12))
    neg_vals, idx = jax.lax.top_k(-dists, k + 1)
    knn_d = -neg_vals
    return knn_d[:, 1:], idx[:, 1:]


def _curv_sig(knn_d):
    mean_dist = jnp.mean(knn_d, axis=1, keepdims=True) + 1e-08
    normalized = knn_d / mean_dist
    return jnp.sort(normalized, axis=1)


def _ang_sig(emb, knn_idx):
    k = knn_idx.shape[1]
    neighbor_emb = emb[knn_idx]
    vectors = neighbor_emb - emb[:, None, :]
    norms = jnp.linalg.norm(vectors, axis=2, keepdims=True)
    vectors = vectors / jnp.maximum(norms, 1e-08)
    cos_sims = jnp.einsum('bkd,bjd->bkj', vectors, vectors)
    iu, ju = jnp.triu_indices(k, k=1)
    ang = cos_sims[:, iu, ju]
    return jnp.sort(ang, axis=1)


def setup_inputs(seed: int = 0):
    key = jax.random.key(seed)
    k1, k2 = jax.random.split(key)
    embeddings = jax.random.normal(k1, (N, D), dtype=jnp.float32)
    # reference embeddings (what set_reference() saw): a slightly perturbed copy
    ref_emb = embeddings + 0.1 * jax.random.normal(k2, (N, D), dtype=jnp.float32)
    kd, ki = _knn(ref_emb, K)
    ref_curv_sig = _curv_sig(kd)
    ref_ang_sig = _ang_sig(ref_emb, ki)
    return {"embeddings": embeddings, "ref_curv_sig": ref_curv_sig, "ref_ang_sig": ref_ang_sig}


def reference(embeddings, ref_curv_sig, ref_ang_sig):
    n = embeddings.shape[0]
    k = min(K, n - 1)
    knn_dists, knn_indices = _knn(embeddings, k)
    curr_curv_sig = _curv_sig(knn_dists)
    curr_ang_sig = _ang_sig(embeddings, knn_indices)
    ref_c = ref_curv_sig[:n, :k]
    min_ang = min(curr_ang_sig.shape[1], ref_ang_sig.shape[1])
    curv_loss = jnp.mean((curr_curv_sig - ref_c) ** 2)
    ang_loss = jnp.mean((curr_ang_sig[:, :min_ang] - ref_ang_sig[:n, :min_ang]) ** 2)
    total_loss = 0.3 * curv_loss + 0.7 * ang_loss
    return total_loss

if __name__ == "__main__":
    import jax
    _d = setup_inputs()
    print(jax.jit(kernel)(*tuple(_d.values())))

</pallas_src>

<mosaic_0001>
#map = affine_map<(d0, d1) -> (0)>
module attributes {stable_mosaic.version = 14 : i64} {
  func.func @_sc_gather(%arg0: i32, %arg1: i32, %arg2: memref<16777216xf32, #tpu.memory_space<hbm>>, %arg3: memref<262144xi32, #tpu.memory_space<hbm>>, %arg4: memref<262144xf32, #tpu.memory_space<hbm>>, %arg5: memref<8192xi32, #tpu.memory_space<vmem>>, %arg6: memref<8192xf32, #tpu.memory_space<vmem>>, %arg7: memref<!tpu.dma_semaphore, #tpu.memory_space<semaphore_mem>>) attributes {dimension_semantics = [#tpu.dimension_semantics<core_parallel>, #tpu.dimension_semantics<subcore_parallel>], iteration_bounds = array<i64: 2, 16>, scalar_prefetch = 0 : i64, scratch_operands = 3 : i64, tpu.core_type = #tpu.core_type<sc_vector_subcore>, window_params = [{transform_indices = #map}, {transform_indices = #map}, {transform_indices = #map}]} {
    %mul3A = arith.constant 2 : i32
    %mul3A_0 = arith.muli %arg1, %mul3A : i32
    %add3A = arith.addi %mul3A_0, %arg0 : i32
    %mul3A_1 = arith.constant 8192 : i32
    %mul3A_2 = arith.muli %add3A, %mul3A_1 : i32
    "tpu.region"() ({
      %run_scoped3A = tpu.sem_alloc : memref<!tpu.dma_semaphore, #tpu.memory_space<semaphore_mem>>
      %dma_start3A_294 = tpu.memref_slice %arg3[%mul3A_2] : memref<262144xi32, #tpu.memory_space<hbm>> -> memref<8192xi32, #tpu.memory_space<hbm>>
      %dma_start3A_295 = tpu.memref_slice %arg3[%mul3A_2] : memref<262144xi32, #tpu.memory_space<hbm>> -> memref<8192xi32, #tpu.memory_space<hbm>>
      tpu.enqueue_dma source(%dma_start3A_295 : memref<8192xi32, #tpu.memory_space<hbm>>) target(%arg5 : memref<8192xi32, #tpu.memory_space<vmem>>) target_semaphore(%run_scoped3A : memref<!tpu.dma_semaphore, #tpu.memory_space<semaphore_mem>>)
      %dma_wait3A_296 = tpu.memref_slice %arg3[%mul3A_2] : memref<262144xi32, #tpu.memory_space<hbm>> -> memref<8192xi32, #tpu.memory_space<hbm>>
      %dma_wait3A_297 = tpu.memref_slice %arg3[%mul3A_2] : memref<262144xi32, #tpu.memory_space<hbm>> -> memref<8192xi32, #tpu.memory_space<hbm>>
      tpu.wait_dma2 semaphore(%run_scoped3A : memref<!tpu.dma_semaphore, #tpu.memory_space<semaphore_mem>>) src(%dma_wait3A_297 : memref<8192xi32, #tpu.memory_space<hbm>>) dst(%arg5 : memref<8192xi32, #tpu.memory_space<vmem>>)
      tpu.yield
    }) : () -> ()
    %dma_start3A = arith.constant 0 : i32
    %dma_start3A_3 = tpu.memref_slice %arg6[%dma_start3A] : memref<8192xf32, #tpu.memory_space<vmem>> -> memref<128xf32, #tpu.memory_space<vmem>>
    %dma_start3A_4 = arith.constant 0 : i32
    %dma_start3A_5 = tpu.memref_slice %arg5[%dma_start3A_4] : memref<8192xi32, #tpu.memory_space<vmem>> -> memref<128xi32, #tpu.memory_space<vmem>>
    %dma_start3A_6 = arith.constant 0 : i32
    %dma_start3A_7 = tpu.memref_slice %arg2[%dma_start3A_6] : memref<16777216xf32, #tpu.memory_space<hbm>> -> memref<16777216xf32, #tpu.memory_space<hbm>>
    tpu.enqueue_indirect_dma source(%dma_start3A_7 : memref<16777216xf32, #tpu.memory_space<hbm>>) target(%dma_start3A_3 : memref<128xf32, #tpu.memory_space<vmem>>) offsets(%dma_start3A_5 : memref<128xi32, #tpu.memory_space<vmem>>) semaphore(%arg7 : memref<!tpu.dma_semaphore, #tpu.memory_space<semaphore_mem>>)
    %dma_start3A_8 = arith.constant 128 : i32
    %dma_start3A_9 = tpu.memref_slice %arg6[%dma_start3A_8] : memref<8192xf32, #tpu.memory_space<vmem>> -> memref<128xf32, #tpu.memory_space<vmem>>
    %dma_start3A_10 = arith.constant 128 : i32
    %dma_start3A_11 = tpu.memref_slice %arg5[%dma_start3A_10] : memref<8192xi32, #tpu.memory_space<vmem>> -> memref<128xi32, #tpu.memory_space<vmem>>
    %dma_start3A_12 = arith.constant 0 : i32
    %dma_start3A_13 = tpu.memref_slice %arg2[%dma_start3A_12] : memref<16777216xf32, #tpu.memory_space<hbm>> -> memref<16777216xf32, #tpu.memory_space<hbm>>
    tpu.enqueue_indirect_dma source(%dma_start3A_13 : memref<16777216xf32, #tpu.memory_space<hbm>>) target(%dma_start3A_9 : memref<128xf32, #tpu.memory_space<vmem>>) offsets(%dma_start3A_11 : memref<128xi32, #tpu.memory_space<vmem>>) semaphore(%arg7 : memref<!tpu.dma_semaphore, #tpu.memory_space<semaphore_mem>>)
    %dma_start3A_14 = arith.constant 256 : i32
    %dma_start3A_15 = tpu.memref_slice %arg6[%dma_start3A_14] : memref<8192xf32, #tpu.memory_space<vmem>> -> memref<128xf32, #tpu.memory_space<vmem>>
    %dma_start3A_16 = arith.constant 256 : i32
    %dma_start3A_17 = tpu.memref_slice %arg5[%dma_start3A_16] : memref<8192xi32, #tpu.memory_space<vmem>> -> memref<128xi32, #tpu.memory_space<vmem>>
    %dma_start3A_18 = arith.constant 0 : i32
    %dma_start3A_19 = tpu.memref_slice %arg2[%dma_start3A_18] : memref<16777216xf32, #tpu.memory_space<hbm>> -> memref<16777216xf32, #tpu.memory_space<hbm>>
    tpu.enqueue_indirect_dma source(%dma_start3A_19 : memref<16777216xf32, #tpu.memory_space<hbm>>) target(%dma_start3A_15 : memref<128xf32, #tpu.memory_space<vmem>>) offsets(%dma_start3A_17 : memref<128xi32, #tpu.memory_space<vmem>>) semaphore(%arg7 : memref<!tpu.dma_semaphore, #tpu.memory_space<semaphore_mem>>)
    %dma_start3A_20 = arith.constant 384 : i32
    %dma_start3A_21 = tpu.memref_slice %arg6[%dma_start3A_20] : memref<8192xf32, #tpu.memory_space<vmem>> -> memref<128xf32, #tpu.memory_space<vmem>>
    %dma_start3A_22 = arith.constant 384 : i32
    %dma_start3A_23 = tpu.memref_slice %arg5[%dma_start3A_22] : memref<8192xi32, #tpu.memory_space<vmem>> -> memref<128xi32, #tpu.memory_space<vmem>>
    %dma_start3A_24 = arith.constant 0 : i32
    %dma_start3A_25 = tpu.memref_slice %arg2[%dma_start3A_24] : memref<16777216xf32, #tpu.memory_space<hbm>> -> memref<16777216xf32, #tpu.memory_space<hbm>>
    tpu.enqueue_indirect_dma source(%dma_start3A_25 : memref<16777216xf32, #tpu.memory_space<hbm>>) target(%dma_start3A_21 : memref<128xf32, #tpu.memory_space<vmem>>) offsets(%dma_start3A_23 : memref<128xi32, #tpu.memory_space<vmem>>) semaphore(%arg7 : memref<!tpu.dma_semaphore, #tpu.memory_space<semaphore_mem>>)
    %dma_start3A_26 = arith.constant 512 : i32
    %dma_start3A_27 = tpu.memref_slice %arg6[%dma_start3A_26] : memref<8192xf32, #tpu.memory_space<vmem>> -> memref<128xf32, #tpu.memory_space<vmem>>
    %dma_start3A_28 = arith.constant 512 : i32
    %dma_start3A_29 = tpu.memref_slice %arg5[%dma_start3A_28] : memref<8192xi32, #tpu.memory_space<vmem>> -> memref<128xi32, #tpu.memory_space<vmem>>
    %dma_start3A_30 = arith.constant 0 : i32
    %dma_start3A_31 = tpu.memref_slice %arg2[%dma_start3A_30] : memref<16777216xf32, #tpu.memory_space<hbm>> -> memref<16777216xf32, #tpu.memory_space<hbm>>
    tpu.enqueue_indirect_dma source(%dma_start3A_31 : memref<16777216xf32, #tpu.memory_space<hbm>>) target(%dma_start3A_27 : memref<128xf32, #tpu.memory_space<vmem>>) offsets(%dma_start3A_29 : memref<128xi32, #tpu.memory_space<vmem>>) semaphore(%arg7 : memref<!tpu.dma_semaphore, #tpu.memory_space<semaphore_mem>>)
    %dma_start3A_32 = arith.constant 640 : i32
    %dma_start3A_33 = tpu.memref_slice %arg6[%dma_start3A_32] : memref<8192xf32, #tpu.memory_space<vmem>> -> memref<128xf32, #tpu.memory_space<vmem>>
    %dma_start3A_34 = arith.constant 640 : i32
    %dma_start3A_35 = tpu.memref_slice %arg5[%dma_start3A_34] : memref<8192xi32, #tpu.memory_space<vmem>> -> memref<128xi32, #tpu.memory_space<vmem>>
    %dma_start3A_36 = arith.constant 0 : i32
    %dma_start3A_37 = tpu.memref_slice %arg2[%dma_start3A_36] : memref<16777216xf32, #tpu.memory_space<hbm>> -> memref<16777216xf32, #tpu.memory_space<hbm>>
    tpu.enqueue_indirect_dma source(%dma_start3A_37 : memref<16777216xf32, #tpu.memory_space<hbm>>) target(%dma_start3A_33 : memref<128xf32, #tpu.memory_space<vmem>>) offsets(%dma_start3A_35 : memref<128xi32, #tpu.memory_space<vmem>>) semaphore(%arg7 : memref<!tpu.dma_semaphore, #tpu.memory_space<semaphore_mem>>)
    %dma_start3A_38 = arith.constant 768 : i32
    %dma_start3A_39 = tpu.memref_slice %arg6[%dma_start3A_38] : memref<8192xf32, #tpu.memory_space<vmem>> -> memref<128xf32, #tpu.memory_space<vmem>>
    %dma_start3A_40 = arith.constant 768 : i32
    %dma_start3A_41 = tpu.memref_slice %arg5[%dma_start3A_40] : memref<8192xi32, #tpu.memory_space<vmem>> -> memref<128xi32, #tpu.memory_space<vmem>>
    %dma_start3A_42 = arith.constant 0 : i32
    %dma_start3A_43 = tpu.memref_slice %arg2[%dma_start3A_42] : memref<16777216xf32, #tpu.memory_space<hbm>> -> memref<16777216xf32, #tpu.memory_space<hbm>>
    tpu.enqueue_indirect_dma source(%dma_start3A_43 : memref<16777216xf32, #tpu.memory_space<hbm>>) target(%dma_start3A_39 : memref<128xf32, #tpu.memory_space<vmem>>) offsets(%dma_start3A_41 : memref<128xi32, #tpu.memory_space<vmem>>) semaphore(%arg7 : memref<!tpu.dma_semaphore, #tpu.memory_space<semaphore_mem>>)
    %dma_start3A_44 = arith.constant 896 : i32
    %dma_start3A_45 = tpu.memref_slice %arg6[%dma_start3A_44] : memref<8192xf32, #tpu.memory_space<vmem>> -> memref<128xf32, #tpu.memory_space<vmem>>
    %dma_start3A_46 = arith.constant 896 : i32
    %dma_start3A_47 = tpu.memref_slice %arg5[%dma_start3A_46] : memref<8192xi32, #tpu.memory_space<vmem>> -> memref<128xi32, #tpu.memory_space<vmem>>
    %dma_start3A_48 = arith.constant 0 : i32
    %dma_start3A_49 = tpu.memref_slice %arg2[%dma_start3A_48] : memref<16777216xf32, #tpu.memory_space<hbm>> -> memref<16777216xf32, #tpu.memory_space<hbm>>
    tpu.enqueue_indirect_dma source(%dma_start3A_49 : memref<16777216xf32, #tpu.memory_space<hbm>>) target(%dma_start3A_45 : memref<128xf32, #tpu.memory_space<vmem>>) offsets(%dma_start3A_47 : memref<128xi32, #tpu.memory_space<vmem>>) semaphore(%arg7 : memref<!tpu.dma_semaphore, #tpu.memory_space<semaphore_mem>>)
    %dma_start3A_50 = arith.constant 1024 : i32
    %dma_start3A_51 = tpu.memref_slice %arg6[%dma_start3A_50] : memref<8192xf32, #tpu.memory_space<vmem>> -> memref<128xf32, #tpu.memory_space<vmem>>
    %dma_start3A_52 = arith.constant 1024 : i32
    %dma_start3A_53 = tpu.memref_slice %arg5[%dma_start3A_52] : memref<8192xi32, #tpu.memory_space<vmem>> -> memref<128xi32, #tpu.memory_space<vmem>>
    %dma_start3A_54 = arith.constant 0 : i32
    %dma_start3A_55 = tpu.memref_slice %arg2[%dma_start3A_54] : memref<16777216xf32, #tpu.memory_space<hbm>> -> memref<16777216xf32, #tpu.memory_space<hbm>>
    tpu.enqueue_indirect_dma source(%dma_start3A_55 : memref<16777216xf32, #tpu.memory_space<hbm>>) target(%dma_start3A_51 : memref<128xf32, #tpu.memory_space<vmem>>) offsets(%dma_start3A_53 : memref<128xi32, #tpu.memory_space<vmem>>) semaphore(%arg7 : memref<!tpu.dma_semaphore, #tpu.memory_space<semaphore_mem>>)
    %dma_start3A_56 = arith.constant 1152 : i32
    %dma_start3A_57 = tpu.memref_slice %arg6[%dma_start3A_56] : memref<8192xf32, #tpu.memory_space<vmem>> -> memref<128xf32, #tpu.memory_space<vmem>>
    %dma_start3A_58 = arith.constant 1152 : i32
    %dma_start3A_59 = tpu.memref_slice %arg5[%dma_start3A_58] : memref<8192xi32, #tpu.memory_space<vmem>> -> memref<128xi32, #tpu.memory_space<vmem>>
    %dma_start3A_60 = arith.constant 0 : i32
    %dma_start3A_61 = tpu.memref_slice %arg2[%dma_start3A_60] : memref<16777216xf32, #tpu.memory_space<hbm>> -> memref<16777216xf32, #tpu.memory_space<hbm>>
    tpu.enqueue_indirect_dma source(%dma_start3A_61 : memref<16777216xf32, #tpu.memory_space<hbm>>) target(%dma_start3A_57 : memref<128xf32, #tpu.memory_space<vmem>>) offsets(%dma_start3A_59 : memref<128xi32, #tpu.memory_space<vmem>>) semaphore(%arg7 : memref<!tpu.dma_semaphore, #tpu.memory_space<semaphore_mem>>)
    %dma_start3A_62 = arith.constant 1280 : i32
    %dma_start3A_63 = tpu.memref_slice %arg6[%dma_start3A_62] : memref<8192xf32, #tpu.memory_space<vmem>> -> memref<128xf32, #tpu.memory_space<vmem>>
    %dma_start3A_64 = arith.constant 1280 : i32
    %dma_start3A_65 = tpu.memref_slice %arg5[%dma_start3A_64] : memref<8192xi32, #tpu.memory_space<vmem>> -> memref<128xi32, #tpu.memory_space<vmem>>
    %dma_start3A_66 = arith.constant 0 : i32
    %dma_start3A_67 = tpu.memref_slice %arg2[%dma_start3A_66] : memref<16777216xf32, #tpu.memory_space<hbm>> -> memref<16777216xf32, #tpu.memory_space<hbm>>
    tpu.enqueue_indirect_dma source(%dma_start3A_67 : memref<16777216xf32, #tpu.memory_space<hbm>>) target(%dma_start3A_63 : memref<128xf32, #tpu.memory_space<vmem>>) offsets(%dma_start3A_65 : memref<128xi32, #tpu.memory_space<vmem>>) semaphore(%arg7 : memref<!tpu.dma_semaphore, #tpu.memory_space<semaphore_mem>>)
    %dma_start3A_68 = arith.constant 1408 : i32
    %dma_start3A_69 = tpu.memref_slice %arg6[%dma_start3A_68] : memref<8192xf32, #tpu.memory_space<vmem>> -> memref<128xf32, #tpu.memory_space<vmem>>
    %dma_start3A_70 = arith.constant 1408 : i32
    %dma_start3A_71 = tpu.memref_slice %arg5[%dma_start3A_70] : memref<8192xi32, #tpu.memory_space<vmem>> -> memref<128xi32, #tpu.memory_space<vmem>>
    %dma_start3A_72 = arith.constant 0 : i32
    %dma_start3A_73 = tpu.memref_slice %arg2[%dma_start3A_72] : memref<16777216xf32, #tpu.memory_space<hbm>> -> memref<16777216xf32, #tpu.memory_space<hbm>>
    tpu.enqueue_indirect_dma source(%dma_start3A_73 : memref<16777216xf32, #tpu.memory_space<hbm>>) target(%dma_start3A_69 : memref<128xf32, #tpu.memory_space<vmem>>) offsets(%dma_start3A_71 : memref<128xi32, #tpu.memory_space<vmem>>) semaphore(%arg7 : memref<!tpu.dma_semaphore, #tpu.memory_space<semaphore_mem>>)
    %dma_start3A_74 = arith.constant 1536 : i32
    %dma_start3A_75 = tpu.memref_slice %arg6[%dma_start3A_74] : memref<8192xf32, #tpu.memory_space<vmem>> -> memref<128xf32, #tpu.memory_space<vmem>>
    %dma_start3A_76 = arith.constant 1536 : i32
    %dma_start3A_77 = tpu.memref_slice %arg5[%dma_start3A_76] : memref<8192xi32, #tpu.memory_space<vmem>> -> memref<128xi32, #tpu.memory_space<vmem>>
    %dma_start3A_78 = arith.constant 0 : i32
    %dma_start3A_79 = tpu.memref_slice %arg2[%dma_start3A_78] : memref<16777216xf32, #tpu.memory_space<hbm>> -> memref<16777216xf32, #tpu.memory_space<hbm>>
    tpu.enqueue_indirect_dma source(%dma_start3A_79 : memref<16777216xf32, #tpu.memory_space<hbm>>) target(%dma_start3A_75 : memref<128xf32, #tpu.memory_space<vmem>>) offsets(%dma_start3A_77 : memref<128xi32, #tpu.memory_space<vmem>>) semaphore(%arg7 : memref<!tpu.dma_semaphore, #tpu.memory_space<semaphore_mem>>)
    %dma_start3A_80 = arith.constant 1664 : i32
    %dma_start3A_81 = tpu.memref_slice %arg6[%dma_start3A_80] : memref<8192xf32, #tpu.memory_space<vmem>> -> memref<128xf32, #tpu.memory_space<vmem>>
    %dma_start3A_82 = arith.constant 1664 : i32
    %dma_start3A_83 = tpu.memref_slice %arg5[%dma_start3A_82] : memref<8192xi32, #tpu.memory_space<vmem>> -> memref<128xi32, #tpu.memory_space<vmem>>
    %dma_start3A_84 = arith.constant 0 : i32
    %dma_start3A_85 = tpu.memref_slice %arg2[%dma_start3A_84] : memref<16777216xf32, #tpu.memory_space<hbm>> -> memref<16777216xf32, #tpu.memory_space<hbm>>
    tpu.enqueue_indirect_dma source(%dma_start3A_85 : memref<16777216xf32, #tpu.memory_space<hbm>>) target(%dma_start3A_81 : memref<128xf32, #tpu.memory_space<vmem>>) offsets(%dma_start3A_83 : memref<128xi32, #tpu.memory_space<vmem>>) semaphore(%arg7 : memref<!tpu.dma_semaphore, #tpu.memory_space<semaphore_mem>>)
    %dma_start3A_86 = arith.constant 1792 : i32
    %dma_start3A_87 = tpu.memref_slice %arg6[%dma_start3A_86] : memref<8192xf32, #tpu.memory_space<vmem>> -> memref<128xf32, #tpu.memory_space<vmem>>
    %dma_start3A_88 = arith.constant 1792 : i32
    %dma_start3A_89 = tpu.memref_slice %arg5[%dma_start3A_88] : memref<8192xi32, #tpu.memory_space<vmem>> -> memref<128xi32, #tpu.memory_space<vmem>>
    %dma_start3A_90 = arith.constant 0 : i32
    %dma_start3A_91 = tpu.memref_slice %arg2[%dma_start3A_90] : memref<16777216xf32, #tpu.memory_space<hbm>> -> memref<16777216xf32, #tpu.memory_space<hbm>>
    tpu.enqueue_indirect_dma source(%dma_start3A_91 : memref<16777216xf32, #tpu.memory_space<hbm>>) target(%dma_start3A_87 : memref<128xf32, #tpu.memory_space<vmem>>) offsets(%dma_start3A_89 : memref<128xi32, #tpu.memory_space<vmem>>) semaphore(%arg7 : memref<!tpu.dma_semaphore, #tpu.memory_space<semaphore_mem>>)
    %dma_start3A_92 = arith.constant 1920 : i32
    %dma_start3A_93 = tpu.memref_slice %arg6[%dma_start3A_92] : memref<8192xf32, #tpu.memory_space<vmem>> -> memref<128xf32, #tpu.memory_space<vmem>>
    %dma_start3A_94 = arith.constant 1920 : i32
    %dma_start3A_95 = tpu.memref_slice %arg5[%dma_start3A_94] : memref<8192xi32, #tpu.memory_space<vmem>> -> memref<128xi32, #tpu.memory_space<vmem>>
    %dma_start3A_96 = arith.constant 0 : i32
    %dma_start3A_97 = tpu.memref_slice %arg2[%dma_start3A_96] : memref<16777216xf32, #tpu.memory_space<hbm>> -> memref<16777216xf32, #tpu.memory_space<hbm>>
    tpu.enqueue_indirect_dma source(%dma_start3A_97 : memref<16777216xf32, #tpu.memory_space<hbm>>) target(%dma_start3A_93 : memref<128xf32, #tpu.memory_space<vmem>>) offsets(%dma_start3A_95 : memref<128xi32, #tpu.memory_space<vmem>>) semaphore(%arg7 : memref<!tpu.dma_semaphore, #tpu.memory_space<semaphore_mem>>)
    %dma_start3A_98 = arith.constant 2048 : i32
    %dma_start3A_99 = tpu.memref_slice %arg6[%dma_start3A_98] : memref<8192xf32, #tpu.memory_space<vmem>> -> memref<128xf32, #tpu.memory_space<vmem>>
    %dma_start3A_100 = arith.constant 2048 : i32
    %dma_start3A_101 = tpu.memref_slice %arg5[%dma_start3A_100] : memref<8192xi32, #tpu.memory_space<vmem>> -> memref<128xi32, #tpu.memory_space<vmem>>
    %dma_start3A_102 = arith.constant 0 : i32
    %dma_start3A_103 = tpu.memref_slice %arg2[%dma_start3A_102] : memref<16777216xf32, #tpu.memory_space<hbm>> -> memref<16777216xf32, #tpu.memory_space<hbm>>
    tpu.enqueue_indirect_dma source(%dma_start3A_103 : memref<16777216xf32, #tpu.memory_space<hbm>>) target(%dma_start3A_99 : memref<128xf32, #tpu.memory_space<vmem>>) offsets(%dma_start3A_101 : memref<128xi32, #tpu.memory_space<vmem>>) semaphore(%arg7 : memref<!tpu.dma_semaphore, #tpu.memory_space<semaphore_mem>>)
    %dma_start3A_104 = arith.constant 2176 : i32
    %dma_start3A_105 = tpu.memref_slice %arg6[%dma_start3A_104] : memref<8192xf32, #tpu.memory_space<vmem>> -> memref<128xf32, #tpu.memory_space<vmem>>
    %dma_start3A_106 = arith.constant 2176 : i32
    %dma_start3A_107 = tpu.memref_slice %arg5[%dma_start3A_106] : memref<8192xi32, #tpu.memory_space<vmem>> -> memref<128xi32, #tpu.memory_space<vmem>>
    %dma_start3A_108 = arith.constant 0 : i32
    %dma_start3A_109 = tpu.memref_slice %arg2[%dma_start3A_108] : memref<16777216xf32, #tpu.memory_space<hbm>> -> memref<16777216xf32, #tpu.memory_space<hbm>>
    tpu.enqueue_indirect_dma source(%dma_start3A_109 : memref<16777216xf32, #tpu.memory_space<hbm>>) target(%dma_start3A_105 : memref<128xf32, #tpu.memory_space<vmem>>) offsets(%dma_start3A_107 : memref<128xi32, #tpu.memory_space<vmem>>) semaphore(%arg7 : memref<!tpu.dma_semaphore, #tpu.memory_space<semaphore_mem>>)
    %dma_start3A_110 = arith.constant 2304 : i32
    %dma_start3A_111 = tpu.memref_slice %arg6[%dma_start3A_110] : memref<8192xf32, #tpu.memory_space<vmem>> -> memref<128xf32, #tpu.memory_space<vmem>>
    %dma_start3A_112 = arith.constant 2304 : i32
    %dma_start3A_113 = tpu.memref_slice %arg5[%dma_start3A_112] : memref<8192xi32, #tpu.memory_space<vmem>> -> memref<128xi32, #tpu.memory_space<vmem>>
    %dma_start3A_114 = arith.constant 0 : i32
    %dma_start3A_115 = tpu.memref_slice %arg2[%dma_start3A_114] : memref<16777216xf32, #tpu.memory_space<hbm>> -> memref<16777216xf32, #tpu.memory_space<hbm>>
    tpu.enqueue_indirect_dma source(%dma_start3A_115 : memref<16777216xf32, #tpu.memory_space<hbm>>) target(%dma_start3A_111 : memref<128xf32, #tpu.memory_space<vmem>>) offsets(%dma_start3A_113 : memref<128xi32, #tpu.memory_space<vmem>>) semaphore(%arg7 : memref<!tpu.dma_semaphore, #tpu.memory_space<semaphore_mem>>)
    %dma_start3A_116 = arith.constant 2432 : i32
    %dma_start3A_117 = tpu.memref_slice %arg6[%dma_start3A_116] : memref<8192xf32, #tpu.memory_space<vmem>> -> memref<128xf32, #tpu.memory_space<vmem>>
    %dma_start3A_118 = arith.constant 2432 : i32
    %dma_start3A_119 = tpu.memref_slice %arg5[%dma_start3A_118] : memref<8192xi32, #tpu.memory_space<vmem>> -> memref<128xi32, #tpu.memory_space<vmem>>
    %dma_start3A_120 = arith.constant 0 : i32
    %dma_start3A_121 = tpu.memref_slice %arg2[%dma_start3A_120] : memref<16777216xf32, #tpu.memory_space<hbm>> -> memref<16777216xf32, #tpu.memory_space<hbm>>
    tpu.enqueue_indirect_dma source(%dma_start3A_121 : memref<16777216xf32, #tpu.memory_space<hbm>>) target(%dma_start3A_117 : memref<128xf32, #tpu.memory_space<vmem>>) offsets(%dma_start3A_119 : memref<128xi32, #tpu.memory_space<vmem>>) semaphore(%arg7 : memref<!tpu.dma_semaphore, #tpu.memory_space<semaphore_mem>>)
    %dma_start3A_122 = arith.constant 2560 : i32
    %dma_start3A_123 = tpu.memref_slice %arg6[%dma_start3A_122] : memref<8192xf32, #tpu.memory_space<vmem>> -> memref<128xf32, #tpu.memory_space<vmem>>
    %dma_start3A_124 = arith.constant 2560 : i32
    %dma_start3A_125 = tpu.memref_slice %arg5[%dma_start3A_124] : memref<8192xi32, #tpu.memory_space<vmem>> -> memref<128xi32, #tpu.memory_space<vmem>>
    %dma_start3A_126 = arith.constant 0 : i32
    %dma_start3A_127 = tpu.memref_slice %arg2[%dma_start3A_126] : memref<16777216xf32, #tpu.memory_space<hbm>> -> memref<16777216xf32, #tpu.memory_space<hbm>>
    tpu.enqueue_indirect_dma source(%dma_start3A_127 : memref<16777216xf32, #tpu.memory_space<hbm>>) target(%dma_start3A_123 : memref<128xf32, #tpu.memory_space<vmem>>) offsets(%dma_start3A_125 : memref<128xi32, #tpu.memory_space<vmem>>) semaphore(%arg7 : memref<!tpu.dma_semaphore, #tpu.memory_space<semaphore_mem>>)
    %dma_start3A_128 = arith.constant 2688 : i32
    %dma_start3A_129 = tpu.memref_slice %arg6[%dma_start3A_128] : memref<8192xf32, #tpu.memory_space<vmem>> -> memref<128xf32, #tpu.memory_space<vmem>>
    %dma_start3A_130 = arith.constant 2688 : i32
    %dma_start3A_131 = tpu.memref_slice %arg5[%dma_start3A_130] : memref<8192xi32, #tpu.memory_space<vmem>> -> memref<128xi32, #tpu.memory_space<vmem>>
    %dma_start3A_132 = arith.constant 0 : i32
    %dma_start3A_133 = tpu.memref_slice %arg2[%dma_start3A_132] : memref<16777216xf32, #tpu.memory_space<hbm>> -> memref<16777216xf32, #tpu.memory_space<hbm>>
    tpu.enqueue_indirect_dma source(%dma_start3A_133 : memref<16777216xf32, #tpu.memory_space<hbm>>) target(%dma_start3A_129 : memref<128xf32, #tpu.memory_space<vmem>>) offsets(%dma_start3A_131 : memref<128xi32, #tpu.memory_space<vmem>>) semaphore(%arg7 : memref<!tpu.dma_semaphore, #tpu.memory_space<semaphore_mem>>)
    %dma_start3A_134 = arith.constant 2816 : i32
    %dma_start3A_135 = tpu.memref_slice %arg6[%dma_start3A_134] : memref<8192xf32, #tpu.memory_space<vmem>> -> memref<128xf32, #tpu.memory_space<vmem>>
    %dma_start3A_136 = arith.constant 2816 : i32
    %dma_start3A_137 = tpu.memref_slice %arg5[%dma_start3A_136] : memref<8192xi32, #tpu.memory_space<vmem>> -> memref<128xi32, #tpu.memory_space<vmem>>
    %dma_start3A_138 = arith.constant 0 : i32
    %dma_start3A_139 = tpu.memref_slice %arg2[%dma_start3A_138] : memref<16777216xf32, #tpu.memory_space<hbm>> -> memref<16777216xf32, #tpu.memory_space<hbm>>
    tpu.enqueue_indirect_dma source(%dma_start3A_139 : memref<16777216xf32, #tpu.memory_space<hbm>>) target(%dma_start3A_135 : memref<128xf32, #tpu.memory_space<vmem>>) offsets(%dma_start3A_137 : memref<128xi32, #tpu.memory_space<vmem>>) semaphore(%arg7 : memref<!tpu.dma_semaphore, #tpu.memory_space<semaphore_mem>>)
    %dma_start3A_140 = arith.constant 2944 : i32
    %dma_start3A_141 = tpu.memref_slice %arg6[%dma_start3A_140] : memref<8192xf32, #tpu.memory_space<vmem>> -> memref<128xf32, #tpu.memory_space<vmem>>
    %dma_start3A_142 = arith.constant 2944 : i32
    %dma_start3A_143 = tpu.memref_slice %arg5[%dma_start3A_142] : memref<8192xi32, #tpu.memory_space<vmem>> -> memref<128xi32, #tpu.memory_space<vmem>>
    %dma_start3A_144 = arith.constant 0 : i32
    %dma_start3A_145 = tpu.memref_slice %arg2[%dma_start3A_144] : memref<16777216xf32, #tpu.memory_space<hbm>> -> memref<16777216xf32, #tpu.memory_space<hbm>>
    tpu.enqueue_indirect_dma source(%dma_start3A_145 : memref<16777216xf32, #tpu.memory_space<hbm>>) target(%dma_start3A_141 : memref<128xf32, #tpu.memory_space<vmem>>) offsets(%dma_start3A_143 : memref<128xi32, #tpu.memory_space<vmem>>) semaphore(%arg7 : memref<!tpu.dma_semaphore, #tpu.memory_space<semaphore_mem>>)
    %scan3A = arith.constant 0 : i32
    %scan3A_146 = arith.constant 0 : i32
    %scan3A_147 = arith.constant 40 : i32
    %scan3A_148 = arith.addi %scan3A_146, %scan3A_147 : i32
    %scan3A_149 = arith.constant 1 : i32
    scf.for %scan3A_294 = %scan3A_146 to %scan3A_148 step %scan3A_149  : i32 {
      %add3A_295 = arith.constant 24 : i32
      %add3A_296 = arith.addi %scan3A_294, %add3A_295 : i32
      %mul3A_297 = arith.constant 128 : i32
      %mul3A_298 = arith.muli %add3A_296, %mul3A_297 : i32
      %dma_start3A_299 = tpu.memref_slice %arg6[%mul3A_298] : memref<8192xf32, #tpu.memory_space<vmem>> -> memref<128xf32, #tpu.memory_space<vmem>>
      %dma_start3A_300 = tpu.memref_slice %arg5[%mul3A_298] : memref<8192xi32, #tpu.memory_space<vmem>> -> memref<128xi32, #tpu.memory_space<vmem>>
      %dma_start3A_301 = arith.constant 0 : i32
      %dma_start3A_302 = tpu.memref_slice %arg2[%dma_start3A_301] : memref<16777216xf32, #tpu.memory_space<hbm>> -> memref<16777216xf32, #tpu.memory_space<hbm>>
      tpu.enqueue_indirect_dma source(%dma_start3A_302 : memref<16777216xf32, #tpu.memory_space<hbm>>) target(%dma_start3A_299 : memref<128xf32, #tpu.memory_space<vmem>>) offsets(%dma_start3A_300 : memref<128xi32, #tpu.memory_space<vmem>>) semaphore(%arg7 : memref<!tpu.dma_semaphore, #tpu.memory_space<semaphore_mem>>)
      %dma_wait3A_303 = arith.constant 0 : i32
      %dma_wait3A_304 = tpu.memref_slice %arg6[%dma_wait3A_303] : memref<8192xf32, #tpu.memory_space<vmem>> -> memref<128xf32, #tpu.memory_space<vmem>>
      %dma_wait3A_305 = arith.constant 0 : i32
      %dma_wait3A_306 = tpu.memref_slice %arg5[%dma_wait3A_305] : memref<8192xi32, #tpu.memory_space<vmem>> -> memref<128xi32, #tpu.memory_space<vmem>>
      %dma_wait3A_307 = arith.constant 0 : i32
      %dma_wait3A_308 = tpu.memref_slice %arg2[%dma_wait3A_307] : memref<16777216xf32, #tpu.memory_space<hbm>> -> memref<16777216xf32, #tpu.memory_space<hbm>>
      tpu.wait_indirect_dma semaphore(%arg7 : memref<!tpu.dma_semaphore, #tpu.memory_space<semaphore_mem>>) src(%dma_wait3A_308 : memref<16777216xf32, #tpu.memory_space<hbm>>) dst(%dma_wait3A_304 : memref<128xf32, #tpu.memory_space<vmem>>)
    }
    %scan3A_150 = arith.constant 40 : i32
    %dma_wait3A = arith.constant 0 : i32
    %dma_wait3A_151 = tpu.memref_slice %arg6[%dma_wait3A] : memref<8192xf32, #tpu.memory_space<vmem>> -> memref<128xf32, #tpu.memory_space<vmem>>
    %dma_wait3A_152 = arith.constant 0 : i32
    %dma_wait3A_153 = tpu.memref_slice %arg5[%dma_wait3A_152] : memref<8192xi32, #tpu.memory_space<vmem>> -> memref<128xi32, #tpu.memory_space<vmem>>
    %dma_wait3A_154 = arith.constant 0 : i32
    %dma_wait3A_155 = tpu.memref_slice %arg2[%dma_wait3A_154] : memref<16777216xf32, #tpu.memory_space<hbm>> -> memref<16777216xf32, #tpu.memory_space<hbm>>
    tpu.wait_indirect_dma semaphore(%arg7 : memref<!tpu.dma_semaphore, #tpu.memory_space<semaphore_mem>>) src(%dma_wait3A_155 : memref<16777216xf32, #tpu.memory_space<hbm>>) dst(%dma_wait3A_151 : memref<128xf32, #tpu.memory_space<vmem>>)
    %dma_wait3A_156 = arith.constant 0 : i32
    %dma_wait3A_157 = tpu.memref_slice %arg6[%dma_wait3A_156] : memref<8192xf32, #tpu.memory_space<vmem>> -> memref<128xf32, #tpu.memory_space<vmem>>
    %dma_wait3A_158 = arith.constant 0 : i32
    %dma_wait3A_159 = tpu.memref_slice %arg5[%dma_wait3A_158] : memref<8192xi32, #tpu.memory_space<vmem>> -> memref<128xi32, #tpu.memory_space<vmem>>
    %dma_wait3A_160 = arith.constant 0 : i32
    %dma_wait3A_161 = tpu.memref_slice %arg2[%dma_wait3A_160] : memref<16777216xf32, #tpu.memory_space<hbm>> -> memref<16777216xf32, #tpu.memory_space<hbm>>
    tpu.wait_indirect_dma semaphore(%arg7 : memref<!tpu.dma_semaphore, #tpu.memory_space<semaphore_mem>>) src(%dma_wait3A_161 : memref<16777216xf32, #tpu.memory_space<hbm>>) dst(%dma_wait3A_157 : memref<128xf32, #tpu.memory_space<vmem>>)
    %dma_wait3A_162 = arith.constant 0 : i32
    %dma_wait3A_163 = tpu.memref_slice %arg6[%dma_wait3A_162] : memref<8192xf32, #tpu.memory_space<vmem>> -> memref<128xf32, #tpu.memory_space<vmem>>
    %dma_wait3A_164 = arith.constant 0 : i32
    %dma_wait3A_165 = tpu.memref_slice %arg5[%dma_wait3A_164] : memref<8192xi32, #tpu.memory_space<vmem>> -> memref<128xi32, #tpu.memory_space<vmem>>
    %dma_wait3A_166 = arith.constant 0 : i32
    %dma_wait3A_167 = tpu.memref_slice %arg2[%dma_wait3A_166] : memref<16777216xf32, #tpu.memory_space<hbm>> -> memref<16777216xf32, #tpu.memory_space<hbm>>
    tpu.wait_indirect_dma semaphore(%arg7 : memref<!tpu.dma_semaphore, #tpu.memory_space<semaphore_mem>>) src(%dma_wait3A_167 : memref<16777216xf32, #tpu.memory_space<hbm>>) dst(%dma_wait3A_163 : memref<128xf32, #tpu.memory_space<vmem>>)
    %dma_wait3A_168 = arith.constant 0 : i32
    %dma_wait3A_169 = tpu.memref_slice %arg6[%dma_wait3A_168] : memref<8192xf32, #tpu.memory_space<vmem>> -> memref<128xf32, #tpu.memory_space<vmem>>
    %dma_wait3A_170 = arith.constant 0 : i32
    %dma_wait3A_171 = tpu.memref_slice %arg5[%dma_wait3A_170] : memref<8192xi32, #tpu.memory_space<vmem>> -> memref<128xi32, #tpu.memory_space<vmem>>
    %dma_wait3A_172 = arith.constant 0 : i32
    %dma_wait3A_173 = tpu.memref_slice %arg2[%dma_wait3A_172] : memref<16777216xf32, #tpu.memory_space<hbm>> -> memref<16777216xf32, #tpu.memory_space<hbm>>
    tpu.wait_indirect_dma semaphore(%arg7 : memref<!tpu.dma_semaphore, #tpu.memory_space<semaphore_mem>>) src(%dma_wait3A_173 : memref<16777216xf32, #tpu.memory_space<hbm>>) dst(%dma_wait3A_169 : memref<128xf32, #tpu.memory_space<vmem>>)
    %dma_wait3A_174 = arith.constant 0 : i32
    %dma_wait3A_175 = tpu.memref_slice %arg6[%dma_wait3A_174] : memref<8192xf32, #tpu.memory_space<vmem>> -> memref<128xf32, #tpu.memory_space<vmem>>
    %dma_wait3A_176 = arith.constant 0 : i32
    %dma_wait3A_177 = tpu.memref_slice %arg5[%dma_wait3A_176] : memref<8192xi32, #tpu.memory_space<vmem>> -> memref<128xi32, #tpu.memory_space<vmem>>
    %dma_wait3A_178 = arith.constant 0 : i32
    %dma_wait3A_179 = tpu.memref_slice %arg2[%dma_wait3A_178] : memref<16777216xf32, #tpu.memory_space<hbm>> -> memref<16777216xf32, #tpu.memory_space<hbm>>
    tpu.wait_indirect_dma semaphore(%arg7 : memref<!tpu.dma_semaphore, #tpu.memory_space<semaphore_mem>>) src(%dma_wait3A_179 : memref<16777216xf32, #tpu.memory_space<hbm>>) dst(%dma_wait3A_175 : memref<128xf32, #tpu.memory_space<vmem>>)
    %dma_wait3A_180 = arith.constant 0 : i32
    %dma_wait3A_181 = tpu.memref_slice %arg6[%dma_wait3A_180] : memref<8192xf32, #tpu.memory_space<vmem>> -> memref<128xf32, #tpu.memory_space<vmem>>
    %dma_wait3A_182 = arith.constant 0 : i32
    %dma_wait3A_183 = tpu.memref_slice %arg5[%dma_wait3A_182] : memref<8192xi32, #tpu.memory_space<vmem>> -> memref<128xi32, #tpu.memory_space<vmem>>
    %dma_wait3A_184 = arith.constant 0 : i32
    %dma_wait3A_185 = tpu.memref_slice %arg2[%dma_wait3A_184] : memref<16777216xf32, #tpu.memory_space<hbm>> -> memref<16777216xf32, #tpu.memory_space<hbm>>
    tpu.wait_indirect_dma semaphore(%arg7 : memref<!tpu.dma_semaphore, #tpu.memory_space<semaphore_mem>>) src(%dma_wait3A_185 : memref<16777216xf32, #tpu.memory_space<hbm>>) dst(%dma_wait3A_181 : memref<128xf32, #tpu.memory_space<vmem>>)
    %dma_wait3A_186 = arith.constant 0 : i32
    %dma_wait3A_187 = tpu.memref_slice %arg6[%dma_wait3A_186] : memref<8192xf32, #tpu.memory_space<vmem>> -> memref<128xf32, #tpu.memory_space<vmem>>
    %dma_wait3A_188 = arith.constant 0 : i32
    %dma_wait3A_189 = tpu.memref_slice %arg5[%dma_wait3A_188] : memref<8192xi32, #tpu.memory_space<vmem>> -> memref<128xi32, #tpu.memory_space<vmem>>
    %dma_wait3A_190 = arith.constant 0 : i32
    %dma_wait3A_191 = tpu.memref_slice %arg2[%dma_wait3A_190] : memref<16777216xf32, #tpu.memory_space<hbm>> -> memref<16777216xf32, #tpu.memory_space<hbm>>
    tpu.wait_indirect_dma semaphore(%arg7 : memref<!tpu.dma_semaphore, #tpu.memory_space<semaphore_mem>>) src(%dma_wait3A_191 : memref<16777216xf32, #tpu.memory_space<hbm>>) dst(%dma_wait3A_187 : memref<128xf32, #tpu.memory_space<vmem>>)
    %dma_wait3A_192 = arith.constant 0 : i32
    %dma_wait3A_193 = tpu.memref_slice %arg6[%dma_wait3A_192] : memref<8192xf32, #tpu.memory_space<vmem>> -> memref<128xf32, #tpu.memory_space<vmem>>
    %dma_wait3A_194 = arith.constant 0 : i32
    %dma_wait3A_195 = tpu.memref_slice %arg5[%dma_wait3A_194] : memref<8192xi32, #tpu.memory_space<vmem>> -> memref<128xi32, #tpu.memory_space<vmem>>
    %dma_wait3A_196 = arith.constant 0 : i32
    %dma_wait3A_197 = tpu.memref_slice %arg2[%dma_wait3A_196] : memref<16777216xf32, #tpu.memory_space<hbm>> -> memref<16777216xf32, #tpu.memory_space<hbm>>
    tpu.wait_indirect_dma semaphore(%arg7 : memref<!tpu.dma_semaphore, #tpu.memory_space<semaphore_mem>>) src(%dma_wait3A_197 : memref<16777216xf32, #tpu.memory_space<hbm>>) dst(%dma_wait3A_193 : memref<128xf32, #tpu.memory_space<vmem>>)
    %dma_wait3A_198 = arith.constant 0 : i32
    %dma_wait3A_199 = tpu.memref_slice %arg6[%dma_wait3A_198] : memref<8192xf32, #tpu.memory_space<vmem>> -> memref<128xf32, #tpu.memory_space<vmem>>
    %dma_wait3A_200 = arith.constant 0 : i32
    %dma_wait3A_201 = tpu.memref_slice %arg5[%dma_wait3A_200] : memref<8192xi32, #tpu.memory_space<vmem>> -> memref<128xi32, #tpu.memory_space<vmem>>
    %dma_wait3A_202 = arith.constant 0 : i32
    %dma_wait3A_203 = tpu.memref_slice %arg2[%dma_wait3A_202] : memref<16777216xf32, #tpu.memory_space<hbm>> -> memref<16777216xf32, #tpu.memory_space<hbm>>
    tpu.wait_indirect_dma semaphore(%arg7 : memref<!tpu.dma_semaphore, #tpu.memory_space<semaphore_mem>>) src(%dma_wait3A_203 : memref<16777216xf32, #tpu.memory_space<hbm>>) dst(%dma_wait3A_199 : memref<128xf32, #tpu.memory_space<vmem>>)
    %dma_wait3A_204 = arith.constant 0 : i32
    %dma_wait3A_205 = tpu.memref_slice %arg6[%dma_wait3A_204] : memref<8192xf32, #tpu.memory_space<vmem>> -> memref<128xf32, #tpu.memory_space<vmem>>
    %dma_wait3A_206 = arith.constant 0 : i32
    %dma_wait3A_207 = tpu.memref_slice %arg5[%dma_wait3A_206] : memref<8192xi32, #tpu.memory_space<vmem>> -> memref<128xi32, #tpu.memory_space<vmem>>
    %dma_wait3A_208 = arith.constant 0 : i32
    %dma_wait3A_209 = tpu.memref_slice %arg2[%dma_wait3A_208] : memref<16777216xf32, #tpu.memory_space<hbm>> -> memref<16777216xf32, #tpu.memory_space<hbm>>
    tpu.wait_indirect_dma semaphore(%arg7 : memref<!tpu.dma_semaphore, #tpu.memory_space<semaphore_mem>>) src(%dma_wait3A_209 : memref<16777216xf32, #tpu.memory_space<hbm>>) dst(%dma_wait3A_205 : memref<128xf32, #tpu.memory_space<vmem>>)
    %dma_wait3A_210 = arith.constant 0 : i32
    %dma_wait3A_211 = tpu.memref_slice %arg6[%dma_wait3A_210] : memref<8192xf32, #tpu.memory_space<vmem>> -> memref<128xf32, #tpu.memory_space<vmem>>
    %dma_wait3A_212 = arith.constant 0 : i32
    %dma_wait3A_213 = tpu.memref_slice %arg5[%dma_wait3A_212] : memref<8192xi32, #tpu.memory_space<vmem>> -> memref<128xi32, #tpu.memory_space<vmem>>
    %dma_wait3A_214 = arith.constant 0 : i32
    %dma_wait3A_215 = tpu.memref_slice %arg2[%dma_wait3A_214] : memref<16777216xf32, #tpu.memory_space<hbm>> -> memref<16777216xf32, #tpu.memory_space<hbm>>
    tpu.wait_indirect_dma semaphore(%arg7 : memref<!tpu.dma_semaphore, #tpu.memory_space<semaphore_mem>>) src(%dma_wait3A_215 : memref<16777216xf32, #tpu.memory_space<hbm>>) dst(%dma_wait3A_211 : memref<128xf32, #tpu.memory_space<vmem>>)
    %dma_wait3A_216 = arith.constant 0 : i32
    %dma_wait3A_217 = tpu.memref_slice %arg6[%dma_wait3A_216] : memref<8192xf32, #tpu.memory_space<vmem>> -> memref<128xf32, #tpu.memory_space<vmem>>
    %dma_wait3A_218 = arith.constant 0 : i32
    %dma_wait3A_219 = tpu.memref_slice %arg5[%dma_wait3A_218] : memref<8192xi32, #tpu.memory_space<vmem>> -> memref<128xi32, #tpu.memory_space<vmem>>
    %dma_wait3A_220 = arith.constant 0 : i32
    %dma_wait3A_221 = tpu.memref_slice %arg2[%dma_wait3A_220] : memref<16777216xf32, #tpu.memory_space<hbm>> -> memref<16777216xf32, #tpu.memory_space<hbm>>
    tpu.wait_indirect_dma semaphore(%arg7 : memref<!tpu.dma_semaphore, #tpu.memory_space<semaphore_mem>>) src(%dma_wait3A_221 : memref<16777216xf32, #tpu.memory_space<hbm>>) dst(%dma_wait3A_217 : memref<128xf32, #tpu.memory_space<vmem>>)
    %dma_wait3A_222 = arith.constant 0 : i32
    %dma_wait3A_223 = tpu.memref_slice %arg6[%dma_wait3A_222] : memref<8192xf32, #tpu.memory_space<vmem>> -> memref<128xf32, #tpu.memory_space<vmem>>
    %dma_wait3A_224 = arith.constant 0 : i32
    %dma_wait3A_225 = tpu.memref_slice %arg5[%dma_wait3A_224] : memref<8192xi32, #tpu.memory_space<vmem>> -> memref<128xi32, #tpu.memory_space<vmem>>
    %dma_wait3A_226 = arith.constant 0 : i32
    %dma_wait3A_227 = tpu.memref_slice %arg2[%dma_wait3A_226] : memref<16777216xf32, #tpu.memory_space<hbm>> -> memref<16777216xf32, #tpu.memory_space<hbm>>
    tpu.wait_indirect_dma semaphore(%arg7 : memref<!tpu.dma_semaphore, #tpu.memory_space<semaphore_mem>>) src(%dma_wait3A_227 : memref<16777216xf32, #tpu.memory_space<hbm>>) dst(%dma_wait3A_223 : memref<128xf32, #tpu.memory_space<vmem>>)
    %dma_wait3A_228 = arith.constant 0 : i32
    %dma_wait3A_229 = tpu.memref_slice %arg6[%dma_wait3A_228] : memref<8192xf32, #tpu.memory_space<vmem>> -> memref<128xf32, #tpu.memory_space<vmem>>
    %dma_wait3A_230 = arith.constant 0 : i32
    %dma_wait3A_231 = tpu.memref_slice %arg5[%dma_wait3A_230] : memref<8192xi32, #tpu.memory_space<vmem>> -> memref<128xi32, #tpu.memory_space<vmem>>
    %dma_wait3A_232 = arith.constant 0 : i32
    %dma_wait3A_233 = tpu.memref_slice %arg2[%dma_wait3A_232] : memref<16777216xf32, #tpu.memory_space<hbm>> -> memref<16777216xf32, #tpu.memory_space<hbm>>
    tpu.wait_indirect_dma semaphore(%arg7 : memref<!tpu.dma_semaphore, #tpu.memory_space<semaphore_mem>>) src(%dma_wait3A_233 : memref<16777216xf32, #tpu.memory_space<hbm>>) dst(%dma_wait3A_229 : memref<128xf32, #tpu.memory_space<vmem>>)
    %dma_wait3A_234 = arith.constant 0 : i32
    %dma_wait3A_235 = tpu.memref_slice %arg6[%dma_wait3A_234] : memref<8192xf32, #tpu.memory_space<vmem>> -> memref<128xf32, #tpu.memory_space<vmem>>
    %dma_wait3A_236 = arith.constant 0 : i32
    %dma_wait3A_237 = tpu.memref_slice %arg5[%dma_wait3A_236] : memref<8192xi32, #tpu.memory_space<vmem>> -> memref<128xi32, #tpu.memory_space<vmem>>
    %dma_wait3A_238 = arith.constant 0 : i32
    %dma_wait3A_239 = tpu.memref_slice %arg2[%dma_wait3A_238] : memref<16777216xf32, #tpu.memory_space<hbm>> -> memref<16777216xf32, #tpu.memory_space<hbm>>
    tpu.wait_indirect_dma semaphore(%arg7 : memref<!tpu.dma_semaphore, #tpu.memory_space<semaphore_mem>>) src(%dma_wait3A_239 : memref<16777216xf32, #tpu.memory_space<hbm>>) dst(%dma_wait3A_235 : memref<128xf32, #tpu.memory_space<vmem>>)
    %dma_wait3A_240 = arith.constant 0 : i32
    %dma_wait3A_241 = tpu.memref_slice %arg6[%dma_wait3A_240] : memref<8192xf32, #tpu.memory_space<vmem>> -> memref<128xf32, #tpu.memory_space<vmem>>
    %dma_wait3A_242 = arith.constant 0 : i32
    %dma_wait3A_243 = tpu.memref_slice %arg5[%dma_wait3A_242] : memref<8192xi32, #tpu.memory_space<vmem>> -> memref<128xi32, #tpu.memory_space<vmem>>
    %dma_wait3A_244 = arith.constant 0 : i32
    %dma_wait3A_245 = tpu.memref_slice %arg2[%dma_wait3A_244] : memref<16777216xf32, #tpu.memory_space<hbm>> -> memref<16777216xf32, #tpu.memory_space<hbm>>
    tpu.wait_indirect_dma semaphore(%arg7 : memref<!tpu.dma_semaphore, #tpu.memory_space<semaphore_mem>>) src(%dma_wait3A_245 : memref<16777216xf32, #tpu.memory_space<hbm>>) dst(%dma_wait3A_241 : memref<128xf32, #tpu.memory_space<vmem>>)
    %dma_wait3A_246 = arith.constant 0 : i32
    %dma_wait3A_247 = tpu.memref_slice %arg6[%dma_wait3A_246] : memref<8192xf32, #tpu.memory_space<vmem>> -> memref<128xf32, #tpu.memory_space<vmem>>
    %dma_wait3A_248 = arith.constant 0 : i32
    %dma_wait3A_249 = tpu.memref_slice %arg5[%dma_wait3A_248] : memref<8192xi32, #tpu.memory_space<vmem>> -> memref<128xi32, #tpu.memory_space<vmem>>
    %dma_wait3A_250 = arith.constant 0 : i32
    %dma_wait3A_251 = tpu.memref_slice %arg2[%dma_wait3A_250] : memref<16777216xf32, #tpu.memory_space<hbm>> -> memref<16777216xf32, #tpu.memory_space<hbm>>
    tpu.wait_indirect_dma semaphore(%arg7 : memref<!tpu.dma_semaphore, #tpu.memory_space<semaphore_mem>>) src(%dma_wait3A_251 : memref<16777216xf32, #tpu.memory_space<hbm>>) dst(%dma_wait3A_247 : memref<128xf32, #tpu.memory_space<vmem>>)
    %dma_wait3A_252 = arith.constant 0 : i32
    %dma_wait3A_253 = tpu.memref_slice %arg6[%dma_wait3A_252] : memref<8192xf32, #tpu.memory_space<vmem>> -> memref<128xf32, #tpu.memory_space<vmem>>
    %dma_wait3A_254 = arith.constant 0 : i32
    %dma_wait3A_255 = tpu.memref_slice %arg5[%dma_wait3A_254] : memref<8192xi32, #tpu.memory_space<vmem>> -> memref<128xi32, #tpu.memory_space<vmem>>
    %dma_wait3A_256 = arith.constant 0 : i32
    %dma_wait3A_257 = tpu.memref_slice %arg2[%dma_wait3A_256] : memref<16777216xf32, #tpu.memory_space<hbm>> -> memref<16777216xf32, #tpu.memory_space<hbm>>
    tpu.wait_indirect_dma semaphore(%arg7 : memref<!tpu.dma_semaphore, #tpu.memory_space<semaphore_mem>>) src(%dma_wait3A_257 : memref<16777216xf32, #tpu.memory_space<hbm>>) dst(%dma_wait3A_253 : memref<128xf32, #tpu.memory_space<vmem>>)
    %dma_wait3A_258 = arith.constant 0 : i32
    %dma_wait3A_259 = tpu.memref_slice %arg6[%dma_wait3A_258] : memref<8192xf32, #tpu.memory_space<vmem>> -> memref<128xf32, #tpu.memory_space<vmem>>
    %dma_wait3A_260 = arith.constant 0 : i32
    %dma_wait3A_261 = tpu.memref_slice %arg5[%dma_wait3A_260] : memref<8192xi32, #tpu.memory_space<vmem>> -> memref<128xi32, #tpu.memory_space<vmem>>
    %dma_wait3A_262 = arith.constant 0 : i32
    %dma_wait3A_263 = tpu.memref_slice %arg2[%dma_wait3A_262] : memref<16777216xf32, #tpu.memory_space<hbm>> -> memref<16777216xf32, #tpu.memory_space<hbm>>
    tpu.wait_indirect_dma semaphore(%arg7 : memref<!tpu.dma_semaphore, #tpu.memory_space<semaphore_mem>>) src(%dma_wait3A_263 : memref<16777216xf32, #tpu.memory_space<hbm>>) dst(%dma_wait3A_259 : memref<128xf32, #tpu.memory_space<vmem>>)
    %dma_wait3A_264 = arith.constant 0 : i32
    %dma_wait3A_265 = tpu.memref_slice %arg6[%dma_wait3A_264] : memref<8192xf32, #tpu.memory_space<vmem>> -> memref<128xf32, #tpu.memory_space<vmem>>
    %dma_wait3A_266 = arith.constant 0 : i32
    %dma_wait3A_267 = tpu.memref_slice %arg5[%dma_wait3A_266] : memref<8192xi32, #tpu.memory_space<vmem>> -> memref<128xi32, #tpu.memory_space<vmem>>
    %dma_wait3A_268 = arith.constant 0 : i32
    %dma_wait3A_269 = tpu.memref_slice %arg2[%dma_wait3A_268] : memref<16777216xf32, #tpu.memory_space<hbm>> -> memref<16777216xf32, #tpu.memory_space<hbm>>
    tpu.wait_indirect_dma semaphore(%arg7 : memref<!tpu.dma_semaphore, #tpu.memory_space<semaphore_mem>>) src(%dma_wait3A_269 : memref<16777216xf32, #tpu.memory_space<hbm>>) dst(%dma_wait3A_265 : memref<128xf32, #tpu.memory_space<vmem>>)
    %dma_wait3A_270 = arith.constant 0 : i32
    %dma_wait3A_271 = tpu.memref_slice %arg6[%dma_wait3A_270] : memref<8192xf32, #tpu.memory_space<vmem>> -> memref<128xf32, #tpu.memory_space<vmem>>
    %dma_wait3A_272 = arith.constant 0 : i32
    %dma_wait3A_273 = tpu.memref_slice %arg5[%dma_wait3A_272] : memref<8192xi32, #tpu.memory_space<vmem>> -> memref<128xi32, #tpu.memory_space<vmem>>
    %dma_wait3A_274 = arith.constant 0 : i32
    %dma_wait3A_275 = tpu.memref_slice %arg2[%dma_wait3A_274] : memref<16777216xf32, #tpu.memory_space<hbm>> -> memref<16777216xf32, #tpu.memory_space<hbm>>
    tpu.wait_indirect_dma semaphore(%arg7 : memref<!tpu.dma_semaphore, #tpu.memory_space<semaphore_mem>>) src(%dma_wait3A_275 : memref<16777216xf32, #tpu.memory_space<hbm>>) dst(%dma_wait3A_271 : memref<128xf32, #tpu.memory_space<vmem>>)
    %dma_wait3A_276 = arith.constant 0 : i32
    %dma_wait3A_277 = tpu.memref_slice %arg6[%dma_wait3A_276] : memref<8192xf32, #tpu.memory_space<vmem>> -> memref<128xf32, #tpu.memory_space<vmem>>
    %dma_wait3A_278 = arith.constant 0 : i32
    %dma_wait3A_279 = tpu.memref_slice %arg5[%dma_wait3A_278] : memref<8192xi32, #tpu.memory_space<vmem>> -> memref<128xi32, #tpu.memory_space<vmem>>
    %dma_wait3A_280 = arith.constant 0 : i32
    %dma_wait3A_281 = tpu.memref_slice %arg2[%dma_wait3A_280] : memref<16777216xf32, #tpu.memory_space<hbm>> -> memref<16777216xf32, #tpu.memory_space<hbm>>
    tpu.wait_indirect_dma semaphore(%arg7 : memref<!tpu.dma_semaphore, #tpu.memory_space<semaphore_mem>>) src(%dma_wait3A_281 : memref<16777216xf32, #tpu.memory_space<hbm>>) dst(%dma_wait3A_277 : memref<128xf32, #tpu.memory_space<vmem>>)
    %dma_wait3A_282 = arith.constant 0 : i32
    %dma_wait3A_283 = tpu.memref_slice %arg6[%dma_wait3A_282] : memref<8192xf32, #tpu.memory_space<vmem>> -> memref<128xf32, #tpu.memory_space<vmem>>
    %dma_wait3A_284 = arith.constant 0 : i32
    %dma_wait3A_285 = tpu.memref_slice %arg5[%dma_wait3A_284] : memref<8192xi32, #tpu.memory_space<vmem>> -> memref<128xi32, #tpu.memory_space<vmem>>
    %dma_wait3A_286 = arith.constant 0 : i32
    %dma_wait3A_287 = tpu.memref_slice %arg2[%dma_wait3A_286] : memref<16777216xf32, #tpu.memory_space<hbm>> -> memref<16777216xf32, #tpu.memory_space<hbm>>
    tpu.wait_indirect_dma semaphore(%arg7 : memref<!tpu.dma_semaphore, #tpu.memory_space<semaphore_mem>>) src(%dma_wait3A_287 : memref<16777216xf32, #tpu.memory_space<hbm>>) dst(%dma_wait3A_283 : memref<128xf32, #tpu.memory_space<vmem>>)
    %dma_wait3A_288 = arith.constant 0 : i32
    %dma_wait3A_289 = tpu.memref_slice %arg6[%dma_wait3A_288] : memref<8192xf32, #tpu.memory_space<vmem>> -> memref<128xf32, #tpu.memory_space<vmem>>
    %dma_wait3A_290 = arith.constant 0 : i32
    %dma_wait3A_291 = tpu.memref_slice %arg5[%dma_wait3A_290] : memref<8192xi32, #tpu.memory_space<vmem>> -> memref<128xi32, #tpu.memory_space<vmem>>
    %dma_wait3A_292 = arith.constant 0 : i32
    %dma_wait3A_293 = tpu.memref_slice %arg2[%dma_wait3A_292] : memref<16777216xf32, #tpu.memory_space<hbm>> -> memref<16777216xf32, #tpu.memory_space<hbm>>
    tpu.wait_indirect_dma semaphore(%arg7 : memref<!tpu.dma_semaphore, #tpu.memory_space<semaphore_mem>>) src(%dma_wait3A_293 : memref<16777216xf32, #tpu.memory_space<hbm>>) dst(%dma_wait3A_289 : memref<128xf32, #tpu.memory_space<vmem>>)
    "tpu.region"() ({
      %run_scoped3A = tpu.sem_alloc : memref<!tpu.dma_semaphore, #tpu.memory_space<semaphore_mem>>
      %dma_start3A_294 = tpu.memref_slice %arg4[%mul3A_2] : memref<262144xf32, #tpu.memory_space<hbm>> -> memref<8192xf32, #tpu.memory_space<hbm>>
      %dma_start3A_295 = tpu.memref_slice %arg4[%mul3A_2] : memref<262144xf32, #tpu.memory_space<hbm>> -> memref<8192xf32, #tpu.memory_space<hbm>>
      tpu.enqueue_dma source(%arg6 : memref<8192xf32, #tpu.memory_space<vmem>>) target(%dma_start3A_295 : memref<8192xf32, #tpu.memory_space<hbm>>) target_semaphore(%run_scoped3A : memref<!tpu.dma_semaphore, #tpu.memory_space<semaphore_mem>>)
      %dma_wait3A_296 = tpu.memref_slice %arg4[%mul3A_2] : memref<262144xf32, #tpu.memory_space<hbm>> -> memref<8192xf32, #tpu.memory_space<hbm>>
      %dma_wait3A_297 = tpu.memref_slice %arg4[%mul3A_2] : memref<262144xf32, #tpu.memory_space<hbm>> -> memref<8192xf32, #tpu.memory_space<hbm>>
      tpu.wait_dma2 semaphore(%run_scoped3A : memref<!tpu.dma_semaphore, #tpu.memory_space<semaphore_mem>>) src(%arg6 : memref<8192xf32, #tpu.memory_space<vmem>>) dst(%dma_wait3A_297 : memref<8192xf32, #tpu.memory_space<hbm>>)
      tpu.yield
    }) : () -> ()
    return
  }
}

#map = affine_map<(d0, d1) -> (0)>
module attributes {stable_mosaic.version = 14 : i64} {
  func.func @_sc_gather(%arg0: i32, %arg1: i32, %arg2: memref<16777216xf32, #tpu.memory_space<hbm>>, %arg3: memref<262144xi32, #tpu.memory_space<hbm>>, %arg4: memref<262144xf32, #tpu.memory_space<hbm>>, %arg5: memref<8192xi32, #tpu.memory_space<vmem>>, %arg6: memref<8192xf32, #tpu.memory_space<vmem>>, %arg7: memref<!tpu.dma_semaphore, #tpu.memory_space<semaphore_mem>>) attributes {dimension_semantics = [#tpu.dimension_semantics<core_parallel>, #tpu.dimension_semantics<subcore_parallel>], iteration_bounds = array<i64: 2, 16>, scalar_prefetch = 0 : i64, scratch_operands = 3 : i64, tpu.core_type = #tpu.core_type<sc_vector_subcore>, window_params = [{transform_indices = #map}, {transform_indices = #map}, {transform_indices = #map}]} {
    %mul3A = arith.constant 2 : i32
    %mul3A_0 = arith.muli %arg1, %mul3A : i32
    %add3A = arith.addi %mul3A_0, %arg0 : i32
    %mul3A_1 = arith.constant 8192 : i32
    %mul3A_2 = arith.muli %add3A, %mul3A_1 : i32
    "tpu.region"() ({
      %run_scoped3A = tpu.sem_alloc : memref<!tpu.dma_semaphore, #tpu.memory_space<semaphore_mem>>
      %dma_start3A_294 = tpu.memref_slice %arg3[%mul3A_2] : memref<262144xi32, #tpu.memory_space<hbm>> -> memref<8192xi32, #tpu.memory_space<hbm>>
      %dma_start3A_295 = tpu.memref_slice %arg3[%mul3A_2] : memref<262144xi32, #tpu.memory_space<hbm>> -> memref<8192xi32, #tpu.memory_space<hbm>>
      tpu.enqueue_dma source(%dma_start3A_295 : memref<8192xi32, #tpu.memory_space<hbm>>) target(%arg5 : memref<8192xi32, #tpu.memory_space<vmem>>) target_semaphore(%run_scoped3A : memref<!tpu.dma_semaphore, #tpu.memory_space<semaphore_mem>>)
      %dma_wait3A_296 = tpu.memref_slice %arg3[%mul3A_2] : memref<262144xi32, #tpu.memory_space<hbm>> -> memref<8192xi32, #tpu.memory_space<hbm>>
      %dma_wait3A_297 = tpu.memref_slice %arg3[%mul3A_2] : memref<262144xi32, #tpu.memory_space<hbm>> -> memref<8192xi32, #tpu.memory_space<hbm>>
      tpu.wait_dma2 semaphore(%run_scoped3A : memref<!tpu.dma_semaphore, #tpu.memory_space<semaphore_mem>>) src(%dma_wait3A_297 : memref<8192xi32, #tpu.memory_space<hbm>>) dst(%arg5 : memref<8192xi32, #tpu.memory_space<vmem>>)
      tpu.yield
    }) : () -> ()
    %dma_start3A = arith.constant 0 : i32
    %dma_start3A_3 = tpu.memref_slice %arg6[%dma_start3A] : memref<8192xf32, #tpu.memory_space<vmem>> -> memref<128xf32, #tpu.memory_space<vmem>>
    %dma_start3A_4 = arith.constant 0 : i32
    %dma_start3A_5 = tpu.memref_slice %arg5[%dma_start3A_4] : memref<8192xi32, #tpu.memory_space<vmem>> -> memref<128xi32, #tpu.memory_space<vmem>>
    %dma_start3A_6 = arith.constant 0 : i32
    %dma_start3A_7 = tpu.memref_slice %arg2[%dma_start3A_6] : memref<16777216xf32, #tpu.memory_space<hbm>> -> memref<16777216xf32, #tpu.memory_space<hbm>>
    tpu.enqueue_indirect_dma source(%dma_start3A_7 : memref<16777216xf32, #tpu.memory_space<hbm>>) target(%dma_start3A_3 : memref<128xf32, #tpu.memory_space<vmem>>) offsets(%dma_start3A_5 : memref<128xi32, #tpu.memory_space<vmem>>) semaphore(%arg7 : memref<!tpu.dma_semaphore, #tpu.memory_space<semaphore_mem>>)
    %dma_start3A_8 = arith.constant 128 : i32
    %dma_start3A_9 = tpu.memref_slice %arg6[%dma_start3A_8] : memref<8192xf32, #tpu.memory_space<vmem>> -> memref<128xf32, #tpu.memory_space<vmem>>
    %dma_start3A_10 = arith.constant 128 : i32
    %dma_start3A_11 = tpu.memref_slice %arg5[%dma_start3A_10] : memref<8192xi32, #tpu.memory_space<vmem>> -> memref<128xi32, #tpu.memory_space<vmem>>
    %dma_start3A_12 = arith.constant 0 : i32
    %dma_start3A_13 = tpu.memref_slice %arg2[%dma_start3A_12] : memref<16777216xf32, #tpu.memory_space<hbm>> -> memref<16777216xf32, #tpu.memory_space<hbm>>
    tpu.enqueue_indirect_dma source(%dma_start3A_13 : memref<16777216xf32, #tpu.memory_space<hbm>>) target(%dma_start3A_9 : memref<128xf32, #tpu.memory_space<vmem>>) offsets(%dma_start3A_11 : memref<128xi32, #tpu.memory_space<vmem>>) semaphore(%arg7 : memref<!tpu.dma_semaphore, #tpu.memory_space<semaphore_mem>>)
    %dma_start3A_14 = arith.constant 256 : i32
    %dma_start3A_15 = tpu.memref_slice %arg6[%dma_start3A_14] : memref<8192xf32, #tpu.memory_space<vmem>> -> memref<128xf32, #tpu.memory_space<vmem>>
    %dma_start3A_16 = arith.constant 256 : i32
    %dma_start3A_17 = tpu.memref_slice %arg5[%dma_start3A_16] : memref<8192xi32, #tpu.memory_space<vmem>> -> memref<128xi32, #tpu.memory_space<vmem>>
    %dma_start3A_18 = arith.constant 0 : i32
    %dma_start3A_19 = tpu.memref_slice %arg2[%dma_start3A_18] : memref<16777216xf32, #tpu.memory_space<hbm>> -> memref<16777216xf32, #tpu.memory_space<hbm>>
    tpu.enqueue_indirect_dma source(%dma_start3A_19 : memref<16777216xf32, #tpu.memory_space<hbm>>) target(%dma_start3A_15 : memref<128xf32, #tpu.memory_space<vmem>>) offsets(%dma_start3A_17 : memref<128xi32, #tpu.memory_space<vmem>>) semaphore(%arg7 : memref<!tpu.dma_semaphore, #tpu.memory_space<semaphore_mem>>)
    %dma_start3A_20 = arith.constant 384 : i32
    %dma_start3A_21 = tpu.memref_slice %arg6[%dma_start3A_20] : memref<8192xf32, #tpu.memory_space<vmem>> -> memref<128xf32, #tpu.memory_space<vmem>>
    %dma_start3A_22 = arith.constant 384 : i32
    %dma_start3A_23 = tpu.memref_slice %arg5[%dma_start3A_22] : memref<8192xi32, #tpu.memory_space<vmem>> -> memref<128xi32, #tpu.memory_space<vmem>>
    %dma_start3A_24 = arith.constant 0 : i32
    %dma_start3A_25 = tpu.memref_slice %arg2[%dma_start3A_24] : memref<16777216xf32, #tpu.memory_space<hbm>> -> memref<16777216xf32, #tpu.memory_space<hbm>>
    tpu.enqueue_indirect_dma source(%dma_start3A_25 : memref<16777216xf32, #tpu.memory_space<hbm>>) target(%dma_start3A_21 : memref<128xf32, #tpu.memory_space<vmem>>) offsets(%dma_start3A_23 : memref<128xi32, #tpu.memory_space<vmem>>) semaphore(%arg7 : memref<!tpu.dma_semaphore, #tpu.memory_space<semaphore_mem>>)
    %dma_start3A_26 = arith.constant 512 : i32
    %dma_start3A_27 = tpu.memref_slice %arg6[%dma_start3A_26] : memref<8192xf32, #tpu.memory_space<vmem>> -> memref<128xf32, #tpu.memory_space<vmem>>
    %dma_start3A_28 = arith.constant 512 : i32
    %dma_start3A_29 = tpu.memref_slice %arg5[%dma_start3A_28] : memref<8192xi32, #tpu.memory_space<vmem>> -> memref<128xi32, #tpu.memory_space<vmem>>
    %dma_start3A_30 = arith.constant 0 : i32
    %dma_start3A_31 = tpu.memref_slice %arg2[%dma_start3A_30] : memref<16777216xf32, #tpu.memory_space<hbm>> -> memref<16777216xf32, #tpu.memory_space<hbm>>
    tpu.enqueue_indirect_dma source(%dma_start3A_31 : memref<16777216xf32, #tpu.memory_space<hbm>>) target(%dma_start3A_27 : memref<128xf32, #tpu.memory_space<vmem>>) offsets(%dma_start3A_29 : memref<128xi32, #tpu.memory_space<vmem>>) semaphore(%arg7 : memref<!tpu.dma_semaphore, #tpu.memory_space<semaphore_mem>>)
    %dma_start3A_32 = arith.constant 640 : i32
    %dma_start3A_33 = tpu.memref_slice %arg6[%dma_start3A_32] : memref<8192xf32, #tpu.memory_space<vmem>> -> memref<128xf32, #tpu.memory_space<vmem>>
    %dma_start3A_34 = arith.constant 640 : i32
    %dma_start3A_35 = tpu.memref_slice %arg5[%dma_start3A_34] : memref<8192xi32, #tpu.memory_space<vmem>> -> memref<128xi32, #tpu.memory_space<vmem>>
    %dma_start3A_36 = arith.constant 0 : i32
    %dma_start3A_37 = tpu.memref_slice %arg2[%dma_start3A_36] : memref<16777216xf32, #tpu.memory_space<hbm>> -> memref<16777216xf32, #tpu.memory_space<hbm>>
    tpu.enqueue_indirect_dma source(%dma_start3A_37 : memref<16777216xf32, #tpu.memory_space<hbm>>) target(%dma_start3A_33 : memref<128xf32, #tpu.memory_space<vmem>>) offsets(%dma_start3A_35 : memref<128xi32, #tpu.memory_space<vmem>>) semaphore(%arg7 : memref<!tpu.dma_semaphore, #tpu.memory_space<semaphore_mem>>)
    %dma_start3A_38 = arith.constant 768 : i32
    %dma_start3A_39 = tpu.memref_slice %arg6[%dma_start3A_38] : memref<8192xf32, #tpu.memory_space<vmem>> -> memref<128xf32, #tpu.memory_space<vmem>>
    %dma_start3A_40 = arith.constant 768 : i32
    %dma_start3A_41 = tpu.memref_slice %arg5[%dma_start3A_40] : memref<8192xi32, #tpu.memory_space<vmem>> -> memref<128xi32, #tpu.memory_space<vmem>>
    %dma_start3A_42 = arith.constant 0 : i32
    %dma_start3A_43 = tpu.memref_slice %arg2[%dma_start3A_42] : memref<16777216xf32, #tpu.memory_space<hbm>> -> memref<16777216xf32, #tpu.memory_space<hbm>>
    tpu.enqueue_indirect_dma source(%dma_start3A_43 : memref<16777216xf32, #tpu.memory_space<hbm>>) target(%dma_start3A_39 : memref<128xf32, #tpu.memory_space<vmem>>) offsets(%dma_start3A_41 : memref<128xi32, #tpu.memory_space<vmem>>) semaphore(%arg7 : memref<!tpu.dma_semaphore, #tpu.memory_space<semaphore_mem>>)
    %dma_start3A_44 = arith.constant 896 : i32
    %dma_start3A_45 = tpu.memref_slice %arg6[%dma_start3A_44] : memref<8192xf32, #tpu.memory_space<vmem>> -> memref<128xf32, #tpu.memory_space<vmem>>
    %dma_start3A_46 = arith.constant 896 : i32
    %dma_start3A_47 = tpu.memref_slice %arg5[%dma_start3A_46] : memref<8192xi32, #tpu.memory_space<vmem>> -> memref<128xi32, #tpu.memory_space<vmem>>
    %dma_start3A_48 = arith.constant 0 : i32
    %dma_start3A_49 = tpu.memref_slice %arg2[%dma_start3A_48] : memref<16777216xf32, #tpu.memory_space<hbm>> -> memref<16777216xf32, #tpu.memory_space<hbm>>
    tpu.enqueue_indirect_dma source(%dma_start3A_49 : memref<16777216xf32, #tpu.memory_space<hbm>>) target(%dma_start3A_45 : memref<128xf32, #tpu.memory_space<vmem>>) offsets(%dma_start3A_47 : memref<128xi32, #tpu.memory_space<vmem>>) semaphore(%arg7 : memref<!tpu.dma_semaphore, #tpu.memory_space<semaphore_mem>>)
    %dma_start3A_50 = arith.constant 1024 : i32
    %dma_start3A_51 = tpu.memref_slice %arg6[%dma_start3A_50] : memref<8192xf32, #tpu.memory_space<vmem>> -> memref<128xf32, #tpu.memory_space<vmem>>
    %dma_start3A_52 = arith.constant 1024 : i32
    %dma_start3A_53 = tpu.memref_slice %arg5[%dma_start3A_52] : memref<8192xi32, #tpu.memory_space<vmem>> -> memref<128xi32, #tpu.memory_space<vmem>>
    %dma_start3A_54 = arith.constant 0 : i32
    %dma_start3A_55 = tpu.memref_slice %arg2[%dma_start3A_54] : memref<16777216xf32, #tpu.memory_space<hbm>> -> memref<16777216xf32, #tpu.memory_space<hbm>>
    tpu.enqueue_indirect_dma source(%dma_start3A_55 : memref<16777216xf32, #tpu.memory_space<hbm>>) target(%dma_start3A_51 : memref<128xf32, #tpu.memory_space<vmem>>) offsets(%dma_start3A_53 : memref<128xi32, #tpu.memory_space<vmem>>) semaphore(%arg7 : memref<!tpu.dma_semaphore, #tpu.memory_space<semaphore_mem>>)
    %dma_start3A_56 = arith.constant 1152 : i32
    %dma_start3A_57 = tpu.memref_slice %arg6[%dma_start3A_56] : memref<8192xf32, #tpu.memory_space<vmem>> -> memref<128xf32, #tpu.memory_space<vmem>>
    %dma_start3A_58 = arith.constant 1152 : i32
    %dma_start3A_59 = tpu.memref_slice %arg5[%dma_start3A_58] : memref<8192xi32, #tpu.memory_space<vmem>> -> memref<128xi32, #tpu.memory_space<vmem>>
    %dma_start3A_60 = arith.constant 0 : i32
    %dma_start3A_61 = tpu.memref_slice %arg2[%dma_start3A_60] : memref<16777216xf32, #tpu.memory_space<hbm>> -> memref<16777216xf32, #tpu.memory_space<hbm>>
    tpu.enqueue_indirect_dma source(%dma_start3A_61 : memref<16777216xf32, #tpu.memory_space<hbm>>) target(%dma_start3A_57 : memref<128xf32, #tpu.memory_space<vmem>>) offsets(%dma_start3A_59 : memref<128xi32, #tpu.memory_space<vmem>>) semaphore(%arg7 : memref<!tpu.dma_semaphore, #tpu.memory_space<semaphore_mem>>)
    %dma_start3A_62 = arith.constant 1280 : i32
    %dma_start3A_63 = tpu.memref_slice %arg6[%dma_start3A_62] : memref<8192xf32, #tpu.memory_space<vmem>> -> memref<128xf32, #tpu.memory_space<vmem>>
    %dma_start3A_64 = arith.constant 1280 : i32
    %dma_start3A_65 = tpu.memref_slice %arg5[%dma_start3A_64] : memref<8192xi32, #tpu.memory_space<vmem>> -> memref<128xi32, #tpu.memory_space<vmem>>
    %dma_start3A_66 = arith.constant 0 : i32
    %dma_start3A_67 = tpu.memref_slice %arg2[%dma_start3A_66] : memref<16777216xf32, #tpu.memory_space<hbm>> -> memref<16777216xf32, #tpu.memory_space<hbm>>
    tpu.enqueue_indirect_dma source(%dma_start3A_67 : memref<16777216xf32, #tpu.memory_space<hbm>>) target(%dma_start3A_63 : memref<128xf32, #tpu.memory_space<vmem>>) offsets(%dma_start3A_65 : memref<128xi32, #tpu.memory_space<vmem>>) semaphore(%arg7 : memref<!tpu.dma_semaphore, #tpu.memory_space<semaphore_mem>>)
    %dma_start3A_68 = arith.constant 1408 : i32
    %dma_start3A_69 = tpu.memref_slice %arg6[%dma_start3A_68] : memref<8192xf32, #tpu.memory_space<vmem>> -> memref<128xf32, #tpu.memory_space<vmem>>
    %dma_start3A_70 = arith.constant 1408 : i32
    %dma_start3A_71 = tpu.memref_slice %arg5[%dma_start3A_70] : memref<8192xi32, #tpu.memory_space<vmem>> -> memref<128xi32, #tpu.memory_space<vmem>>
    %dma_start3A_72 = arith.constant 0 : i32
    %dma_start3A_73 = tpu.memref_slice %arg2[%dma_start3A_72] : memref<16777216xf32, #tpu.memory_space<hbm>> -> memref<16777216xf32, #tpu.memory_space<hbm>>
    tpu.enqueue_indirect_dma source(%dma_start3A_73 : memref<16777216xf32, #tpu.memory_space<hbm>>) target(%dma_start3A_69 : memref<128xf32, #tpu.memory_space<vmem>>) offsets(%dma_start3A_71 : memref<128xi32, #tpu.memory_space<vmem>>) semaphore(%arg7 : memref<!tpu.dma_semaphore, #tpu.memory_space<semaphore_mem>>)
    %dma_start3A_74 = arith.constant 1536 : i32
    %dma_start3A_75 = tpu.memref_slice %arg6[%dma_start3A_74] : memref<8192xf32, #tpu.memory_space<vmem>> -> memref<128xf32, #tpu.memory_space<vmem>>
    %dma_start3A_76 = arith.constant 1536 : i32
    %dma_start3A_77 = tpu.memref_slice %arg5[%dma_start3A_76] : memref<8192xi32, #tpu.memory_space<vmem>> -> memref<128xi32, #tpu.memory_space<vmem>>
    %dma_start3A_78 = arith.constant 0 : i32
    %dma_start3A_79 = tpu.memref_slice %arg2[%dma_start3A_78] : memref<16777216xf32, #tpu.memory_space<hbm>> -> memref<16777216xf32, #tpu.memory_space<hbm>>
    tpu.enqueue_indirect_dma source(%dma_start3A_79 : memref<16777216xf32, #tpu.memory_space<hbm>>) target(%dma_start3A_75 : memref<128xf32, #tpu.memory_space<vmem>>) offsets(%dma_start3A_77 : memref<128xi32, #tpu.memory_space<vmem>>) semaphore(%arg7 : memref<!tpu.dma_semaphore, #tpu.memory_space<semaphore_mem>>)
    %dma_start3A_80 = arith.constant 1664 : i32
    %dma_start3A_81 = tpu.memref_slice %arg6[%dma_start3A_80] : memref<8192xf32, #tpu.memory_space<vmem>> -> memref<128xf32, #tpu.memory_space<vmem>>
    %dma_start3A_82 = arith.constant 1664 : i32
    %dma_start3A_83 = tpu.memref_slice %arg5[%dma_start3A_82] : memref<8192xi32, #tpu.memory_space<vmem>> -> memref<128xi32, #tpu.memory_space<vmem>>
    %dma_start3A_84 = arith.constant 0 : i32
    %dma_start3A_85 = tpu.memref_slice %arg2[%dma_start3A_84] : memref<16777216xf32, #tpu.memory_space<hbm>> -> memref<16777216xf32, #tpu.memory_space<hbm>>
    tpu.enqueue_indirect_dma source(%dma_start3A_85 : memref<16777216xf32, #tpu.memory_space<hbm>>) target(%dma_start3A_81 : memref<128xf32, #tpu.memory_space<vmem>>) offsets(%dma_start3A_83 : memref<128xi32, #tpu.memory_space<vmem>>) semaphore(%arg7 : memref<!tpu.dma_semaphore, #tpu.memory_space<semaphore_mem>>)
    %dma_start3A_86 = arith.constant 1792 : i32
    %dma_start3A_87 = tpu.memref_slice %arg6[%dma_start3A_86] : memref<8192xf32, #tpu.memory_space<vmem>> -> memref<128xf32, #tpu.memory_space<vmem>>
    %dma_start3A_88 = arith.constant 1792 : i32
    %dma_start3A_89 = tpu.memref_slice %arg5[%dma_start3A_88] : memref<8192xi32, #tpu.memory_space<vmem>> -> memref<128xi32, #tpu.memory_space<vmem>>
    %dma_start3A_90 = arith.constant 0 : i32
    %dma_start3A_91 = tpu.memref_slice %arg2[%dma_start3A_90] : memref<16777216xf32, #tpu.memory_space<hbm>> -> memref<16777216xf32, #tpu.memory_space<hbm>>
    tpu.enqueue_indirect_dma source(%dma_start3A_91 : memref<16777216xf32, #tpu.memory_space<hbm>>) target(%dma_start3A_87 : memref<128xf32, #tpu.memory_space<vmem>>) offsets(%dma_start3A_89 : memref<128xi32, #tpu.memory_space<vmem>>) semaphore(%arg7 : memref<!tpu.dma_semaphore, #tpu.memory_space<semaphore_mem>>)
    %dma_start3A_92 = arith.constant 1920 : i32
    %dma_start3A_93 = tpu.memref_slice %arg6[%dma_start3A_92] : memref<8192xf32, #tpu.memory_space<vmem>> -> memref<128xf32, #tpu.memory_space<vmem>>
    %dma_start3A_94 = arith.constant 1920 : i32
    %dma_start3A_95 = tpu.memref_slice %arg5[%dma_start3A_94] : memref<8192xi32, #tpu.memory_space<vmem>> -> memref<128xi32, #tpu.memory_space<vmem>>
    %dma_start3A_96 = arith.constant 0 : i32
    %dma_start3A_97 = tpu.memref_slice %arg2[%dma_start3A_96] : memref<16777216xf32, #tpu.memory_space<hbm>> -> memref<16777216xf32, #tpu.memory_space<hbm>>
    tpu.enqueue_indirect_dma source(%dma_start3A_97 : memref<16777216xf32, #tpu.memory_space<hbm>>) target(%dma_start3A_93 : memref<128xf32, #tpu.memory_space<vmem>>) offsets(%dma_start3A_95 : memref<128xi32, #tpu.memory_space<vmem>>) semaphore(%arg7 : memref<!tpu.dma_semaphore, #tpu.memory_space<semaphore_mem>>)
    %dma_start3A_98 = arith.constant 2048 : i32
    %dma_start3A_99 = tpu.memref_slice %arg6[%dma_start3A_98] : memref<8192xf32, #tpu.memory_space<vmem>> -> memref<128xf32, #tpu.memory_space<vmem>>
    %dma_start3A_100 = arith.constant 2048 : i32
    %dma_start3A_101 = tpu.memref_slice %arg5[%dma_start3A_100] : memref<8192xi32, #tpu.memory_space<vmem>> -> memref<128xi32, #tpu.memory_space<vmem>>
    %dma_start3A_102 = arith.constant 0 : i32
    %dma_start3A_103 = tpu.memref_slice %arg2[%dma_start3A_102] : memref<16777216xf32, #tpu.memory_space<hbm>> -> memref<16777216xf32, #tpu.memory_space<hbm>>
    tpu.enqueue_indirect_dma source(%dma_start3A_103 : memref<16777216xf32, #tpu.memory_space<hbm>>) target(%dma_start3A_99 : memref<128xf32, #tpu.memory_space<vmem>>) offsets(%dma_start3A_101 : memref<128xi32, #tpu.memory_space<vmem>>) semaphore(%arg7 : memref<!tpu.dma_semaphore, #tpu.memory_space<semaphore_mem>>)
    %dma_start3A_104 = arith.constant 2176 : i32
    %dma_start3A_105 = tpu.memref_slice %arg6[%dma_start3A_104] : memref<8192xf32, #tpu.memory_space<vmem>> -> memref<128xf32, #tpu.memory_space<vmem>>
    %dma_start3A_106 = arith.constant 2176 : i32
    %dma_start3A_107 = tpu.memref_slice %arg5[%dma_start3A_106] : memref<8192xi32, #tpu.memory_space<vmem>> -> memref<128xi32, #tpu.memory_space<vmem>>
    %dma_start3A_108 = arith.constant 0 : i32
    %dma_start3A_109 = tpu.memref_slice %arg2[%dma_start3A_108] : memref<16777216xf32, #tpu.memory_space<hbm>> -> memref<16777216xf32, #tpu.memory_space<hbm>>
    tpu.enqueue_indirect_dma source(%dma_start3A_109 : memref<16777216xf32, #tpu.memory_space<hbm>>) target(%dma_start3A_105 : memref<128xf32, #tpu.memory_space<vmem>>) offsets(%dma_start3A_107 : memref<128xi32, #tpu.memory_space<vmem>>) semaphore(%arg7 : memref<!tpu.dma_semaphore, #tpu.memory_space<semaphore_mem>>)
    %dma_start3A_110 = arith.constant 2304 : i32
    %dma_start3A_111 = tpu.memref_slice %arg6[%dma_start3A_110] : memref<8192xf32, #tpu.memory_space<vmem>> -> memref<128xf32, #tpu.memory_space<vmem>>
    %dma_start3A_112 = arith.constant 2304 : i32
    %dma_start3A_113 = tpu.memref_slice %arg5[%dma_start3A_112] : memref<8192xi32, #tpu.memory_space<vmem>> -> memref<128xi32, #tpu.memory_space<vmem>>
    %dma_start3A_114 = arith.constant 0 : i32
    %dma_start3A_115 = tpu.memref_slice %arg2[%dma_start3A_114] : memref<16777216xf32, #tpu.memory_space<hbm>> -> memref<16777216xf32, #tpu.memory_space<hbm>>
    tpu.enqueue_indirect_dma source(%dma_start3A_115 : memref<16777216xf32, #tpu.memory_space<hbm>>) target(%dma_start3A_111 : memref<128xf32, #tpu.memory_space<vmem>>) offsets(%dma_start3A_113 : memref<128xi32, #tpu.memory_space<vmem>>) semaphore(%arg7 : memref<!tpu.dma_semaphore, #tpu.memory_space<semaphore_mem>>)
    %dma_start3A_116 = arith.constant 2432 : i32
    %dma_start3A_117 = tpu.memref_slice %arg6[%dma_start3A_116] : memref<8192xf32, #tpu.memory_space<vmem>> -> memref<128xf32, #tpu.memory_space<vmem>>
    %dma_start3A_118 = arith.constant 2432 : i32
    %dma_start3A_119 = tpu.memref_slice %arg5[%dma_start3A_118] : memref<8192xi32, #tpu.memory_space<vmem>> -> memref<128xi32, #tpu.memory_space<vmem>>
    %dma_start3A_120 = arith.constant 0 : i32
    %dma_start3A_121 = tpu.memref_slice %arg2[%dma_start3A_120] : memref<16777216xf32, #tpu.memory_space<hbm>> -> memref<16777216xf32, #tpu.memory_space<hbm>>
    tpu.enqueue_indirect_dma source(%dma_start3A_121 : memref<16777216xf32, #tpu.memory_space<hbm>>) target(%dma_start3A_117 : memref<128xf32, #tpu.memory_space<vmem>>) offsets(%dma_start3A_119 : memref<128xi32, #tpu.memory_space<vmem>>) semaphore(%arg7 : memref<!tpu.dma_semaphore, #tpu.memory_space<semaphore_mem>>)
    %dma_start3A_122 = arith.constant 2560 : i32
    %dma_start3A_123 = tpu.memref_slice %arg6[%dma_start3A_122] : memref<8192xf32, #tpu.memory_space<vmem>> -> memref<128xf32, #tpu.memory_space<vmem>>
    %dma_start3A_124 = arith.constant 2560 : i32
    %dma_start3A_125 = tpu.memref_slice %arg5[%dma_start3A_124] : memref<8192xi32, #tpu.memory_space<vmem>> -> memref<128xi32, #tpu.memory_space<vmem>>
    %dma_start3A_126 = arith.constant 0 : i32
    %dma_start3A_127 = tpu.memref_slice %arg2[%dma_start3A_126] : memref<16777216xf32, #tpu.memory_space<hbm>> -> memref<16777216xf32, #tpu.memory_space<hbm>>
    tpu.enqueue_indirect_dma source(%dma_start3A_127 : memref<16777216xf32, #tpu.memory_space<hbm>>) target(%dma_start3A_123 : memref<128xf32, #tpu.memory_space<vmem>>) offsets(%dma_start3A_125 : memref<128xi32, #tpu.memory_space<vmem>>) semaphore(%arg7 : memref<!tpu.dma_semaphore, #tpu.memory_space<semaphore_mem>>)
    %dma_start3A_128 = arith.constant 2688 : i32
    %dma_start3A_129 = tpu.memref_slice %arg6[%dma_start3A_128] : memref<8192xf32, #tpu.memory_space<vmem>> -> memref<128xf32, #tpu.memory_space<vmem>>
    %dma_start3A_130 = arith.constant 2688 : i32
    %dma_start3A_131 = tpu.memref_slice %arg5[%dma_start3A_130] : memref<8192xi32, #tpu.memory_space<vmem>> -> memref<128xi32, #tpu.memory_space<vmem>>
    %dma_start3A_132 = arith.constant 0 : i32
    %dma_start3A_133 = tpu.memref_slice %arg2[%dma_start3A_132] : memref<16777216xf32, #tpu.memory_space<hbm>> -> memref<16777216xf32, #tpu.memory_space<hbm>>
    tpu.enqueue_indirect_dma source(%dma_start3A_133 : memref<16777216xf32, #tpu.memory_space<hbm>>) target(%dma_start3A_129 : memref<128xf32, #tpu.memory_space<vmem>>) offsets(%dma_start3A_131 : memref<128xi32, #tpu.memory_space<vmem>>) semaphore(%arg7 : memref<!tpu.dma_semaphore, #tpu.memory_space<semaphore_mem>>)
    %dma_start3A_134 = arith.constant 2816 : i32
    %dma_start3A_135 = tpu.memref_slice %arg6[%dma_start3A_134] : memref<8192xf32, #tpu.memory_space<vmem>> -> memref<128xf32, #tpu.memory_space<vmem>>
    %dma_start3A_136 = arith.constant 2816 : i32
    %dma_start3A_137 = tpu.memref_slice %arg5[%dma_start3A_136] : memref<8192xi32, #tpu.memory_space<vmem>> -> memref<128xi32, #tpu.memory_space<vmem>>
    %dma_start3A_138 = arith.constant 0 : i32
    %dma_start3A_139 = tpu.memref_slice %arg2[%dma_start3A_138] : memref<16777216xf32, #tpu.memory_space<hbm>> -> memref<16777216xf32, #tpu.memory_space<hbm>>
    tpu.enqueue_indirect_dma source(%dma_start3A_139 : memref<16777216xf32, #tpu.memory_space<hbm>>) target(%dma_start3A_135 : memref<128xf32, #tpu.memory_space<vmem>>) offsets(%dma_start3A_137 : memref<128xi32, #tpu.memory_space<vmem>>) semaphore(%arg7 : memref<!tpu.dma_semaphore, #tpu.memory_space<semaphore_mem>>)
    %dma_start3A_140 = arith.constant 2944 : i32
    %dma_start3A_141 = tpu.memref_slice %arg6[%dma_start3A_140] : memref<8192xf32, #tpu.memory_space<vmem>> -> memref<128xf32, #tpu.memory_space<vmem>>
    %dma_start3A_142 = arith.constant 2944 : i32
    %dma_start3A_143 = tpu.memref_slice %arg5[%dma_start3A_142] : memref<8192xi32, #tpu.memory_space<vmem>> -> memref<128xi32, #tpu.memory_space<vmem>>
    %dma_start3A_144 = arith.constant 0 : i32
    %dma_start3A_145 = tpu.memref_slice %arg2[%dma_start3A_144] : memref<16777216xf32, #tpu.memory_space<hbm>> -> memref<16777216xf32, #tpu.memory_space<hbm>>
    tpu.enqueue_indirect_dma source(%dma_start3A_145 : memref<16777216xf32, #tpu.memory_space<hbm>>) target(%dma_start3A_141 : memref<128xf32, #tpu.memory_space<vmem>>) offsets(%dma_start3A_143 : memref<128xi32, #tpu.memory_space<vmem>>) semaphore(%arg7 : memref<!tpu.dma_semaphore, #tpu.memory_space<semaphore_mem>>)
    %scan3A = arith.constant 0 : i32
    %scan3A_146 = arith.constant 0 : i32
    %scan3A_147 = arith.constant 40 : i32
    %scan3A_148 = arith.addi %scan3A_146, %scan3A_147 : i32
    %scan3A_149 = arith.constant 1 : i32
    scf.for %scan3A_294 = %scan3A_146 to %scan3A_148 step %scan3A_149  : i32 {
      %add3A_295 = arith.constant 24 : i32
      %add3A_296 = arith.addi %scan3A_294, %add3A_295 : i32
      %mul3A_297 = arith.constant 128 : i32
      %mul3A_298 = arith.muli %add3A_296, %mul3A_297 : i32
      %dma_start3A_299 = tpu.memref_slice %arg6[%mul3A_298] : memref<8192xf32, #tpu.memory_space<vmem>> -> memref<128xf32, #tpu.memory_space<vmem>>
      %dma_start3A_300 = tpu.memref_slice %arg5[%mul3A_298] : memref<8192xi32, #tpu.memory_space<vmem>> -> memref<128xi32, #tpu.memory_space<vmem>>
      %dma_start3A_301 = arith.constant 0 : i32
      %dma_start3A_302 = tpu.memref_slice %arg2[%dma_start3A_301] : memref<16777216xf32, #tpu.memory_space<hbm>> -> memref<16777216xf32, #tpu.memory_space<hbm>>
      tpu.enqueue_indirect_dma source(%dma_start3A_302 : memref<16777216xf32, #tpu.memory_space<hbm>>) target(%dma_start3A_299 : memref<128xf32, #tpu.memory_space<vmem>>) offsets(%dma_start3A_300 : memref<128xi32, #tpu.memory_space<vmem>>) semaphore(%arg7 : memref<!tpu.dma_semaphore, #tpu.memory_space<semaphore_mem>>)
      %dma_wait3A_303 = arith.constant 0 : i32
      %dma_wait3A_304 = tpu.memref_slice %arg6[%dma_wait3A_303] : memref<8192xf32, #tpu.memory_space<vmem>> -> memref<128xf32, #tpu.memory_space<vmem>>
      %dma_wait3A_305 = arith.constant 0 : i32
      %dma_wait3A_306 = tpu.memref_slice %arg5[%dma_wait3A_305] : memref<8192xi32, #tpu.memory_space<vmem>> -> memref<128xi32, #tpu.memory_space<vmem>>
      %dma_wait3A_307 = arith.constant 0 : i32
      %dma_wait3A_308 = tpu.memref_slice %arg2[%dma_wait3A_307] : memref<16777216xf32, #tpu.memory_space<hbm>> -> memref<16777216xf32, #tpu.memory_space<hbm>>
      tpu.wait_indirect_dma semaphore(%arg7 : memref<!tpu.dma_semaphore, #tpu.memory_space<semaphore_mem>>) src(%dma_wait3A_308 : memref<16777216xf32, #tpu.memory_space<hbm>>) dst(%dma_wait3A_304 : memref<128xf32, #tpu.memory_space<vmem>>)
    }
    %scan3A_150 = arith.constant 40 : i32
    %dma_wait3A = arith.constant 0 : i32
    %dma_wait3A_151 = tpu.memref_slice %arg6[%dma_wait3A] : memref<8192xf32, #tpu.memory_space<vmem>> -> memref<128xf32, #tpu.memory_space<vmem>>
    %dma_wait3A_152 = arith.constant 0 : i32
    %dma_wait3A_153 = tpu.memref_slice %arg5[%dma_wait3A_152] : memref<8192xi32, #tpu.memory_space<vmem>> -> memref<128xi32, #tpu.memory_space<vmem>>
    %dma_wait3A_154 = arith.constant 0 : i32
    %dma_wait3A_155 = tpu.memref_slice %arg2[%dma_wait3A_154] : memref<16777216xf32, #tpu.memory_space<hbm>> -> memref<16777216xf32, #tpu.memory_space<hbm>>
    tpu.wait_indirect_dma semaphore(%arg7 : memref<!tpu.dma_semaphore, #tpu.memory_space<semaphore_mem>>) src(%dma_wait3A_155 : memref<16777216xf32, #tpu.memory_space<hbm>>) dst(%dma_wait3A_151 : memref<128xf32, #tpu.memory_space<vmem>>)
    %dma_wait3A_156 = arith.constant 0 : i32
    %dma_wait3A_157 = tpu.memref_slice %arg6[%dma_wait3A_156] : memref<8192xf32, #tpu.memory_space<vmem>> -> memref<128xf32, #tpu.memory_space<vmem>>
    %dma_wait3A_158 = arith.constant 0 : i32
    %dma_wait3A_159 = tpu.memref_slice %arg5[%dma_wait3A_158] : memref<8192xi32, #tpu.memory_space<vmem>> -> memref<128xi32, #tpu.memory_space<vmem>>
    %dma_wait3A_160 = arith.constant 0 : i32
    %dma_wait3A_161 = tpu.memref_slice %arg2[%dma_wait3A_160] : memref<16777216xf32, #tpu.memory_space<hbm>> -> memref<16777216xf32, #tpu.memory_space<hbm>>
    tpu.wait_indirect_dma semaphore(%arg7 : memref<!tpu.dma_semaphore, #tpu.memory_space<semaphore_mem>>) src(%dma_wait3A_161 : memref<16777216xf32, #tpu.memory_space<hbm>>) dst(%dma_wait3A_157 : memref<128xf32, #tpu.memory_space<vmem>>)
    %dma_wait3A_162 = arith.constant 0 : i32
    %dma_wait3A_163 = tpu.memref_slice %arg6[%dma_wait3A_162] : memref<8192xf32, #tpu.memory_space<vmem>> -> memref<128xf32, #tpu.memory_space<vmem>>
    %dma_wait3A_164 = arith.constant 0 : i32
    %dma_wait3A_165 = tpu.memref_slice %arg5[%dma_wait3A_164] : memref<8192xi32, #tpu.memory_space<vmem>> -> memref<128xi32, #tpu.memory_space<vmem>>
    %dma_wait3A_166 = arith.constant 0 : i32
    %dma_wait3A_167 = tpu.memref_slice %arg2[%dma_wait3A_166] : memref<16777216xf32, #tpu.memory_space<hbm>> -> memref<16777216xf32, #tpu.memory_space<hbm>>
    tpu.wait_indirect_dma semaphore(%arg7 : memref<!tpu.dma_semaphore, #tpu.memory_space<semaphore_mem>>) src(%dma_wait3A_167 : memref<16777216xf32, #tpu.memory_space<hbm>>) dst(%dma_wait3A_163 : memref<128xf32, #tpu.memory_space<vmem>>)
    %dma_wait3A_168 = arith.constant 0 : i32
    %dma_wait3A_169 = tpu.memref_slice %arg6[%dma_wait3A_168] : memref<8192xf32, #tpu.memory_space<vmem>> -> memref<128xf32, #tpu.memory_space<vmem>>
    %dma_wait3A_170 = arith.constant 0 : i32
    %dma_wait3A_171 = tpu.memref_slice %arg5[%dma_wait3A_170] : memref<8192xi32, #tpu.memory_space<vmem>> -> memref<128xi32, #tpu.memory_space<vmem>>
    %dma_wait3A_172 = arith.constant 0 : i32
    %dma_wait3A_173 = tpu.memref_slice %arg2[%dma_wait3A_172] : memref<16777216xf32, #tpu.memory_space<hbm>> -> memref<16777216xf32, #tpu.memory_space<hbm>>
    tpu.wait_indirect_dma semaphore(%arg7 : memref<!tpu.dma_semaphore, #tpu.memory_space<semaphore_mem>>) src(%dma_wait3A_173 : memref<16777216xf32, #tpu.memory_space<hbm>>) dst(%dma_wait3A_169 : memref<128xf32, #tpu.memory_space<vmem>>)
    %dma_wait3A_174 = arith.constant 0 : i32
    %dma_wait3A_175 = tpu.memref_slice %arg6[%dma_wait3A_174] : memref<8192xf32, #tpu.memory_space<vmem>> -> memref<128xf32, #tpu.memory_space<vmem>>
    %dma_wait3A_176 = arith.constant 0 : i32
    %dma_wait3A_177 = tpu.memref_slice %arg5[%dma_wait3A_176] : memref<8192xi32, #tpu.memory_space<vmem>> -> memref<128xi32, #tpu.memory_space<vmem>>
    %dma_wait3A_178 = arith.constant 0 : i32
    %dma_wait3A_179 = tpu.memref_slice %arg2[%dma_wait3A_178] : memref<16777216xf32, #tpu.memory_space<hbm>> -> memref<16777216xf32, #tpu.memory_space<hbm>>
    tpu.wait_indirect_dma semaphore(%arg7 : memref<!tpu.dma_semaphore, #tpu.memory_space<semaphore_mem>>) src(%dma_wait3A_179 : memref<16777216xf32, #tpu.memory_space<hbm>>) dst(%dma_wait3A_175 : memref<128xf32, #tpu.memory_space<vmem>>)
    %dma_wait3A_180 = arith.constant 0 : i32
    %dma_wait3A_181 = tpu.memref_slice %arg6[%dma_wait3A_180] : memref<8192xf32, #tpu.memory_space<vmem>> -> memref<128xf32, #tpu.memory_space<vmem>>
    %dma_wait3A_182 = arith.constant 0 : i32
    %dma_wait3A_183 = tpu.memref_slice %arg5[%dma_wait3A_182] : memref<8192xi32, #tpu.memory_space<vmem>> -> memref<128xi32, #tpu.memory_space<vmem>>
    %dma_wait3A_184 = arith.constant 0 : i32
    %dma_wait3A_185 = tpu.memref_slice %arg2[%dma_wait3A_184] : memref<16777216xf32, #tpu.memory_space<hbm>> -> memref<16777216xf32, #tpu.memory_space<hbm>>
    tpu.wait_indirect_dma semaphore(%arg7 : memref<!tpu.dma_semaphore, #tpu.memory_space<semaphore_mem>>) src(%dma_wait3A_185 : memref<16777216xf32, #tpu.memory_space<hbm>>) dst(%dma_wait3A_181 : memref<128xf32, #tpu.memory_space<vmem>>)
    %dma_wait3A_186 = arith.constant 0 : i32
    %dma_wait3A_187 = tpu.memref_slice %arg6[%dma_wait3A_186] : memref<8192xf32, #tpu.memory_space<vmem>> -> memref<128xf32, #tpu.memory_space<vmem>>
    %dma_wait3A_188 = arith.constant 0 : i32
    %dma_wait3A_189 = tpu.memref_slice %arg5[%dma_wait3A_188] : memref<8192xi32, #tpu.memory_space<vmem>> -> memref<128xi32, #tpu.memory_space<vmem>>
    %dma_wait3A_190 = arith.constant 0 : i32
    %dma_wait3A_191 = tpu.memref_slice %arg2[%dma_wait3A_190] : memref<16777216xf32, #tpu.memory_space<hbm>> -> memref<16777216xf32, #tpu.memory_space<hbm>>
    tpu.wait_indirect_dma semaphore(%arg7 : memref<!tpu.dma_semaphore, #tpu.memory_space<semaphore_mem>>) src(%dma_wait3A_191 : memref<16777216xf32, #tpu.memory_space<hbm>>) dst(%dma_wait3A_187 : memref<128xf32, #tpu.memory_space<vmem>>)
    %dma_wait3A_192 = arith.constant 0 : i32
    %dma_wait3A_193 = tpu.memref_slice %arg6[%dma_wait3A_192] : memref<8192xf32, #tpu.memory_space<vmem>> -> memref<128xf32, #tpu.memory_space<vmem>>
    %dma_wait3A_194 = arith.constant 0 : i32
    %dma_wait3A_195 = tpu.memref_slice %arg5[%dma_wait3A_194] : memref<8192xi32, #tpu.memory_space<vmem>> -> memref<128xi32, #tpu.memory_space<vmem>>
    %dma_wait3A_196 = arith.constant 0 : i32
    %dma_wait3A_197 = tpu.memref_slice %arg2[%dma_wait3A_196] : memref<16777216xf32, #tpu.memory_space<hbm>> -> memref<16777216xf32, #tpu.memory_space<hbm>>
    tpu.wait_indirect_dma semaphore(%arg7 : memref<!tpu.dma_semaphore, #tpu.memory_space<semaphore_mem>>) src(%dma_wait3A_197 : memref<16777216xf32, #tpu.memory_space<hbm>>) dst(%dma_wait3A_193 : memref<128xf32, #tpu.memory_space<vmem>>)
    %dma_wait3A_198 = arith.constant 0 : i32
    %dma_wait3A_199 = tpu.memref_slice %arg6[%dma_wait3A_198] : memref<8192xf32, #tpu.memory_space<vmem>> -> memref<128xf32, #tpu.memory_space<vmem>>
    %dma_wait3A_200 = arith.constant 0 : i32
    %dma_wait3A_201 = tpu.memref_slice %arg5[%dma_wait3A_200] : memref<8192xi32, #tpu.memory_space<vmem>> -> memref<128xi32, #tpu.memory_space<vmem>>
    %dma_wait3A_202 = arith.constant 0 : i32
    %dma_wait3A_203 = tpu.memref_slice %arg2[%dma_wait3A_202] : memref<16777216xf32, #tpu.memory_space<hbm>> -> memref<16777216xf32, #tpu.memory_space<hbm>>
    tpu.wait_indirect_dma semaphore(%arg7 : memref<!tpu.dma_semaphore, #tpu.memory_space<semaphore_mem>>) src(%dma_wait3A_203 : memref<16777216xf32, #tpu.memory_space<hbm>>) dst(%dma_wait3A_199 : memref<128xf32, #tpu.memory_space<vmem>>)
    %dma_wait3A_204 = arith.constant 0 : i32
    %dma_wait3A_205 = tpu.memref_slice %arg6[%dma_wait3A_204] : memref<8192xf32, #tpu.memory_space<vmem>> -> memref<128xf32, #tpu.memory_space<vmem>>
    %dma_wait3A_206 = arith.constant 0 : i32
    %dma_wait3A_207 = tpu.memref_slice %arg5[%dma_wait3A_206] : memref<8192xi32, #tpu.memory_space<vmem>> -> memref<128xi32, #tpu.memory_space<vmem>>
    %dma_wait3A_208 = arith.constant 0 : i32
    %dma_wait3A_209 = tpu.memref_slice %arg2[%dma_wait3A_208] : memref<16777216xf32, #tpu.memory_space<hbm>> -> memref<16777216xf32, #tpu.memory_space<hbm>>
    tpu.wait_indirect_dma semaphore(%arg7 : memref<!tpu.dma_semaphore, #tpu.memory_space<semaphore_mem>>) src(%dma_wait3A_209 : memref<16777216xf32, #tpu.memory_space<hbm>>) dst(%dma_wait3A_205 : memref<128xf32, #tpu.memory_space<vmem>>)
    %dma_wait3A_210 = arith.constant 0 : i32
    %dma_wait3A_211 = tpu.memref_slice %arg6[%dma_wait3A_210] : memref<8192xf32, #tpu.memory_space<vmem>> -> memref<128xf32, #tpu.memory_space<vmem>>
    %dma_wait3A_212 = arith.constant 0 : i32
    %dma_wait3A_213 = tpu.memref_slice %arg5[%dma_wait3A_212] : memref<8192xi32, #tpu.memory_space<vmem>> -> memref<128xi32, #tpu.memory_space<vmem>>
    %dma_wait3A_214 = arith.constant 0 : i32
    %dma_wait3A_215 = tpu.memref_slice %arg2[%dma_wait3A_214] : memref<16777216xf32, #tpu.memory_space<hbm>> -> memref<16777216xf32, #tpu.memory_space<hbm>>
    tpu.wait_indirect_dma semaphore(%arg7 : memref<!tpu.dma_semaphore, #tpu.memory_space<semaphore_mem>>) src(%dma_wait3A_215 : memref<16777216xf32, #tpu.memory_space<hbm>>) dst(%dma_wait3A_211 : memref<128xf32, #tpu.memory_space<vmem>>)
    %dma_wait3A_216 = arith.constant 0 : i32
    %dma_wait3A_217 = tpu.memref_slice %arg6[%dma_wait3A_216] : memref<8192xf32, #tpu.memory_space<vmem>> -> memref<128xf32, #tpu.memory_space<vmem>>
    %dma_wait3A_218 = arith.constant 0 : i32
    %dma_wait3A_219 = tpu.memref_slice %arg5[%dma_wait3A_218] : memref<8192xi32, #tpu.memory_space<vmem>> -> memref<128xi32, #tpu.memory_space<vmem>>
    %dma_wait3A_220 = arith.constant 0 : i32
    %dma_wait3A_221 = tpu.memref_slice %arg2[%dma_wait3A_220] : memref<16777216xf32, #tpu.memory_space<hbm>> -> memref<16777216xf32, #tpu.memory_space<hbm>>
    tpu.wait_indirect_dma semaphore(%arg7 : memref<!tpu.dma_semaphore, #tpu.memory_space<semaphore_mem>>) src(%dma_wait3A_221 : memref<16777216xf32, #tpu.memory_space<hbm>>) dst(%dma_wait3A_217 : memref<128xf32, #tpu.memory_space<vmem>>)
    %dma_wait3A_222 = arith.constant 0 : i32
    %dma_wait3A_223 = tpu.memref_slice %arg6[%dma_wait3A_222] : memref<8192xf32, #tpu.memory_space<vmem>> -> memref<128xf32, #tpu.memory_space<vmem>>
    %dma_wait3A_224 = arith.constant 0 : i32
    %dma_wait3A_225 = tpu.memref_slice %arg5[%dma_wait3A_224] : memref<8192xi32, #tpu.memory_space<vmem>> -> memref<128xi32, #tpu.memory_space<vmem>>
    %dma_wait3A_226 = arith.constant 0 : i32
    %dma_wait3A_227 = tpu.memref_slice %arg2[%dma_wait3A_226] : memref<16777216xf32, #tpu.memory_space<hbm>> -> memref<16777216xf32, #tpu.memory_space<hbm>>
    tpu.wait_indirect_dma semaphore(%arg7 : memref<!tpu.dma_semaphore, #tpu.memory_space<semaphore_mem>>) src(%dma_wait3A_227 : memref<16777216xf32, #tpu.memory_space<hbm>>) dst(%dma_wait3A_223 : memref<128xf32, #tpu.memory_space<vmem>>)
    %dma_wait3A_228 = arith.constant 0 : i32
    %dma_wait3A_229 = tpu.memref_slice %arg6[%dma_wait3A_228] : memref<8192xf32, #tpu.memory_space<vmem>> -> memref<128xf32, #tpu.memory_space<vmem>>
    %dma_wait3A_230 = arith.constant 0 : i32
    %dma_wait3A_231 = tpu.memref_slice %arg5[%dma_wait3A_230] : memref<8192xi32, #tpu.memory_space<vmem>> -> memref<128xi32, #tpu.memory_space<vmem>>
    %dma_wait3A_232 = arith.constant 0 : i32
    %dma_wait3A_233 = tpu.memref_slice %arg2[%dma_wait3A_232] : memref<16777216xf32, #tpu.memory_space<hbm>> -> memref<16777216xf32, #tpu.memory_space<hbm>>
    tpu.wait_indirect_dma semaphore(%arg7 : memref<!tpu.dma_semaphore, #tpu.memory_space<semaphore_mem>>) src(%dma_wait3A_233 : memref<16777216xf32, #tpu.memory_space<hbm>>) dst(%dma_wait3A_229 : memref<128xf32, #tpu.memory_space<vmem>>)
    %dma_wait3A_234 = arith.constant 0 : i32
    %dma_wait3A_235 = tpu.memref_slice %arg6[%dma_wait3A_234] : memref<8192xf32, #tpu.memory_space<vmem>> -> memref<128xf32, #tpu.memory_space<vmem>>
    %dma_wait3A_236 = arith.constant 0 : i32
    %dma_wait3A_237 = tpu.memref_slice %arg5[%dma_wait3A_236] : memref<8192xi32, #tpu.memory_space<vmem>> -> memref<128xi32, #tpu.memory_space<vmem>>
    %dma_wait3A_238 = arith.constant 0 : i32
    %dma_wait3A_239 = tpu.memref_slice %arg2[%dma_wait3A_238] : memref<16777216xf32, #tpu.memory_space<hbm>> -> memref<16777216xf32, #tpu.memory_space<hbm>>
    tpu.wait_indirect_dma semaphore(%arg7 : memref<!tpu.dma_semaphore, #tpu.memory_space<semaphore_mem>>) src(%dma_wait3A_239 : memref<16777216xf32, #tpu.memory_space<hbm>>) dst(%dma_wait3A_235 : memref<128xf32, #tpu.memory_space<vmem>>)
    %dma_wait3A_240 = arith.constant 0 : i32
    %dma_wait3A_241 = tpu.memref_slice %arg6[%dma_wait3A_240] : memref<8192xf32, #tpu.memory_space<vmem>> -> memref<128xf32, #tpu.memory_space<vmem>>
    %dma_wait3A_242 = arith.constant 0 : i32
    %dma_wait3A_243 = tpu.memref_slice %arg5[%dma_wait3A_242] : memref<8192xi32, #tpu.memory_space<vmem>> -> memref<128xi32, #tpu.memory_space<vmem>>
    %dma_wait3A_244 = arith.constant 0 : i32
    %dma_wait3A_245 = tpu.memref_slice %arg2[%dma_wait3A_244] : memref<16777216xf32, #tpu.memory_space<hbm>> -> memref<16777216xf32, #tpu.memory_space<hbm>>
    tpu.wait_indirect_dma semaphore(%arg7 : memref<!tpu.dma_semaphore, #tpu.memory_space<semaphore_mem>>) src(%dma_wait3A_245 : memref<16777216xf32, #tpu.memory_space<hbm>>) dst(%dma_wait3A_241 : memref<128xf32, #tpu.memory_space<vmem>>)
    %dma_wait3A_246 = arith.constant 0 : i32
    %dma_wait3A_247 = tpu.memref_slice %arg6[%dma_wait3A_246] : memref<8192xf32, #tpu.memory_space<vmem>> -> memref<128xf32, #tpu.memory_space<vmem>>
    %dma_wait3A_248 = arith.constant 0 : i32
    %dma_wait3A_249 = tpu.memref_slice %arg5[%dma_wait3A_248] : memref<8192xi32, #tpu.memory_space<vmem>> -> memref<128xi32, #tpu.memory_space<vmem>>
    %dma_wait3A_250 = arith.constant 0 : i32
    %dma_wait3A_251 = tpu.memref_slice %arg2[%dma_wait3A_250] : memref<16777216xf32, #tpu.memory_space<hbm>> -> memref<16777216xf32, #tpu.memory_space<hbm>>
    tpu.wait_indirect_dma semaphore(%arg7 : memref<!tpu.dma_semaphore, #tpu.memory_space<semaphore_mem>>) src(%dma_wait3A_251 : memref<16777216xf32, #tpu.memory_space<hbm>>) dst(%dma_wait3A_247 : memref<128xf32, #tpu.memory_space<vmem>>)
    %dma_wait3A_252 = arith.constant 0 : i32
    %dma_wait3A_253 = tpu.memref_slice %arg6[%dma_wait3A_252] : memref<8192xf32, #tpu.memory_space<vmem>> -> memref<128xf32, #tpu.memory_space<vmem>>
    %dma_wait3A_254 = arith.constant 0 : i32
    %dma_wait3A_255 = tpu.memref_slice %arg5[%dma_wait3A_254] : memref<8192xi32, #tpu.memory_space<vmem>> -> memref<128xi32, #tpu.memory_space<vmem>>
    %dma_wait3A_256 = arith.constant 0 : i32
    %dma_wait3A_257 = tpu.memref_slice %arg2[%dma_wait3A_256] : memref<16777216xf32, #tpu.memory_space<hbm>> -> memref<16777216xf32, #tpu.memory_space<hbm>>
    tpu.wait_indirect_dma semaphore(%arg7 : memref<!tpu.dma_semaphore, #tpu.memory_space<semaphore_mem>>) src(%dma_wait3A_257 : memref<16777216xf32, #tpu.memory_space<hbm>>) dst(%dma_wait3A_253 : memref<128xf32, #tpu.memory_space<vmem>>)
    %dma_wait3A_258 = arith.constant 0 : i32
    %dma_wait3A_259 = tpu.memref_slice %arg6[%dma_wait3A_258] : memref<8192xf32, #tpu.memory_space<vmem>> -> memref<128xf32, #tpu.memory_space<vmem>>
    %dma_wait3A_260 = arith.constant 0 : i32
    %dma_wait3A_261 = tpu.memref_slice %arg5[%dma_wait3A_260] : memref<8192xi32, #tpu.memory_space<vmem>> -> memref<128xi32, #tpu.memory_space<vmem>>
    %dma_wait3A_262 = arith.constant 0 : i32
    %dma_wait3A_263 = tpu.memref_slice %arg2[%dma_wait3A_262] : memref<16777216xf32, #tpu.memory_space<hbm>> -> memref<16777216xf32, #tpu.memory_space<hbm>>
    tpu.wait_indirect_dma semaphore(%arg7 : memref<!tpu.dma_semaphore, #tpu.memory_space<semaphore_mem>>) src(%dma_wait3A_263 : memref<16777216xf32, #tpu.memory_space<hbm>>) dst(%dma_wait3A_259 : memref<128xf32, #tpu.memory_space<vmem>>)
    %dma_wait3A_264 = arith.constant 0 : i32
    %dma_wait3A_265 = tpu.memref_slice %arg6[%dma_wait3A_264] : memref<8192xf32, #tpu.memory_space<vmem>> -> memref<128xf32, #tpu.memory_space<vmem>>
    %dma_wait3A_266 = arith.constant 0 : i32
    %dma_wait3A_267 = tpu.memref_slice %arg5[%dma_wait3A_266] : memref<8192xi32, #tpu.memory_space<vmem>> -> memref<128xi32, #tpu.memory_space<vmem>>
    %dma_wait3A_268 = arith.constant 0 : i32
    %dma_wait3A_269 = tpu.memref_slice %arg2[%dma_wait3A_268] : memref<16777216xf32, #tpu.memory_space<hbm>> -> memref<16777216xf32, #tpu.memory_space<hbm>>
    tpu.wait_indirect_dma semaphore(%arg7 : memref<!tpu.dma_semaphore, #tpu.memory_space<semaphore_mem>>) src(%dma_wait3A_269 : memref<16777216xf32, #tpu.memory_space<hbm>>) dst(%dma_wait3A_265 : memref<128xf32, #tpu.memory_space<vmem>>)
    %dma_wait3A_270 = arith.constant 0 : i32
    %dma_wait3A_271 = tpu.memref_slice %arg6[%dma_wait3A_270] : memref<8192xf32, #tpu.memory_space<vmem>> -> memref<128xf32, #tpu.memory_space<vmem>>
    %dma_wait3A_272 = arith.constant 0 : i32
    %dma_wait3A_273 = tpu.memref_slice %arg5[%dma_wait3A_272] : memref<8192xi32, #tpu.memory_space<vmem>> -> memref<128xi32, #tpu.memory_space<vmem>>
    %dma_wait3A_274 = arith.constant 0 : i32
    %dma_wait3A_275 = tpu.memref_slice %arg2[%dma_wait3A_274] : memref<16777216xf32, #tpu.memory_space<hbm>> -> memref<16777216xf32, #tpu.memory_space<hbm>>
    tpu.wait_indirect_dma semaphore(%arg7 : memref<!tpu.dma_semaphore, #tpu.memory_space<semaphore_mem>>) src(%dma_wait3A_275 : memref<16777216xf32, #tpu.memory_space<hbm>>) dst(%dma_wait3A_271 : memref<128xf32, #tpu.memory_space<vmem>>)
    %dma_wait3A_276 = arith.constant 0 : i32
    %dma_wait3A_277 = tpu.memref_slice %arg6[%dma_wait3A_276] : memref<8192xf32, #tpu.memory_space<vmem>> -> memref<128xf32, #tpu.memory_space<vmem>>
    %dma_wait3A_278 = arith.constant 0 : i32
    %dma_wait3A_279 = tpu.memref_slice %arg5[%dma_wait3A_278] : memref<8192xi32, #tpu.memory_space<vmem>> -> memref<128xi32, #tpu.memory_space<vmem>>
    %dma_wait3A_280 = arith.constant 0 : i32
    %dma_wait3A_281 = tpu.memref_slice %arg2[%dma_wait3A_280] : memref<16777216xf32, #tpu.memory_space<hbm>> -> memref<16777216xf32, #tpu.memory_space<hbm>>
    tpu.wait_indirect_dma semaphore(%arg7 : memref<!tpu.dma_semaphore, #tpu.memory_space<semaphore_mem>>) src(%dma_wait3A_281 : memref<16777216xf32, #tpu.memory_space<hbm>>) dst(%dma_wait3A_277 : memref<128xf32, #tpu.memory_space<vmem>>)
    %dma_wait3A_282 = arith.constant 0 : i32
    %dma_wait3A_283 = tpu.memref_slice %arg6[%dma_wait3A_282] : memref<8192xf32, #tpu.memory_space<vmem>> -> memref<128xf32, #tpu.memory_space<vmem>>
    %dma_wait3A_284 = arith.constant 0 : i32
    %dma_wait3A_285 = tpu.memref_slice %arg5[%dma_wait3A_284] : memref<8192xi32, #tpu.memory_space<vmem>> -> memref<128xi32, #tpu.memory_space<vmem>>
    %dma_wait3A_286 = arith.constant 0 : i32
    %dma_wait3A_287 = tpu.memref_slice %arg2[%dma_wait3A_286] : memref<16777216xf32, #tpu.memory_space<hbm>> -> memref<16777216xf32, #tpu.memory_space<hbm>>
    tpu.wait_indirect_dma semaphore(%arg7 : memref<!tpu.dma_semaphore, #tpu.memory_space<semaphore_mem>>) src(%dma_wait3A_287 : memref<16777216xf32, #tpu.memory_space<hbm>>) dst(%dma_wait3A_283 : memref<128xf32, #tpu.memory_space<vmem>>)
    %dma_wait3A_288 = arith.constant 0 : i32
    %dma_wait3A_289 = tpu.memref_slice %arg6[%dma_wait3A_288] : memref<8192xf32, #tpu.memory_space<vmem>> -> memref<128xf32, #tpu.memory_space<vmem>>
    %dma_wait3A_290 = arith.constant 0 : i32
    %dma_wait3A_291 = tpu.memref_slice %arg5[%dma_wait3A_290] : memref<8192xi32, #tpu.memory_space<vmem>> -> memref<128xi32, #tpu.memory_space<vmem>>
    %dma_wait3A_292 = arith.constant 0 : i32
    %dma_wait3A_293 = tpu.memref_slice %arg2[%dma_wait3A_292] : memref<16777216xf32, #tpu.memory_space<hbm>> -> memref<16777216xf32, #tpu.memory_space<hbm>>
    tpu.wait_indirect_dma semaphore(%arg7 : memref<!tpu.dma_semaphore, #tpu.memory_space<semaphore_mem>>) src(%dma_wait3A_293 : memref<16777216xf32, #tpu.memory_space<hbm>>) dst(%dma_wait3A_289 : memref<128xf32, #tpu.memory_space<vmem>>)
    "tpu.region"() ({
      %run_scoped3A = tpu.sem_alloc : memref<!tpu.dma_semaphore, #tpu.memory_space<semaphore_mem>>
      %dma_start3A_294 = tpu.memref_slice %arg4[%mul3A_2] : memref<262144xf32, #tpu.memory_space<hbm>> -> memref<8192xf32, #tpu.memory_space<hbm>>
      %dma_start3A_295 = tpu.memref_slice %arg4[%mul3A_2] : memref<262144xf32, #tpu.memory_space<hbm>> -> memref<8192xf32, #tpu.memory_space<hbm>>
      tpu.enqueue_dma source(%arg6 : memref<8192xf32, #tpu.memory_space<vmem>>) target(%dma_start3A_295 : memref<8192xf32, #tpu.memory_space<hbm>>) target_semaphore(%run_scoped3A : memref<!tpu.dma_semaphore, #tpu.memory_space<semaphore_mem>>)
      %dma_wait3A_296 = tpu.memref_slice %arg4[%mul3A_2] : memref<262144xf32, #tpu.memory_space<hbm>> -> memref<8192xf32, #tpu.memory_space<hbm>>
      %dma_wait3A_297 = tpu.memref_slice %arg4[%mul3A_2] : memref<262144xf32, #tpu.memory_space<hbm>> -> memref<8192xf32, #tpu.memory_space<hbm>>
      tpu.wait_dma2 semaphore(%run_scoped3A : memref<!tpu.dma_semaphore, #tpu.memory_space<semaphore_mem>>) src(%arg6 : memref<8192xf32, #tpu.memory_space<vmem>>) dst(%dma_wait3A_297 : memref<8192xf32, #tpu.memory_space<hbm>>)
      tpu.yield
    }) : () -> ()
    return
  }
}

module attributes {stable_mosaic.version = 14 : i64} {
  func.func @_tca_body(%arg0: i32, %arg1: memref<256x256xf32, #tpu.memory_space<vmem>>, %arg2: memref<4096x256xf32, #tpu.memory_space<vmem>>, %arg3: memref<256x4096xf32, #tpu.memory_space<vmem>>, %arg4: memref<1x4096xf32, #tpu.memory_space<vmem>>) attributes {dimension_semantics = [#tpu.dimension_semantics<arbitrary>], iteration_bounds = array<i64: 16>, scalar_prefetch = 0 : i64, scratch_operands = 1 : i64, tpu.core_type = #tpu.core_type<tc>, window_params = [{transform_indices = @transform_0, window_bounds = array<i64: 256, 256>}, {pipeline_mode = #tpu.pipeline_mode<synchronous>, transform_indices = @transform_1, window_bounds = array<i64: 4096, 256>}, {transform_indices = @transform_2, window_bounds = array<i64: 256, 4096>}]} {
    %get3A = arith.constant 0 : index
    %get3A_0 = arith.constant 0 : index
    %get3A_1 = vector.load %arg1[%get3A, %get3A_0] : memref<256x256xf32, #tpu.memory_space<vmem>>, vector<256x256xf32>
    %get3A_2 = arith.constant 0 : index
    %get3A_3 = arith.constant 0 : index
    %get3A_4 = vector.load %arg2[%get3A_2, %get3A_3] : memref<4096x256xf32, #tpu.memory_space<vmem>>, vector<4096x256xf32>
    %mul3A = arith.mulf %get3A_1, %get3A_1 : vector<256x256xf32>
    %reduce_sum3A = arith.constant dense<0.000000e+00> : vector<256xf32>
    %reduce_sum3A_5 = vector.multi_reduction <add>, %mul3A, %reduce_sum3A [1] : vector<256x256xf32> to vector<256xf32>
    %broadcast_in_dim3A = vector.shape_cast %reduce_sum3A_5 : vector<256xf32> to vector<256x1xf32>
    %eq3A = arith.constant 0 : i32
    %eq3A_6 = arith.cmpi eq, %arg0, %eq3A : i32
    %convert_element_type3A = arith.extui %eq3A_6 : i1 to i32
    %cond3A = arith.constant 0 : i32
    %cond3A_7 = arith.cmpi ne, %convert_element_type3A, %cond3A : i32
    scf.if %cond3A_7 {
      %broadcast_in_dim3A_21 = arith.constant 1.000000e+00 : f32
      %broadcast_in_dim3A_22 = vector.broadcast %broadcast_in_dim3A_21 : f32 to vector<1x256xf32>
      %mul3A_23 = arith.mulf %get3A_4, %get3A_4 : vector<4096x256xf32>
      %dot_general3A_24 = arith.constant dense<0.000000e+00> : vector<1x4096xf32>
      %dot_general3A_25 = tpu.matmul %broadcast_in_dim3A_22, %mul3A_23, %dot_general3A_24 {dimension_numbers = #tpu.dot_dimension_numbers<[1], [1], [0], [0], [0, 0, 1, 0], [], []>, precision = #tpu.contract_precision<fp32>, transpose_lhs_hint = false} : vector<1x256xf32>, vector<4096x256xf32>, vector<1x4096xf32> -> vector<1x4096xf32>
      %swap3A_26 = arith.constant 0 : index
      %swap3A_27 = arith.constant 0 : index
      %swap3A_28 = vector.load %arg4[%swap3A_26, %swap3A_27] : memref<1x4096xf32, #tpu.memory_space<vmem>>, vector<1x4096xf32>
      tpu.vector_store %arg4[%swap3A_26, %swap3A_27], %dot_general3A_25 {strides = array<i32>} : memref<1x4096xf32, #tpu.memory_space<vmem>>, vector<1x4096xf32>,
    } else {
    }
    %dot_general3A = arith.constant dense<0.000000e+00> : vector<256x4096xf32>
    %dot_general3A_8 = tpu.matmul %get3A_1, %get3A_4, %dot_general3A {dimension_numbers = #tpu.dot_dimension_numbers<[1], [1], [0], [0], [0, 0, 1, 0], [], []>, precision = #tpu.contract_precision<fp32>, transpose_lhs_hint = false} : vector<256x256xf32>, vector<4096x256xf32>, vector<256x4096xf32> -> vector<256x4096xf32>
    %get3A_9 = arith.constant 0 : index
    %get3A_10 = arith.constant 0 : index
    %get3A_11 = vector.load %arg4[%get3A_9, %get3A_10] : memref<1x4096xf32, #tpu.memory_space<vmem>>, vector<1x4096xf32>
    %add3A = vector.broadcast %broadcast_in_dim3A : vector<256x1xf32> to vector<256x4096xf32>
    %add3A_12 = vector.broadcast %get3A_11 : vector<1x4096xf32> to vector<256x4096xf32>
    %add3A_13 = arith.addf %add3A, %add3A_12 : vector<256x4096xf32>
    %mul3A_14 = arith.constant 2.000000e+00 : f32
    %mul3A_15 = vector.broadcast %mul3A_14 : f32 to vector<256x4096xf32>
    %mul3A_16 = arith.mulf %mul3A_15, %dot_general3A_8 : vector<256x4096xf32>
    %sub3A = arith.subf %add3A_13, %mul3A_16 : vector<256x4096xf32>
    %max3A = arith.constant 9.99999996E-13 : f32
    %max3A_17 = vector.broadcast %max3A : f32 to vector<256x4096xf32>
    %max3A_18 = arith.maximumf %sub3A, %max3A_17 : vector<256x4096xf32>
    %swap3A = arith.constant 0 : index
    %swap3A_19 = arith.constant 0 : index
    %swap3A_20 = vector.load %arg3[%swap3A, %swap3A_19] : memref<256x4096xf32, #tpu.memory_space<vmem>>, vector<256x4096xf32>
    tpu.vector_store %arg3[%swap3A, %swap3A_19], %max3A_18 {strides = array<i32>} : memref<256x4096xf32, #tpu.memory_space<vmem>>, vector<256x4096xf32>,
    return
  }
  func.func @transform_0(%arg0: i32) -> (i32, i32) {
    %c0_i32 = arith.constant 0 : i32
    %c0_i32_0 = arith.constant 0 : i32
    return %arg0, %c0_i32 : i32, i32
  }
  func.func @transform_1(%arg0: i32) -> (i32, i32) {
    %c0_i32 = arith.constant 0 : i32
    %c0_i32_0 = arith.constant 0 : i32
    %c0_i32_1 = arith.constant 0 : i32
    return %c0_i32, %c0_i32_0 : i32, i32
  }
  func.func @transform_2(%arg0: i32) -> (i32, i32) {
    %c0_i32 = arith.constant 0 : i32
    %c0_i32_0 = arith.constant 0 : i32
    return %arg0, %c0_i32 : i32, i32
  }
}

module attributes {stable_mosaic.version = 14 : i64} {
  func.func @_tcb_body(%arg0: i32, %arg1: memref<256x4096xf32, #tpu.memory_space<vmem>>, %arg2: memref<16x128xf32, #tpu.memory_space<vmem>>, %arg3: memref<256x128xi32, #tpu.memory_space<vmem>>) attributes {dimension_semantics = [#tpu.dimension_semantics<arbitrary>], iteration_bounds = array<i64: 8>, scalar_prefetch = 0 : i64, scratch_operands = 0 : i64, tpu.core_type = #tpu.core_type<tc>, window_params = [{transform_indices = @transform_0, window_bounds = array<i64: 256, 4096>}, {pipeline_mode = #tpu.pipeline_mode<synchronous>, transform_indices = @transform_1, window_bounds = array<i64: 16, 128>}, {transform_indices = @transform_2, window_bounds = array<i64: 256, 128>}]} {
    %get3A = arith.constant 0 : index
    %get3A_0 = arith.constant 0 : index
    %get3A_1 = vector.load %arg1[%get3A, %get3A_0] : memref<256x4096xf32, #tpu.memory_space<vmem>>, vector<256x4096xf32>
    %add3A = arith.constant 8 : i32
    %add3A_2 = arith.addi %add3A, %arg0 : i32
    %mul3A = arith.constant 256 : i32
    %mul3A_3 = arith.muli %add3A_2, %mul3A : i32
    %iota3A = tpu.iota {dimensions = array<i32: 1>} : vector<256x4096xi32>
    %min3A = arith.constant 1.023000e+03 : f32
    %min3A_4 = vector.broadcast %min3A : f32 to vector<256x4096xf32>
    %min3A_5 = arith.minimumf %get3A_1, %min3A_4 : vector<256x4096xf32>
    %mul3A_6 = arith.constant 2.560000e+02 : f32
    %mul3A_7 = vector.broadcast %mul3A_6 : f32 to vector<256x4096xf32>
    %mul3A_8 = arith.mulf %min3A_5, %mul3A_7 : vector<256x4096xf32>
    %convert_element_type3A = arith.fptosi %mul3A_8 : vector<256x4096xf32> to vector<256x4096xi32>
    %shift_left3A = arith.constant 12 : i32
    %shift_left3A_9 = vector.broadcast %shift_left3A : i32 to vector<256x4096xi32>
    %shift_left3A_10 = arith.shli %convert_element_type3A, %shift_left3A_9 : vector<256x4096xi32>
    %or3A = arith.ori %shift_left3A_10, %iota3A : vector<256x4096xi32>
    %bitcast_convert_type3A = tpu.bitcast %or3A : vector<256x4096xi32> -> vector<256x4096xf32>
    %iota3A_11 = tpu.iota {dimensions = array<i32: 0>} : vector<256x1xi32>
    %add3A_12 = vector.broadcast %mul3A_3 : i32 to vector<256x1xi32>
    %add3A_13 = arith.addi %add3A_12, %iota3A_11 : vector<256x1xi32>
    %eq3A = vector.broadcast %add3A_13 : vector<256x1xi32> to vector<256x4096xi32>
    %eq3A_14 = arith.cmpi eq, %iota3A, %eq3A : vector<256x4096xi32>
    %jit3A = arith.constant 0x7F800000 : f32
    %broadcast_in_dim3A = vector.broadcast %jit3A : f32 to vector<256x4096xf32>
    %select_n3A = arith.select %eq3A_14, %broadcast_in_dim3A, %bitcast_convert_type3A : vector<256x4096xi1>, vector<256x4096xf32>
    %reduce_min3A = arith.constant dense<0x7F800000> : vector<256xf32>
    %reduce_min3A_15 = vector.multi_reduction <minimumf>, %select_n3A, %reduce_min3A [1] : vector<256x4096xf32> to vector<256xf32>
    %broadcast_in_dim3A_16 = vector.shape_cast %reduce_min3A_15 : vector<256xf32> to vector<256x1xf32>
    %bitcast_convert_type3A_17 = tpu.bitcast %broadcast_in_dim3A_16 : vector<256x1xf32> -> vector<256x1xi32>
    %and3A = arith.constant 4095 : i32
    %and3A_18 = vector.broadcast %and3A : i32 to vector<256x1xi32>
    %and3A_19 = arith.andi %bitcast_convert_type3A_17, %and3A_18 : vector<256x1xi32>
    %eq3A_20 = vector.broadcast %broadcast_in_dim3A_16 : vector<256x1xf32> to vector<256x4096xf32>
    %eq3A_21 = arith.cmpf oeq, %select_n3A, %eq3A_20 : vector<256x4096xf32>
    %jit3A_22 = arith.constant 0x7F800000 : f32
    %broadcast_in_dim3A_23 = vector.broadcast %jit3A_22 : f32 to vector<256x4096xf32>
    %select_n3A_24 = arith.select %eq3A_21, %broadcast_in_dim3A_23, %select_n3A : vector<256x4096xi1>, vector<256x4096xf32>
    %reduce_min3A_25 = arith.constant dense<0x7F800000> : vector<256xf32>
    %reduce_min3A_26 = vector.multi_reduction <minimumf>, %select_n3A_24, %reduce_min3A_25 [1] : vector<256x4096xf32> to vector<256xf32>
    %broadcast_in_dim3A_27 = vector.shape_cast %reduce_min3A_26 : vector<256xf32> to vector<256x1xf32>
    %bitcast_convert_type3A_28 = tpu.bitcast %broadcast_in_dim3A_27 : vector<256x1xf32> -> vector<256x1xi32>
    %and3A_29 = arith.constant 4095 : i32
    %and3A_30 = vector.broadcast %and3A_29 : i32 to vector<256x1xi32>
    %and3A_31 = arith.andi %bitcast_convert_type3A_28, %and3A_30 : vector<256x1xi32>
    %eq3A_32 = vector.broadcast %broadcast_in_dim3A_27 : vector<256x1xf32> to vector<256x4096xf32>
    %eq3A_33 = arith.cmpf oeq, %select_n3A_24, %eq3A_32 : vector<256x4096xf32>
    %jit3A_34 = arith.constant 0x7F800000 : f32
    %broadcast_in_dim3A_35 = vector.broadcast %jit3A_34 : f32 to vector<256x4096xf32>
    %select_n3A_36 = arith.select %eq3A_33, %broadcast_in_dim3A_35, %select_n3A_24 : vector<256x4096xi1>, vector<256x4096xf32>
    %reduce_min3A_37 = arith.constant dense<0x7F800000> : vector<256xf32>
    %reduce_min3A_38 = vector.multi_reduction <minimumf>, %select_n3A_36, %reduce_min3A_37 [1] : vector<256x4096xf32> to vector<256xf32>
    %broadcast_in_dim3A_39 = vector.shape_cast %reduce_min3A_38 : vector<256xf32> to vector<256x1xf32>
    %bitcast_convert_type3A_40 = tpu.bitcast %broadcast_in_dim3A_39 : vector<256x1xf32> -> vector<256x1xi32>
    %and3A_41 = arith.constant 4095 : i32
    %and3A_42 = vector.broadcast %and3A_41 : i32 to vector<256x1xi32>
    %and3A_43 = arith.andi %bitcast_convert_type3A_40, %and3A_42 : vector<256x1xi32>
    %eq3A_44 = vector.broadcast %broadcast_in_dim3A_39 : vector<256x1xf32> to vector<256x4096xf32>
    %eq3A_45 = arith.cmpf oeq, %select_n3A_36, %eq3A_44 : vector<256x4096xf32>
    %jit3A_46 = arith.constant 0x7F800000 : f32
    %broadcast_in_dim3A_47 = vector.broadcast %jit3A_46 : f32 to vector<256x4096xf32>
    %select_n3A_48 = arith.select %eq3A_45, %broadcast_in_dim3A_47, %select_n3A_36 : vector<256x4096xi1>, vector<256x4096xf32>
    %reduce_min3A_49 = arith.constant dense<0x7F800000> : vector<256xf32>
    %reduce_min3A_50 = vector.multi_reduction <minimumf>, %select_n3A_48, %reduce_min3A_49 [1] : vector<256x4096xf32> to vector<256xf32>
    %broadcast_in_dim3A_51 = vector.shape_cast %reduce_min3A_50 : vector<256xf32> to vector<256x1xf32>
    %bitcast_convert_type3A_52 = tpu.bitcast %broadcast_in_dim3A_51 : vector<256x1xf32> -> vector<256x1xi32>
    %and3A_53 = arith.constant 4095 : i32
    %and3A_54 = vector.broadcast %and3A_53 : i32 to vector<256x1xi32>
    %and3A_55 = arith.andi %bitcast_convert_type3A_52, %and3A_54 : vector<256x1xi32>
    %eq3A_56 = vector.broadcast %broadcast_in_dim3A_51 : vector<256x1xf32> to vector<256x4096xf32>
    %eq3A_57 = arith.cmpf oeq, %select_n3A_48, %eq3A_56 : vector<256x4096xf32>
    %jit3A_58 = arith.constant 0x7F800000 : f32
    %broadcast_in_dim3A_59 = vector.broadcast %jit3A_58 : f32 to vector<256x4096xf32>
    %select_n3A_60 = arith.select %eq3A_57, %broadcast_in_dim3A_59, %select_n3A_48 : vector<256x4096xi1>, vector<256x4096xf32>
    %reduce_min3A_61 = arith.constant dense<0x7F800000> : vector<256xf32>
    %reduce_min3A_62 = vector.multi_reduction <minimumf>, %select_n3A_60, %reduce_min3A_61 [1] : vector<256x4096xf32> to vector<256xf32>
    %broadcast_in_dim3A_63 = vector.shape_cast %reduce_min3A_62 : vector<256xf32> to vector<256x1xf32>
    %bitcast_convert_type3A_64 = tpu.bitcast %broadcast_in_dim3A_63 : vector<256x1xf32> -> vector<256x1xi32>
    %and3A_65 = arith.constant 4095 : i32
    %and3A_66 = vector.broadcast %and3A_65 : i32 to vector<256x1xi32>
    %and3A_67 = arith.andi %bitcast_convert_type3A_64, %and3A_66 : vector<256x1xi32>
    %eq3A_68 = vector.broadcast %broadcast_in_dim3A_63 : vector<256x1xf32> to vector<256x4096xf32>
    %eq3A_69 = arith.cmpf oeq, %select_n3A_60, %eq3A_68 : vector<256x4096xf32>
    %jit3A_70 = arith.constant 0x7F800000 : f32
    %broadcast_in_dim3A_71 = vector.broadcast %jit3A_70 : f32 to vector<256x4096xf32>
    %select_n3A_72 = arith.select %eq3A_69, %broadcast_in_dim3A_71, %select_n3A_60 : vector<256x4096xi1>, vector<256x4096xf32>
    %reduce_min3A_73 = arith.constant dense<0x7F800000> : vector<256xf32>
    %reduce_min3A_74 = vector.multi_reduction <minimumf>, %select_n3A_72, %reduce_min3A_73 [1] : vector<256x4096xf32> to vector<256xf32>
    %broadcast_in_dim3A_75 = vector.shape_cast %reduce_min3A_74 : vector<256xf32> to vector<256x1xf32>
    %bitcast_convert_type3A_76 = tpu.bitcast %broadcast_in_dim3A_75 : vector<256x1xf32> -> vector<256x1xi32>
    %and3A_77 = arith.constant 4095 : i32
    %and3A_78 = vector.broadcast %and3A_77 : i32 to vector<256x1xi32>
    %and3A_79 = arith.andi %bitcast_convert_type3A_76, %and3A_78 : vector<256x1xi32>
    %eq3A_80 = vector.broadcast %broadcast_in_dim3A_75 : vector<256x1xf32> to vector<256x4096xf32>
    %eq3A_81 = arith.cmpf oeq, %select_n3A_72, %eq3A_80 : vector<256x4096xf32>
    %jit3A_82 = arith.constant 0x7F800000 : f32
    %broadcast_in_dim3A_83 = vector.broadcast %jit3A_82 : f32 to vector<256x4096xf32>
    %select_n3A_84 = arith.select %eq3A_81, %broadcast_in_dim3A_83, %select_n3A_72 : vector<256x4096xi1>, vector<256x4096xf32>
    %reduce_min3A_85 = arith.constant dense<0x7F800000> : vector<256xf32>
    %reduce_min3A_86 = vector.multi_reduction <minimumf>, %select_n3A_84, %reduce_min3A_85 [1] : vector<256x4096xf32> to vector<256xf32>
    %broadcast_in_dim3A_87 = vector.shape_cast %reduce_min3A_86 : vector<256xf32> to vector<256x1xf32>
    %bitcast_convert_type3A_88 = tpu.bitcast %broadcast_in_dim3A_87 : vector<256x1xf32> -> vector<256x1xi32>
    %and3A_89 = arith.constant 4095 : i32
    %and3A_90 = vector.broadcast %and3A_89 : i32 to vector<256x1xi32>
    %and3A_91 = arith.andi %bitcast_convert_type3A_88, %and3A_90 : vector<256x1xi32>
    %eq3A_92 = vector.broadcast %broadcast_in_dim3A_87 : vector<256x1xf32> to vector<256x4096xf32>
    %eq3A_93 = arith.cmpf oeq, %select_n3A_84, %eq3A_92 : vector<256x4096xf32>
    %jit3A_94 = arith.constant 0x7F800000 : f32
    %broadcast_in_dim3A_95 = vector.broadcast %jit3A_94 : f32 to vector<256x4096xf32>
    %select_n3A_96 = arith.select %eq3A_93, %broadcast_in_dim3A_95, %select_n3A_84 : vector<256x4096xi1>, vector<256x4096xf32>
    %reduce_min3A_97 = arith.constant dense<0x7F800000> : vector<256xf32>
    %reduce_min3A_98 = vector.multi_reduction <minimumf>, %select_n3A_96, %reduce_min3A_97 [1] : vector<256x4096xf32> to vector<256xf32>
    %broadcast_in_dim3A_99 = vector.shape_cast %reduce_min3A_98 : vector<256xf32> to vector<256x1xf32>
    %bitcast_convert_type3A_100 = tpu.bitcast %broadcast_in_dim3A_99 : vector<256x1xf32> -> vector<256x1xi32>
    %and3A_101 = arith.constant 4095 : i32
    %and3A_102 = vector.broadcast %and3A_101 : i32 to vector<256x1xi32>
    %and3A_103 = arith.andi %bitcast_convert_type3A_100, %and3A_102 : vector<256x1xi32>
    %eq3A_104 = vector.broadcast %broadcast_in_dim3A_99 : vector<256x1xf32> to vector<256x4096xf32>
    %eq3A_105 = arith.cmpf oeq, %select_n3A_96, %eq3A_104 : vector<256x4096xf32>
    %jit3A_106 = arith.constant 0x7F800000 : f32
    %broadcast_in_dim3A_107 = vector.broadcast %jit3A_106 : f32 to vector<256x4096xf32>
    %select_n3A_108 = arith.select %eq3A_105, %broadcast_in_dim3A_107, %select_n3A_96 : vector<256x4096xi1>, vector<256x4096xf32>
    %reduce_min3A_109 = arith.constant dense<0x7F800000> : vector<256xf32>
    %reduce_min3A_110 = vector.multi_reduction <minimumf>, %select_n3A_108, %reduce_min3A_109 [1] : vector<256x4096xf32> to vector<256xf32>
    %broadcast_in_dim3A_111 = vector.shape_cast %reduce_min3A_110 : vector<256xf32> to vector<256x1xf32>
    %bitcast_convert_type3A_112 = tpu.bitcast %broadcast_in_dim3A_111 : vector<256x1xf32> -> vector<256x1xi32>
    %and3A_113 = arith.constant 4095 : i32
    %and3A_114 = vector.broadcast %and3A_113 : i32 to vector<256x1xi32>
    %and3A_115 = arith.andi %bitcast_convert_type3A_112, %and3A_114 : vector<256x1xi32>
    %eq3A_116 = vector.broadcast %broadcast_in_dim3A_111 : vector<256x1xf32> to vector<256x4096xf32>
    %eq3A_117 = arith.cmpf oeq, %select_n3A_108, %eq3A_116 : vector<256x4096xf32>
    %jit3A_118 = arith.constant 0x7F800000 : f32
    %broadcast_in_dim3A_119 = vector.broadcast %jit3A_118 : f32 to vector<256x4096xf32>
    %select_n3A_120 = arith.select %eq3A_117, %broadcast_in_dim3A_119, %select_n3A_108 : vector<256x4096xi1>, vector<256x4096xf32>
    %reduce_min3A_121 = arith.constant dense<0x7F800000> : vector<256xf32>
    %reduce_min3A_122 = vector.multi_reduction <minimumf>, %select_n3A_120, %reduce_min3A_121 [1] : vector<256x4096xf32> to vector<256xf32>
    %broadcast_in_dim3A_123 = vector.shape_cast %reduce_min3A_122 : vector<256xf32> to vector<256x1xf32>
    %bitcast_convert_type3A_124 = tpu.bitcast %broadcast_in_dim3A_123 : vector<256x1xf32> -> vector<256x1xi32>
    %and3A_125 = arith.constant 4095 : i32
    %and3A_126 = vector.broadcast %and3A_125 : i32 to vector<256x1xi32>
    %and3A_127 = arith.andi %bitcast_convert_type3A_124, %and3A_126 : vector<256x1xi32>
    %eq3A_128 = vector.broadcast %broadcast_in_dim3A_123 : vector<256x1xf32> to vector<256x4096xf32>
    %eq3A_129 = arith.cmpf oeq, %select_n3A_120, %eq3A_128 : vector<256x4096xf32>
    %jit3A_130 = arith.constant 0x7F800000 : f32
    %broadcast_in_dim3A_131 = vector.broadcast %jit3A_130 : f32 to vector<256x4096xf32>
    %select_n3A_132 = arith.select %eq3A_129, %broadcast_in_dim3A_131, %select_n3A_120 : vector<256x4096xi1>, vector<256x4096xf32>
    %reduce_min3A_133 = arith.constant dense<0x7F800000> : vector<256xf32>
    %reduce_min3A_134 = vector.multi_reduction <minimumf>, %select_n3A_132, %reduce_min3A_133 [1] : vector<256x4096xf32> to vector<256xf32>
    %broadcast_in_dim3A_135 = vector.shape_cast %reduce_min3A_134 : vector<256xf32> to vector<256x1xf32>
    %bitcast_convert_type3A_136 = tpu.bitcast %broadcast_in_dim3A_135 : vector<256x1xf32> -> vector<256x1xi32>
    %and3A_137 = arith.constant 4095 : i32
    %and3A_138 = vector.broadcast %and3A_137 : i32 to vector<256x1xi32>
    %and3A_139 = arith.andi %bitcast_convert_type3A_136, %and3A_138 : vector<256x1xi32>
    %eq3A_140 = vector.broadcast %broadcast_in_dim3A_135 : vector<256x1xf32> to vector<256x4096xf32>
    %eq3A_141 = arith.cmpf oeq, %select_n3A_132, %eq3A_140 : vector<256x4096xf32>
    %jit3A_142 = arith.constant 0x7F800000 : f32
    %broadcast_in_dim3A_143 = vector.broadcast %jit3A_142 : f32 to vector<256x4096xf32>
    %select_n3A_144 = arith.select %eq3A_141, %broadcast_in_dim3A_143, %select_n3A_132 : vector<256x4096xi1>, vector<256x4096xf32>
    %reduce_min3A_145 = arith.constant dense<0x7F800000> : vector<256xf32>
    %reduce_min3A_146 = vector.multi_reduction <minimumf>, %select_n3A_144, %reduce_min3A_145 [1] : vector<256x4096xf32> to vector<256xf32>
    %broadcast_in_dim3A_147 = vector.shape_cast %reduce_min3A_146 : vector<256xf32> to vector<256x1xf32>
    %bitcast_convert_type3A_148 = tpu.bitcast %broadcast_in_dim3A_147 : vector<256x1xf32> -> vector<256x1xi32>
    %and3A_149 = arith.constant 4095 : i32
    %and3A_150 = vector.broadcast %and3A_149 : i32 to vector<256x1xi32>
    %and3A_151 = arith.andi %bitcast_convert_type3A_148, %and3A_150 : vector<256x1xi32>
    %eq3A_152 = vector.broadcast %broadcast_in_dim3A_147 : vector<256x1xf32> to vector<256x4096xf32>
    %eq3A_153 = arith.cmpf oeq, %select_n3A_144, %eq3A_152 : vector<256x4096xf32>
    %jit3A_154 = arith.constant 0x7F800000 : f32
    %broadcast_in_dim3A_155 = vector.broadcast %jit3A_154 : f32 to vector<256x4096xf32>
    %select_n3A_156 = arith.select %eq3A_153, %broadcast_in_dim3A_155, %select_n3A_144 : vector<256x4096xi1>, vector<256x4096xf32>
    %reduce_min3A_157 = arith.constant dense<0x7F800000> : vector<256xf32>
    %reduce_min3A_158 = vector.multi_reduction <minimumf>, %select_n3A_156, %reduce_min3A_157 [1] : vector<256x4096xf32> to vector<256xf32>
    %broadcast_in_dim3A_159 = vector.shape_cast %reduce_min3A_158 : vector<256xf32> to vector<256x1xf32>
    %bitcast_convert_type3A_160 = tpu.bitcast %broadcast_in_dim3A_159 : vector<256x1xf32> -> vector<256x1xi32>
    %and3A_161 = arith.constant 4095 : i32
    %and3A_162 = vector.broadcast %and3A_161 : i32 to vector<256x1xi32>
    %and3A_163 = arith.andi %bitcast_convert_type3A_160, %and3A_162 : vector<256x1xi32>
    %eq3A_164 = vector.broadcast %broadcast_in_dim3A_159 : vector<256x1xf32> to vector<256x4096xf32>
    %eq3A_165 = arith.cmpf oeq, %select_n3A_156, %eq3A_164 : vector<256x4096xf32>
    %jit3A_166 = arith.constant 0x7F800000 : f32
    %broadcast_in_dim3A_167 = vector.broadcast %jit3A_166 : f32 to vector<256x4096xf32>
    %select_n3A_168 = arith.select %eq3A_165, %broadcast_in_dim3A_167, %select_n3A_156 : vector<256x4096xi1>, vector<256x4096xf32>
    %reduce_min3A_169 = arith.constant dense<0x7F800000> : vector<256xf32>
    %reduce_min3A_170 = vector.multi_reduction <minimumf>, %select_n3A_168, %reduce_min3A_169 [1] : vector<256x4096xf32> to vector<256xf32>
    %broadcast_in_dim3A_171 = vector.shape_cast %reduce_min3A_170 : vector<256xf32> to vector<256x1xf32>
    %bitcast_convert_type3A_172 = tpu.bitcast %broadcast_in_dim3A_171 : vector<256x1xf32> -> vector<256x1xi32>
    %and3A_173 = arith.constant 4095 : i32
    %and3A_174 = vector.broadcast %and3A_173 : i32 to vector<256x1xi32>
    %and3A_175 = arith.andi %bitcast_convert_type3A_172, %and3A_174 : vector<256x1xi32>
    %eq3A_176 = vector.broadcast %broadcast_in_dim3A_171 : vector<256x1xf32> to vector<256x4096xf32>
    %eq3A_177 = arith.cmpf oeq, %select_n3A_168, %eq3A_176 : vector<256x4096xf32>
    %jit3A_178 = arith.constant 0x7F800000 : f32
    %broadcast_in_dim3A_179 = vector.broadcast %jit3A_178 : f32 to vector<256x4096xf32>
    %select_n3A_180 = arith.select %eq3A_177, %broadcast_in_dim3A_179, %select_n3A_168 : vector<256x4096xi1>, vector<256x4096xf32>
    %reduce_min3A_181 = arith.constant dense<0x7F800000> : vector<256xf32>
    %reduce_min3A_182 = vector.multi_reduction <minimumf>, %select_n3A_180, %reduce_min3A_181 [1] : vector<256x4096xf32> to vector<256xf32>
    %broadcast_in_dim3A_183 = vector.shape_cast %reduce_min3A_182 : vector<256xf32> to vector<256x1xf32>
    %bitcast_convert_type3A_184 = tpu.bitcast %broadcast_in_dim3A_183 : vector<256x1xf32> -> vector<256x1xi32>
    %and3A_185 = arith.constant 4095 : i32
    %and3A_186 = vector.broadcast %and3A_185 : i32 to vector<256x1xi32>
    %and3A_187 = arith.andi %bitcast_convert_type3A_184, %and3A_186 : vector<256x1xi32>
    %concatenate3A = tpu.concatenate %add3A_13, %and3A_19, %and3A_31, %and3A_43, %and3A_55, %and3A_67, %and3A_79, %and3A_91, %and3A_103, %and3A_115, %and3A_127, %and3A_139, %and3A_151, %and3A_163, %and3A_175, %and3A_187 in 1 : vector<256x1xi32>, vector<256x1xi32>, vector<256x1xi32>, vector<256x1xi32>, vector<256x1xi32>, vector<256x1xi32>, vector<256x1xi32>, vector<256x1xi32>, vector<256x1xi32>, vector<256x1xi32>, vector<256x1xi32>, vector<256x1xi32>, vector<256x1xi32>, vector<256x1xi32>, vector<256x1xi32>, vector<256x1xi32> -> vector<256x16xi32>
    %convert_element_type3A_188 = arith.sitofp %concatenate3A : vector<256x16xi32> to vector<256x16xf32>
    %get3A_189 = arith.constant 0 : index
    %get3A_190 = arith.constant 0 : index
    %get3A_191 = vector.load %arg2[%get3A_189, %get3A_190] : memref<16x128xf32, #tpu.memory_space<vmem>>, vector<16x128xf32>
    %dot_general3A = arith.constant dense<0.000000e+00> : vector<256x128xf32>
    %dot_general3A_192 = tpu.matmul %convert_element_type3A_188, %get3A_191, %dot_general3A {dimension_numbers = #tpu.dot_dimension_numbers<[1], [0], [0], [1], [0, 0, 1, 1], [], []>, precision = #tpu.contract_precision<fp32>, transpose_lhs_hint = false} : vector<256x16xf32>, vector<16x128xf32>, vector<256x128xf32> -> vector<256x128xf32>
    %iota3A_193 = tpu.iota {dimensions = array<i32: 1>} : vector<256x128xi32>
    %ge3A = arith.constant 105 : i32
    %ge3A_194 = vector.broadcast %ge3A : i32 to vector<256x128xi32>
    %ge3A_195 = arith.cmpi sge, %iota3A_193, %ge3A_194 : vector<256x128xi32>
    %lt3A = arith.constant 120 : i32
    %lt3A_196 = vector.broadcast %lt3A : i32 to vector<256x128xi32>
    %lt3A_197 = arith.cmpi slt, %iota3A_193, %lt3A_196 : vector<256x128xi32>
    %and3A_198 = arith.andi %ge3A_195, %lt3A_197 : vector<256x128xi1>
    %convert_element_type3A_199 = arith.sitofp %add3A_13 : vector<256x1xi32> to vector<256x1xf32>
    %mul3A_200 = arith.constant 4.096000e+03 : f32
    %mul3A_201 = vector.broadcast %mul3A_200 : f32 to vector<256x1xf32>
    %mul3A_202 = arith.mulf %convert_element_type3A_199, %mul3A_201 : vector<256x1xf32>
    %jit3A_203 = arith.constant 0.000000e+00 : f32
    %broadcast_in_dim3A_204 = vector.shape_cast %mul3A_202 : vector<256x1xf32> to vector<256x1xf32>
    %broadcast_in_dim3A_205 = vector.broadcast %broadcast_in_dim3A_204 : vector<256x1xf32> to vector<256x128xf32>
    %broadcast_in_dim3A_206 = vector.broadcast %jit3A_203 : f32 to vector<256x128xf32>
    %select_n3A_207 = arith.select %and3A_198, %broadcast_in_dim3A_205, %broadcast_in_dim3A_206 : vector<256x128xi1>, vector<256x128xf32>
    %add3A_208 = arith.addf %dot_general3A_192, %select_n3A_207 : vector<256x128xf32>
    %convert_element_type3A_209 = arith.fptosi %add3A_208 : vector<256x128xf32> to vector<256x128xi32>
    %swap3A = arith.constant 0 : index
    %swap3A_210 = arith.constant 0 : index
    %swap3A_211 = vector.load %arg3[%swap3A, %swap3A_210] : memref<256x128xi32, #tpu.memory_space<vmem>>, vector<256x128xi32>
    tpu.vector_store %arg3[%swap3A, %swap3A_210], %convert_element_type3A_209 {strides = array<i32>} : memref<256x128xi32, #tpu.memory_space<vmem>>, vector<256x128xi32>,
    return
  }
  func.func @transform_0(%arg0: i32) -> (i32, i32) {
    %add3A = arith.constant 8 : i32
    %add3A_0 = arith.addi %add3A, %arg0 : i32
    %c0_i32 = arith.constant 0 : i32
    %c0_i32_1 = arith.constant 0 : i32
    return %add3A_0, %c0_i32 : i32, i32
  }
  func.func @transform_1(%arg0: i32) -> (i32, i32) {
    %c0_i32 = arith.constant 0 : i32
    %c0_i32_0 = arith.constant 0 : i32
    %c0_i32_1 = arith.constant 0 : i32
    return %c0_i32, %c0_i32_0 : i32, i32
  }
  func.func @transform_2(%arg0: i32) -> (i32, i32) {
    %c0_i32 = arith.constant 0 : i32
    %c0_i32_0 = arith.constant 0 : i32
    return %arg0, %c0_i32 : i32, i32
  }
}

module attributes {stable_mosaic.version = 14 : i64} {
  func.func @_tcb_body(%arg0: i32, %arg1: memref<256x4096xf32, #tpu.memory_space<vmem>>, %arg2: memref<16x128xf32, #tpu.memory_space<vmem>>, %arg3: memref<256x128xi32, #tpu.memory_space<vmem>>) attributes {dimension_semantics = [#tpu.dimension_semantics<arbitrary>], iteration_bounds = array<i64: 8>, scalar_prefetch = 0 : i64, scratch_operands = 0 : i64, tpu.core_type = #tpu.core_type<tc>, window_params = [{transform_indices = @transform_0, window_bounds = array<i64: 256, 4096>}, {pipeline_mode = #tpu.pipeline_mode<synchronous>, transform_indices = @transform_1, window_bounds = array<i64: 16, 128>}, {transform_indices = @transform_2, window_bounds = array<i64: 256, 128>}]} {
    %get3A = arith.constant 0 : index
    %get3A_0 = arith.constant 0 : index
    %get3A_1 = vector.load %arg1[%get3A, %get3A_0] : memref<256x4096xf32, #tpu.memory_space<vmem>>, vector<256x4096xf32>
    %add3A = arith.constant 0 : i32
    %add3A_2 = arith.addi %add3A, %arg0 : i32
    %mul3A = arith.constant 256 : i32
    %mul3A_3 = arith.muli %add3A_2, %mul3A : i32
    %iota3A = tpu.iota {dimensions = array<i32: 1>} : vector<256x4096xi32>
    %min3A = arith.constant 1.023000e+03 : f32
    %min3A_4 = vector.broadcast %min3A : f32 to vector<256x4096xf32>
    %min3A_5 = arith.minimumf %get3A_1, %min3A_4 : vector<256x4096xf32>
    %mul3A_6 = arith.constant 2.560000e+02 : f32
    %mul3A_7 = vector.broadcast %mul3A_6 : f32 to vector<256x4096xf32>
    %mul3A_8 = arith.mulf %min3A_5, %mul3A_7 : vector<256x4096xf32>
    %convert_element_type3A = arith.fptosi %mul3A_8 : vector<256x4096xf32> to vector<256x4096xi32>
    %shift_left3A = arith.constant 12 : i32
    %shift_left3A_9 = vector.broadcast %shift_left3A : i32 to vector<256x4096xi32>
    %shift_left3A_10 = arith.shli %convert_element_type3A, %shift_left3A_9 : vector<256x4096xi32>
    %or3A = arith.ori %shift_left3A_10, %iota3A : vector<256x4096xi32>
    %bitcast_convert_type3A = tpu.bitcast %or3A : vector<256x4096xi32> -> vector<256x4096xf32>
    %iota3A_11 = tpu.iota {dimensions = array<i32: 0>} : vector<256x1xi32>
    %add3A_12 = vector.broadcast %mul3A_3 : i32 to vector<256x1xi32>
    %add3A_13 = arith.addi %add3A_12, %iota3A_11 : vector<256x1xi32>
    %eq3A = vector.broadcast %add3A_13 : vector<256x1xi32> to vector<256x4096xi32>
    %eq3A_14 = arith.cmpi eq, %iota3A, %eq3A : vector<256x4096xi32>
    %jit3A = arith.constant 0x7F800000 : f32
    %broadcast_in_dim3A = vector.broadcast %jit3A : f32 to vector<256x4096xf32>
    %select_n3A = arith.select %eq3A_14, %broadcast_in_dim3A, %bitcast_convert_type3A : vector<256x4096xi1>, vector<256x4096xf32>
    %reduce_min3A = arith.constant dense<0x7F800000> : vector<256xf32>
    %reduce_min3A_15 = vector.multi_reduction <minimumf>, %select_n3A, %reduce_min3A [1] : vector<256x4096xf32> to vector<256xf32>
    %broadcast_in_dim3A_16 = vector.shape_cast %reduce_min3A_15 : vector<256xf32> to vector<256x1xf32>
    %bitcast_convert_type3A_17 = tpu.bitcast %broadcast_in_dim3A_16 : vector<256x1xf32> -> vector<256x1xi32>
    %and3A = arith.constant 4095 : i32
    %and3A_18 = vector.broadcast %and3A : i32 to vector<256x1xi32>
    %and3A_19 = arith.andi %bitcast_convert_type3A_17, %and3A_18 : vector<256x1xi32>
    %eq3A_20 = vector.broadcast %broadcast_in_dim3A_16 : vector<256x1xf32> to vector<256x4096xf32>
    %eq3A_21 = arith.cmpf oeq, %select_n3A, %eq3A_20 : vector<256x4096xf32>
    %jit3A_22 = arith.constant 0x7F800000 : f32
    %broadcast_in_dim3A_23 = vector.broadcast %jit3A_22 : f32 to vector<256x4096xf32>
    %select_n3A_24 = arith.select %eq3A_21, %broadcast_in_dim3A_23, %select_n3A : vector<256x4096xi1>, vector<256x4096xf32>
    %reduce_min3A_25 = arith.constant dense<0x7F800000> : vector<256xf32>
    %reduce_min3A_26 = vector.multi_reduction <minimumf>, %select_n3A_24, %reduce_min3A_25 [1] : vector<256x4096xf32> to vector<256xf32>
    %broadcast_in_dim3A_27 = vector.shape_cast %reduce_min3A_26 : vector<256xf32> to vector<256x1xf32>
    %bitcast_convert_type3A_28 = tpu.bitcast %broadcast_in_dim3A_27 : vector<256x1xf32> -> vector<256x1xi32>
    %and3A_29 = arith.constant 4095 : i32
    %and3A_30 = vector.broadcast %and3A_29 : i32 to vector<256x1xi32>
    %and3A_31 = arith.andi %bitcast_convert_type3A_28, %and3A_30 : vector<256x1xi32>
    %eq3A_32 = vector.broadcast %broadcast_in_dim3A_27 : vector<256x1xf32> to vector<256x4096xf32>
    %eq3A_33 = arith.cmpf oeq, %select_n3A_24, %eq3A_32 : vector<256x4096xf32>
    %jit3A_34 = arith.constant 0x7F800000 : f32
    %broadcast_in_dim3A_35 = vector.broadcast %jit3A_34 : f32 to vector<256x4096xf32>
    %select_n3A_36 = arith.select %eq3A_33, %broadcast_in_dim3A_35, %select_n3A_24 : vector<256x4096xi1>, vector<256x4096xf32>
    %reduce_min3A_37 = arith.constant dense<0x7F800000> : vector<256xf32>
    %reduce_min3A_38 = vector.multi_reduction <minimumf>, %select_n3A_36, %reduce_min3A_37 [1] : vector<256x4096xf32> to vector<256xf32>
    %broadcast_in_dim3A_39 = vector.shape_cast %reduce_min3A_38 : vector<256xf32> to vector<256x1xf32>
    %bitcast_convert_type3A_40 = tpu.bitcast %broadcast_in_dim3A_39 : vector<256x1xf32> -> vector<256x1xi32>
    %and3A_41 = arith.constant 4095 : i32
    %and3A_42 = vector.broadcast %and3A_41 : i32 to vector<256x1xi32>
    %and3A_43 = arith.andi %bitcast_convert_type3A_40, %and3A_42 : vector<256x1xi32>
    %eq3A_44 = vector.broadcast %broadcast_in_dim3A_39 : vector<256x1xf32> to vector<256x4096xf32>
    %eq3A_45 = arith.cmpf oeq, %select_n3A_36, %eq3A_44 : vector<256x4096xf32>
    %jit3A_46 = arith.constant 0x7F800000 : f32
    %broadcast_in_dim3A_47 = vector.broadcast %jit3A_46 : f32 to vector<256x4096xf32>
    %select_n3A_48 = arith.select %eq3A_45, %broadcast_in_dim3A_47, %select_n3A_36 : vector<256x4096xi1>, vector<256x4096xf32>
    %reduce_min3A_49 = arith.constant dense<0x7F800000> : vector<256xf32>
    %reduce_min3A_50 = vector.multi_reduction <minimumf>, %select_n3A_48, %reduce_min3A_49 [1] : vector<256x4096xf32> to vector<256xf32>
    %broadcast_in_dim3A_51 = vector.shape_cast %reduce_min3A_50 : vector<256xf32> to vector<256x1xf32>
    %bitcast_convert_type3A_52 = tpu.bitcast %broadcast_in_dim3A_51 : vector<256x1xf32> -> vector<256x1xi32>
    %and3A_53 = arith.constant 4095 : i32
    %and3A_54 = vector.broadcast %and3A_53 : i32 to vector<256x1xi32>
    %and3A_55 = arith.andi %bitcast_convert_type3A_52, %and3A_54 : vector<256x1xi32>
    %eq3A_56 = vector.broadcast %broadcast_in_dim3A_51 : vector<256x1xf32> to vector<256x4096xf32>
    %eq3A_57 = arith.cmpf oeq, %select_n3A_48, %eq3A_56 : vector<256x4096xf32>
    %jit3A_58 = arith.constant 0x7F800000 : f32
    %broadcast_in_dim3A_59 = vector.broadcast %jit3A_58 : f32 to vector<256x4096xf32>
    %select_n3A_60 = arith.select %eq3A_57, %broadcast_in_dim3A_59, %select_n3A_48 : vector<256x4096xi1>, vector<256x4096xf32>
    %reduce_min3A_61 = arith.constant dense<0x7F800000> : vector<256xf32>
    %reduce_min3A_62 = vector.multi_reduction <minimumf>, %select_n3A_60, %reduce_min3A_61 [1] : vector<256x4096xf32> to vector<256xf32>
    %broadcast_in_dim3A_63 = vector.shape_cast %reduce_min3A_62 : vector<256xf32> to vector<256x1xf32>
    %bitcast_convert_type3A_64 = tpu.bitcast %broadcast_in_dim3A_63 : vector<256x1xf32> -> vector<256x1xi32>
    %and3A_65 = arith.constant 4095 : i32
    %and3A_66 = vector.broadcast %and3A_65 : i32 to vector<256x1xi32>
    %and3A_67 = arith.andi %bitcast_convert_type3A_64, %and3A_66 : vector<256x1xi32>
    %eq3A_68 = vector.broadcast %broadcast_in_dim3A_63 : vector<256x1xf32> to vector<256x4096xf32>
    %eq3A_69 = arith.cmpf oeq, %select_n3A_60, %eq3A_68 : vector<256x4096xf32>
    %jit3A_70 = arith.constant 0x7F800000 : f32
    %broadcast_in_dim3A_71 = vector.broadcast %jit3A_70 : f32 to vector<256x4096xf32>
    %select_n3A_72 = arith.select %eq3A_69, %broadcast_in_dim3A_71, %select_n3A_60 : vector<256x4096xi1>, vector<256x4096xf32>
    %reduce_min3A_73 = arith.constant dense<0x7F800000> : vector<256xf32>
    %reduce_min3A_74 = vector.multi_reduction <minimumf>, %select_n3A_72, %reduce_min3A_73 [1] : vector<256x4096xf32> to vector<256xf32>
    %broadcast_in_dim3A_75 = vector.shape_cast %reduce_min3A_74 : vector<256xf32> to vector<256x1xf32>
    %bitcast_convert_type3A_76 = tpu.bitcast %broadcast_in_dim3A_75 : vector<256x1xf32> -> vector<256x1xi32>
    %and3A_77 = arith.constant 4095 : i32
    %and3A_78 = vector.broadcast %and3A_77 : i32 to vector<256x1xi32>
    %and3A_79 = arith.andi %bitcast_convert_type3A_76, %and3A_78 : vector<256x1xi32>
    %eq3A_80 = vector.broadcast %broadcast_in_dim3A_75 : vector<256x1xf32> to vector<256x4096xf32>
    %eq3A_81 = arith.cmpf oeq, %select_n3A_72, %eq3A_80 : vector<256x4096xf32>
    %jit3A_82 = arith.constant 0x7F800000 : f32
    %broadcast_in_dim3A_83 = vector.broadcast %jit3A_82 : f32 to vector<256x4096xf32>
    %select_n3A_84 = arith.select %eq3A_81, %broadcast_in_dim3A_83, %select_n3A_72 : vector<256x4096xi1>, vector<256x4096xf32>
    %reduce_min3A_85 = arith.constant dense<0x7F800000> : vector<256xf32>
    %reduce_min3A_86 = vector.multi_reduction <minimumf>, %select_n3A_84, %reduce_min3A_85 [1] : vector<256x4096xf32> to vector<256xf32>
    %broadcast_in_dim3A_87 = vector.shape_cast %reduce_min3A_86 : vector<256xf32> to vector<256x1xf32>
    %bitcast_convert_type3A_88 = tpu.bitcast %broadcast_in_dim3A_87 : vector<256x1xf32> -> vector<256x1xi32>
    %and3A_89 = arith.constant 4095 : i32
    %and3A_90 = vector.broadcast %and3A_89 : i32 to vector<256x1xi32>
    %and3A_91 = arith.andi %bitcast_convert_type3A_88, %and3A_90 : vector<256x1xi32>
    %eq3A_92 = vector.broadcast %broadcast_in_dim3A_87 : vector<256x1xf32> to vector<256x4096xf32>
    %eq3A_93 = arith.cmpf oeq, %select_n3A_84, %eq3A_92 : vector<256x4096xf32>
    %jit3A_94 = arith.constant 0x7F800000 : f32
    %broadcast_in_dim3A_95 = vector.broadcast %jit3A_94 : f32 to vector<256x4096xf32>
    %select_n3A_96 = arith.select %eq3A_93, %broadcast_in_dim3A_95, %select_n3A_84 : vector<256x4096xi1>, vector<256x4096xf32>
    %reduce_min3A_97 = arith.constant dense<0x7F800000> : vector<256xf32>
    %reduce_min3A_98 = vector.multi_reduction <minimumf>, %select_n3A_96, %reduce_min3A_97 [1] : vector<256x4096xf32> to vector<256xf32>
    %broadcast_in_dim3A_99 = vector.shape_cast %reduce_min3A_98 : vector<256xf32> to vector<256x1xf32>
    %bitcast_convert_type3A_100 = tpu.bitcast %broadcast_in_dim3A_99 : vector<256x1xf32> -> vector<256x1xi32>
    %and3A_101 = arith.constant 4095 : i32
    %and3A_102 = vector.broadcast %and3A_101 : i32 to vector<256x1xi32>
    %and3A_103 = arith.andi %bitcast_convert_type3A_100, %and3A_102 : vector<256x1xi32>
    %eq3A_104 = vector.broadcast %broadcast_in_dim3A_99 : vector<256x1xf32> to vector<256x4096xf32>
    %eq3A_105 = arith.cmpf oeq, %select_n3A_96, %eq3A_104 : vector<256x4096xf32>
    %jit3A_106 = arith.constant 0x7F800000 : f32
    %broadcast_in_dim3A_107 = vector.broadcast %jit3A_106 : f32 to vector<256x4096xf32>
    %select_n3A_108 = arith.select %eq3A_105, %broadcast_in_dim3A_107, %select_n3A_96 : vector<256x4096xi1>, vector<256x4096xf32>
    %reduce_min3A_109 = arith.constant dense<0x7F800000> : vector<256xf32>
    %reduce_min3A_110 = vector.multi_reduction <minimumf>, %select_n3A_108, %reduce_min3A_109 [1] : vector<256x4096xf32> to vector<256xf32>
    %broadcast_in_dim3A_111 = vector.shape_cast %reduce_min3A_110 : vector<256xf32> to vector<256x1xf32>
    %bitcast_convert_type3A_112 = tpu.bitcast %broadcast_in_dim3A_111 : vector<256x1xf32> -> vector<256x1xi32>
    %and3A_113 = arith.constant 4095 : i32
    %and3A_114 = vector.broadcast %and3A_113 : i32 to vector<256x1xi32>
    %and3A_115 = arith.andi %bitcast_convert_type3A_112, %and3A_114 : vector<256x1xi32>
    %eq3A_116 = vector.broadcast %broadcast_in_dim3A_111 : vector<256x1xf32> to vector<256x4096xf32>
    %eq3A_117 = arith.cmpf oeq, %select_n3A_108, %eq3A_116 : vector<256x4096xf32>
    %jit3A_118 = arith.constant 0x7F800000 : f32
    %broadcast_in_dim3A_119 = vector.broadcast %jit3A_118 : f32 to vector<256x4096xf32>
    %select_n3A_120 = arith.select %eq3A_117, %broadcast_in_dim3A_119, %select_n3A_108 : vector<256x4096xi1>, vector<256x4096xf32>
    %reduce_min3A_121 = arith.constant dense<0x7F800000> : vector<256xf32>
    %reduce_min3A_122 = vector.multi_reduction <minimumf>, %select_n3A_120, %reduce_min3A_121 [1] : vector<256x4096xf32> to vector<256xf32>
    %broadcast_in_dim3A_123 = vector.shape_cast %reduce_min3A_122 : vector<256xf32> to vector<256x1xf32>
    %bitcast_convert_type3A_124 = tpu.bitcast %broadcast_in_dim3A_123 : vector<256x1xf32> -> vector<256x1xi32>
    %and3A_125 = arith.constant 4095 : i32
    %and3A_126 = vector.broadcast %and3A_125 : i32 to vector<256x1xi32>
    %and3A_127 = arith.andi %bitcast_convert_type3A_124, %and3A_126 : vector<256x1xi32>
    %eq3A_128 = vector.broadcast %broadcast_in_dim3A_123 : vector<256x1xf32> to vector<256x4096xf32>
    %eq3A_129 = arith.cmpf oeq, %select_n3A_120, %eq3A_128 : vector<256x4096xf32>
    %jit3A_130 = arith.constant 0x7F800000 : f32
    %broadcast_in_dim3A_131 = vector.broadcast %jit3A_130 : f32 to vector<256x4096xf32>
    %select_n3A_132 = arith.select %eq3A_129, %broadcast_in_dim3A_131, %select_n3A_120 : vector<256x4096xi1>, vector<256x4096xf32>
    %reduce_min3A_133 = arith.constant dense<0x7F800000> : vector<256xf32>
    %reduce_min3A_134 = vector.multi_reduction <minimumf>, %select_n3A_132, %reduce_min3A_133 [1] : vector<256x4096xf32> to vector<256xf32>
    %broadcast_in_dim3A_135 = vector.shape_cast %reduce_min3A_134 : vector<256xf32> to vector<256x1xf32>
    %bitcast_convert_type3A_136 = tpu.bitcast %broadcast_in_dim3A_135 : vector<256x1xf32> -> vector<256x1xi32>
    %and3A_137 = arith.constant 4095 : i32
    %and3A_138 = vector.broadcast %and3A_137 : i32 to vector<256x1xi32>
    %and3A_139 = arith.andi %bitcast_convert_type3A_136, %and3A_138 : vector<256x1xi32>
    %eq3A_140 = vector.broadcast %broadcast_in_dim3A_135 : vector<256x1xf32> to vector<256x4096xf32>
    %eq3A_141 = arith.cmpf oeq, %select_n3A_132, %eq3A_140 : vector<256x4096xf32>
    %jit3A_142 = arith.constant 0x7F800000 : f32
    %broadcast_in_dim3A_143 = vector.broadcast %jit3A_142 : f32 to vector<256x4096xf32>
    %select_n3A_144 = arith.select %eq3A_141, %broadcast_in_dim3A_143, %select_n3A_132 : vector<256x4096xi1>, vector<256x4096xf32>
    %reduce_min3A_145 = arith.constant dense<0x7F800000> : vector<256xf32>
    %reduce_min3A_146 = vector.multi_reduction <minimumf>, %select_n3A_144, %reduce_min3A_145 [1] : vector<256x4096xf32> to vector<256xf32>
    %broadcast_in_dim3A_147 = vector.shape_cast %reduce_min3A_146 : vector<256xf32> to vector<256x1xf32>
    %bitcast_convert_type3A_148 = tpu.bitcast %broadcast_in_dim3A_147 : vector<256x1xf32> -> vector<256x1xi32>
    %and3A_149 = arith.constant 4095 : i32
    %and3A_150 = vector.broadcast %and3A_149 : i32 to vector<256x1xi32>
    %and3A_151 = arith.andi %bitcast_convert_type3A_148, %and3A_150 : vector<256x1xi32>
    %eq3A_152 = vector.broadcast %broadcast_in_dim3A_147 : vector<256x1xf32> to vector<256x4096xf32>
    %eq3A_153 = arith.cmpf oeq, %select_n3A_144, %eq3A_152 : vector<256x4096xf32>
    %jit3A_154 = arith.constant 0x7F800000 : f32
    %broadcast_in_dim3A_155 = vector.broadcast %jit3A_154 : f32 to vector<256x4096xf32>
    %select_n3A_156 = arith.select %eq3A_153, %broadcast_in_dim3A_155, %select_n3A_144 : vector<256x4096xi1>, vector<256x4096xf32>
    %reduce_min3A_157 = arith.constant dense<0x7F800000> : vector<256xf32>
    %reduce_min3A_158 = vector.multi_reduction <minimumf>, %select_n3A_156, %reduce_min3A_157 [1] : vector<256x4096xf32> to vector<256xf32>
    %broadcast_in_dim3A_159 = vector.shape_cast %reduce_min3A_158 : vector<256xf32> to vector<256x1xf32>
    %bitcast_convert_type3A_160 = tpu.bitcast %broadcast_in_dim3A_159 : vector<256x1xf32> -> vector<256x1xi32>
    %and3A_161 = arith.constant 4095 : i32
    %and3A_162 = vector.broadcast %and3A_161 : i32 to vector<256x1xi32>
    %and3A_163 = arith.andi %bitcast_convert_type3A_160, %and3A_162 : vector<256x1xi32>
    %eq3A_164 = vector.broadcast %broadcast_in_dim3A_159 : vector<256x1xf32> to vector<256x4096xf32>
    %eq3A_165 = arith.cmpf oeq, %select_n3A_156, %eq3A_164 : vector<256x4096xf32>
    %jit3A_166 = arith.constant 0x7F800000 : f32
    %broadcast_in_dim3A_167 = vector.broadcast %jit3A_166 : f32 to vector<256x4096xf32>
    %select_n3A_168 = arith.select %eq3A_165, %broadcast_in_dim3A_167, %select_n3A_156 : vector<256x4096xi1>, vector<256x4096xf32>
    %reduce_min3A_169 = arith.constant dense<0x7F800000> : vector<256xf32>
    %reduce_min3A_170 = vector.multi_reduction <minimumf>, %select_n3A_168, %reduce_min3A_169 [1] : vector<256x4096xf32> to vector<256xf32>
    %broadcast_in_dim3A_171 = vector.shape_cast %reduce_min3A_170 : vector<256xf32> to vector<256x1xf32>
    %bitcast_convert_type3A_172 = tpu.bitcast %broadcast_in_dim3A_171 : vector<256x1xf32> -> vector<256x1xi32>
    %and3A_173 = arith.constant 4095 : i32
    %and3A_174 = vector.broadcast %and3A_173 : i32 to vector<256x1xi32>
    %and3A_175 = arith.andi %bitcast_convert_type3A_172, %and3A_174 : vector<256x1xi32>
    %eq3A_176 = vector.broadcast %broadcast_in_dim3A_171 : vector<256x1xf32> to vector<256x4096xf32>
    %eq3A_177 = arith.cmpf oeq, %select_n3A_168, %eq3A_176 : vector<256x4096xf32>
    %jit3A_178 = arith.constant 0x7F800000 : f32
    %broadcast_in_dim3A_179 = vector.broadcast %jit3A_178 : f32 to vector<256x4096xf32>
    %select_n3A_180 = arith.select %eq3A_177, %broadcast_in_dim3A_179, %select_n3A_168 : vector<256x4096xi1>, vector<256x4096xf32>
    %reduce_min3A_181 = arith.constant dense<0x7F800000> : vector<256xf32>
    %reduce_min3A_182 = vector.multi_reduction <minimumf>, %select_n3A_180, %reduce_min3A_181 [1] : vector<256x4096xf32> to vector<256xf32>
    %broadcast_in_dim3A_183 = vector.shape_cast %reduce_min3A_182 : vector<256xf32> to vector<256x1xf32>
    %bitcast_convert_type3A_184 = tpu.bitcast %broadcast_in_dim3A_183 : vector<256x1xf32> -> vector<256x1xi32>
    %and3A_185 = arith.constant 4095 : i32
    %and3A_186 = vector.broadcast %and3A_185 : i32 to vector<256x1xi32>
    %and3A_187 = arith.andi %bitcast_convert_type3A_184, %and3A_186 : vector<256x1xi32>
    %concatenate3A = tpu.concatenate %add3A_13, %and3A_19, %and3A_31, %and3A_43, %and3A_55, %and3A_67, %and3A_79, %and3A_91, %and3A_103, %and3A_115, %and3A_127, %and3A_139, %and3A_151, %and3A_163, %and3A_175, %and3A_187 in 1 : vector<256x1xi32>, vector<256x1xi32>, vector<256x1xi32>, vector<256x1xi32>, vector<256x1xi32>, vector<256x1xi32>, vector<256x1xi32>, vector<256x1xi32>, vector<256x1xi32>, vector<256x1xi32>, vector<256x1xi32>, vector<256x1xi32>, vector<256x1xi32>, vector<256x1xi32>, vector<256x1xi32>, vector<256x1xi32> -> vector<256x16xi32>
    %convert_element_type3A_188 = arith.sitofp %concatenate3A : vector<256x16xi32> to vector<256x16xf32>
    %get3A_189 = arith.constant 0 : index
    %get3A_190 = arith.constant 0 : index
    %get3A_191 = vector.load %arg2[%get3A_189, %get3A_190] : memref<16x128xf32, #tpu.memory_space<vmem>>, vector<16x128xf32>
    %dot_general3A = arith.constant dense<0.000000e+00> : vector<256x128xf32>
    %dot_general3A_192 = tpu.matmul %convert_element_type3A_188, %get3A_191, %dot_general3A {dimension_numbers = #tpu.dot_dimension_numbers<[1], [0], [0], [1], [0, 0, 1, 1], [], []>, precision = #tpu.contract_precision<fp32>, transpose_lhs_hint = false} : vector<256x16xf32>, vector<16x128xf32>, vector<256x128xf32> -> vector<256x128xf32>
    %iota3A_193 = tpu.iota {dimensions = array<i32: 1>} : vector<256x128xi32>
    %ge3A = arith.constant 105 : i32
    %ge3A_194 = vector.broadcast %ge3A : i32 to vector<256x128xi32>
    %ge3A_195 = arith.cmpi sge, %iota3A_193, %ge3A_194 : vector<256x128xi32>
    %lt3A = arith.constant 120 : i32
    %lt3A_196 = vector.broadcast %lt3A : i32 to vector<256x128xi32>
    %lt3A_197 = arith.cmpi slt, %iota3A_193, %lt3A_196 : vector<256x128xi32>
    %and3A_198 = arith.andi %ge3A_195, %lt3A_197 : vector<256x128xi1>
    %convert_element_type3A_199 = arith.sitofp %add3A_13 : vector<256x1xi32> to vector<256x1xf32>
    %mul3A_200 = arith.constant 4.096000e+03 : f32
    %mul3A_201 = vector.broadcast %mul3A_200 : f32 to vector<256x1xf32>
    %mul3A_202 = arith.mulf %convert_element_type3A_199, %mul3A_201 : vector<256x1xf32>
    %jit3A_203 = arith.constant 0.000000e+00 : f32
    %broadcast_in_dim3A_204 = vector.shape_cast %mul3A_202 : vector<256x1xf32> to vector<256x1xf32>
    %broadcast_in_dim3A_205 = vector.broadcast %broadcast_in_dim3A_204 : vector<256x1xf32> to vector<256x128xf32>
    %broadcast_in_dim3A_206 = vector.broadcast %jit3A_203 : f32 to vector<256x128xf32>
    %select_n3A_207 = arith.select %and3A_198, %broadcast_in_dim3A_205, %broadcast_in_dim3A_206 : vector<256x128xi1>, vector<256x128xf32>
    %add3A_208 = arith.addf %dot_general3A_192, %select_n3A_207 : vector<256x128xf32>
    %convert_element_type3A_209 = arith.fptosi %add3A_208 : vector<256x128xf32> to vector<256x128xi32>
    %swap3A = arith.constant 0 : index
    %swap3A_210 = arith.constant 0 : index
    %swap3A_211 = vector.load %arg3[%swap3A, %swap3A_210] : memref<256x128xi32, #tpu.memory_space<vmem>>, vector<256x128xi32>
    tpu.vector_store %arg3[%swap3A, %swap3A_210], %convert_element_type3A_209 {strides = array<i32>} : memref<256x128xi32, #tpu.memory_space<vmem>>, vector<256x128xi32>,
    return
  }
  func.func @transform_0(%arg0: i32) -> (i32, i32) {
    %add3A = arith.constant 0 : i32
    %add3A_0 = arith.addi %add3A, %arg0 : i32
    %c0_i32 = arith.constant 0 : i32
    %c0_i32_1 = arith.constant 0 : i32
    return %add3A_0, %c0_i32 : i32, i32
  }
  func.func @transform_1(%arg0: i32) -> (i32, i32) {
    %c0_i32 = arith.constant 0 : i32
    %c0_i32_0 = arith.constant 0 : i32
    %c0_i32_1 = arith.constant 0 : i32
    return %c0_i32, %c0_i32_0 : i32, i32
  }
  func.func @transform_2(%arg0: i32) -> (i32, i32) {
    %c0_i32 = arith.constant 0 : i32
    %c0_i32_0 = arith.constant 0 : i32
    return %arg0, %c0_i32 : i32, i32
  }
}

module attributes {stable_mosaic.version = 14 : i64} {
  func.func @_tcc_body(%arg0: i32, %arg1: memref<256x128xf32, #tpu.memory_space<vmem>>, %arg2: memref<256x128xf32, #tpu.memory_space<vmem>>, %arg3: memref<256x128xf32, #tpu.memory_space<vmem>>, %arg4: memref<128x128xf32, #tpu.memory_space<vmem>>, %arg5: memref<128x128xf32, #tpu.memory_space<vmem>>, %arg6: memref<1x1xf32, #tpu.memory_space<vmem>>) attributes {dimension_semantics = [#tpu.dimension_semantics<arbitrary>], iteration_bounds = array<i64: 8>, scalar_prefetch = 0 : i64, scratch_operands = 0 : i64, tpu.core_type = #tpu.core_type<tc>, window_params = [{transform_indices = @transform_0, window_bounds = array<i64: 256, 128>}, {transform_indices = @transform_1, window_bounds = array<i64: 256, 128>}, {transform_indices = @transform_2, window_bounds = array<i64: 256, 128>}, {pipeline_mode = #tpu.pipeline_mode<synchronous>, transform_indices = @transform_3, window_bounds = array<i64: 128, 128>}, {pipeline_mode = #tpu.pipeline_mode<synchronous>, transform_indices = @transform_4, window_bounds = array<i64: 128, 128>}, {pipeline_mode = #tpu.pipeline_mode<synchronous>, transform_indices = @transform_5, window_bounds = array<i64: 1, 1>}]} {
    %get3A = arith.constant 0 : index
    %get3A_0 = arith.constant 0 : index
    %get3A_1 = vector.load %arg1[%get3A, %get3A_0] : memref<256x128xf32, #tpu.memory_space<vmem>>, vector<256x128xf32>
    %iota3A = tpu.iota {dimensions = array<i32: 1>} : vector<256x128xi32>
    %ge3A = arith.constant 105 : i32
    %ge3A_2 = vector.broadcast %ge3A : i32 to vector<256x128xi32>
    %ge3A_3 = arith.cmpi sge, %iota3A, %ge3A_2 : vector<256x128xi32>
    %lt3A = arith.constant 120 : i32
    %lt3A_4 = vector.broadcast %lt3A : i32 to vector<256x128xi32>
    %lt3A_5 = arith.cmpi slt, %iota3A, %lt3A_4 : vector<256x128xi32>
    %and3A = arith.andi %ge3A_3, %lt3A_5 : vector<256x128xi1>
    %sqrt3A = math.sqrt %get3A_1 : vector<256x128xf32>
    %jit3A = arith.constant 0.000000e+00 : f32
    %broadcast_in_dim3A = vector.broadcast %jit3A : f32 to vector<256x128xf32>
    %select_n3A = arith.select %and3A, %sqrt3A, %broadcast_in_dim3A : vector<256x128xi1>, vector<256x128xf32>
    %reduce_sum3A = arith.constant dense<0.000000e+00> : vector<256xf32>
    %reduce_sum3A_6 = vector.multi_reduction <add>, %select_n3A, %reduce_sum3A [1] : vector<256x128xf32> to vector<256xf32>
    %broadcast_in_dim3A_7 = vector.shape_cast %reduce_sum3A_6 : vector<256xf32> to vector<256x1xf32>
    %div3A = arith.constant 1.500000e+01 : f32
    %div3A_8 = vector.broadcast %div3A : f32 to vector<256x1xf32>
    %div3A_9 = arith.divf %broadcast_in_dim3A_7, %div3A_8 : vector<256x1xf32>
    %add3A = arith.constant 9.99999993E-9 : f32
    %add3A_10 = vector.broadcast %add3A : f32 to vector<256x1xf32>
    %add3A_11 = arith.addf %div3A_9, %add3A_10 : vector<256x1xf32>
    %div3A_12 = vector.broadcast %add3A_11 : vector<256x1xf32> to vector<256x128xf32>
    %div3A_13 = arith.divf %sqrt3A, %div3A_12 : vector<256x128xf32>
    %get3A_14 = arith.constant 0 : index
    %get3A_15 = arith.constant 0 : index
    %get3A_16 = vector.load %arg2[%get3A_14, %get3A_15] : memref<256x128xf32, #tpu.memory_space<vmem>>, vector<256x128xf32>
    %sub3A = arith.subf %div3A_13, %get3A_16 : vector<256x128xf32>
    %integer_pow3A = arith.mulf %sub3A, %sub3A : vector<256x128xf32>
    %jit3A_17 = arith.constant 0.000000e+00 : f32
    %broadcast_in_dim3A_18 = vector.broadcast %jit3A_17 : f32 to vector<256x128xf32>
    %select_n3A_19 = arith.select %and3A, %integer_pow3A, %broadcast_in_dim3A_18 : vector<256x128xi1>, vector<256x128xf32>
    %reduce_sum3A_20 = vector.shape_cast %select_n3A_19 : vector<256x128xf32> to vector<1x256x128xf32>
    %reduce_sum3A_21 = arith.constant dense<0.000000e+00> : vector<1xf32>
    %reduce_sum3A_22 = vector.multi_reduction <add>, %reduce_sum3A_20, %reduce_sum3A_21 [1, 2] : vector<1x256x128xf32> to vector<1xf32>
    %reduce_sum3A_23 = vector.shape_cast %reduce_sum3A_22 : vector<1xf32> to vector<1x1x1xf32>
    %reduce_sum3A_24 = vector.extract %reduce_sum3A_23[0, 0, 0] : f32 from vector<1x1x1xf32>
    %get3A_25 = arith.constant 0 : index
    %get3A_26 = arith.constant 0 : index
    %get3A_27 = vector.load %arg4[%get3A_25, %get3A_26] : memref<128x128xf32, #tpu.memory_space<vmem>>, vector<128x128xf32>
    %dot_general3A = arith.constant dense<0.000000e+00> : vector<256x128xf32>
    %dot_general3A_28 = tpu.matmul %select_n3A, %get3A_27, %dot_general3A {dimension_numbers = #tpu.dot_dimension_numbers<[1], [0], [0], [1], [0, 0, 1, 1], [], []>, precision = #tpu.contract_precision<fp32>, transpose_lhs_hint = false} : vector<256x128xf32>, vector<128x128xf32>, vector<256x128xf32> -> vector<256x128xf32>
    %get3A_29 = arith.constant 0 : index
    %get3A_30 = arith.constant 0 : index
    %get3A_31 = vector.load %arg5[%get3A_29, %get3A_30] : memref<128x128xf32, #tpu.memory_space<vmem>>, vector<128x128xf32>
    %dot_general3A_32 = arith.constant dense<0.000000e+00> : vector<256x128xf32>
    %dot_general3A_33 = tpu.matmul %select_n3A, %get3A_31, %dot_general3A_32 {dimension_numbers = #tpu.dot_dimension_numbers<[1], [0], [0], [1], [0, 0, 1, 1], [], []>, precision = #tpu.contract_precision<fp32>, transpose_lhs_hint = false} : vector<256x128xf32>, vector<128x128xf32>, vector<256x128xf32> -> vector<256x128xf32>
    %mul3A = arith.mulf %dot_general3A_28, %dot_general3A_28 : vector<256x128xf32>
    %mul3A_34 = arith.mulf %dot_general3A_33, %dot_general3A_33 : vector<256x128xf32>
    %add3A_35 = arith.addf %mul3A, %mul3A_34 : vector<256x128xf32>
    %sub3A_36 = arith.subf %add3A_35, %get3A_1 : vector<256x128xf32>
    %mul3A_37 = arith.constant 2.000000e+00 : f32
    %mul3A_38 = vector.broadcast %mul3A_37 : f32 to vector<256x128xf32>
    %mul3A_39 = arith.mulf %mul3A_38, %dot_general3A_28 : vector<256x128xf32>
    %mul3A_40 = arith.mulf %mul3A_39, %dot_general3A_33 : vector<256x128xf32>
    %div3A_41 = arith.divf %sub3A_36, %mul3A_40 : vector<256x128xf32>
    %lt3A_42 = arith.constant 105 : i32
    %lt3A_43 = vector.broadcast %lt3A_42 : i32 to vector<256x128xi32>
    %lt3A_44 = arith.cmpi slt, %iota3A, %lt3A_43 : vector<256x128xi32>
    %jit3A_45 = arith.constant 0x7F800000 : f32
    %broadcast_in_dim3A_46 = vector.broadcast %jit3A_45 : f32 to vector<256x128xf32>
    %select_n3A_47 = arith.select %lt3A_44, %div3A_41, %broadcast_in_dim3A_46 : vector<256x128xi1>, vector<256x128xf32>
    %iota3A_48 = tpu.iota {dimensions = array<i32: 1>} : vector<256x128xi32>
    %and3A_49 = arith.constant 1 : i32
    %and3A_50 = vector.broadcast %and3A_49 : i32 to vector<256x128xi32>
    %and3A_51 = arith.andi %iota3A_48, %and3A_50 : vector<256x128xi32>
    %eq3A = arith.constant 0 : i32
    %eq3A_52 = vector.broadcast %eq3A : i32 to vector<256x128xi32>
    %eq3A_53 = arith.cmpi eq, %and3A_51, %eq3A_52 : vector<256x128xi32>
    %roll3A = arith.constant 127 : i32
    %roll3A_54 = tpu.dynamic_rotate %select_n3A_47 by %roll3A dim 1 : vector<256x128xf32>, i32 -> vector<256x128xf32>
    %roll3A_55 = arith.constant 1 : i32
    %roll3A_56 = tpu.dynamic_rotate %select_n3A_47 by %roll3A_55 dim 1 : vector<256x128xf32>, i32 -> vector<256x128xf32>
    %select_n3A_57 = arith.select %eq3A_53, %roll3A_54, %roll3A_56 : vector<256x128xi1>, vector<256x128xf32>
    %and3A_58 = arith.constant 2 : i32
    %and3A_59 = vector.broadcast %and3A_58 : i32 to vector<256x128xi32>
    %and3A_60 = arith.andi %iota3A_48, %and3A_59 : vector<256x128xi32>
    %eq3A_61 = arith.constant 0 : i32
    %eq3A_62 = vector.broadcast %eq3A_61 : i32 to vector<256x128xi32>
    %eq3A_63 = arith.cmpi eq, %and3A_60, %eq3A_62 : vector<256x128xi32>
    %eq3A_64 = arith.xori %eq3A_63, %eq3A_53 : vector<256x128xi1>
    %eq3A_65 = arith.constant dense<true> : vector<256x128xi1>
    %eq3A_66 = arith.xori %eq3A_64, %eq3A_65 : vector<256x128xi1>
    %min3A = arith.minimumf %select_n3A_47, %select_n3A_57 : vector<256x128xf32>
    %max3A = arith.maximumf %select_n3A_47, %select_n3A_57 : vector<256x128xf32>
    %select_n3A_67 = arith.select %eq3A_66, %min3A, %max3A : vector<256x128xi1>, vector<256x128xf32>
    %and3A_68 = arith.constant 2 : i32
    %and3A_69 = vector.broadcast %and3A_68 : i32 to vector<256x128xi32>
    %and3A_70 = arith.andi %iota3A_48, %and3A_69 : vector<256x128xi32>
    %eq3A_71 = arith.constant 0 : i32
    %eq3A_72 = vector.broadcast %eq3A_71 : i32 to vector<256x128xi32>
    %eq3A_73 = arith.cmpi eq, %and3A_70, %eq3A_72 : vector<256x128xi32>
    %roll3A_74 = arith.constant 126 : i32
    %roll3A_75 = tpu.dynamic_rotate %select_n3A_67 by %roll3A_74 dim 1 : vector<256x128xf32>, i32 -> vector<256x128xf32>
    %roll3A_76 = arith.constant 2 : i32
    %roll3A_77 = tpu.dynamic_rotate %select_n3A_67 by %roll3A_76 dim 1 : vector<256x128xf32>, i32 -> vector<256x128xf32>
    %select_n3A_78 = arith.select %eq3A_73, %roll3A_75, %roll3A_77 : vector<256x128xi1>, vector<256x128xf32>
    %and3A_79 = arith.constant 4 : i32
    %and3A_80 = vector.broadcast %and3A_79 : i32 to vector<256x128xi32>
    %and3A_81 = arith.andi %iota3A_48, %and3A_80 : vector<256x128xi32>
    %eq3A_82 = arith.constant 0 : i32
    %eq3A_83 = vector.broadcast %eq3A_82 : i32 to vector<256x128xi32>
    %eq3A_84 = arith.cmpi eq, %and3A_81, %eq3A_83 : vector<256x128xi32>
    %eq3A_85 = arith.xori %eq3A_84, %eq3A_73 : vector<256x128xi1>
    %eq3A_86 = arith.constant dense<true> : vector<256x128xi1>
    %eq3A_87 = arith.xori %eq3A_85, %eq3A_86 : vector<256x128xi1>
    %min3A_88 = arith.minimumf %select_n3A_67, %select_n3A_78 : vector<256x128xf32>
    %max3A_89 = arith.maximumf %select_n3A_67, %select_n3A_78 : vector<256x128xf32>
    %select_n3A_90 = arith.select %eq3A_87, %min3A_88, %max3A_89 : vector<256x128xi1>, vector<256x128xf32>
    %and3A_91 = arith.constant 1 : i32
    %and3A_92 = vector.broadcast %and3A_91 : i32 to vector<256x128xi32>
    %and3A_93 = arith.andi %iota3A_48, %and3A_92 : vector<256x128xi32>
    %eq3A_94 = arith.constant 0 : i32
    %eq3A_95 = vector.broadcast %eq3A_94 : i32 to vector<256x128xi32>
    %eq3A_96 = arith.cmpi eq, %and3A_93, %eq3A_95 : vector<256x128xi32>
    %roll3A_97 = arith.constant 127 : i32
    %roll3A_98 = tpu.dynamic_rotate %select_n3A_90 by %roll3A_97 dim 1 : vector<256x128xf32>, i32 -> vector<256x128xf32>
    %roll3A_99 = arith.constant 1 : i32
    %roll3A_100 = tpu.dynamic_rotate %select_n3A_90 by %roll3A_99 dim 1 : vector<256x128xf32>, i32 -> vector<256x128xf32>
    %select_n3A_101 = arith.select %eq3A_96, %roll3A_98, %roll3A_100 : vector<256x128xi1>, vector<256x128xf32>
    %and3A_102 = arith.constant 4 : i32
    %and3A_103 = vector.broadcast %and3A_102 : i32 to vector<256x128xi32>
    %and3A_104 = arith.andi %iota3A_48, %and3A_103 : vector<256x128xi32>
    %eq3A_105 = arith.constant 0 : i32
    %eq3A_106 = vector.broadcast %eq3A_105 : i32 to vector<256x128xi32>
    %eq3A_107 = arith.cmpi eq, %and3A_104, %eq3A_106 : vector<256x128xi32>
    %eq3A_108 = arith.xori %eq3A_107, %eq3A_96 : vector<256x128xi1>
    %eq3A_109 = arith.constant dense<true> : vector<256x128xi1>
    %eq3A_110 = arith.xori %eq3A_108, %eq3A_109 : vector<256x128xi1>
    %min3A_111 = arith.minimumf %select_n3A_90, %select_n3A_101 : vector<256x128xf32>
    %max3A_112 = arith.maximumf %select_n3A_90, %select_n3A_101 : vector<256x128xf32>
    %select_n3A_113 = arith.select %eq3A_110, %min3A_111, %max3A_112 : vector<256x128xi1>, vector<256x128xf32>
    %and3A_114 = arith.constant 4 : i32
    %and3A_115 = vector.broadcast %and3A_114 : i32 to vector<256x128xi32>
    %and3A_116 = arith.andi %iota3A_48, %and3A_115 : vector<256x128xi32>
    %eq3A_117 = arith.constant 0 : i32
    %eq3A_118 = vector.broadcast %eq3A_117 : i32 to vector<256x128xi32>
    %eq3A_119 = arith.cmpi eq, %and3A_116, %eq3A_118 : vector<256x128xi32>
    %roll3A_120 = arith.constant 124 : i32
    %roll3A_121 = tpu.dynamic_rotate %select_n3A_113 by %roll3A_120 dim 1 : vector<256x128xf32>, i32 -> vector<256x128xf32>
    %roll3A_122 = arith.constant 4 : i32
    %roll3A_123 = tpu.dynamic_rotate %select_n3A_113 by %roll3A_122 dim 1 : vector<256x128xf32>, i32 -> vector<256x128xf32>
    %select_n3A_124 = arith.select %eq3A_119, %roll3A_121, %roll3A_123 : vector<256x128xi1>, vector<256x128xf32>
    %and3A_125 = arith.constant 8 : i32
    %and3A_126 = vector.broadcast %and3A_125 : i32 to vector<256x128xi32>
    %and3A_127 = arith.andi %iota3A_48, %and3A_126 : vector<256x128xi32>
    %eq3A_128 = arith.constant 0 : i32
    %eq3A_129 = vector.broadcast %eq3A_128 : i32 to vector<256x128xi32>
    %eq3A_130 = arith.cmpi eq, %and3A_127, %eq3A_129 : vector<256x128xi32>
    %eq3A_131 = arith.xori %eq3A_130, %eq3A_119 : vector<256x128xi1>
    %eq3A_132 = arith.constant dense<true> : vector<256x128xi1>
    %eq3A_133 = arith.xori %eq3A_131, %eq3A_132 : vector<256x128xi1>
    %min3A_134 = arith.minimumf %select_n3A_113, %select_n3A_124 : vector<256x128xf32>
    %max3A_135 = arith.maximumf %select_n3A_113, %select_n3A_124 : vector<256x128xf32>
    %select_n3A_136 = arith.select %eq3A_133, %min3A_134, %max3A_135 : vector<256x128xi1>, vector<256x128xf32>
    %and3A_137 = arith.constant 2 : i32
    %and3A_138 = vector.broadcast %and3A_137 : i32 to vector<256x128xi32>
    %and3A_139 = arith.andi %iota3A_48, %and3A_138 : vector<256x128xi32>
    %eq3A_140 = arith.constant 0 : i32
    %eq3A_141 = vector.broadcast %eq3A_140 : i32 to vector<256x128xi32>
    %eq3A_142 = arith.cmpi eq, %and3A_139, %eq3A_141 : vector<256x128xi32>
    %roll3A_143 = arith.constant 126 : i32
    %roll3A_144 = tpu.dynamic_rotate %select_n3A_136 by %roll3A_143 dim 1 : vector<256x128xf32>, i32 -> vector<256x128xf32>
    %roll3A_145 = arith.constant 2 : i32
    %roll3A_146 = tpu.dynamic_rotate %select_n3A_136 by %roll3A_145 dim 1 : vector<256x128xf32>, i32 -> vector<256x128xf32>
    %select_n3A_147 = arith.select %eq3A_142, %roll3A_144, %roll3A_146 : vector<256x128xi1>, vector<256x128xf32>
    %and3A_148 = arith.constant 8 : i32
    %and3A_149 = vector.broadcast %and3A_148 : i32 to vector<256x128xi32>
    %and3A_150 = arith.andi %iota3A_48, %and3A_149 : vector<256x128xi32>
    %eq3A_151 = arith.constant 0 : i32
    %eq3A_152 = vector.broadcast %eq3A_151 : i32 to vector<256x128xi32>
    %eq3A_153 = arith.cmpi eq, %and3A_150, %eq3A_152 : vector<256x128xi32>
    %eq3A_154 = arith.xori %eq3A_153, %eq3A_142 : vector<256x128xi1>
    %eq3A_155 = arith.constant dense<true> : vector<256x128xi1>
    %eq3A_156 = arith.xori %eq3A_154, %eq3A_155 : vector<256x128xi1>
    %min3A_157 = arith.minimumf %select_n3A_136, %select_n3A_147 : vector<256x128xf32>
    %max3A_158 = arith.maximumf %select_n3A_136, %select_n3A_147 : vector<256x128xf32>
    %select_n3A_159 = arith.select %eq3A_156, %min3A_157, %max3A_158 : vector<256x128xi1>, vector<256x128xf32>
    %and3A_160 = arith.constant 1 : i32
    %and3A_161 = vector.broadcast %and3A_160 : i32 to vector<256x128xi32>
    %and3A_162 = arith.andi %iota3A_48, %and3A_161 : vector<256x128xi32>
    %eq3A_163 = arith.constant 0 : i32
    %eq3A_164 = vector.broadcast %eq3A_163 : i32 to vector<256x128xi32>
    %eq3A_165 = arith.cmpi eq, %and3A_162, %eq3A_164 : vector<256x128xi32>
    %roll3A_166 = arith.constant 127 : i32
    %roll3A_167 = tpu.dynamic_rotate %select_n3A_159 by %roll3A_166 dim 1 : vector<256x128xf32>, i32 -> vector<256x128xf32>
    %roll3A_168 = arith.constant 1 : i32
    %roll3A_169 = tpu.dynamic_rotate %select_n3A_159 by %roll3A_168 dim 1 : vector<256x128xf32>, i32 -> vector<256x128xf32>
    %select_n3A_170 = arith.select %eq3A_165, %roll3A_167, %roll3A_169 : vector<256x128xi1>, vector<256x128xf32>
    %and3A_171 = arith.constant 8 : i32
    %and3A_172 = vector.broadcast %and3A_171 : i32 to vector<256x128xi32>
    %and3A_173 = arith.andi %iota3A_48, %and3A_172 : vector<256x128xi32>
    %eq3A_174 = arith.constant 0 : i32
    %eq3A_175 = vector.broadcast %eq3A_174 : i32 to vector<256x128xi32>
    %eq3A_176 = arith.cmpi eq, %and3A_173, %eq3A_175 : vector<256x128xi32>
    %eq3A_177 = arith.xori %eq3A_176, %eq3A_165 : vector<256x128xi1>
    %eq3A_178 = arith.constant dense<true> : vector<256x128xi1>
    %eq3A_179 = arith.xori %eq3A_177, %eq3A_178 : vector<256x128xi1>
    %min3A_180 = arith.minimumf %select_n3A_159, %select_n3A_170 : vector<256x128xf32>
    %max3A_181 = arith.maximumf %select_n3A_159, %select_n3A_170 : vector<256x128xf32>
    %select_n3A_182 = arith.select %eq3A_179, %min3A_180, %max3A_181 : vector<256x128xi1>, vector<256x128xf32>
    %and3A_183 = arith.constant 8 : i32
    %and3A_184 = vector.broadcast %and3A_183 : i32 to vector<256x128xi32>
    %and3A_185 = arith.andi %iota3A_48, %and3A_184 : vector<256x128xi32>
    %eq3A_186 = arith.constant 0 : i32
    %eq3A_187 = vector.broadcast %eq3A_186 : i32 to vector<256x128xi32>
    %eq3A_188 = arith.cmpi eq, %and3A_185, %eq3A_187 : vector<256x128xi32>
    %roll3A_189 = arith.constant 120 : i32
    %roll3A_190 = tpu.dynamic_rotate %select_n3A_182 by %roll3A_189 dim 1 : vector<256x128xf32>, i32 -> vector<256x128xf32>
    %roll3A_191 = arith.constant 8 : i32
    %roll3A_192 = tpu.dynamic_rotate %select_n3A_182 by %roll3A_191 dim 1 : vector<256x128xf32>, i32 -> vector<256x128xf32>
    %select_n3A_193 = arith.select %eq3A_188, %roll3A_190, %roll3A_192 : vector<256x128xi1>, vector<256x128xf32>
    %and3A_194 = arith.constant 16 : i32
    %and3A_195 = vector.broadcast %and3A_194 : i32 to vector<256x128xi32>
    %and3A_196 = arith.andi %iota3A_48, %and3A_195 : vector<256x128xi32>
    %eq3A_197 = arith.constant 0 : i32
    %eq3A_198 = vector.broadcast %eq3A_197 : i32 to vector<256x128xi32>
    %eq3A_199 = arith.cmpi eq, %and3A_196, %eq3A_198 : vector<256x128xi32>
    %eq3A_200 = arith.xori %eq3A_199, %eq3A_188 : vector<256x128xi1>
    %eq3A_201 = arith.constant dense<true> : vector<256x128xi1>
    %eq3A_202 = arith.xori %eq3A_200, %eq3A_201 : vector<256x128xi1>
    %min3A_203 = arith.minimumf %select_n3A_182, %select_n3A_193 : vector<256x128xf32>
    %max3A_204 = arith.maximumf %select_n3A_182, %select_n3A_193 : vector<256x128xf32>
    %select_n3A_205 = arith.select %eq3A_202, %min3A_203, %max3A_204 : vector<256x128xi1>, vector<256x128xf32>
    %and3A_206 = arith.constant 4 : i32
    %and3A_207 = vector.broadcast %and3A_206 : i32 to vector<256x128xi32>
    %and3A_208 = arith.andi %iota3A_48, %and3A_207 : vector<256x128xi32>
    %eq3A_209 = arith.constant 0 : i32
    %eq3A_210 = vector.broadcast %eq3A_209 : i32 to vector<256x128xi32>
    %eq3A_211 = arith.cmpi eq, %and3A_208, %eq3A_210 : vector<256x128xi32>
    %roll3A_212 = arith.constant 124 : i32
    %roll3A_213 = tpu.dynamic_rotate %select_n3A_205 by %roll3A_212 dim 1 : vector<256x128xf32>, i32 -> vector<256x128xf32>
    %roll3A_214 = arith.constant 4 : i32
    %roll3A_215 = tpu.dynamic_rotate %select_n3A_205 by %roll3A_214 dim 1 : vector<256x128xf32>, i32 -> vector<256x128xf32>
    %select_n3A_216 = arith.select %eq3A_211, %roll3A_213, %roll3A_215 : vector<256x128xi1>, vector<256x128xf32>
    %and3A_217 = arith.constant 16 : i32
    %and3A_218 = vector.broadcast %and3A_217 : i32 to vector<256x128xi32>
    %and3A_219 = arith.andi %iota3A_48, %and3A_218 : vector<256x128xi32>
    %eq3A_220 = arith.constant 0 : i32
    %eq3A_221 = vector.broadcast %eq3A_220 : i32 to vector<256x128xi32>
    %eq3A_222 = arith.cmpi eq, %and3A_219, %eq3A_221 : vector<256x128xi32>
    %eq3A_223 = arith.xori %eq3A_222, %eq3A_211 : vector<256x128xi1>
    %eq3A_224 = arith.constant dense<true> : vector<256x128xi1>
    %eq3A_225 = arith.xori %eq3A_223, %eq3A_224 : vector<256x128xi1>
    %min3A_226 = arith.minimumf %select_n3A_205, %select_n3A_216 : vector<256x128xf32>
    %max3A_227 = arith.maximumf %select_n3A_205, %select_n3A_216 : vector<256x128xf32>
    %select_n3A_228 = arith.select %eq3A_225, %min3A_226, %max3A_227 : vector<256x128xi1>, vector<256x128xf32>
    %and3A_229 = arith.constant 2 : i32
    %and3A_230 = vector.broadcast %and3A_229 : i32 to vector<256x128xi32>
    %and3A_231 = arith.andi %iota3A_48, %and3A_230 : vector<256x128xi32>
    %eq3A_232 = arith.constant 0 : i32
    %eq3A_233 = vector.broadcast %eq3A_232 : i32 to vector<256x128xi32>
    %eq3A_234 = arith.cmpi eq, %and3A_231, %eq3A_233 : vector<256x128xi32>
    %roll3A_235 = arith.constant 126 : i32
    %roll3A_236 = tpu.dynamic_rotate %select_n3A_228 by %roll3A_235 dim 1 : vector<256x128xf32>, i32 -> vector<256x128xf32>
    %roll3A_237 = arith.constant 2 : i32
    %roll3A_238 = tpu.dynamic_rotate %select_n3A_228 by %roll3A_237 dim 1 : vector<256x128xf32>, i32 -> vector<256x128xf32>
    %select_n3A_239 = arith.select %eq3A_234, %roll3A_236, %roll3A_238 : vector<256x128xi1>, vector<256x128xf32>
    %and3A_240 = arith.constant 16 : i32
    %and3A_241 = vector.broadcast %and3A_240 : i32 to vector<256x128xi32>
    %and3A_242 = arith.andi %iota3A_48, %and3A_241 : vector<256x128xi32>
    %eq3A_243 = arith.constant 0 : i32
    %eq3A_244 = vector.broadcast %eq3A_243 : i32 to vector<256x128xi32>
    %eq3A_245 = arith.cmpi eq, %and3A_242, %eq3A_244 : vector<256x128xi32>
    %eq3A_246 = arith.xori %eq3A_245, %eq3A_234 : vector<256x128xi1>
    %eq3A_247 = arith.constant dense<true> : vector<256x128xi1>
    %eq3A_248 = arith.xori %eq3A_246, %eq3A_247 : vector<256x128xi1>
    %min3A_249 = arith.minimumf %select_n3A_228, %select_n3A_239 : vector<256x128xf32>
    %max3A_250 = arith.maximumf %select_n3A_228, %select_n3A_239 : vector<256x128xf32>
    %select_n3A_251 = arith.select %eq3A_248, %min3A_249, %max3A_250 : vector<256x128xi1>, vector<256x128xf32>
    %and3A_252 = arith.constant 1 : i32
    %and3A_253 = vector.broadcast %and3A_252 : i32 to vector<256x128xi32>
    %and3A_254 = arith.andi %iota3A_48, %and3A_253 : vector<256x128xi32>
    %eq3A_255 = arith.constant 0 : i32
    %eq3A_256 = vector.broadcast %eq3A_255 : i32 to vector<256x128xi32>
    %eq3A_257 = arith.cmpi eq, %and3A_254, %eq3A_256 : vector<256x128xi32>
    %roll3A_258 = arith.constant 127 : i32
    %roll3A_259 = tpu.dynamic_rotate %select_n3A_251 by %roll3A_258 dim 1 : vector<256x128xf32>, i32 -> vector<256x128xf32>
    %roll3A_260 = arith.constant 1 : i32
    %roll3A_261 = tpu.dynamic_rotate %select_n3A_251 by %roll3A_260 dim 1 : vector<256x128xf32>, i32 -> vector<256x128xf32>
    %select_n3A_262 = arith.select %eq3A_257, %roll3A_259, %roll3A_261 : vector<256x128xi1>, vector<256x128xf32>
    %and3A_263 = arith.constant 16 : i32
    %and3A_264 = vector.broadcast %and3A_263 : i32 to vector<256x128xi32>
    %and3A_265 = arith.andi %iota3A_48, %and3A_264 : vector<256x128xi32>
    %eq3A_266 = arith.constant 0 : i32
    %eq3A_267 = vector.broadcast %eq3A_266 : i32 to vector<256x128xi32>
    %eq3A_268 = arith.cmpi eq, %and3A_265, %eq3A_267 : vector<256x128xi32>
    %eq3A_269 = arith.xori %eq3A_268, %eq3A_257 : vector<256x128xi1>
    %eq3A_270 = arith.constant dense<true> : vector<256x128xi1>
    %eq3A_271 = arith.xori %eq3A_269, %eq3A_270 : vector<256x128xi1>
    %min3A_272 = arith.minimumf %select_n3A_251, %select_n3A_262 : vector<256x128xf32>
    %max3A_273 = arith.maximumf %select_n3A_251, %select_n3A_262 : vector<256x128xf32>
    %select_n3A_274 = arith.select %eq3A_271, %min3A_272, %max3A_273 : vector<256x128xi1>, vector<256x128xf32>
    %and3A_275 = arith.constant 16 : i32
    %and3A_276 = vector.broadcast %and3A_275 : i32 to vector<256x128xi32>
    %and3A_277 = arith.andi %iota3A_48, %and3A_276 : vector<256x128xi32>
    %eq3A_278 = arith.constant 0 : i32
    %eq3A_279 = vector.broadcast %eq3A_278 : i32 to vector<256x128xi32>
    %eq3A_280 = arith.cmpi eq, %and3A_277, %eq3A_279 : vector<256x128xi32>
    %roll3A_281 = arith.constant 112 : i32
    %roll3A_282 = tpu.dynamic_rotate %select_n3A_274 by %roll3A_281 dim 1 : vector<256x128xf32>, i32 -> vector<256x128xf32>
    %roll3A_283 = arith.constant 16 : i32
    %roll3A_284 = tpu.dynamic_rotate %select_n3A_274 by %roll3A_283 dim 1 : vector<256x128xf32>, i32 -> vector<256x128xf32>
    %select_n3A_285 = arith.select %eq3A_280, %roll3A_282, %roll3A_284 : vector<256x128xi1>, vector<256x128xf32>
    %and3A_286 = arith.constant 32 : i32
    %and3A_287 = vector.broadcast %and3A_286 : i32 to vector<256x128xi32>
    %and3A_288 = arith.andi %iota3A_48, %and3A_287 : vector<256x128xi32>
    %eq3A_289 = arith.constant 0 : i32
    %eq3A_290 = vector.broadcast %eq3A_289 : i32 to vector<256x128xi32>
    %eq3A_291 = arith.cmpi eq, %and3A_288, %eq3A_290 : vector<256x128xi32>
    %eq3A_292 = arith.xori %eq3A_291, %eq3A_280 : vector<256x128xi1>
    %eq3A_293 = arith.constant dense<true> : vector<256x128xi1>
    %eq3A_294 = arith.xori %eq3A_292, %eq3A_293 : vector<256x128xi1>
    %min3A_295 = arith.minimumf %select_n3A_274, %select_n3A_285 : vector<256x128xf32>
    %max3A_296 = arith.maximumf %select_n3A_274, %select_n3A_285 : vector<256x128xf32>
    %select_n3A_297 = arith.select %eq3A_294, %min3A_295, %max3A_296 : vector<256x128xi1>, vector<256x128xf32>
    %and3A_298 = arith.constant 8 : i32
    %and3A_299 = vector.broadcast %and3A_298 : i32 to vector<256x128xi32>
    %and3A_300 = arith.andi %iota3A_48, %and3A_299 : vector<256x128xi32>
    %eq3A_301 = arith.constant 0 : i32
    %eq3A_302 = vector.broadcast %eq3A_301 : i32 to vector<256x128xi32>
    %eq3A_303 = arith.cmpi eq, %and3A_300, %eq3A_302 : vector<256x128xi32>
    %roll3A_304 = arith.constant 120 : i32
    %roll3A_305 = tpu.dynamic_rotate %select_n3A_297 by %roll3A_304 dim 1 : vector<256x128xf32>, i32 -> vector<256x128xf32>
    %roll3A_306 = arith.constant 8 : i32
    %roll3A_307 = tpu.dynamic_rotate %select_n3A_297 by %roll3A_306 dim 1 : vector<256x128xf32>, i32 -> vector<256x128xf32>
    %select_n3A_308 = arith.select %eq3A_303, %roll3A_305, %roll3A_307 : vector<256x128xi1>, vector<256x128xf32>
    %and3A_309 = arith.constant 32 : i32
    %and3A_310 = vector.broadcast %and3A_309 : i32 to vector<256x128xi32>
    %and3A_311 = arith.andi %iota3A_48, %and3A_310 : vector<256x128xi32>
    %eq3A_312 = arith.constant 0 : i32
    %eq3A_313 = vector.broadcast %eq3A_312 : i32 to vector<256x128xi32>
    %eq3A_314 = arith.cmpi eq, %and3A_311, %eq3A_313 : vector<256x128xi32>
    %eq3A_315 = arith.xori %eq3A_314, %eq3A_303 : vector<256x128xi1>
    %eq3A_316 = arith.constant dense<true> : vector<256x128xi1>
    %eq3A_317 = arith.xori %eq3A_315, %eq3A_316 : vector<256x128xi1>
    %min3A_318 = arith.minimumf %select_n3A_297, %select_n3A_308 : vector<256x128xf32>
    %max3A_319 = arith.maximumf %select_n3A_297, %select_n3A_308 : vector<256x128xf32>
    %select_n3A_320 = arith.select %eq3A_317, %min3A_318, %max3A_319 : vector<256x128xi1>, vector<256x128xf32>
    %and3A_321 = arith.constant 4 : i32
    %and3A_322 = vector.broadcast %and3A_321 : i32 to vector<256x128xi32>
    %and3A_323 = arith.andi %iota3A_48, %and3A_322 : vector<256x128xi32>
    %eq3A_324 = arith.constant 0 : i32
    %eq3A_325 = vector.broadcast %eq3A_324 : i32 to vector<256x128xi32>
    %eq3A_326 = arith.cmpi eq, %and3A_323, %eq3A_325 : vector<256x128xi32>
    %roll3A_327 = arith.constant 124 : i32
    %roll3A_328 = tpu.dynamic_rotate %select_n3A_320 by %roll3A_327 dim 1 : vector<256x128xf32>, i32 -> vector<256x128xf32>
    %roll3A_329 = arith.constant 4 : i32
    %roll3A_330 = tpu.dynamic_rotate %select_n3A_320 by %roll3A_329 dim 1 : vector<256x128xf32>, i32 -> vector<256x128xf32>
    %select_n3A_331 = arith.select %eq3A_326, %roll3A_328, %roll3A_330 : vector<256x128xi1>, vector<256x128xf32>
    %and3A_332 = arith.constant 32 : i32
    %and3A_333 = vector.broadcast %and3A_332 : i32 to vector<256x128xi32>
    %and3A_334 = arith.andi %iota3A_48, %and3A_333 : vector<256x128xi32>
    %eq3A_335 = arith.constant 0 : i32
    %eq3A_336 = vector.broadcast %eq3A_335 : i32 to vector<256x128xi32>
    %eq3A_337 = arith.cmpi eq, %and3A_334, %eq3A_336 : vector<256x128xi32>
    %eq3A_338 = arith.xori %eq3A_337, %eq3A_326 : vector<256x128xi1>
    %eq3A_339 = arith.constant dense<true> : vector<256x128xi1>
    %eq3A_340 = arith.xori %eq3A_338, %eq3A_339 : vector<256x128xi1>
    %min3A_341 = arith.minimumf %select_n3A_320, %select_n3A_331 : vector<256x128xf32>
    %max3A_342 = arith.maximumf %select_n3A_320, %select_n3A_331 : vector<256x128xf32>
    %select_n3A_343 = arith.select %eq3A_340, %min3A_341, %max3A_342 : vector<256x128xi1>, vector<256x128xf32>
    %and3A_344 = arith.constant 2 : i32
    %and3A_345 = vector.broadcast %and3A_344 : i32 to vector<256x128xi32>
    %and3A_346 = arith.andi %iota3A_48, %and3A_345 : vector<256x128xi32>
    %eq3A_347 = arith.constant 0 : i32
    %eq3A_348 = vector.broadcast %eq3A_347 : i32 to vector<256x128xi32>
    %eq3A_349 = arith.cmpi eq, %and3A_346, %eq3A_348 : vector<256x128xi32>
    %roll3A_350 = arith.constant 126 : i32
    %roll3A_351 = tpu.dynamic_rotate %select_n3A_343 by %roll3A_350 dim 1 : vector<256x128xf32>, i32 -> vector<256x128xf32>
    %roll3A_352 = arith.constant 2 : i32
    %roll3A_353 = tpu.dynamic_rotate %select_n3A_343 by %roll3A_352 dim 1 : vector<256x128xf32>, i32 -> vector<256x128xf32>
    %select_n3A_354 = arith.select %eq3A_349, %roll3A_351, %roll3A_353 : vector<256x128xi1>, vector<256x128xf32>
    %and3A_355 = arith.constant 32 : i32
    %and3A_356 = vector.broadcast %and3A_355 : i32 to vector<256x128xi32>
    %and3A_357 = arith.andi %iota3A_48, %and3A_356 : vector<256x128xi32>
    %eq3A_358 = arith.constant 0 : i32
    %eq3A_359 = vector.broadcast %eq3A_358 : i32 to vector<256x128xi32>
    %eq3A_360 = arith.cmpi eq, %and3A_357, %eq3A_359 : vector<256x128xi32>
    %eq3A_361 = arith.xori %eq3A_360, %eq3A_349 : vector<256x128xi1>
    %eq3A_362 = arith.constant dense<true> : vector<256x128xi1>
    %eq3A_363 = arith.xori %eq3A_361, %eq3A_362 : vector<256x128xi1>
    %min3A_364 = arith.minimumf %select_n3A_343, %select_n3A_354 : vector<256x128xf32>
    %max3A_365 = arith.maximumf %select_n3A_343, %select_n3A_354 : vector<256x128xf32>
    %select_n3A_366 = arith.select %eq3A_363, %min3A_364, %max3A_365 : vector<256x128xi1>, vector<256x128xf32>
    %and3A_367 = arith.constant 1 : i32
    %and3A_368 = vector.broadcast %and3A_367 : i32 to vector<256x128xi32>
    %and3A_369 = arith.andi %iota3A_48, %and3A_368 : vector<256x128xi32>
    %eq3A_370 = arith.constant 0 : i32
    %eq3A_371 = vector.broadcast %eq3A_370 : i32 to vector<256x128xi32>
    %eq3A_372 = arith.cmpi eq, %and3A_369, %eq3A_371 : vector<256x128xi32>
    %roll3A_373 = arith.constant 127 : i32
    %roll3A_374 = tpu.dynamic_rotate %select_n3A_366 by %roll3A_373 dim 1 : vector<256x128xf32>, i32 -> vector<256x128xf32>
    %roll3A_375 = arith.constant 1 : i32
    %roll3A_376 = tpu.dynamic_rotate %select_n3A_366 by %roll3A_375 dim 1 : vector<256x128xf32>, i32 -> vector<256x128xf32>
    %select_n3A_377 = arith.select %eq3A_372, %roll3A_374, %roll3A_376 : vector<256x128xi1>, vector<256x128xf32>
    %and3A_378 = arith.constant 32 : i32
    %and3A_379 = vector.broadcast %and3A_378 : i32 to vector<256x128xi32>
    %and3A_380 = arith.andi %iota3A_48, %and3A_379 : vector<256x128xi32>
    %eq3A_381 = arith.constant 0 : i32
    %eq3A_382 = vector.broadcast %eq3A_381 : i32 to vector<256x128xi32>
    %eq3A_383 = arith.cmpi eq, %and3A_380, %eq3A_382 : vector<256x128xi32>
    %eq3A_384 = arith.xori %eq3A_383, %eq3A_372 : vector<256x128xi1>
    %eq3A_385 = arith.constant dense<true> : vector<256x128xi1>
    %eq3A_386 = arith.xori %eq3A_384, %eq3A_385 : vector<256x128xi1>
    %min3A_387 = arith.minimumf %select_n3A_366, %select_n3A_377 : vector<256x128xf32>
    %max3A_388 = arith.maximumf %select_n3A_366, %select_n3A_377 : vector<256x128xf32>
    %select_n3A_389 = arith.select %eq3A_386, %min3A_387, %max3A_388 : vector<256x128xi1>, vector<256x128xf32>
    %and3A_390 = arith.constant 32 : i32
    %and3A_391 = vector.broadcast %and3A_390 : i32 to vector<256x128xi32>
    %and3A_392 = arith.andi %iota3A_48, %and3A_391 : vector<256x128xi32>
    %eq3A_393 = arith.constant 0 : i32
    %eq3A_394 = vector.broadcast %eq3A_393 : i32 to vector<256x128xi32>
    %eq3A_395 = arith.cmpi eq, %and3A_392, %eq3A_394 : vector<256x128xi32>
    %roll3A_396 = arith.constant 96 : i32
    %roll3A_397 = tpu.dynamic_rotate %select_n3A_389 by %roll3A_396 dim 1 : vector<256x128xf32>, i32 -> vector<256x128xf32>
    %roll3A_398 = arith.constant 32 : i32
    %roll3A_399 = tpu.dynamic_rotate %select_n3A_389 by %roll3A_398 dim 1 : vector<256x128xf32>, i32 -> vector<256x128xf32>
    %select_n3A_400 = arith.select %eq3A_395, %roll3A_397, %roll3A_399 : vector<256x128xi1>, vector<256x128xf32>
    %and3A_401 = arith.constant 64 : i32
    %and3A_402 = vector.broadcast %and3A_401 : i32 to vector<256x128xi32>
    %and3A_403 = arith.andi %iota3A_48, %and3A_402 : vector<256x128xi32>
    %eq3A_404 = arith.constant 0 : i32
    %eq3A_405 = vector.broadcast %eq3A_404 : i32 to vector<256x128xi32>
    %eq3A_406 = arith.cmpi eq, %and3A_403, %eq3A_405 : vector<256x128xi32>
    %eq3A_407 = arith.xori %eq3A_406, %eq3A_395 : vector<256x128xi1>
    %eq3A_408 = arith.constant dense<true> : vector<256x128xi1>
    %eq3A_409 = arith.xori %eq3A_407, %eq3A_408 : vector<256x128xi1>
    %min3A_410 = arith.minimumf %select_n3A_389, %select_n3A_400 : vector<256x128xf32>
    %max3A_411 = arith.maximumf %select_n3A_389, %select_n3A_400 : vector<256x128xf32>
    %select_n3A_412 = arith.select %eq3A_409, %min3A_410, %max3A_411 : vector<256x128xi1>, vector<256x128xf32>
    %and3A_413 = arith.constant 16 : i32
    %and3A_414 = vector.broadcast %and3A_413 : i32 to vector<256x128xi32>
    %and3A_415 = arith.andi %iota3A_48, %and3A_414 : vector<256x128xi32>
    %eq3A_416 = arith.constant 0 : i32
    %eq3A_417 = vector.broadcast %eq3A_416 : i32 to vector<256x128xi32>
    %eq3A_418 = arith.cmpi eq, %and3A_415, %eq3A_417 : vector<256x128xi32>
    %roll3A_419 = arith.constant 112 : i32
    %roll3A_420 = tpu.dynamic_rotate %select_n3A_412 by %roll3A_419 dim 1 : vector<256x128xf32>, i32 -> vector<256x128xf32>
    %roll3A_421 = arith.constant 16 : i32
    %roll3A_422 = tpu.dynamic_rotate %select_n3A_412 by %roll3A_421 dim 1 : vector<256x128xf32>, i32 -> vector<256x128xf32>
    %select_n3A_423 = arith.select %eq3A_418, %roll3A_420, %roll3A_422 : vector<256x128xi1>, vector<256x128xf32>
    %and3A_424 = arith.constant 64 : i32
    %and3A_425 = vector.broadcast %and3A_424 : i32 to vector<256x128xi32>
    %and3A_426 = arith.andi %iota3A_48, %and3A_425 : vector<256x128xi32>
    %eq3A_427 = arith.constant 0 : i32
    %eq3A_428 = vector.broadcast %eq3A_427 : i32 to vector<256x128xi32>
    %eq3A_429 = arith.cmpi eq, %and3A_426, %eq3A_428 : vector<256x128xi32>
    %eq3A_430 = arith.xori %eq3A_429, %eq3A_418 : vector<256x128xi1>
    %eq3A_431 = arith.constant dense<true> : vector<256x128xi1>
    %eq3A_432 = arith.xori %eq3A_430, %eq3A_431 : vector<256x128xi1>
    %min3A_433 = arith.minimumf %select_n3A_412, %select_n3A_423 : vector<256x128xf32>
    %max3A_434 = arith.maximumf %select_n3A_412, %select_n3A_423 : vector<256x128xf32>
    %select_n3A_435 = arith.select %eq3A_432, %min3A_433, %max3A_434 : vector<256x128xi1>, vector<256x128xf32>
    %and3A_436 = arith.constant 8 : i32
    %and3A_437 = vector.broadcast %and3A_436 : i32 to vector<256x128xi32>
    %and3A_438 = arith.andi %iota3A_48, %and3A_437 : vector<256x128xi32>
    %eq3A_439 = arith.constant 0 : i32
    %eq3A_440 = vector.broadcast %eq3A_439 : i32 to vector<256x128xi32>
    %eq3A_441 = arith.cmpi eq, %and3A_438, %eq3A_440 : vector<256x128xi32>
    %roll3A_442 = arith.constant 120 : i32
    %roll3A_443 = tpu.dynamic_rotate %select_n3A_435 by %roll3A_442 dim 1 : vector<256x128xf32>, i32 -> vector<256x128xf32>
    %roll3A_444 = arith.constant 8 : i32
    %roll3A_445 = tpu.dynamic_rotate %select_n3A_435 by %roll3A_444 dim 1 : vector<256x128xf32>, i32 -> vector<256x128xf32>
    %select_n3A_446 = arith.select %eq3A_441, %roll3A_443, %roll3A_445 : vector<256x128xi1>, vector<256x128xf32>
    %and3A_447 = arith.constant 64 : i32
    %and3A_448 = vector.broadcast %and3A_447 : i32 to vector<256x128xi32>
    %and3A_449 = arith.andi %iota3A_48, %and3A_448 : vector<256x128xi32>
    %eq3A_450 = arith.constant 0 : i32
    %eq3A_451 = vector.broadcast %eq3A_450 : i32 to vector<256x128xi32>
    %eq3A_452 = arith.cmpi eq, %and3A_449, %eq3A_451 : vector<256x128xi32>
    %eq3A_453 = arith.xori %eq3A_452, %eq3A_441 : vector<256x128xi1>
    %eq3A_454 = arith.constant dense<true> : vector<256x128xi1>
    %eq3A_455 = arith.xori %eq3A_453, %eq3A_454 : vector<256x128xi1>
    %min3A_456 = arith.minimumf %select_n3A_435, %select_n3A_446 : vector<256x128xf32>
    %max3A_457 = arith.maximumf %select_n3A_435, %select_n3A_446 : vector<256x128xf32>
    %select_n3A_458 = arith.select %eq3A_455, %min3A_456, %max3A_457 : vector<256x128xi1>, vector<256x128xf32>
    %and3A_459 = arith.constant 4 : i32
    %and3A_460 = vector.broadcast %and3A_459 : i32 to vector<256x128xi32>
    %and3A_461 = arith.andi %iota3A_48, %and3A_460 : vector<256x128xi32>
    %eq3A_462 = arith.constant 0 : i32
    %eq3A_463 = vector.broadcast %eq3A_462 : i32 to vector<256x128xi32>
    %eq3A_464 = arith.cmpi eq, %and3A_461, %eq3A_463 : vector<256x128xi32>
    %roll3A_465 = arith.constant 124 : i32
    %roll3A_466 = tpu.dynamic_rotate %select_n3A_458 by %roll3A_465 dim 1 : vector<256x128xf32>, i32 -> vector<256x128xf32>
    %roll3A_467 = arith.constant 4 : i32
    %roll3A_468 = tpu.dynamic_rotate %select_n3A_458 by %roll3A_467 dim 1 : vector<256x128xf32>, i32 -> vector<256x128xf32>
    %select_n3A_469 = arith.select %eq3A_464, %roll3A_466, %roll3A_468 : vector<256x128xi1>, vector<256x128xf32>
    %and3A_470 = arith.constant 64 : i32
    %and3A_471 = vector.broadcast %and3A_470 : i32 to vector<256x128xi32>
    %and3A_472 = arith.andi %iota3A_48, %and3A_471 : vector<256x128xi32>
    %eq3A_473 = arith.constant 0 : i32
    %eq3A_474 = vector.broadcast %eq3A_473 : i32 to vector<256x128xi32>
    %eq3A_475 = arith.cmpi eq, %and3A_472, %eq3A_474 : vector<256x128xi32>
    %eq3A_476 = arith.xori %eq3A_475, %eq3A_464 : vector<256x128xi1>
    %eq3A_477 = arith.constant dense<true> : vector<256x128xi1>
    %eq3A_478 = arith.xori %eq3A_476, %eq3A_477 : vector<256x128xi1>
    %min3A_479 = arith.minimumf %select_n3A_458, %select_n3A_469 : vector<256x128xf32>
    %max3A_480 = arith.maximumf %select_n3A_458, %select_n3A_469 : vector<256x128xf32>
    %select_n3A_481 = arith.select %eq3A_478, %min3A_479, %max3A_480 : vector<256x128xi1>, vector<256x128xf32>
    %and3A_482 = arith.constant 2 : i32
    %and3A_483 = vector.broadcast %and3A_482 : i32 to vector<256x128xi32>
    %and3A_484 = arith.andi %iota3A_48, %and3A_483 : vector<256x128xi32>
    %eq3A_485 = arith.constant 0 : i32
    %eq3A_486 = vector.broadcast %eq3A_485 : i32 to vector<256x128xi32>
    %eq3A_487 = arith.cmpi eq, %and3A_484, %eq3A_486 : vector<256x128xi32>
    %roll3A_488 = arith.constant 126 : i32
    %roll3A_489 = tpu.dynamic_rotate %select_n3A_481 by %roll3A_488 dim 1 : vector<256x128xf32>, i32 -> vector<256x128xf32>
    %roll3A_490 = arith.constant 2 : i32
    %roll3A_491 = tpu.dynamic_rotate %select_n3A_481 by %roll3A_490 dim 1 : vector<256x128xf32>, i32 -> vector<256x128xf32>
    %select_n3A_492 = arith.select %eq3A_487, %roll3A_489, %roll3A_491 : vector<256x128xi1>, vector<256x128xf32>
    %and3A_493 = arith.constant 64 : i32
    %and3A_494 = vector.broadcast %and3A_493 : i32 to vector<256x128xi32>
    %and3A_495 = arith.andi %iota3A_48, %and3A_494 : vector<256x128xi32>
    %eq3A_496 = arith.constant 0 : i32
    %eq3A_497 = vector.broadcast %eq3A_496 : i32 to vector<256x128xi32>
    %eq3A_498 = arith.cmpi eq, %and3A_495, %eq3A_497 : vector<256x128xi32>
    %eq3A_499 = arith.xori %eq3A_498, %eq3A_487 : vector<256x128xi1>
    %eq3A_500 = arith.constant dense<true> : vector<256x128xi1>
    %eq3A_501 = arith.xori %eq3A_499, %eq3A_500 : vector<256x128xi1>
    %min3A_502 = arith.minimumf %select_n3A_481, %select_n3A_492 : vector<256x128xf32>
    %max3A_503 = arith.maximumf %select_n3A_481, %select_n3A_492 : vector<256x128xf32>
    %select_n3A_504 = arith.select %eq3A_501, %min3A_502, %max3A_503 : vector<256x128xi1>, vector<256x128xf32>
    %and3A_505 = arith.constant 1 : i32
    %and3A_506 = vector.broadcast %and3A_505 : i32 to vector<256x128xi32>
    %and3A_507 = arith.andi %iota3A_48, %and3A_506 : vector<256x128xi32>
    %eq3A_508 = arith.constant 0 : i32
    %eq3A_509 = vector.broadcast %eq3A_508 : i32 to vector<256x128xi32>
    %eq3A_510 = arith.cmpi eq, %and3A_507, %eq3A_509 : vector<256x128xi32>
    %roll3A_511 = arith.constant 127 : i32
    %roll3A_512 = tpu.dynamic_rotate %select_n3A_504 by %roll3A_511 dim 1 : vector<256x128xf32>, i32 -> vector<256x128xf32>
    %roll3A_513 = arith.constant 1 : i32
    %roll3A_514 = tpu.dynamic_rotate %select_n3A_504 by %roll3A_513 dim 1 : vector<256x128xf32>, i32 -> vector<256x128xf32>
    %select_n3A_515 = arith.select %eq3A_510, %roll3A_512, %roll3A_514 : vector<256x128xi1>, vector<256x128xf32>
    %and3A_516 = arith.constant 64 : i32
    %and3A_517 = vector.broadcast %and3A_516 : i32 to vector<256x128xi32>
    %and3A_518 = arith.andi %iota3A_48, %and3A_517 : vector<256x128xi32>
    %eq3A_519 = arith.constant 0 : i32
    %eq3A_520 = vector.broadcast %eq3A_519 : i32 to vector<256x128xi32>
    %eq3A_521 = arith.cmpi eq, %and3A_518, %eq3A_520 : vector<256x128xi32>
    %eq3A_522 = arith.xori %eq3A_521, %eq3A_510 : vector<256x128xi1>
    %eq3A_523 = arith.constant dense<true> : vector<256x128xi1>
    %eq3A_524 = arith.xori %eq3A_522, %eq3A_523 : vector<256x128xi1>
    %min3A_525 = arith.minimumf %select_n3A_504, %select_n3A_515 : vector<256x128xf32>
    %max3A_526 = arith.maximumf %select_n3A_504, %select_n3A_515 : vector<256x128xf32>
    %select_n3A_527 = arith.select %eq3A_524, %min3A_525, %max3A_526 : vector<256x128xi1>, vector<256x128xf32>
    %and3A_528 = arith.constant 64 : i32
    %and3A_529 = vector.broadcast %and3A_528 : i32 to vector<256x128xi32>
    %and3A_530 = arith.andi %iota3A_48, %and3A_529 : vector<256x128xi32>
    %eq3A_531 = arith.constant 0 : i32
    %eq3A_532 = vector.broadcast %eq3A_531 : i32 to vector<256x128xi32>
    %eq3A_533 = arith.cmpi eq, %and3A_530, %eq3A_532 : vector<256x128xi32>
    %roll3A_534 = arith.constant 64 : i32
    %roll3A_535 = tpu.dynamic_rotate %select_n3A_527 by %roll3A_534 dim 1 : vector<256x128xf32>, i32 -> vector<256x128xf32>
    %roll3A_536 = arith.constant 64 : i32
    %roll3A_537 = tpu.dynamic_rotate %select_n3A_527 by %roll3A_536 dim 1 : vector<256x128xf32>, i32 -> vector<256x128xf32>
    %select_n3A_538 = arith.select %eq3A_533, %roll3A_535, %roll3A_537 : vector<256x128xi1>, vector<256x128xf32>
    %and3A_539 = arith.constant 128 : i32
    %and3A_540 = vector.broadcast %and3A_539 : i32 to vector<256x128xi32>
    %and3A_541 = arith.andi %iota3A_48, %and3A_540 : vector<256x128xi32>
    %eq3A_542 = arith.constant 0 : i32
    %eq3A_543 = vector.broadcast %eq3A_542 : i32 to vector<256x128xi32>
    %eq3A_544 = arith.cmpi eq, %and3A_541, %eq3A_543 : vector<256x128xi32>
    %eq3A_545 = arith.xori %eq3A_544, %eq3A_533 : vector<256x128xi1>
    %eq3A_546 = arith.constant dense<true> : vector<256x128xi1>
    %eq3A_547 = arith.xori %eq3A_545, %eq3A_546 : vector<256x128xi1>
    %min3A_548 = arith.minimumf %select_n3A_527, %select_n3A_538 : vector<256x128xf32>
    %max3A_549 = arith.maximumf %select_n3A_527, %select_n3A_538 : vector<256x128xf32>
    %select_n3A_550 = arith.select %eq3A_547, %min3A_548, %max3A_549 : vector<256x128xi1>, vector<256x128xf32>
    %and3A_551 = arith.constant 32 : i32
    %and3A_552 = vector.broadcast %and3A_551 : i32 to vector<256x128xi32>
    %and3A_553 = arith.andi %iota3A_48, %and3A_552 : vector<256x128xi32>
    %eq3A_554 = arith.constant 0 : i32
    %eq3A_555 = vector.broadcast %eq3A_554 : i32 to vector<256x128xi32>
    %eq3A_556 = arith.cmpi eq, %and3A_553, %eq3A_555 : vector<256x128xi32>
    %roll3A_557 = arith.constant 96 : i32
    %roll3A_558 = tpu.dynamic_rotate %select_n3A_550 by %roll3A_557 dim 1 : vector<256x128xf32>, i32 -> vector<256x128xf32>
    %roll3A_559 = arith.constant 32 : i32
    %roll3A_560 = tpu.dynamic_rotate %select_n3A_550 by %roll3A_559 dim 1 : vector<256x128xf32>, i32 -> vector<256x128xf32>
    %select_n3A_561 = arith.select %eq3A_556, %roll3A_558, %roll3A_560 : vector<256x128xi1>, vector<256x128xf32>
    %and3A_562 = arith.constant 128 : i32
    %and3A_563 = vector.broadcast %and3A_562 : i32 to vector<256x128xi32>
    %and3A_564 = arith.andi %iota3A_48, %and3A_563 : vector<256x128xi32>
    %eq3A_565 = arith.constant 0 : i32
    %eq3A_566 = vector.broadcast %eq3A_565 : i32 to vector<256x128xi32>
    %eq3A_567 = arith.cmpi eq, %and3A_564, %eq3A_566 : vector<256x128xi32>
    %eq3A_568 = arith.xori %eq3A_567, %eq3A_556 : vector<256x128xi1>
    %eq3A_569 = arith.constant dense<true> : vector<256x128xi1>
    %eq3A_570 = arith.xori %eq3A_568, %eq3A_569 : vector<256x128xi1>
    %min3A_571 = arith.minimumf %select_n3A_550, %select_n3A_561 : vector<256x128xf32>
    %max3A_572 = arith.maximumf %select_n3A_550, %select_n3A_561 : vector<256x128xf32>
    %select_n3A_573 = arith.select %eq3A_570, %min3A_571, %max3A_572 : vector<256x128xi1>, vector<256x128xf32>
    %and3A_574 = arith.constant 16 : i32
    %and3A_575 = vector.broadcast %and3A_574 : i32 to vector<256x128xi32>
    %and3A_576 = arith.andi %iota3A_48, %and3A_575 : vector<256x128xi32>
    %eq3A_577 = arith.constant 0 : i32
    %eq3A_578 = vector.broadcast %eq3A_577 : i32 to vector<256x128xi32>
    %eq3A_579 = arith.cmpi eq, %and3A_576, %eq3A_578 : vector<256x128xi32>
    %roll3A_580 = arith.constant 112 : i32
    %roll3A_581 = tpu.dynamic_rotate %select_n3A_573 by %roll3A_580 dim 1 : vector<256x128xf32>, i32 -> vector<256x128xf32>
    %roll3A_582 = arith.constant 16 : i32
    %roll3A_583 = tpu.dynamic_rotate %select_n3A_573 by %roll3A_582 dim 1 : vector<256x128xf32>, i32 -> vector<256x128xf32>
    %select_n3A_584 = arith.select %eq3A_579, %roll3A_581, %roll3A_583 : vector<256x128xi1>, vector<256x128xf32>
    %and3A_585 = arith.constant 128 : i32
    %and3A_586 = vector.broadcast %and3A_585 : i32 to vector<256x128xi32>
    %and3A_587 = arith.andi %iota3A_48, %and3A_586 : vector<256x128xi32>
    %eq3A_588 = arith.constant 0 : i32
    %eq3A_589 = vector.broadcast %eq3A_588 : i32 to vector<256x128xi32>
    %eq3A_590 = arith.cmpi eq, %and3A_587, %eq3A_589 : vector<256x128xi32>
    %eq3A_591 = arith.xori %eq3A_590, %eq3A_579 : vector<256x128xi1>
    %eq3A_592 = arith.constant dense<true> : vector<256x128xi1>
    %eq3A_593 = arith.xori %eq3A_591, %eq3A_592 : vector<256x128xi1>
    %min3A_594 = arith.minimumf %select_n3A_573, %select_n3A_584 : vector<256x128xf32>
    %max3A_595 = arith.maximumf %select_n3A_573, %select_n3A_584 : vector<256x128xf32>
    %select_n3A_596 = arith.select %eq3A_593, %min3A_594, %max3A_595 : vector<256x128xi1>, vector<256x128xf32>
    %and3A_597 = arith.constant 8 : i32
    %and3A_598 = vector.broadcast %and3A_597 : i32 to vector<256x128xi32>
    %and3A_599 = arith.andi %iota3A_48, %and3A_598 : vector<256x128xi32>
    %eq3A_600 = arith.constant 0 : i32
    %eq3A_601 = vector.broadcast %eq3A_600 : i32 to vector<256x128xi32>
    %eq3A_602 = arith.cmpi eq, %and3A_599, %eq3A_601 : vector<256x128xi32>
    %roll3A_603 = arith.constant 120 : i32
    %roll3A_604 = tpu.dynamic_rotate %select_n3A_596 by %roll3A_603 dim 1 : vector<256x128xf32>, i32 -> vector<256x128xf32>
    %roll3A_605 = arith.constant 8 : i32
    %roll3A_606 = tpu.dynamic_rotate %select_n3A_596 by %roll3A_605 dim 1 : vector<256x128xf32>, i32 -> vector<256x128xf32>
    %select_n3A_607 = arith.select %eq3A_602, %roll3A_604, %roll3A_606 : vector<256x128xi1>, vector<256x128xf32>
    %and3A_608 = arith.constant 128 : i32
    %and3A_609 = vector.broadcast %and3A_608 : i32 to vector<256x128xi32>
    %and3A_610 = arith.andi %iota3A_48, %and3A_609 : vector<256x128xi32>
    %eq3A_611 = arith.constant 0 : i32
    %eq3A_612 = vector.broadcast %eq3A_611 : i32 to vector<256x128xi32>
    %eq3A_613 = arith.cmpi eq, %and3A_610, %eq3A_612 : vector<256x128xi32>
    %eq3A_614 = arith.xori %eq3A_613, %eq3A_602 : vector<256x128xi1>
    %eq3A_615 = arith.constant dense<true> : vector<256x128xi1>
    %eq3A_616 = arith.xori %eq3A_614, %eq3A_615 : vector<256x128xi1>
    %min3A_617 = arith.minimumf %select_n3A_596, %select_n3A_607 : vector<256x128xf32>
    %max3A_618 = arith.maximumf %select_n3A_596, %select_n3A_607 : vector<256x128xf32>
    %select_n3A_619 = arith.select %eq3A_616, %min3A_617, %max3A_618 : vector<256x128xi1>, vector<256x128xf32>
    %and3A_620 = arith.constant 4 : i32
    %and3A_621 = vector.broadcast %and3A_620 : i32 to vector<256x128xi32>
    %and3A_622 = arith.andi %iota3A_48, %and3A_621 : vector<256x128xi32>
    %eq3A_623 = arith.constant 0 : i32
    %eq3A_624 = vector.broadcast %eq3A_623 : i32 to vector<256x128xi32>
    %eq3A_625 = arith.cmpi eq, %and3A_622, %eq3A_624 : vector<256x128xi32>
    %roll3A_626 = arith.constant 124 : i32
    %roll3A_627 = tpu.dynamic_rotate %select_n3A_619 by %roll3A_626 dim 1 : vector<256x128xf32>, i32 -> vector<256x128xf32>
    %roll3A_628 = arith.constant 4 : i32
    %roll3A_629 = tpu.dynamic_rotate %select_n3A_619 by %roll3A_628 dim 1 : vector<256x128xf32>, i32 -> vector<256x128xf32>
    %select_n3A_630 = arith.select %eq3A_625, %roll3A_627, %roll3A_629 : vector<256x128xi1>, vector<256x128xf32>
    %and3A_631 = arith.constant 128 : i32
    %and3A_632 = vector.broadcast %and3A_631 : i32 to vector<256x128xi32>
    %and3A_633 = arith.andi %iota3A_48, %and3A_632 : vector<256x128xi32>
    %eq3A_634 = arith.constant 0 : i32
    %eq3A_635 = vector.broadcast %eq3A_634 : i32 to vector<256x128xi32>
    %eq3A_636 = arith.cmpi eq, %and3A_633, %eq3A_635 : vector<256x128xi32>
    %eq3A_637 = arith.xori %eq3A_636, %eq3A_625 : vector<256x128xi1>
    %eq3A_638 = arith.constant dense<true> : vector<256x128xi1>
    %eq3A_639 = arith.xori %eq3A_637, %eq3A_638 : vector<256x128xi1>
    %min3A_640 = arith.minimumf %select_n3A_619, %select_n3A_630 : vector<256x128xf32>
    %max3A_641 = arith.maximumf %select_n3A_619, %select_n3A_630 : vector<256x128xf32>
    %select_n3A_642 = arith.select %eq3A_639, %min3A_640, %max3A_641 : vector<256x128xi1>, vector<256x128xf32>
    %and3A_643 = arith.constant 2 : i32
    %and3A_644 = vector.broadcast %and3A_643 : i32 to vector<256x128xi32>
    %and3A_645 = arith.andi %iota3A_48, %and3A_644 : vector<256x128xi32>
    %eq3A_646 = arith.constant 0 : i32
    %eq3A_647 = vector.broadcast %eq3A_646 : i32 to vector<256x128xi32>
    %eq3A_648 = arith.cmpi eq, %and3A_645, %eq3A_647 : vector<256x128xi32>
    %roll3A_649 = arith.constant 126 : i32
    %roll3A_650 = tpu.dynamic_rotate %select_n3A_642 by %roll3A_649 dim 1 : vector<256x128xf32>, i32 -> vector<256x128xf32>
    %roll3A_651 = arith.constant 2 : i32
    %roll3A_652 = tpu.dynamic_rotate %select_n3A_642 by %roll3A_651 dim 1 : vector<256x128xf32>, i32 -> vector<256x128xf32>
    %select_n3A_653 = arith.select %eq3A_648, %roll3A_650, %roll3A_652 : vector<256x128xi1>, vector<256x128xf32>
    %and3A_654 = arith.constant 128 : i32
    %and3A_655 = vector.broadcast %and3A_654 : i32 to vector<256x128xi32>
    %and3A_656 = arith.andi %iota3A_48, %and3A_655 : vector<256x128xi32>
    %eq3A_657 = arith.constant 0 : i32
    %eq3A_658 = vector.broadcast %eq3A_657 : i32 to vector<256x128xi32>
    %eq3A_659 = arith.cmpi eq, %and3A_656, %eq3A_658 : vector<256x128xi32>
    %eq3A_660 = arith.xori %eq3A_659, %eq3A_648 : vector<256x128xi1>
    %eq3A_661 = arith.constant dense<true> : vector<256x128xi1>
    %eq3A_662 = arith.xori %eq3A_660, %eq3A_661 : vector<256x128xi1>
    %min3A_663 = arith.minimumf %select_n3A_642, %select_n3A_653 : vector<256x128xf32>
    %max3A_664 = arith.maximumf %select_n3A_642, %select_n3A_653 : vector<256x128xf32>
    %select_n3A_665 = arith.select %eq3A_662, %min3A_663, %max3A_664 : vector<256x128xi1>, vector<256x128xf32>
    %and3A_666 = arith.constant 1 : i32
    %and3A_667 = vector.broadcast %and3A_666 : i32 to vector<256x128xi32>
    %and3A_668 = arith.andi %iota3A_48, %and3A_667 : vector<256x128xi32>
    %eq3A_669 = arith.constant 0 : i32
    %eq3A_670 = vector.broadcast %eq3A_669 : i32 to vector<256x128xi32>
    %eq3A_671 = arith.cmpi eq, %and3A_668, %eq3A_670 : vector<256x128xi32>
    %roll3A_672 = arith.constant 127 : i32
    %roll3A_673 = tpu.dynamic_rotate %select_n3A_665 by %roll3A_672 dim 1 : vector<256x128xf32>, i32 -> vector<256x128xf32>
    %roll3A_674 = arith.constant 1 : i32
    %roll3A_675 = tpu.dynamic_rotate %select_n3A_665 by %roll3A_674 dim 1 : vector<256x128xf32>, i32 -> vector<256x128xf32>
    %select_n3A_676 = arith.select %eq3A_671, %roll3A_673, %roll3A_675 : vector<256x128xi1>, vector<256x128xf32>
    %and3A_677 = arith.constant 128 : i32
    %and3A_678 = vector.broadcast %and3A_677 : i32 to vector<256x128xi32>
    %and3A_679 = arith.andi %iota3A_48, %and3A_678 : vector<256x128xi32>
    %eq3A_680 = arith.constant 0 : i32
    %eq3A_681 = vector.broadcast %eq3A_680 : i32 to vector<256x128xi32>
    %eq3A_682 = arith.cmpi eq, %and3A_679, %eq3A_681 : vector<256x128xi32>
    %eq3A_683 = arith.xori %eq3A_682, %eq3A_671 : vector<256x128xi1>
    %eq3A_684 = arith.constant dense<true> : vector<256x128xi1>
    %eq3A_685 = arith.xori %eq3A_683, %eq3A_684 : vector<256x128xi1>
    %min3A_686 = arith.minimumf %select_n3A_665, %select_n3A_676 : vector<256x128xf32>
    %max3A_687 = arith.maximumf %select_n3A_665, %select_n3A_676 : vector<256x128xf32>
    %select_n3A_688 = arith.select %eq3A_685, %min3A_686, %max3A_687 : vector<256x128xi1>, vector<256x128xf32>
    %get3A_689 = arith.constant 0 : index
    %get3A_690 = arith.constant 0 : index
    %get3A_691 = vector.load %arg3[%get3A_689, %get3A_690] : memref<256x128xf32, #tpu.memory_space<vmem>>, vector<256x128xf32>
    %sub3A_692 = arith.subf %select_n3A_688, %get3A_691 : vector<256x128xf32>
    %integer_pow3A_693 = arith.mulf %sub3A_692, %sub3A_692 : vector<256x128xf32>
    %jit3A_694 = arith.constant 0.000000e+00 : f32
    %broadcast_in_dim3A_695 = vector.broadcast %jit3A_694 : f32 to vector<256x128xf32>
    %select_n3A_696 = arith.select %lt3A_44, %integer_pow3A_693, %broadcast_in_dim3A_695 : vector<256x128xi1>, vector<256x128xf32>
    %reduce_sum3A_697 = vector.shape_cast %select_n3A_696 : vector<256x128xf32> to vector<1x256x128xf32>
    %reduce_sum3A_698 = arith.constant dense<0.000000e+00> : vector<1xf32>
    %reduce_sum3A_699 = vector.multi_reduction <add>, %reduce_sum3A_697, %reduce_sum3A_698 [1, 2] : vector<1x256x128xf32> to vector<1xf32>
    %reduce_sum3A_700 = vector.shape_cast %reduce_sum3A_699 : vector<1xf32> to vector<1x1x1xf32>
    %reduce_sum3A_701 = vector.extract %reduce_sum3A_700[0, 0, 0] : f32 from vector<1x1x1xf32>
    %mul3A_702 = arith.constant 3.000000e-01 : f32
    %mul3A_703 = arith.mulf %mul3A_702, %reduce_sum3A_24 : f32
    %div3A_704 = arith.constant 6.144000e+04 : f32
    %div3A_705 = arith.divf %mul3A_703, %div3A_704 : f32
    %mul3A_706 = arith.constant 0.699999988 : f32
    %mul3A_707 = arith.mulf %mul3A_706, %reduce_sum3A_701 : f32
    %div3A_708 = arith.constant 4.300800e+05 : f32
    %div3A_709 = arith.divf %mul3A_707, %div3A_708 : f32
    %add3A_710 = arith.addf %div3A_705, %div3A_709 : f32
    %eq3A_711 = arith.constant 0 : i32
    %eq3A_712 = arith.cmpi eq, %arg0, %eq3A_711 : i32
    %convert_element_type3A = arith.extui %eq3A_712 : i1 to i32
    %cond3A = arith.constant 0 : i32
    %cond3A_713 = arith.cmpi ne, %convert_element_type3A, %cond3A : i32
    scf.if %cond3A_713 {
      %broadcast_in_dim3A_721 = arith.constant 0.000000e+00 : f32
      %broadcast_in_dim3A_722 = vector.broadcast %broadcast_in_dim3A_721 : f32 to vector<1x1xf32>
      %swap3A_723 = arith.constant 0 : index
      %swap3A_724 = arith.constant 0 : index
      %swap3A_725 = vector.load %arg6[%swap3A_723, %swap3A_724] : memref<1x1xf32, #tpu.memory_space<vmem>>, vector<1x1xf32>
      tpu.vector_store %arg6[%swap3A_723, %swap3A_724], %broadcast_in_dim3A_722 {strides = array<i32>} : memref<1x1xf32, #tpu.memory_space<vmem>>, vector<1x1xf32>,
    } else {
    }
    %get3A_714 = arith.constant 0 : index
    %get3A_715 = arith.constant 0 : index
    %get3A_716 = vector.load %arg6[%get3A_714, %get3A_715] : memref<1x1xf32, #tpu.memory_space<vmem>>, vector<1x1xf32>
    %add3A_717 = vector.broadcast %add3A_710 : f32 to vector<1x1xf32>
    %add3A_718 = arith.addf %get3A_716, %add3A_717 : vector<1x1xf32>
    %swap3A = arith.constant 0 : index
    %swap3A_719 = arith.constant 0 : index
    %swap3A_720 = vector.load %arg6[%swap3A, %swap3A_719] : memref<1x1xf32, #tpu.memory_space<vmem>>, vector<1x1xf32>
    tpu.vector_store %arg6[%swap3A, %swap3A_719], %add3A_718 {strides = array<i32>} : memref<1x1xf32, #tpu.memory_space<vmem>>, vector<1x1xf32>,
    return
  }
  func.func @transform_0(%arg0: i32) -> (i32, i32) {
    %c0_i32 = arith.constant 0 : i32
    %c0_i32_0 = arith.constant 0 : i32
    return %arg0, %c0_i32 : i32, i32
  }
  func.func @transform_1(%arg0: i32) -> (i32, i32) {
    %add3A = arith.constant 8 : i32
    %add3A_0 = arith.addi %add3A, %arg0 : i32
    %c0_i32 = arith.constant 0 : i32
    %c0_i32_1 = arith.constant 0 : i32
    return %add3A_0, %c0_i32 : i32, i32
  }
  func.func @transform_2(%arg0: i32) -> (i32, i32) {
    %add3A = arith.constant 8 : i32
    %add3A_0 = arith.addi %add3A, %arg0 : i32
    %c0_i32 = arith.constant 0 : i32
    %c0_i32_1 = arith.constant 0 : i32
    return %add3A_0, %c0_i32 : i32, i32
  }
  func.func @transform_3(%arg0: i32) -> (i32, i32) {
    %c0_i32 = arith.constant 0 : i32
    %c0_i32_0 = arith.constant 0 : i32
    %c0_i32_1 = arith.constant 0 : i32
    return %c0_i32, %c0_i32_0 : i32, i32
  }
  func.func @transform_4(%arg0: i32) -> (i32, i32) {
    %c0_i32 = arith.constant 0 : i32
    %c0_i32_0 = arith.constant 0 : i32
    %c0_i32_1 = arith.constant 0 : i32
    return %c0_i32, %c0_i32_0 : i32, i32
  }
  func.func @transform_5(%arg0: i32) -> (i32, i32) {
    %c0_i32 = arith.constant 0 : i32
    %c0_i32_0 = arith.constant 0 : i32
    %c0_i32_1 = arith.constant 0 : i32
    return %c0_i32, %c0_i32_0 : i32, i32
  }
}

module attributes {stable_mosaic.version = 14 : i64} {
  func.func @_tcc_body(%arg0: i32, %arg1: memref<256x128xf32, #tpu.memory_space<vmem>>, %arg2: memref<256x128xf32, #tpu.memory_space<vmem>>, %arg3: memref<256x128xf32, #tpu.memory_space<vmem>>, %arg4: memref<128x128xf32, #tpu.memory_space<vmem>>, %arg5: memref<128x128xf32, #tpu.memory_space<vmem>>, %arg6: memref<1x1xf32, #tpu.memory_space<vmem>>) attributes {dimension_semantics = [#tpu.dimension_semantics<arbitrary>], iteration_bounds = array<i64: 8>, scalar_prefetch = 0 : i64, scratch_operands = 0 : i64, tpu.core_type = #tpu.core_type<tc>, window_params = [{transform_indices = @transform_0, window_bounds = array<i64: 256, 128>}, {transform_indices = @transform_1, window_bounds = array<i64: 256, 128>}, {transform_indices = @transform_2, window_bounds = array<i64: 256, 128>}, {pipeline_mode = #tpu.pipeline_mode<synchronous>, transform_indices = @transform_3, window_bounds = array<i64: 128, 128>}, {pipeline_mode = #tpu.pipeline_mode<synchronous>, transform_indices = @transform_4, window_bounds = array<i64: 128, 128>}, {pipeline_mode = #tpu.pipeline_mode<synchronous>, transform_indices = @transform_5, window_bounds = array<i64: 1, 1>}]} {
    %get3A = arith.constant 0 : index
    %get3A_0 = arith.constant 0 : index
    %get3A_1 = vector.load %arg1[%get3A, %get3A_0] : memref<256x128xf32, #tpu.memory_space<vmem>>, vector<256x128xf32>
    %iota3A = tpu.iota {dimensions = array<i32: 1>} : vector<256x128xi32>
    %ge3A = arith.constant 105 : i32
    %ge3A_2 = vector.broadcast %ge3A : i32 to vector<256x128xi32>
    %ge3A_3 = arith.cmpi sge, %iota3A, %ge3A_2 : vector<256x128xi32>
    %lt3A = arith.constant 120 : i32
    %lt3A_4 = vector.broadcast %lt3A : i32 to vector<256x128xi32>
    %lt3A_5 = arith.cmpi slt, %iota3A, %lt3A_4 : vector<256x128xi32>
    %and3A = arith.andi %ge3A_3, %lt3A_5 : vector<256x128xi1>
    %sqrt3A = math.sqrt %get3A_1 : vector<256x128xf32>
    %jit3A = arith.constant 0.000000e+00 : f32
    %broadcast_in_dim3A = vector.broadcast %jit3A : f32 to vector<256x128xf32>
    %select_n3A = arith.select %and3A, %sqrt3A, %broadcast_in_dim3A : vector<256x128xi1>, vector<256x128xf32>
    %reduce_sum3A = arith.constant dense<0.000000e+00> : vector<256xf32>
    %reduce_sum3A_6 = vector.multi_reduction <add>, %select_n3A, %reduce_sum3A [1] : vector<256x128xf32> to vector<256xf32>
    %broadcast_in_dim3A_7 = vector.shape_cast %reduce_sum3A_6 : vector<256xf32> to vector<256x1xf32>
    %div3A = arith.constant 1.500000e+01 : f32
    %div3A_8 = vector.broadcast %div3A : f32 to vector<256x1xf32>
    %div3A_9 = arith.divf %broadcast_in_dim3A_7, %div3A_8 : vector<256x1xf32>
    %add3A = arith.constant 9.99999993E-9 : f32
    %add3A_10 = vector.broadcast %add3A : f32 to vector<256x1xf32>
    %add3A_11 = arith.addf %div3A_9, %add3A_10 : vector<256x1xf32>
    %div3A_12 = vector.broadcast %add3A_11 : vector<256x1xf32> to vector<256x128xf32>
    %div3A_13 = arith.divf %sqrt3A, %div3A_12 : vector<256x128xf32>
    %get3A_14 = arith.constant 0 : index
    %get3A_15 = arith.constant 0 : index
    %get3A_16 = vector.load %arg2[%get3A_14, %get3A_15] : memref<256x128xf32, #tpu.memory_space<vmem>>, vector<256x128xf32>
    %sub3A = arith.subf %div3A_13, %get3A_16 : vector<256x128xf32>
    %integer_pow3A = arith.mulf %sub3A, %sub3A : vector<256x128xf32>
    %jit3A_17 = arith.constant 0.000000e+00 : f32
    %broadcast_in_dim3A_18 = vector.broadcast %jit3A_17 : f32 to vector<256x128xf32>
    %select_n3A_19 = arith.select %and3A, %integer_pow3A, %broadcast_in_dim3A_18 : vector<256x128xi1>, vector<256x128xf32>
    %reduce_sum3A_20 = vector.shape_cast %select_n3A_19 : vector<256x128xf32> to vector<1x256x128xf32>
    %reduce_sum3A_21 = arith.constant dense<0.000000e+00> : vector<1xf32>
    %reduce_sum3A_22 = vector.multi_reduction <add>, %reduce_sum3A_20, %reduce_sum3A_21 [1, 2] : vector<1x256x128xf32> to vector<1xf32>
    %reduce_sum3A_23 = vector.shape_cast %reduce_sum3A_22 : vector<1xf32> to vector<1x1x1xf32>
    %reduce_sum3A_24 = vector.extract %reduce_sum3A_23[0, 0, 0] : f32 from vector<1x1x1xf32>
    %get3A_25 = arith.constant 0 : index
    %get3A_26 = arith.constant 0 : index
    %get3A_27 = vector.load %arg4[%get3A_25, %get3A_26] : memref<128x128xf32, #tpu.memory_space<vmem>>, vector<128x128xf32>
    %dot_general3A = arith.constant dense<0.000000e+00> : vector<256x128xf32>
    %dot_general3A_28 = tpu.matmul %select_n3A, %get3A_27, %dot_general3A {dimension_numbers = #tpu.dot_dimension_numbers<[1], [0], [0], [1], [0, 0, 1, 1], [], []>, precision = #tpu.contract_precision<fp32>, transpose_lhs_hint = false} : vector<256x128xf32>, vector<128x128xf32>, vector<256x128xf32> -> vector<256x128xf32>
    %get3A_29 = arith.constant 0 : index
    %get3A_30 = arith.constant 0 : index
    %get3A_31 = vector.load %arg5[%get3A_29, %get3A_30] : memref<128x128xf32, #tpu.memory_space<vmem>>, vector<128x128xf32>
    %dot_general3A_32 = arith.constant dense<0.000000e+00> : vector<256x128xf32>
    %dot_general3A_33 = tpu.matmul %select_n3A, %get3A_31, %dot_general3A_32 {dimension_numbers = #tpu.dot_dimension_numbers<[1], [0], [0], [1], [0, 0, 1, 1], [], []>, precision = #tpu.contract_precision<fp32>, transpose_lhs_hint = false} : vector<256x128xf32>, vector<128x128xf32>, vector<256x128xf32> -> vector<256x128xf32>
    %mul3A = arith.mulf %dot_general3A_28, %dot_general3A_28 : vector<256x128xf32>
    %mul3A_34 = arith.mulf %dot_general3A_33, %dot_general3A_33 : vector<256x128xf32>
    %add3A_35 = arith.addf %mul3A, %mul3A_34 : vector<256x128xf32>
    %sub3A_36 = arith.subf %add3A_35, %get3A_1 : vector<256x128xf32>
    %mul3A_37 = arith.constant 2.000000e+00 : f32
    %mul3A_38 = vector.broadcast %mul3A_37 : f32 to vector<256x128xf32>
    %mul3A_39 = arith.mulf %mul3A_38, %dot_general3A_28 : vector<256x128xf32>
    %mul3A_40 = arith.mulf %mul3A_39, %dot_general3A_33 : vector<256x128xf32>
    %div3A_41 = arith.divf %sub3A_36, %mul3A_40 : vector<256x128xf32>
    %lt3A_42 = arith.constant 105 : i32
    %lt3A_43 = vector.broadcast %lt3A_42 : i32 to vector<256x128xi32>
    %lt3A_44 = arith.cmpi slt, %iota3A, %lt3A_43 : vector<256x128xi32>
    %jit3A_45 = arith.constant 0x7F800000 : f32
    %broadcast_in_dim3A_46 = vector.broadcast %jit3A_45 : f32 to vector<256x128xf32>
    %select_n3A_47 = arith.select %lt3A_44, %div3A_41, %broadcast_in_dim3A_46 : vector<256x128xi1>, vector<256x128xf32>
    %iota3A_48 = tpu.iota {dimensions = array<i32: 1>} : vector<256x128xi32>
    %and3A_49 = arith.constant 1 : i32
    %and3A_50 = vector.broadcast %and3A_49 : i32 to vector<256x128xi32>
    %and3A_51 = arith.andi %iota3A_48, %and3A_50 : vector<256x128xi32>
    %eq3A = arith.constant 0 : i32
    %eq3A_52 = vector.broadcast %eq3A : i32 to vector<256x128xi32>
    %eq3A_53 = arith.cmpi eq, %and3A_51, %eq3A_52 : vector<256x128xi32>
    %roll3A = arith.constant 127 : i32
    %roll3A_54 = tpu.dynamic_rotate %select_n3A_47 by %roll3A dim 1 : vector<256x128xf32>, i32 -> vector<256x128xf32>
    %roll3A_55 = arith.constant 1 : i32
    %roll3A_56 = tpu.dynamic_rotate %select_n3A_47 by %roll3A_55 dim 1 : vector<256x128xf32>, i32 -> vector<256x128xf32>
    %select_n3A_57 = arith.select %eq3A_53, %roll3A_54, %roll3A_56 : vector<256x128xi1>, vector<256x128xf32>
    %and3A_58 = arith.constant 2 : i32
    %and3A_59 = vector.broadcast %and3A_58 : i32 to vector<256x128xi32>
    %and3A_60 = arith.andi %iota3A_48, %and3A_59 : vector<256x128xi32>
    %eq3A_61 = arith.constant 0 : i32
    %eq3A_62 = vector.broadcast %eq3A_61 : i32 to vector<256x128xi32>
    %eq3A_63 = arith.cmpi eq, %and3A_60, %eq3A_62 : vector<256x128xi32>
    %eq3A_64 = arith.xori %eq3A_63, %eq3A_53 : vector<256x128xi1>
    %eq3A_65 = arith.constant dense<true> : vector<256x128xi1>
    %eq3A_66 = arith.xori %eq3A_64, %eq3A_65 : vector<256x128xi1>
    %min3A = arith.minimumf %select_n3A_47, %select_n3A_57 : vector<256x128xf32>
    %max3A = arith.maximumf %select_n3A_47, %select_n3A_57 : vector<256x128xf32>
    %select_n3A_67 = arith.select %eq3A_66, %min3A, %max3A : vector<256x128xi1>, vector<256x128xf32>
    %and3A_68 = arith.constant 2 : i32
    %and3A_69 = vector.broadcast %and3A_68 : i32 to vector<256x128xi32>
    %and3A_70 = arith.andi %iota3A_48, %and3A_69 : vector<256x128xi32>
    %eq3A_71 = arith.constant 0 : i32
    %eq3A_72 = vector.broadcast %eq3A_71 : i32 to vector<256x128xi32>
    %eq3A_73 = arith.cmpi eq, %and3A_70, %eq3A_72 : vector<256x128xi32>
    %roll3A_74 = arith.constant 126 : i32
    %roll3A_75 = tpu.dynamic_rotate %select_n3A_67 by %roll3A_74 dim 1 : vector<256x128xf32>, i32 -> vector<256x128xf32>
    %roll3A_76 = arith.constant 2 : i32
    %roll3A_77 = tpu.dynamic_rotate %select_n3A_67 by %roll3A_76 dim 1 : vector<256x128xf32>, i32 -> vector<256x128xf32>
    %select_n3A_78 = arith.select %eq3A_73, %roll3A_75, %roll3A_77 : vector<256x128xi1>, vector<256x128xf32>
    %and3A_79 = arith.constant 4 : i32
    %and3A_80 = vector.broadcast %and3A_79 : i32 to vector<256x128xi32>
    %and3A_81 = arith.andi %iota3A_48, %and3A_80 : vector<256x128xi32>
    %eq3A_82 = arith.constant 0 : i32
    %eq3A_83 = vector.broadcast %eq3A_82 : i32 to vector<256x128xi32>
    %eq3A_84 = arith.cmpi eq, %and3A_81, %eq3A_83 : vector<256x128xi32>
    %eq3A_85 = arith.xori %eq3A_84, %eq3A_73 : vector<256x128xi1>
    %eq3A_86 = arith.constant dense<true> : vector<256x128xi1>
    %eq3A_87 = arith.xori %eq3A_85, %eq3A_86 : vector<256x128xi1>
    %min3A_88 = arith.minimumf %select_n3A_67, %select_n3A_78 : vector<256x128xf32>
    %max3A_89 = arith.maximumf %select_n3A_67, %select_n3A_78 : vector<256x128xf32>
    %select_n3A_90 = arith.select %eq3A_87, %min3A_88, %max3A_89 : vector<256x128xi1>, vector<256x128xf32>
    %and3A_91 = arith.constant 1 : i32
    %and3A_92 = vector.broadcast %and3A_91 : i32 to vector<256x128xi32>
    %and3A_93 = arith.andi %iota3A_48, %and3A_92 : vector<256x128xi32>
    %eq3A_94 = arith.constant 0 : i32
    %eq3A_95 = vector.broadcast %eq3A_94 : i32 to vector<256x128xi32>
    %eq3A_96 = arith.cmpi eq, %and3A_93, %eq3A_95 : vector<256x128xi32>
    %roll3A_97 = arith.constant 127 : i32
    %roll3A_98 = tpu.dynamic_rotate %select_n3A_90 by %roll3A_97 dim 1 : vector<256x128xf32>, i32 -> vector<256x128xf32>
    %roll3A_99 = arith.constant 1 : i32
    %roll3A_100 = tpu.dynamic_rotate %select_n3A_90 by %roll3A_99 dim 1 : vector<256x128xf32>, i32 -> vector<256x128xf32>
    %select_n3A_101 = arith.select %eq3A_96, %roll3A_98, %roll3A_100 : vector<256x128xi1>, vector<256x128xf32>
    %and3A_102 = arith.constant 4 : i32
    %and3A_103 = vector.broadcast %and3A_102 : i32 to vector<256x128xi32>
    %and3A_104 = arith.andi %iota3A_48, %and3A_103 : vector<256x128xi32>
    %eq3A_105 = arith.constant 0 : i32
    %eq3A_106 = vector.broadcast %eq3A_105 : i32 to vector<256x128xi32>
    %eq3A_107 = arith.cmpi eq, %and3A_104, %eq3A_106 : vector<256x128xi32>
    %eq3A_108 = arith.xori %eq3A_107, %eq3A_96 : vector<256x128xi1>
    %eq3A_109 = arith.constant dense<true> : vector<256x128xi1>
    %eq3A_110 = arith.xori %eq3A_108, %eq3A_109 : vector<256x128xi1>
    %min3A_111 = arith.minimumf %select_n3A_90, %select_n3A_101 : vector<256x128xf32>
    %max3A_112 = arith.maximumf %select_n3A_90, %select_n3A_101 : vector<256x128xf32>
    %select_n3A_113 = arith.select %eq3A_110, %min3A_111, %max3A_112 : vector<256x128xi1>, vector<256x128xf32>
    %and3A_114 = arith.constant 4 : i32
    %and3A_115 = vector.broadcast %and3A_114 : i32 to vector<256x128xi32>
    %and3A_116 = arith.andi %iota3A_48, %and3A_115 : vector<256x128xi32>
    %eq3A_117 = arith.constant 0 : i32
    %eq3A_118 = vector.broadcast %eq3A_117 : i32 to vector<256x128xi32>
    %eq3A_119 = arith.cmpi eq, %and3A_116, %eq3A_118 : vector<256x128xi32>
    %roll3A_120 = arith.constant 124 : i32
    %roll3A_121 = tpu.dynamic_rotate %select_n3A_113 by %roll3A_120 dim 1 : vector<256x128xf32>, i32 -> vector<256x128xf32>
    %roll3A_122 = arith.constant 4 : i32
    %roll3A_123 = tpu.dynamic_rotate %select_n3A_113 by %roll3A_122 dim 1 : vector<256x128xf32>, i32 -> vector<256x128xf32>
    %select_n3A_124 = arith.select %eq3A_119, %roll3A_121, %roll3A_123 : vector<256x128xi1>, vector<256x128xf32>
    %and3A_125 = arith.constant 8 : i32
    %and3A_126 = vector.broadcast %and3A_125 : i32 to vector<256x128xi32>
    %and3A_127 = arith.andi %iota3A_48, %and3A_126 : vector<256x128xi32>
    %eq3A_128 = arith.constant 0 : i32
    %eq3A_129 = vector.broadcast %eq3A_128 : i32 to vector<256x128xi32>
    %eq3A_130 = arith.cmpi eq, %and3A_127, %eq3A_129 : vector<256x128xi32>
    %eq3A_131 = arith.xori %eq3A_130, %eq3A_119 : vector<256x128xi1>
    %eq3A_132 = arith.constant dense<true> : vector<256x128xi1>
    %eq3A_133 = arith.xori %eq3A_131, %eq3A_132 : vector<256x128xi1>
    %min3A_134 = arith.minimumf %select_n3A_113, %select_n3A_124 : vector<256x128xf32>
    %max3A_135 = arith.maximumf %select_n3A_113, %select_n3A_124 : vector<256x128xf32>
    %select_n3A_136 = arith.select %eq3A_133, %min3A_134, %max3A_135 : vector<256x128xi1>, vector<256x128xf32>
    %and3A_137 = arith.constant 2 : i32
    %and3A_138 = vector.broadcast %and3A_137 : i32 to vector<256x128xi32>
    %and3A_139 = arith.andi %iota3A_48, %and3A_138 : vector<256x128xi32>
    %eq3A_140 = arith.constant 0 : i32
    %eq3A_141 = vector.broadcast %eq3A_140 : i32 to vector<256x128xi32>
    %eq3A_142 = arith.cmpi eq, %and3A_139, %eq3A_141 : vector<256x128xi32>
    %roll3A_143 = arith.constant 126 : i32
    %roll3A_144 = tpu.dynamic_rotate %select_n3A_136 by %roll3A_143 dim 1 : vector<256x128xf32>, i32 -> vector<256x128xf32>
    %roll3A_145 = arith.constant 2 : i32
    %roll3A_146 = tpu.dynamic_rotate %select_n3A_136 by %roll3A_145 dim 1 : vector<256x128xf32>, i32 -> vector<256x128xf32>
    %select_n3A_147 = arith.select %eq3A_142, %roll3A_144, %roll3A_146 : vector<256x128xi1>, vector<256x128xf32>
    %and3A_148 = arith.constant 8 : i32
    %and3A_149 = vector.broadcast %and3A_148 : i32 to vector<256x128xi32>
    %and3A_150 = arith.andi %iota3A_48, %and3A_149 : vector<256x128xi32>
    %eq3A_151 = arith.constant 0 : i32
    %eq3A_152 = vector.broadcast %eq3A_151 : i32 to vector<256x128xi32>
    %eq3A_153 = arith.cmpi eq, %and3A_150, %eq3A_152 : vector<256x128xi32>
    %eq3A_154 = arith.xori %eq3A_153, %eq3A_142 : vector<256x128xi1>
    %eq3A_155 = arith.constant dense<true> : vector<256x128xi1>
    %eq3A_156 = arith.xori %eq3A_154, %eq3A_155 : vector<256x128xi1>
    %min3A_157 = arith.minimumf %select_n3A_136, %select_n3A_147 : vector<256x128xf32>
    %max3A_158 = arith.maximumf %select_n3A_136, %select_n3A_147 : vector<256x128xf32>
    %select_n3A_159 = arith.select %eq3A_156, %min3A_157, %max3A_158 : vector<256x128xi1>, vector<256x128xf32>
    %and3A_160 = arith.constant 1 : i32
    %and3A_161 = vector.broadcast %and3A_160 : i32 to vector<256x128xi32>
    %and3A_162 = arith.andi %iota3A_48, %and3A_161 : vector<256x128xi32>
    %eq3A_163 = arith.constant 0 : i32
    %eq3A_164 = vector.broadcast %eq3A_163 : i32 to vector<256x128xi32>
    %eq3A_165 = arith.cmpi eq, %and3A_162, %eq3A_164 : vector<256x128xi32>
    %roll3A_166 = arith.constant 127 : i32
    %roll3A_167 = tpu.dynamic_rotate %select_n3A_159 by %roll3A_166 dim 1 : vector<256x128xf32>, i32 -> vector<256x128xf32>
    %roll3A_168 = arith.constant 1 : i32
    %roll3A_169 = tpu.dynamic_rotate %select_n3A_159 by %roll3A_168 dim 1 : vector<256x128xf32>, i32 -> vector<256x128xf32>
    %select_n3A_170 = arith.select %eq3A_165, %roll3A_167, %roll3A_169 : vector<256x128xi1>, vector<256x128xf32>
    %and3A_171 = arith.constant 8 : i32
    %and3A_172 = vector.broadcast %and3A_171 : i32 to vector<256x128xi32>
    %and3A_173 = arith.andi %iota3A_48, %and3A_172 : vector<256x128xi32>
    %eq3A_174 = arith.constant 0 : i32
    %eq3A_175 = vector.broadcast %eq3A_174 : i32 to vector<256x128xi32>
    %eq3A_176 = arith.cmpi eq, %and3A_173, %eq3A_175 : vector<256x128xi32>
    %eq3A_177 = arith.xori %eq3A_176, %eq3A_165 : vector<256x128xi1>
    %eq3A_178 = arith.constant dense<true> : vector<256x128xi1>
    %eq3A_179 = arith.xori %eq3A_177, %eq3A_178 : vector<256x128xi1>
    %min3A_180 = arith.minimumf %select_n3A_159, %select_n3A_170 : vector<256x128xf32>
    %max3A_181 = arith.maximumf %select_n3A_159, %select_n3A_170 : vector<256x128xf32>
    %select_n3A_182 = arith.select %eq3A_179, %min3A_180, %max3A_181 : vector<256x128xi1>, vector<256x128xf32>
    %and3A_183 = arith.constant 8 : i32
    %and3A_184 = vector.broadcast %and3A_183 : i32 to vector<256x128xi32>
    %and3A_185 = arith.andi %iota3A_48, %and3A_184 : vector<256x128xi32>
    %eq3A_186 = arith.constant 0 : i32
    %eq3A_187 = vector.broadcast %eq3A_186 : i32 to vector<256x128xi32>
    %eq3A_188 = arith.cmpi eq, %and3A_185, %eq3A_187 : vector<256x128xi32>
    %roll3A_189 = arith.constant 120 : i32
    %roll3A_190 = tpu.dynamic_rotate %select_n3A_182 by %roll3A_189 dim 1 : vector<256x128xf32>, i32 -> vector<256x128xf32>
    %roll3A_191 = arith.constant 8 : i32
    %roll3A_192 = tpu.dynamic_rotate %select_n3A_182 by %roll3A_191 dim 1 : vector<256x128xf32>, i32 -> vector<256x128xf32>
    %select_n3A_193 = arith.select %eq3A_188, %roll3A_190, %roll3A_192 : vector<256x128xi1>, vector<256x128xf32>
    %and3A_194 = arith.constant 16 : i32
    %and3A_195 = vector.broadcast %and3A_194 : i32 to vector<256x128xi32>
    %and3A_196 = arith.andi %iota3A_48, %and3A_195 : vector<256x128xi32>
    %eq3A_197 = arith.constant 0 : i32
    %eq3A_198 = vector.broadcast %eq3A_197 : i32 to vector<256x128xi32>
    %eq3A_199 = arith.cmpi eq, %and3A_196, %eq3A_198 : vector<256x128xi32>
    %eq3A_200 = arith.xori %eq3A_199, %eq3A_188 : vector<256x128xi1>
    %eq3A_201 = arith.constant dense<true> : vector<256x128xi1>
    %eq3A_202 = arith.xori %eq3A_200, %eq3A_201 : vector<256x128xi1>
    %min3A_203 = arith.minimumf %select_n3A_182, %select_n3A_193 : vector<256x128xf32>
    %max3A_204 = arith.maximumf %select_n3A_182, %select_n3A_193 : vector<256x128xf32>
    %select_n3A_205 = arith.select %eq3A_202, %min3A_203, %max3A_204 : vector<256x128xi1>, vector<256x128xf32>
    %and3A_206 = arith.constant 4 : i32
    %and3A_207 = vector.broadcast %and3A_206 : i32 to vector<256x128xi32>
    %and3A_208 = arith.andi %iota3A_48, %and3A_207 : vector<256x128xi32>
    %eq3A_209 = arith.constant 0 : i32
    %eq3A_210 = vector.broadcast %eq3A_209 : i32 to vector<256x128xi32>
    %eq3A_211 = arith.cmpi eq, %and3A_208, %eq3A_210 : vector<256x128xi32>
    %roll3A_212 = arith.constant 124 : i32
    %roll3A_213 = tpu.dynamic_rotate %select_n3A_205 by %roll3A_212 dim 1 : vector<256x128xf32>, i32 -> vector<256x128xf32>
    %roll3A_214 = arith.constant 4 : i32
    %roll3A_215 = tpu.dynamic_rotate %select_n3A_205 by %roll3A_214 dim 1 : vector<256x128xf32>, i32 -> vector<256x128xf32>
    %select_n3A_216 = arith.select %eq3A_211, %roll3A_213, %roll3A_215 : vector<256x128xi1>, vector<256x128xf32>
    %and3A_217 = arith.constant 16 : i32
    %and3A_218 = vector.broadcast %and3A_217 : i32 to vector<256x128xi32>
    %and3A_219 = arith.andi %iota3A_48, %and3A_218 : vector<256x128xi32>
    %eq3A_220 = arith.constant 0 : i32
    %eq3A_221 = vector.broadcast %eq3A_220 : i32 to vector<256x128xi32>
    %eq3A_222 = arith.cmpi eq, %and3A_219, %eq3A_221 : vector<256x128xi32>
    %eq3A_223 = arith.xori %eq3A_222, %eq3A_211 : vector<256x128xi1>
    %eq3A_224 = arith.constant dense<true> : vector<256x128xi1>
    %eq3A_225 = arith.xori %eq3A_223, %eq3A_224 : vector<256x128xi1>
    %min3A_226 = arith.minimumf %select_n3A_205, %select_n3A_216 : vector<256x128xf32>
    %max3A_227 = arith.maximumf %select_n3A_205, %select_n3A_216 : vector<256x128xf32>
    %select_n3A_228 = arith.select %eq3A_225, %min3A_226, %max3A_227 : vector<256x128xi1>, vector<256x128xf32>
    %and3A_229 = arith.constant 2 : i32
    %and3A_230 = vector.broadcast %and3A_229 : i32 to vector<256x128xi32>
    %and3A_231 = arith.andi %iota3A_48, %and3A_230 : vector<256x128xi32>
    %eq3A_232 = arith.constant 0 : i32
    %eq3A_233 = vector.broadcast %eq3A_232 : i32 to vector<256x128xi32>
    %eq3A_234 = arith.cmpi eq, %and3A_231, %eq3A_233 : vector<256x128xi32>
    %roll3A_235 = arith.constant 126 : i32
    %roll3A_236 = tpu.dynamic_rotate %select_n3A_228 by %roll3A_235 dim 1 : vector<256x128xf32>, i32 -> vector<256x128xf32>
    %roll3A_237 = arith.constant 2 : i32
    %roll3A_238 = tpu.dynamic_rotate %select_n3A_228 by %roll3A_237 dim 1 : vector<256x128xf32>, i32 -> vector<256x128xf32>
    %select_n3A_239 = arith.select %eq3A_234, %roll3A_236, %roll3A_238 : vector<256x128xi1>, vector<256x128xf32>
    %and3A_240 = arith.constant 16 : i32
    %and3A_241 = vector.broadcast %and3A_240 : i32 to vector<256x128xi32>
    %and3A_242 = arith.andi %iota3A_48, %and3A_241 : vector<256x128xi32>
    %eq3A_243 = arith.constant 0 : i32
    %eq3A_244 = vector.broadcast %eq3A_243 : i32 to vector<256x128xi32>
    %eq3A_245 = arith.cmpi eq, %and3A_242, %eq3A_244 : vector<256x128xi32>
    %eq3A_246 = arith.xori %eq3A_245, %eq3A_234 : vector<256x128xi1>
    %eq3A_247 = arith.constant dense<true> : vector<256x128xi1>
    %eq3A_248 = arith.xori %eq3A_246, %eq3A_247 : vector<256x128xi1>
    %min3A_249 = arith.minimumf %select_n3A_228, %select_n3A_239 : vector<256x128xf32>
    %max3A_250 = arith.maximumf %select_n3A_228, %select_n3A_239 : vector<256x128xf32>
    %select_n3A_251 = arith.select %eq3A_248, %min3A_249, %max3A_250 : vector<256x128xi1>, vector<256x128xf32>
    %and3A_252 = arith.constant 1 : i32
    %and3A_253 = vector.broadcast %and3A_252 : i32 to vector<256x128xi32>
    %and3A_254 = arith.andi %iota3A_48, %and3A_253 : vector<256x128xi32>
    %eq3A_255 = arith.constant 0 : i32
    %eq3A_256 = vector.broadcast %eq3A_255 : i32 to vector<256x128xi32>
    %eq3A_257 = arith.cmpi eq, %and3A_254, %eq3A_256 : vector<256x128xi32>
    %roll3A_258 = arith.constant 127 : i32
    %roll3A_259 = tpu.dynamic_rotate %select_n3A_251 by %roll3A_258 dim 1 : vector<256x128xf32>, i32 -> vector<256x128xf32>
    %roll3A_260 = arith.constant 1 : i32
    %roll3A_261 = tpu.dynamic_rotate %select_n3A_251 by %roll3A_260 dim 1 : vector<256x128xf32>, i32 -> vector<256x128xf32>
    %select_n3A_262 = arith.select %eq3A_257, %roll3A_259, %roll3A_261 : vector<256x128xi1>, vector<256x128xf32>
    %and3A_263 = arith.constant 16 : i32
    %and3A_264 = vector.broadcast %and3A_263 : i32 to vector<256x128xi32>
    %and3A_265 = arith.andi %iota3A_48, %and3A_264 : vector<256x128xi32>
    %eq3A_266 = arith.constant 0 : i32
    %eq3A_267 = vector.broadcast %eq3A_266 : i32 to vector<256x128xi32>
    %eq3A_268 = arith.cmpi eq, %and3A_265, %eq3A_267 : vector<256x128xi32>
    %eq3A_269 = arith.xori %eq3A_268, %eq3A_257 : vector<256x128xi1>
    %eq3A_270 = arith.constant dense<true> : vector<256x128xi1>
    %eq3A_271 = arith.xori %eq3A_269, %eq3A_270 : vector<256x128xi1>
    %min3A_272 = arith.minimumf %select_n3A_251, %select_n3A_262 : vector<256x128xf32>
    %max3A_273 = arith.maximumf %select_n3A_251, %select_n3A_262 : vector<256x128xf32>
    %select_n3A_274 = arith.select %eq3A_271, %min3A_272, %max3A_273 : vector<256x128xi1>, vector<256x128xf32>
    %and3A_275 = arith.constant 16 : i32
    %and3A_276 = vector.broadcast %and3A_275 : i32 to vector<256x128xi32>
    %and3A_277 = arith.andi %iota3A_48, %and3A_276 : vector<256x128xi32>
    %eq3A_278 = arith.constant 0 : i32
    %eq3A_279 = vector.broadcast %eq3A_278 : i32 to vector<256x128xi32>
    %eq3A_280 = arith.cmpi eq, %and3A_277, %eq3A_279 : vector<256x128xi32>
    %roll3A_281 = arith.constant 112 : i32
    %roll3A_282 = tpu.dynamic_rotate %select_n3A_274 by %roll3A_281 dim 1 : vector<256x128xf32>, i32 -> vector<256x128xf32>
    %roll3A_283 = arith.constant 16 : i32
    %roll3A_284 = tpu.dynamic_rotate %select_n3A_274 by %roll3A_283 dim 1 : vector<256x128xf32>, i32 -> vector<256x128xf32>
    %select_n3A_285 = arith.select %eq3A_280, %roll3A_282, %roll3A_284 : vector<256x128xi1>, vector<256x128xf32>
    %and3A_286 = arith.constant 32 : i32
    %and3A_287 = vector.broadcast %and3A_286 : i32 to vector<256x128xi32>
    %and3A_288 = arith.andi %iota3A_48, %and3A_287 : vector<256x128xi32>
    %eq3A_289 = arith.constant 0 : i32
    %eq3A_290 = vector.broadcast %eq3A_289 : i32 to vector<256x128xi32>
    %eq3A_291 = arith.cmpi eq, %and3A_288, %eq3A_290 : vector<256x128xi32>
    %eq3A_292 = arith.xori %eq3A_291, %eq3A_280 : vector<256x128xi1>
    %eq3A_293 = arith.constant dense<true> : vector<256x128xi1>
    %eq3A_294 = arith.xori %eq3A_292, %eq3A_293 : vector<256x128xi1>
    %min3A_295 = arith.minimumf %select_n3A_274, %select_n3A_285 : vector<256x128xf32>
    %max3A_296 = arith.maximumf %select_n3A_274, %select_n3A_285 : vector<256x128xf32>
    %select_n3A_297 = arith.select %eq3A_294, %min3A_295, %max3A_296 : vector<256x128xi1>, vector<256x128xf32>
    %and3A_298 = arith.constant 8 : i32
    %and3A_299 = vector.broadcast %and3A_298 : i32 to vector<256x128xi32>
    %and3A_300 = arith.andi %iota3A_48, %and3A_299 : vector<256x128xi32>
    %eq3A_301 = arith.constant 0 : i32
    %eq3A_302 = vector.broadcast %eq3A_301 : i32 to vector<256x128xi32>
    %eq3A_303 = arith.cmpi eq, %and3A_300, %eq3A_302 : vector<256x128xi32>
    %roll3A_304 = arith.constant 120 : i32
    %roll3A_305 = tpu.dynamic_rotate %select_n3A_297 by %roll3A_304 dim 1 : vector<256x128xf32>, i32 -> vector<256x128xf32>
    %roll3A_306 = arith.constant 8 : i32
    %roll3A_307 = tpu.dynamic_rotate %select_n3A_297 by %roll3A_306 dim 1 : vector<256x128xf32>, i32 -> vector<256x128xf32>
    %select_n3A_308 = arith.select %eq3A_303, %roll3A_305, %roll3A_307 : vector<256x128xi1>, vector<256x128xf32>
    %and3A_309 = arith.constant 32 : i32
    %and3A_310 = vector.broadcast %and3A_309 : i32 to vector<256x128xi32>
    %and3A_311 = arith.andi %iota3A_48, %and3A_310 : vector<256x128xi32>
    %eq3A_312 = arith.constant 0 : i32
    %eq3A_313 = vector.broadcast %eq3A_312 : i32 to vector<256x128xi32>
    %eq3A_314 = arith.cmpi eq, %and3A_311, %eq3A_313 : vector<256x128xi32>
    %eq3A_315 = arith.xori %eq3A_314, %eq3A_303 : vector<256x128xi1>
    %eq3A_316 = arith.constant dense<true> : vector<256x128xi1>
    %eq3A_317 = arith.xori %eq3A_315, %eq3A_316 : vector<256x128xi1>
    %min3A_318 = arith.minimumf %select_n3A_297, %select_n3A_308 : vector<256x128xf32>
    %max3A_319 = arith.maximumf %select_n3A_297, %select_n3A_308 : vector<256x128xf32>
    %select_n3A_320 = arith.select %eq3A_317, %min3A_318, %max3A_319 : vector<256x128xi1>, vector<256x128xf32>
    %and3A_321 = arith.constant 4 : i32
    %and3A_322 = vector.broadcast %and3A_321 : i32 to vector<256x128xi32>
    %and3A_323 = arith.andi %iota3A_48, %and3A_322 : vector<256x128xi32>
    %eq3A_324 = arith.constant 0 : i32
    %eq3A_325 = vector.broadcast %eq3A_324 : i32 to vector<256x128xi32>
    %eq3A_326 = arith.cmpi eq, %and3A_323, %eq3A_325 : vector<256x128xi32>
    %roll3A_327 = arith.constant 124 : i32
    %roll3A_328 = tpu.dynamic_rotate %select_n3A_320 by %roll3A_327 dim 1 : vector<256x128xf32>, i32 -> vector<256x128xf32>
    %roll3A_329 = arith.constant 4 : i32
    %roll3A_330 = tpu.dynamic_rotate %select_n3A_320 by %roll3A_329 dim 1 : vector<256x128xf32>, i32 -> vector<256x128xf32>
    %select_n3A_331 = arith.select %eq3A_326, %roll3A_328, %roll3A_330 : vector<256x128xi1>, vector<256x128xf32>
    %and3A_332 = arith.constant 32 : i32
    %and3A_333 = vector.broadcast %and3A_332 : i32 to vector<256x128xi32>
    %and3A_334 = arith.andi %iota3A_48, %and3A_333 : vector<256x128xi32>
    %eq3A_335 = arith.constant 0 : i32
    %eq3A_336 = vector.broadcast %eq3A_335 : i32 to vector<256x128xi32>
    %eq3A_337 = arith.cmpi eq, %and3A_334, %eq3A_336 : vector<256x128xi32>
    %eq3A_338 = arith.xori %eq3A_337, %eq3A_326 : vector<256x128xi1>
    %eq3A_339 = arith.constant dense<true> : vector<256x128xi1>
    %eq3A_340 = arith.xori %eq3A_338, %eq3A_339 : vector<256x128xi1>
    %min3A_341 = arith.minimumf %select_n3A_320, %select_n3A_331 : vector<256x128xf32>
    %max3A_342 = arith.maximumf %select_n3A_320, %select_n3A_331 : vector<256x128xf32>
    %select_n3A_343 = arith.select %eq3A_340, %min3A_341, %max3A_342 : vector<256x128xi1>, vector<256x128xf32>
    %and3A_344 = arith.constant 2 : i32
    %and3A_345 = vector.broadcast %and3A_344 : i32 to vector<256x128xi32>
    %and3A_346 = arith.andi %iota3A_48, %and3A_345 : vector<256x128xi32>
    %eq3A_347 = arith.constant 0 : i32
    %eq3A_348 = vector.broadcast %eq3A_347 : i32 to vector<256x128xi32>
    %eq3A_349 = arith.cmpi eq, %and3A_346, %eq3A_348 : vector<256x128xi32>
    %roll3A_350 = arith.constant 126 : i32
    %roll3A_351 = tpu.dynamic_rotate %select_n3A_343 by %roll3A_350 dim 1 : vector<256x128xf32>, i32 -> vector<256x128xf32>
    %roll3A_352 = arith.constant 2 : i32
    %roll3A_353 = tpu.dynamic_rotate %select_n3A_343 by %roll3A_352 dim 1 : vector<256x128xf32>, i32 -> vector<256x128xf32>
    %select_n3A_354 = arith.select %eq3A_349, %roll3A_351, %roll3A_353 : vector<256x128xi1>, vector<256x128xf32>
    %and3A_355 = arith.constant 32 : i32
    %and3A_356 = vector.broadcast %and3A_355 : i32 to vector<256x128xi32>
    %and3A_357 = arith.andi %iota3A_48, %and3A_356 : vector<256x128xi32>
    %eq3A_358 = arith.constant 0 : i32
    %eq3A_359 = vector.broadcast %eq3A_358 : i32 to vector<256x128xi32>
    %eq3A_360 = arith.cmpi eq, %and3A_357, %eq3A_359 : vector<256x128xi32>
    %eq3A_361 = arith.xori %eq3A_360, %eq3A_349 : vector<256x128xi1>
    %eq3A_362 = arith.constant dense<true> : vector<256x128xi1>
    %eq3A_363 = arith.xori %eq3A_361, %eq3A_362 : vector<256x128xi1>
    %min3A_364 = arith.minimumf %select_n3A_343, %select_n3A_354 : vector<256x128xf32>
    %max3A_365 = arith.maximumf %select_n3A_343, %select_n3A_354 : vector<256x128xf32>
    %select_n3A_366 = arith.select %eq3A_363, %min3A_364, %max3A_365 : vector<256x128xi1>, vector<256x128xf32>
    %and3A_367 = arith.constant 1 : i32
    %and3A_368 = vector.broadcast %and3A_367 : i32 to vector<256x128xi32>
    %and3A_369 = arith.andi %iota3A_48, %and3A_368 : vector<256x128xi32>
    %eq3A_370 = arith.constant 0 : i32
    %eq3A_371 = vector.broadcast %eq3A_370 : i32 to vector<256x128xi32>
    %eq3A_372 = arith.cmpi eq, %and3A_369, %eq3A_371 : vector<256x128xi32>
    %roll3A_373 = arith.constant 127 : i32
    %roll3A_374 = tpu.dynamic_rotate %select_n3A_366 by %roll3A_373 dim 1 : vector<256x128xf32>, i32 -> vector<256x128xf32>
    %roll3A_375 = arith.constant 1 : i32
    %roll3A_376 = tpu.dynamic_rotate %select_n3A_366 by %roll3A_375 dim 1 : vector<256x128xf32>, i32 -> vector<256x128xf32>
    %select_n3A_377 = arith.select %eq3A_372, %roll3A_374, %roll3A_376 : vector<256x128xi1>, vector<256x128xf32>
    %and3A_378 = arith.constant 32 : i32
    %and3A_379 = vector.broadcast %and3A_378 : i32 to vector<256x128xi32>
    %and3A_380 = arith.andi %iota3A_48, %and3A_379 : vector<256x128xi32>
    %eq3A_381 = arith.constant 0 : i32
    %eq3A_382 = vector.broadcast %eq3A_381 : i32 to vector<256x128xi32>
    %eq3A_383 = arith.cmpi eq, %and3A_380, %eq3A_382 : vector<256x128xi32>
    %eq3A_384 = arith.xori %eq3A_383, %eq3A_372 : vector<256x128xi1>
    %eq3A_385 = arith.constant dense<true> : vector<256x128xi1>
    %eq3A_386 = arith.xori %eq3A_384, %eq3A_385 : vector<256x128xi1>
    %min3A_387 = arith.minimumf %select_n3A_366, %select_n3A_377 : vector<256x128xf32>
    %max3A_388 = arith.maximumf %select_n3A_366, %select_n3A_377 : vector<256x128xf32>
    %select_n3A_389 = arith.select %eq3A_386, %min3A_387, %max3A_388 : vector<256x128xi1>, vector<256x128xf32>
    %and3A_390 = arith.constant 32 : i32
    %and3A_391 = vector.broadcast %and3A_390 : i32 to vector<256x128xi32>
    %and3A_392 = arith.andi %iota3A_48, %and3A_391 : vector<256x128xi32>
    %eq3A_393 = arith.constant 0 : i32
    %eq3A_394 = vector.broadcast %eq3A_393 : i32 to vector<256x128xi32>
    %eq3A_395 = arith.cmpi eq, %and3A_392, %eq3A_394 : vector<256x128xi32>
    %roll3A_396 = arith.constant 96 : i32
    %roll3A_397 = tpu.dynamic_rotate %select_n3A_389 by %roll3A_396 dim 1 : vector<256x128xf32>, i32 -> vector<256x128xf32>
    %roll3A_398 = arith.constant 32 : i32
    %roll3A_399 = tpu.dynamic_rotate %select_n3A_389 by %roll3A_398 dim 1 : vector<256x128xf32>, i32 -> vector<256x128xf32>
    %select_n3A_400 = arith.select %eq3A_395, %roll3A_397, %roll3A_399 : vector<256x128xi1>, vector<256x128xf32>
    %and3A_401 = arith.constant 64 : i32
    %and3A_402 = vector.broadcast %and3A_401 : i32 to vector<256x128xi32>
    %and3A_403 = arith.andi %iota3A_48, %and3A_402 : vector<256x128xi32>
    %eq3A_404 = arith.constant 0 : i32
    %eq3A_405 = vector.broadcast %eq3A_404 : i32 to vector<256x128xi32>
    %eq3A_406 = arith.cmpi eq, %and3A_403, %eq3A_405 : vector<256x128xi32>
    %eq3A_407 = arith.xori %eq3A_406, %eq3A_395 : vector<256x128xi1>
    %eq3A_408 = arith.constant dense<true> : vector<256x128xi1>
    %eq3A_409 = arith.xori %eq3A_407, %eq3A_408 : vector<256x128xi1>
    %min3A_410 = arith.minimumf %select_n3A_389, %select_n3A_400 : vector<256x128xf32>
    %max3A_411 = arith.maximumf %select_n3A_389, %select_n3A_400 : vector<256x128xf32>
    %select_n3A_412 = arith.select %eq3A_409, %min3A_410, %max3A_411 : vector<256x128xi1>, vector<256x128xf32>
    %and3A_413 = arith.constant 16 : i32
    %and3A_414 = vector.broadcast %and3A_413 : i32 to vector<256x128xi32>
    %and3A_415 = arith.andi %iota3A_48, %and3A_414 : vector<256x128xi32>
    %eq3A_416 = arith.constant 0 : i32
    %eq3A_417 = vector.broadcast %eq3A_416 : i32 to vector<256x128xi32>
    %eq3A_418 = arith.cmpi eq, %and3A_415, %eq3A_417 : vector<256x128xi32>
    %roll3A_419 = arith.constant 112 : i32
    %roll3A_420 = tpu.dynamic_rotate %select_n3A_412 by %roll3A_419 dim 1 : vector<256x128xf32>, i32 -> vector<256x128xf32>
    %roll3A_421 = arith.constant 16 : i32
    %roll3A_422 = tpu.dynamic_rotate %select_n3A_412 by %roll3A_421 dim 1 : vector<256x128xf32>, i32 -> vector<256x128xf32>
    %select_n3A_423 = arith.select %eq3A_418, %roll3A_420, %roll3A_422 : vector<256x128xi1>, vector<256x128xf32>
    %and3A_424 = arith.constant 64 : i32
    %and3A_425 = vector.broadcast %and3A_424 : i32 to vector<256x128xi32>
    %and3A_426 = arith.andi %iota3A_48, %and3A_425 : vector<256x128xi32>
    %eq3A_427 = arith.constant 0 : i32
    %eq3A_428 = vector.broadcast %eq3A_427 : i32 to vector<256x128xi32>
    %eq3A_429 = arith.cmpi eq, %and3A_426, %eq3A_428 : vector<256x128xi32>
    %eq3A_430 = arith.xori %eq3A_429, %eq3A_418 : vector<256x128xi1>
    %eq3A_431 = arith.constant dense<true> : vector<256x128xi1>
    %eq3A_432 = arith.xori %eq3A_430, %eq3A_431 : vector<256x128xi1>
    %min3A_433 = arith.minimumf %select_n3A_412, %select_n3A_423 : vector<256x128xf32>
    %max3A_434 = arith.maximumf %select_n3A_412, %select_n3A_423 : vector<256x128xf32>
    %select_n3A_435 = arith.select %eq3A_432, %min3A_433, %max3A_434 : vector<256x128xi1>, vector<256x128xf32>
    %and3A_436 = arith.constant 8 : i32
    %and3A_437 = vector.broadcast %and3A_436 : i32 to vector<256x128xi32>
    %and3A_438 = arith.andi %iota3A_48, %and3A_437 : vector<256x128xi32>
    %eq3A_439 = arith.constant 0 : i32
    %eq3A_440 = vector.broadcast %eq3A_439 : i32 to vector<256x128xi32>
    %eq3A_441 = arith.cmpi eq, %and3A_438, %eq3A_440 : vector<256x128xi32>
    %roll3A_442 = arith.constant 120 : i32
    %roll3A_443 = tpu.dynamic_rotate %select_n3A_435 by %roll3A_442 dim 1 : vector<256x128xf32>, i32 -> vector<256x128xf32>
    %roll3A_444 = arith.constant 8 : i32
    %roll3A_445 = tpu.dynamic_rotate %select_n3A_435 by %roll3A_444 dim 1 : vector<256x128xf32>, i32 -> vector<256x128xf32>
    %select_n3A_446 = arith.select %eq3A_441, %roll3A_443, %roll3A_445 : vector<256x128xi1>, vector<256x128xf32>
    %and3A_447 = arith.constant 64 : i32
    %and3A_448 = vector.broadcast %and3A_447 : i32 to vector<256x128xi32>
    %and3A_449 = arith.andi %iota3A_48, %and3A_448 : vector<256x128xi32>
    %eq3A_450 = arith.constant 0 : i32
    %eq3A_451 = vector.broadcast %eq3A_450 : i32 to vector<256x128xi32>
    %eq3A_452 = arith.cmpi eq, %and3A_449, %eq3A_451 : vector<256x128xi32>
    %eq3A_453 = arith.xori %eq3A_452, %eq3A_441 : vector<256x128xi1>
    %eq3A_454 = arith.constant dense<true> : vector<256x128xi1>
    %eq3A_455 = arith.xori %eq3A_453, %eq3A_454 : vector<256x128xi1>
    %min3A_456 = arith.minimumf %select_n3A_435, %select_n3A_446 : vector<256x128xf32>
    %max3A_457 = arith.maximumf %select_n3A_435, %select_n3A_446 : vector<256x128xf32>
    %select_n3A_458 = arith.select %eq3A_455, %min3A_456, %max3A_457 : vector<256x128xi1>, vector<256x128xf32>
    %and3A_459 = arith.constant 4 : i32
    %and3A_460 = vector.broadcast %and3A_459 : i32 to vector<256x128xi32>
    %and3A_461 = arith.andi %iota3A_48, %and3A_460 : vector<256x128xi32>
    %eq3A_462 = arith.constant 0 : i32
    %eq3A_463 = vector.broadcast %eq3A_462 : i32 to vector<256x128xi32>
    %eq3A_464 = arith.cmpi eq, %and3A_461, %eq3A_463 : vector<256x128xi32>
    %roll3A_465 = arith.constant 124 : i32
    %roll3A_466 = tpu.dynamic_rotate %select_n3A_458 by %roll3A_465 dim 1 : vector<256x128xf32>, i32 -> vector<256x128xf32>
    %roll3A_467 = arith.constant 4 : i32
    %roll3A_468 = tpu.dynamic_rotate %select_n3A_458 by %roll3A_467 dim 1 : vector<256x128xf32>, i32 -> vector<256x128xf32>
    %select_n3A_469 = arith.select %eq3A_464, %roll3A_466, %roll3A_468 : vector<256x128xi1>, vector<256x128xf32>
    %and3A_470 = arith.constant 64 : i32
    %and3A_471 = vector.broadcast %and3A_470 : i32 to vector<256x128xi32>
    %and3A_472 = arith.andi %iota3A_48, %and3A_471 : vector<256x128xi32>
    %eq3A_473 = arith.constant 0 : i32
    %eq3A_474 = vector.broadcast %eq3A_473 : i32 to vector<256x128xi32>
    %eq3A_475 = arith.cmpi eq, %and3A_472, %eq3A_474 : vector<256x128xi32>
    %eq3A_476 = arith.xori %eq3A_475, %eq3A_464 : vector<256x128xi1>
    %eq3A_477 = arith.constant dense<true> : vector<256x128xi1>
    %eq3A_478 = arith.xori %eq3A_476, %eq3A_477 : vector<256x128xi1>
    %min3A_479 = arith.minimumf %select_n3A_458, %select_n3A_469 : vector<256x128xf32>
    %max3A_480 = arith.maximumf %select_n3A_458, %select_n3A_469 : vector<256x128xf32>
    %select_n3A_481 = arith.select %eq3A_478, %min3A_479, %max3A_480 : vector<256x128xi1>, vector<256x128xf32>
    %and3A_482 = arith.constant 2 : i32
    %and3A_483 = vector.broadcast %and3A_482 : i32 to vector<256x128xi32>
    %and3A_484 = arith.andi %iota3A_48, %and3A_483 : vector<256x128xi32>
    %eq3A_485 = arith.constant 0 : i32
    %eq3A_486 = vector.broadcast %eq3A_485 : i32 to vector<256x128xi32>
    %eq3A_487 = arith.cmpi eq, %and3A_484, %eq3A_486 : vector<256x128xi32>
    %roll3A_488 = arith.constant 126 : i32
    %roll3A_489 = tpu.dynamic_rotate %select_n3A_481 by %roll3A_488 dim 1 : vector<256x128xf32>, i32 -> vector<256x128xf32>
    %roll3A_490 = arith.constant 2 : i32
    %roll3A_491 = tpu.dynamic_rotate %select_n3A_481 by %roll3A_490 dim 1 : vector<256x128xf32>, i32 -> vector<256x128xf32>
    %select_n3A_492 = arith.select %eq3A_487, %roll3A_489, %roll3A_491 : vector<256x128xi1>, vector<256x128xf32>
    %and3A_493 = arith.constant 64 : i32
    %and3A_494 = vector.broadcast %and3A_493 : i32 to vector<256x128xi32>
    %and3A_495 = arith.andi %iota3A_48, %and3A_494 : vector<256x128xi32>
    %eq3A_496 = arith.constant 0 : i32
    %eq3A_497 = vector.broadcast %eq3A_496 : i32 to vector<256x128xi32>
    %eq3A_498 = arith.cmpi eq, %and3A_495, %eq3A_497 : vector<256x128xi32>
    %eq3A_499 = arith.xori %eq3A_498, %eq3A_487 : vector<256x128xi1>
    %eq3A_500 = arith.constant dense<true> : vector<256x128xi1>
    %eq3A_501 = arith.xori %eq3A_499, %eq3A_500 : vector<256x128xi1>
    %min3A_502 = arith.minimumf %select_n3A_481, %select_n3A_492 : vector<256x128xf32>
    %max3A_503 = arith.maximumf %select_n3A_481, %select_n3A_492 : vector<256x128xf32>
    %select_n3A_504 = arith.select %eq3A_501, %min3A_502, %max3A_503 : vector<256x128xi1>, vector<256x128xf32>
    %and3A_505 = arith.constant 1 : i32
    %and3A_506 = vector.broadcast %and3A_505 : i32 to vector<256x128xi32>
    %and3A_507 = arith.andi %iota3A_48, %and3A_506 : vector<256x128xi32>
    %eq3A_508 = arith.constant 0 : i32
    %eq3A_509 = vector.broadcast %eq3A_508 : i32 to vector<256x128xi32>
    %eq3A_510 = arith.cmpi eq, %and3A_507, %eq3A_509 : vector<256x128xi32>
    %roll3A_511 = arith.constant 127 : i32
    %roll3A_512 = tpu.dynamic_rotate %select_n3A_504 by %roll3A_511 dim 1 : vector<256x128xf32>, i32 -> vector<256x128xf32>
    %roll3A_513 = arith.constant 1 : i32
    %roll3A_514 = tpu.dynamic_rotate %select_n3A_504 by %roll3A_513 dim 1 : vector<256x128xf32>, i32 -> vector<256x128xf32>
    %select_n3A_515 = arith.select %eq3A_510, %roll3A_512, %roll3A_514 : vector<256x128xi1>, vector<256x128xf32>
    %and3A_516 = arith.constant 64 : i32
    %and3A_517 = vector.broadcast %and3A_516 : i32 to vector<256x128xi32>
    %and3A_518 = arith.andi %iota3A_48, %and3A_517 : vector<256x128xi32>
    %eq3A_519 = arith.constant 0 : i32
    %eq3A_520 = vector.broadcast %eq3A_519 : i32 to vector<256x128xi32>
    %eq3A_521 = arith.cmpi eq, %and3A_518, %eq3A_520 : vector<256x128xi32>
    %eq3A_522 = arith.xori %eq3A_521, %eq3A_510 : vector<256x128xi1>
    %eq3A_523 = arith.constant dense<true> : vector<256x128xi1>
    %eq3A_524 = arith.xori %eq3A_522, %eq3A_523 : vector<256x128xi1>
    %min3A_525 = arith.minimumf %select_n3A_504, %select_n3A_515 : vector<256x128xf32>
    %max3A_526 = arith.maximumf %select_n3A_504, %select_n3A_515 : vector<256x128xf32>
    %select_n3A_527 = arith.select %eq3A_524, %min3A_525, %max3A_526 : vector<256x128xi1>, vector<256x128xf32>
    %and3A_528 = arith.constant 64 : i32
    %and3A_529 = vector.broadcast %and3A_528 : i32 to vector<256x128xi32>
    %and3A_530 = arith.andi %iota3A_48, %and3A_529 : vector<256x128xi32>
    %eq3A_531 = arith.constant 0 : i32
    %eq3A_532 = vector.broadcast %eq3A_531 : i32 to vector<256x128xi32>
    %eq3A_533 = arith.cmpi eq, %and3A_530, %eq3A_532 : vector<256x128xi32>
    %roll3A_534 = arith.constant 64 : i32
    %roll3A_535 = tpu.dynamic_rotate %select_n3A_527 by %roll3A_534 dim 1 : vector<256x128xf32>, i32 -> vector<256x128xf32>
    %roll3A_536 = arith.constant 64 : i32
    %roll3A_537 = tpu.dynamic_rotate %select_n3A_527 by %roll3A_536 dim 1 : vector<256x128xf32>, i32 -> vector<256x128xf32>
    %select_n3A_538 = arith.select %eq3A_533, %roll3A_535, %roll3A_537 : vector<256x128xi1>, vector<256x128xf32>
    %and3A_539 = arith.constant 128 : i32
    %and3A_540 = vector.broadcast %and3A_539 : i32 to vector<256x128xi32>
    %and3A_541 = arith.andi %iota3A_48, %and3A_540 : vector<256x128xi32>
    %eq3A_542 = arith.constant 0 : i32
    %eq3A_543 = vector.broadcast %eq3A_542 : i32 to vector<256x128xi32>
    %eq3A_544 = arith.cmpi eq, %and3A_541, %eq3A_543 : vector<256x128xi32>
    %eq3A_545 = arith.xori %eq3A_544, %eq3A_533 : vector<256x128xi1>
    %eq3A_546 = arith.constant dense<true> : vector<256x128xi1>
    %eq3A_547 = arith.xori %eq3A_545, %eq3A_546 : vector<256x128xi1>
    %min3A_548 = arith.minimumf %select_n3A_527, %select_n3A_538 : vector<256x128xf32>
    %max3A_549 = arith.maximumf %select_n3A_527, %select_n3A_538 : vector<256x128xf32>
    %select_n3A_550 = arith.select %eq3A_547, %min3A_548, %max3A_549 : vector<256x128xi1>, vector<256x128xf32>
    %and3A_551 = arith.constant 32 : i32
    %and3A_552 = vector.broadcast %and3A_551 : i32 to vector<256x128xi32>
    %and3A_553 = arith.andi %iota3A_48, %and3A_552 : vector<256x128xi32>
    %eq3A_554 = arith.constant 0 : i32
    %eq3A_555 = vector.broadcast %eq3A_554 : i32 to vector<256x128xi32>
    %eq3A_556 = arith.cmpi eq, %and3A_553, %eq3A_555 : vector<256x128xi32>
    %roll3A_557 = arith.constant 96 : i32
    %roll3A_558 = tpu.dynamic_rotate %select_n3A_550 by %roll3A_557 dim 1 : vector<256x128xf32>, i32 -> vector<256x128xf32>
    %roll3A_559 = arith.constant 32 : i32
    %roll3A_560 = tpu.dynamic_rotate %select_n3A_550 by %roll3A_559 dim 1 : vector<256x128xf32>, i32 -> vector<256x128xf32>
    %select_n3A_561 = arith.select %eq3A_556, %roll3A_558, %roll3A_560 : vector<256x128xi1>, vector<256x128xf32>
    %and3A_562 = arith.constant 128 : i32
    %and3A_563 = vector.broadcast %and3A_562 : i32 to vector<256x128xi32>
    %and3A_564 = arith.andi %iota3A_48, %and3A_563 : vector<256x128xi32>
    %eq3A_565 = arith.constant 0 : i32
    %eq3A_566 = vector.broadcast %eq3A_565 : i32 to vector<256x128xi32>
    %eq3A_567 = arith.cmpi eq, %and3A_564, %eq3A_566 : vector<256x128xi32>
    %eq3A_568 = arith.xori %eq3A_567, %eq3A_556 : vector<256x128xi1>
    %eq3A_569 = arith.constant dense<true> : vector<256x128xi1>
    %eq3A_570 = arith.xori %eq3A_568, %eq3A_569 : vector<256x128xi1>
    %min3A_571 = arith.minimumf %select_n3A_550, %select_n3A_561 : vector<256x128xf32>
    %max3A_572 = arith.maximumf %select_n3A_550, %select_n3A_561 : vector<256x128xf32>
    %select_n3A_573 = arith.select %eq3A_570, %min3A_571, %max3A_572 : vector<256x128xi1>, vector<256x128xf32>
    %and3A_574 = arith.constant 16 : i32
    %and3A_575 = vector.broadcast %and3A_574 : i32 to vector<256x128xi32>
    %and3A_576 = arith.andi %iota3A_48, %and3A_575 : vector<256x128xi32>
    %eq3A_577 = arith.constant 0 : i32
    %eq3A_578 = vector.broadcast %eq3A_577 : i32 to vector<256x128xi32>
    %eq3A_579 = arith.cmpi eq, %and3A_576, %eq3A_578 : vector<256x128xi32>
    %roll3A_580 = arith.constant 112 : i32
    %roll3A_581 = tpu.dynamic_rotate %select_n3A_573 by %roll3A_580 dim 1 : vector<256x128xf32>, i32 -> vector<256x128xf32>
    %roll3A_582 = arith.constant 16 : i32
    %roll3A_583 = tpu.dynamic_rotate %select_n3A_573 by %roll3A_582 dim 1 : vector<256x128xf32>, i32 -> vector<256x128xf32>
    %select_n3A_584 = arith.select %eq3A_579, %roll3A_581, %roll3A_583 : vector<256x128xi1>, vector<256x128xf32>
    %and3A_585 = arith.constant 128 : i32
    %and3A_586 = vector.broadcast %and3A_585 : i32 to vector<256x128xi32>
    %and3A_587 = arith.andi %iota3A_48, %and3A_586 : vector<256x128xi32>
    %eq3A_588 = arith.constant 0 : i32
    %eq3A_589 = vector.broadcast %eq3A_588 : i32 to vector<256x128xi32>
    %eq3A_590 = arith.cmpi eq, %and3A_587, %eq3A_589 : vector<256x128xi32>
    %eq3A_591 = arith.xori %eq3A_590, %eq3A_579 : vector<256x128xi1>
    %eq3A_592 = arith.constant dense<true> : vector<256x128xi1>
    %eq3A_593 = arith.xori %eq3A_591, %eq3A_592 : vector<256x128xi1>
    %min3A_594 = arith.minimumf %select_n3A_573, %select_n3A_584 : vector<256x128xf32>
    %max3A_595 = arith.maximumf %select_n3A_573, %select_n3A_584 : vector<256x128xf32>
    %select_n3A_596 = arith.select %eq3A_593, %min3A_594, %max3A_595 : vector<256x128xi1>, vector<256x128xf32>
    %and3A_597 = arith.constant 8 : i32
    %and3A_598 = vector.broadcast %and3A_597 : i32 to vector<256x128xi32>
    %and3A_599 = arith.andi %iota3A_48, %and3A_598 : vector<256x128xi32>
    %eq3A_600 = arith.constant 0 : i32
    %eq3A_601 = vector.broadcast %eq3A_600 : i32 to vector<256x128xi32>
    %eq3A_602 = arith.cmpi eq, %and3A_599, %eq3A_601 : vector<256x128xi32>
    %roll3A_603 = arith.constant 120 : i32
    %roll3A_604 = tpu.dynamic_rotate %select_n3A_596 by %roll3A_603 dim 1 : vector<256x128xf32>, i32 -> vector<256x128xf32>
    %roll3A_605 = arith.constant 8 : i32
    %roll3A_606 = tpu.dynamic_rotate %select_n3A_596 by %roll3A_605 dim 1 : vector<256x128xf32>, i32 -> vector<256x128xf32>
    %select_n3A_607 = arith.select %eq3A_602, %roll3A_604, %roll3A_606 : vector<256x128xi1>, vector<256x128xf32>
    %and3A_608 = arith.constant 128 : i32
    %and3A_609 = vector.broadcast %and3A_608 : i32 to vector<256x128xi32>
    %and3A_610 = arith.andi %iota3A_48, %and3A_609 : vector<256x128xi32>
    %eq3A_611 = arith.constant 0 : i32
    %eq3A_612 = vector.broadcast %eq3A_611 : i32 to vector<256x128xi32>
    %eq3A_613 = arith.cmpi eq, %and3A_610, %eq3A_612 : vector<256x128xi32>
    %eq3A_614 = arith.xori %eq3A_613, %eq3A_602 : vector<256x128xi1>
    %eq3A_615 = arith.constant dense<true> : vector<256x128xi1>
    %eq3A_616 = arith.xori %eq3A_614, %eq3A_615 : vector<256x128xi1>
    %min3A_617 = arith.minimumf %select_n3A_596, %select_n3A_607 : vector<256x128xf32>
    %max3A_618 = arith.maximumf %select_n3A_596, %select_n3A_607 : vector<256x128xf32>
    %select_n3A_619 = arith.select %eq3A_616, %min3A_617, %max3A_618 : vector<256x128xi1>, vector<256x128xf32>
    %and3A_620 = arith.constant 4 : i32
    %and3A_621 = vector.broadcast %and3A_620 : i32 to vector<256x128xi32>
    %and3A_622 = arith.andi %iota3A_48, %and3A_621 : vector<256x128xi32>
    %eq3A_623 = arith.constant 0 : i32
    %eq3A_624 = vector.broadcast %eq3A_623 : i32 to vector<256x128xi32>
    %eq3A_625 = arith.cmpi eq, %and3A_622, %eq3A_624 : vector<256x128xi32>
    %roll3A_626 = arith.constant 124 : i32
    %roll3A_627 = tpu.dynamic_rotate %select_n3A_619 by %roll3A_626 dim 1 : vector<256x128xf32>, i32 -> vector<256x128xf32>
    %roll3A_628 = arith.constant 4 : i32
    %roll3A_629 = tpu.dynamic_rotate %select_n3A_619 by %roll3A_628 dim 1 : vector<256x128xf32>, i32 -> vector<256x128xf32>
    %select_n3A_630 = arith.select %eq3A_625, %roll3A_627, %roll3A_629 : vector<256x128xi1>, vector<256x128xf32>
    %and3A_631 = arith.constant 128 : i32
    %and3A_632 = vector.broadcast %and3A_631 : i32 to vector<256x128xi32>
    %and3A_633 = arith.andi %iota3A_48, %and3A_632 : vector<256x128xi32>
    %eq3A_634 = arith.constant 0 : i32
    %eq3A_635 = vector.broadcast %eq3A_634 : i32 to vector<256x128xi32>
    %eq3A_636 = arith.cmpi eq, %and3A_633, %eq3A_635 : vector<256x128xi32>
    %eq3A_637 = arith.xori %eq3A_636, %eq3A_625 : vector<256x128xi1>
    %eq3A_638 = arith.constant dense<true> : vector<256x128xi1>
    %eq3A_639 = arith.xori %eq3A_637, %eq3A_638 : vector<256x128xi1>
    %min3A_640 = arith.minimumf %select_n3A_619, %select_n3A_630 : vector<256x128xf32>
    %max3A_641 = arith.maximumf %select_n3A_619, %select_n3A_630 : vector<256x128xf32>
    %select_n3A_642 = arith.select %eq3A_639, %min3A_640, %max3A_641 : vector<256x128xi1>, vector<256x128xf32>
    %and3A_643 = arith.constant 2 : i32
    %and3A_644 = vector.broadcast %and3A_643 : i32 to vector<256x128xi32>
    %and3A_645 = arith.andi %iota3A_48, %and3A_644 : vector<256x128xi32>
    %eq3A_646 = arith.constant 0 : i32
    %eq3A_647 = vector.broadcast %eq3A_646 : i32 to vector<256x128xi32>
    %eq3A_648 = arith.cmpi eq, %and3A_645, %eq3A_647 : vector<256x128xi32>
    %roll3A_649 = arith.constant 126 : i32
    %roll3A_650 = tpu.dynamic_rotate %select_n3A_642 by %roll3A_649 dim 1 : vector<256x128xf32>, i32 -> vector<256x128xf32>
    %roll3A_651 = arith.constant 2 : i32
    %roll3A_652 = tpu.dynamic_rotate %select_n3A_642 by %roll3A_651 dim 1 : vector<256x128xf32>, i32 -> vector<256x128xf32>
    %select_n3A_653 = arith.select %eq3A_648, %roll3A_650, %roll3A_652 : vector<256x128xi1>, vector<256x128xf32>
    %and3A_654 = arith.constant 128 : i32
    %and3A_655 = vector.broadcast %and3A_654 : i32 to vector<256x128xi32>
    %and3A_656 = arith.andi %iota3A_48, %and3A_655 : vector<256x128xi32>
    %eq3A_657 = arith.constant 0 : i32
    %eq3A_658 = vector.broadcast %eq3A_657 : i32 to vector<256x128xi32>
    %eq3A_659 = arith.cmpi eq, %and3A_656, %eq3A_658 : vector<256x128xi32>
    %eq3A_660 = arith.xori %eq3A_659, %eq3A_648 : vector<256x128xi1>
    %eq3A_661 = arith.constant dense<true> : vector<256x128xi1>
    %eq3A_662 = arith.xori %eq3A_660, %eq3A_661 : vector<256x128xi1>
    %min3A_663 = arith.minimumf %select_n3A_642, %select_n3A_653 : vector<256x128xf32>
    %max3A_664 = arith.maximumf %select_n3A_642, %select_n3A_653 : vector<256x128xf32>
    %select_n3A_665 = arith.select %eq3A_662, %min3A_663, %max3A_664 : vector<256x128xi1>, vector<256x128xf32>
    %and3A_666 = arith.constant 1 : i32
    %and3A_667 = vector.broadcast %and3A_666 : i32 to vector<256x128xi32>
    %and3A_668 = arith.andi %iota3A_48, %and3A_667 : vector<256x128xi32>
    %eq3A_669 = arith.constant 0 : i32
    %eq3A_670 = vector.broadcast %eq3A_669 : i32 to vector<256x128xi32>
    %eq3A_671 = arith.cmpi eq, %and3A_668, %eq3A_670 : vector<256x128xi32>
    %roll3A_672 = arith.constant 127 : i32
    %roll3A_673 = tpu.dynamic_rotate %select_n3A_665 by %roll3A_672 dim 1 : vector<256x128xf32>, i32 -> vector<256x128xf32>
    %roll3A_674 = arith.constant 1 : i32
    %roll3A_675 = tpu.dynamic_rotate %select_n3A_665 by %roll3A_674 dim 1 : vector<256x128xf32>, i32 -> vector<256x128xf32>
    %select_n3A_676 = arith.select %eq3A_671, %roll3A_673, %roll3A_675 : vector<256x128xi1>, vector<256x128xf32>
    %and3A_677 = arith.constant 128 : i32
    %and3A_678 = vector.broadcast %and3A_677 : i32 to vector<256x128xi32>
    %and3A_679 = arith.andi %iota3A_48, %and3A_678 : vector<256x128xi32>
    %eq3A_680 = arith.constant 0 : i32
    %eq3A_681 = vector.broadcast %eq3A_680 : i32 to vector<256x128xi32>
    %eq3A_682 = arith.cmpi eq, %and3A_679, %eq3A_681 : vector<256x128xi32>
    %eq3A_683 = arith.xori %eq3A_682, %eq3A_671 : vector<256x128xi1>
    %eq3A_684 = arith.constant dense<true> : vector<256x128xi1>
    %eq3A_685 = arith.xori %eq3A_683, %eq3A_684 : vector<256x128xi1>
    %min3A_686 = arith.minimumf %select_n3A_665, %select_n3A_676 : vector<256x128xf32>
    %max3A_687 = arith.maximumf %select_n3A_665, %select_n3A_676 : vector<256x128xf32>
    %select_n3A_688 = arith.select %eq3A_685, %min3A_686, %max3A_687 : vector<256x128xi1>, vector<256x128xf32>
    %get3A_689 = arith.constant 0 : index
    %get3A_690 = arith.constant 0 : index
    %get3A_691 = vector.load %arg3[%get3A_689, %get3A_690] : memref<256x128xf32, #tpu.memory_space<vmem>>, vector<256x128xf32>
    %sub3A_692 = arith.subf %select_n3A_688, %get3A_691 : vector<256x128xf32>
    %integer_pow3A_693 = arith.mulf %sub3A_692, %sub3A_692 : vector<256x128xf32>
    %jit3A_694 = arith.constant 0.000000e+00 : f32
    %broadcast_in_dim3A_695 = vector.broadcast %jit3A_694 : f32 to vector<256x128xf32>
    %select_n3A_696 = arith.select %lt3A_44, %integer_pow3A_693, %broadcast_in_dim3A_695 : vector<256x128xi1>, vector<256x128xf32>
    %reduce_sum3A_697 = vector.shape_cast %select_n3A_696 : vector<256x128xf32> to vector<1x256x128xf32>
    %reduce_sum3A_698 = arith.constant dense<0.000000e+00> : vector<1xf32>
    %reduce_sum3A_699 = vector.multi_reduction <add>, %reduce_sum3A_697, %reduce_sum3A_698 [1, 2] : vector<1x256x128xf32> to vector<1xf32>
    %reduce_sum3A_700 = vector.shape_cast %reduce_sum3A_699 : vector<1xf32> to vector<1x1x1xf32>
    %reduce_sum3A_701 = vector.extract %reduce_sum3A_700[0, 0, 0] : f32 from vector<1x1x1xf32>
    %mul3A_702 = arith.constant 3.000000e-01 : f32
    %mul3A_703 = arith.mulf %mul3A_702, %reduce_sum3A_24 : f32
    %div3A_704 = arith.constant 6.144000e+04 : f32
    %div3A_705 = arith.divf %mul3A_703, %div3A_704 : f32
    %mul3A_706 = arith.constant 0.699999988 : f32
    %mul3A_707 = arith.mulf %mul3A_706, %reduce_sum3A_701 : f32
    %div3A_708 = arith.constant 4.300800e+05 : f32
    %div3A_709 = arith.divf %mul3A_707, %div3A_708 : f32
    %add3A_710 = arith.addf %div3A_705, %div3A_709 : f32
    %eq3A_711 = arith.constant 0 : i32
    %eq3A_712 = arith.cmpi eq, %arg0, %eq3A_711 : i32
    %convert_element_type3A = arith.extui %eq3A_712 : i1 to i32
    %cond3A = arith.constant 0 : i32
    %cond3A_713 = arith.cmpi ne, %convert_element_type3A, %cond3A : i32
    scf.if %cond3A_713 {
      %broadcast_in_dim3A_721 = arith.constant 0.000000e+00 : f32
      %broadcast_in_dim3A_722 = vector.broadcast %broadcast_in_dim3A_721 : f32 to vector<1x1xf32>
      %swap3A_723 = arith.constant 0 : index
      %swap3A_724 = arith.constant 0 : index
      %swap3A_725 = vector.load %arg6[%swap3A_723, %swap3A_724] : memref<1x1xf32, #tpu.memory_space<vmem>>, vector<1x1xf32>
      tpu.vector_store %arg6[%swap3A_723, %swap3A_724], %broadcast_in_dim3A_722 {strides = array<i32>} : memref<1x1xf32, #tpu.memory_space<vmem>>, vector<1x1xf32>,
    } else {
    }
    %get3A_714 = arith.constant 0 : index
    %get3A_715 = arith.constant 0 : index
    %get3A_716 = vector.load %arg6[%get3A_714, %get3A_715] : memref<1x1xf32, #tpu.memory_space<vmem>>, vector<1x1xf32>
    %add3A_717 = vector.broadcast %add3A_710 : f32 to vector<1x1xf32>
    %add3A_718 = arith.addf %get3A_716, %add3A_717 : vector<1x1xf32>
    %swap3A = arith.constant 0 : index
    %swap3A_719 = arith.constant 0 : index
    %swap3A_720 = vector.load %arg6[%swap3A, %swap3A_719] : memref<1x1xf32, #tpu.memory_space<vmem>>, vector<1x1xf32>
    tpu.vector_store %arg6[%swap3A, %swap3A_719], %add3A_718 {strides = array<i32>} : memref<1x1xf32, #tpu.memory_space<vmem>>, vector<1x1xf32>,
    return
  }
  func.func @transform_0(%arg0: i32) -> (i32, i32) {
    %c0_i32 = arith.constant 0 : i32
    %c0_i32_0 = arith.constant 0 : i32
    return %arg0, %c0_i32 : i32, i32
  }
  func.func @transform_1(%arg0: i32) -> (i32, i32) {
    %add3A = arith.constant 0 : i32
    %add3A_0 = arith.addi %add3A, %arg0 : i32
    %c0_i32 = arith.constant 0 : i32
    %c0_i32_1 = arith.constant 0 : i32
    return %add3A_0, %c0_i32 : i32, i32
  }
  func.func @transform_2(%arg0: i32) -> (i32, i32) {
    %add3A = arith.constant 0 : i32
    %add3A_0 = arith.addi %add3A, %arg0 : i32
    %c0_i32 = arith.constant 0 : i32
    %c0_i32_1 = arith.constant 0 : i32
    return %add3A_0, %c0_i32 : i32, i32
  }
  func.func @transform_3(%arg0: i32) -> (i32, i32) {
    %c0_i32 = arith.constant 0 : i32
    %c0_i32_0 = arith.constant 0 : i32
    %c0_i32_1 = arith.constant 0 : i32
    return %c0_i32, %c0_i32_0 : i32, i32
  }
  func.func @transform_4(%arg0: i32) -> (i32, i32) {
    %c0_i32 = arith.constant 0 : i32
    %c0_i32_0 = arith.constant 0 : i32
    %c0_i32_1 = arith.constant 0 : i32
    return %c0_i32, %c0_i32_0 : i32, i32
  }
  func.func @transform_5(%arg0: i32) -> (i32, i32) {
    %c0_i32 = arith.constant 0 : i32
    %c0_i32_0 = arith.constant 0 : i32
    %c0_i32_1 = arith.constant 0 : i32
    return %c0_i32, %c0_i32_0 : i32, i32
  }
}

</mosaic_0001>

<sc_bundles>
// kernel: kernel.12.cloned.1.call-start
scs
__scs_entry_jumppad:
0x0: {  	(pc) =	sbr.rel $0x88, $3  }
0x1: {  	(tag) =	ssettag $0x0;
	lr =	simm.s32 $0x1  }
0x2: {  	[smem:$0x3F9E] =	sst lr;
	_ =	strace $0xD0000000  }
0x3: {  	_ = 	snop  }
0x4: {  	_ = 	snop  }
0x5: {  	_ = 	snop  }
0x6: {  	_ = 	snop  }
0x7: {  	_ = 	snop  }
__scs_overlays_trampoline_lowered:
0x8: {  	[smem:$0x3FAD] =	sst s0  }
0x9: {  	[smem:$0x3FAE] =	sst s1  }
0xa: {  	[smem:$0x3FAF] =	sst s2  }
0xb: {  	[smem:$0x3FB0] =	sst s3  }
0xc: {  	[smem:$0x3FB1] =	sst s4  }
0xd: {  	[smem:$0x3FB2] =	sst s5  }
0xe: {  	[smem:$0x3FB3] =	sst s6  }
0xf: {  	[smem:$0x3FB4] =	sst s7  }
0x10: {  	[smem:$0x3FB5] =	sst s8  }
0x11: {  	[smem:$0x3FB6] =	sst s9;
	s0 =	simm.s32 @!p0 $0x0  }
0x12: {  	s1 =	sld [smem:$0x3F9C];
	s0 =	simm.s32 @p0 $0x1  }
0x13: {  	[smem:$0x3FB7] =	sst s0;
	s0 =	simm.s32 @!p1 $0x0  }
0x14: {  	s2 =	sld [smem:$0x3F9B];
	s0 =	simm.s32 @p1 $0x1  }
0x15: {  	[smem:$0x3FB8] =	sst s0;
	s0 =	simm.s32 @!p2 $0x0  }
0x16: {  	s3 =	sld [smem:$0x3FDB];
	s0 =	simm.s32 @p2 $0x1  }
0x17: {  	s4 =	simm.s32 $0x1BF5;
	[smem:$0x3FBA] =	sst s0  }
0x18: {  	s0 =	sld [smem:$0x3F9D];
	_ =	swait.ge [sflag:s4], $0x0  }
0x19: {  	s7 =	sld [smem:$0x3F9E]  }
0x1a: {  	s8 =	sadd.s32 $0xFFFFE003, lr  }
0x1b: {  	s9 =	sadd.s32 $0xFFFFFEF7, lr;
	s5 =	simm.s32 $0xFFFFFFFF;
	p2 =	slt.u32 s8, $0xFFFFF086  }
0x1c: {  	p1 =	slt.u32 s9, $0xF7A;
	s5 =	simm.s32 @!p2 $0x0  }
0x1d: {  	s5 =	simm.s32 @p1 $0x1;
	p0 =	seq.s32 s7, s2  }
0x1e: {  	s7 =	smul.u32 @!p0 $0xF7A, s2;
	p2 =	seq.s32 @!p0 s5, $0x0  }
0x1f: {  	s9 =	smul.u32 $0xF7A, s1;
	s8 =	simm.s32 @!p0 $0x1BF5;
	p2 =	por !p2, p0  }
0x20: {  	[sflag:s8] =	ssyncset.s32 @!p0 $0xFFFFF086;
	s6 =	sadd.s32 @!p0 s3, s7;
	s7 =	simm.s32 @!p0 $0x108  }
0x21: {  	s3 =	sadd.s32 s3, s9;
	s6 =	sadd.s32 @!p0 $0x88, s6;
	s7 =	simm.s32 @p2 $0x1082  }
0x22: {  	[simem:s7], [sflag:s8] =	dma.local @!p0 [hbm:s6], $0xF7A  }
0x23: {  	s9 =	sor.u32 $0xD0000000, s2;
	s6 =	simm.s32 $0x108;
	_ =	swait.ge @!p0 [sflag:s8], $0x0  }
0x24: {  	s3 =	sadd.s32 $0x88, s3;
	s6 =	simm.s32 @!p1 $0x1082;
	[sflag:s4] =	ssyncset.s32 $0xFFFFF086  }
0x25: {  	[simem:s6], [sflag:s4] =	dma.local [hbm:s3], $0xF7A  }
0x26: {  	[smem:$0x3F9E] =	sst s1;
	(tag) =	ssettag s2;
	_ =	strace s9  }
0x27: {  	s1 =	sld [smem:$0x3FAE]  }
0x28: {  	s2 =	sld [smem:$0x3FAF]  }
0x29: {  	s4 =	sld [smem:$0x3FB1]  }
0x2a: {  	p0 =	seq.s32 s5, $0x0;
	s5 =	sld [smem:$0x3FB2]  }
0x2b: {  	s6 =	sld [smem:$0x3FB3]  }
0x2c: {  	s7 =	sld [smem:$0x3FB4]  }
0x2d: {  	s3 =	simm.s32 $0x108;
	s8 =	sld [smem:$0x3FB5]  }
0x2e: {  	s3 =	simm.s32 @!p0 $0x1082;
	s9 =	sld [smem:$0x3FB6]  }
0x2f: {  	lr =	sadd.s32 s0, s3;
	s0 =	sld [smem:$0x3FAD]  }
0x30: {  	s3 =	sld [smem:$0x3FB0]  }
0x31: {  	[smem:$0x3FB9] =	sst s10  }
0x32: {  	s10 =	sld [smem:$0x3FB7];
	_ =	sdelay $0x3  }
0x33: {  	p0 =	seq.s32 s10, $0x1;
	s10 =	sld [smem:$0x3FB9];
	_ =	sdelay $0x3  }
0x34: {  	[smem:$0x3FB9] =	sst s10  }
0x35: {  	s10 =	sld [smem:$0x3FB8];
	_ =	sdelay $0x3  }
0x36: {  	p1 =	seq.s32 s10, $0x1;
	s10 =	sld [smem:$0x3FB9];
	_ =	sdelay $0x3  }
0x37: {  	[smem:$0x3FB9] =	sst s10  }
0x38: {  	s10 =	sld [smem:$0x3FBA]  }
0x39: {  	_ = 	snop;
	(pc) =	sbr.ind lr, $3  }
0x3a: {  	_ = 	snop  }
0x3b: {  	_ = 	snop  }
0x3c: {  	p2 =	seq.s32 s10, $0x1;
	s10 =	sld [smem:$0x3FB9]  }
0x3d: {  	_ =	shalt  }
0x3e: {  	_ =	shalt  }
0x3f: {  	_ =	shalt  }
0x40: {  	_ =	shalt  }
0x41: {  	_ =	shalt  }
0x42: {  	_ =	shalt  }
0x43: {  	_ =	shalt  }
0x44: {  	_ =	shalt  }
0x45: {  	_ =	shalt  }
0x46: {  	_ =	shalt  }
0x47: {  	_ =	shalt  }
0x48: {  	_ =	shalt  }
0x49: {  	_ =	shalt  }
0x4a: {  	_ =	shalt  }
0x4b: {  	_ =	shalt  }
0x4c: {  	_ =	shalt  }
0x4d: {  	_ =	shalt  }
0x4e: {  	_ =	shalt  }
0x4f: {  	_ =	shalt  }
0x50: {  	_ =	shalt  }
0x51: {  	_ =	shalt  }
0x52: {  	_ =	shalt  }
0x53: {  	_ =	shalt  }
0x54: {  	_ =	shalt  }
0x55: {  	_ =	shalt  }
0x56: {  	_ =	shalt  }
0x57: {  	_ =	shalt  }
0x58: {  	_ =	shalt  }
0x59: {  	_ =	shalt  }
0x5a: {  	_ =	shalt  }
0x5b: {  	_ =	shalt  }
0x5c: {  	_ =	shalt  }
0x5d: {  	_ =	shalt  }
0x5e: {  	_ =	shalt  }
0x5f: {  	_ =	shalt  }
0x60: {  	_ =	shalt  }
0x61: {  	_ =	shalt  }
0x62: {  	_ =	shalt  }
0x63: {  	_ =	shalt  }
0x64: {  	_ =	shalt  }
0x65: {  	_ =	shalt  }
0x66: {  	_ =	shalt  }
0x67: {  	_ =	shalt  }
0x68: {  	_ =	shalt  }
0x69: {  	_ =	shalt  }
0x6a: {  	_ =	shalt  }
0x6b: {  	_ =	shalt  }
0x6c: {  	_ =	shalt  }
0x6d: {  	_ =	shalt  }
0x6e: {  	_ =	shalt  }
0x6f: {  	_ =	shalt  }
0x70: {  	_ =	shalt  }
0x71: {  	_ =	shalt  }
0x72: {  	_ =	shalt  }
0x73: {  	_ =	shalt  }
0x74: {  	_ =	shalt  }
0x75: {  	_ =	shalt  }
0x76: {  	_ =	shalt  }
0x77: {  	_ =	shalt  }
0x78: {  	_ =	shalt  }
0x79: {  	_ =	shalt  }
0x7a: {  	_ =	shalt  }
0x7b: {  	_ =	shalt  }
0x7c: {  	_ =	shalt  }
0x7d: {  	_ =	shalt  }
0x7e: {  	_ =	shalt  }
0x7f: {  	_ =	shalt  }
0x80: {  	_ =	shalt  }
0x81: {  	_ =	shalt  }
0x82: {  	_ =	shalt  }
0x83: {  	_ =	shalt  }
0x84: {  	_ =	shalt  }
0x85: {  	_ =	shalt  }
0x86: {  	_ =	shalt  }
0x87: {  	_ =	shalt  }
.Lfunc_end0:
.L_simem_size_0:
called_computation.2_lowered:
.L_overlay_start_0:
0x88: {  	s2 =	sld [smem:$0x3FD9]  }
0x89: {  	s3 =	sld [smem:$0x3FFE];
	_ =	sdelay $0x1  }
0x8a: {  	s1 =	srdreg.scid  }
0x8b: {  	s0 =	sand.u32 $0x1, s1  }
0x8c: {  	s16 =	sshll.u32 s0, $0xA;
	s2 =	sadd.s32 s3, s2  }
0x8d: {  	s2 =	sadd.s32 s2, s16  }
0x8e: {  	[smem:$0x3FC5] =	sst s2  }
0x8f: {  	_ = 	snop  }
0x90: {  	(tm) =	ssettm $0x1  }
0x91: {  	s17 =	sld [smem:$0x3FFB];
	_ =	sdelay $0x3  }
0x92: {  	_ =	strace s17  }
0x93: {  	s2 =	sld [smem:$0x3FFC];
	_ =	sdelay $0x3  }
0x94: {  	_ =	strace s2  }
0x95: {  	s2 =	sld [smem:$0x3FFD];
	_ =	sdelay $0x3  }
0x96: {  	_ =	strace s2  }
0x97: {  	_ =	strace $0x8FFFFFFF  }
0x98: {  	s18 =	sld [smem:$0x3FDB];
	_ =	sdelay $0x1  }
0x99: {  	s19 =	simm.s32 $_scs_section_size  }
0x9a: {  	s4 =	simm.s32 $_size__tile_overlayer_lowered;
	s5 =	simm.s32 $_tile_overlayer_lowered  }
0x9b: {  	s22 =	simm.s32 $0x1BFF;
	s21 =	sshll.u32 s5, $0x1;
	s2 =	sadd.s32 s19, s18  }
0x9c: {  	s6 =	simm.s32 $0x0;
	s20 =	sshll.u32 s4, $0x1;
	s4 =	sadd.s32 s21, s2  }
0x9d: {  	[timem:s6], [sflag:s22] =	dma.local [hbm:s4], s20  }
0x9e: {  	_ =	swait.ge [sflag:s22], s20  }
0x9f: {  	s3 =	ssub.s32 $0x0, s20;
	[sflag:s22] =	ssyncset.done $0x0  }
0xa0: {  	[sflag:s22] =	ssyncadd.s32 s3;
	_ =	sdelay $0x1  }
0xa1: {  	s23 =	simm.s32 $0x1B8B  }
0xa2: {  	_ =	swait.ge [sflag:s23], $0x1  }
0xa3: {  	[sflag:s23] =	ssyncset.done $0x0  }
0xa4: {  	s25 =	simm.s32 $0x1B8E;
	s24 =	sld [smem:$0x3FFE];
	[sflag:s23] =	ssyncadd.s32 $0xFFFFFFFF  }
0xa5: {  	s26 =	simm.s32 $execute0_lowered;
	[smem:$0x3FD2] =	sst s25  }
0xa6: {  	s4 =	sshll.u32 s26, $0x1;
	_ =	strace $0x80000049;
	[dreg:$0x1] =	wrdreg $0xFFFFFFFF  }
0xa7: {  	s28 =	simm.s32 $_size_execute0_lowered;
	s2 =	sadd.s32 s2, s4;
	[dreg:$0x0] =	wrdreg $0x0  }
0xa8: {  	s4 =	sshll.u32 s28, $0x1;
	[dreg:$0x2] =	wrdreg s2  }
0xa9: {  	[dreg:$0x3] =	wrdreg s4  }
0xaa: {  	[dreg:$0x4] =	wrdreg $0xC0  }
0xab: {  	_ =	task [dreg:s6], $0x5FFFF  }
0xac: {  	[dreg:$0x1] =	wrdreg $0xFFFFFFFF  }
0xad: {  	[dreg:$0x0] =	wrdreg $0x60  }
0xae: {  	[dreg:$0x2] =	wrdreg s24  }
0xaf: {  	[dreg:$0x3] =	wrdreg $0xA  }
0xb0: {  	_ =	task.clear_ibuf [dreg:s6], $0x4FFFF;
	_ =	strace $0x90000049  }
0xb1: {  	s29 =	simm.s32 $0xA;
	_ =	strace $0x8000004B  }
0xb2: {  	_ =	swait.ge [sflag:s29], $0x1  }
0xb3: {  	[sflag:s29] =	ssyncadd.s32 $0xFFFFFFFF  }
0xb4: {  	_ =	strace $0x9000004B  }
0xb5: {  	_ =	sfence  }
0xb6: {  	s30 =	sld [smem:$0x0];
	_ =	sdelay $0x2  }
0xb7: {  	s31 =	sshll.u32 s1, $0xD;
	s1 =	sshrl.u32 s1, $0x2  }
0xb8: {  	s3 =	sand.u32 $0x4000, s31;
	s1 =	sadd.s32 s1, s30  }
0xb9: {  	s0 =	sor.u32 s3, s0;
	s1 =	sshll.u32 s1, $0x11  }
0xba: {  	s0 =	sor.u32 s1, s0  }
0xbb: {  	s0 =	sadd.s32 $0x8F2B, s0  }
0xbc: {  	[sflag:s0] =	ssyncadd.remote.s32 $0x1  }
0xbd: {  	_ =	sfence.sel $0xFFFF  }
0xbe: {  	[dreg:$0x0] =	wrdreg $0xFFFFFFFF;
	(pc) =	sbr.abs _section_cstart, $3  }
0xbf: {  	[dreg:$0x1] =	wrdreg $0xFFFFFFFF  }
0xc0: {  	_ =	task.clear_ibuf [dreg:s6], $0x2FFFF;
	_ =	strace $0x9FFFFFFF  }
0xc1: {  	(tm) =	ssettm $0x7FFFFFFF  }
tec
execute0_lowered:
.L_overlay_start_1:
0x0: {  	(tag) =	ssettag $0x1  }
0x1: {  	s0 =	rddreg [dreg:$0x0];
	s1 =	srdreg.scid  }
0x2: {  	s2 =	simm.s32 $0x0;
	s3 =	stileid.u32;
	s7 =	simm.s32 $0x2  }
0x3: {  	s8 =	simm.s32 $0x80;
	s9 =	simm.s32 $0x2000;
	s14 =	simm.s32 $0x780  }
0x4: {  	s15 =	simm.s32 $0x2780;
	s16 =	simm.s32 $0x800;
	s17 =	simm.s32 $0x2800  }
0x5: {  	s18 =	simm.s32 $0x880;
	s19 =	simm.s32 $0x2880;
	s20 =	simm.s32 $0x900  }
0x6: {  	s21 =	simm.s32 $0x2900;
	s22 =	simm.s32 $0x980;
	s23 =	simm.s32 $0x2980  }
0x7: {  	s24 =	simm.s32 $0xA00;
	s25 =	simm.s32 $0x2A00;
	s28 =	simm.s32 $0x2A80  }
0x8: {  	s29 =	simm.s32 $0xB00;
	s30 =	simm.s32 $0x2B00;
	s31 =	simm.s32 $0xB80  }
0x9: {  	s10 =	simm.s32 $0x0;
	s1 =	sand.u32 $0x1, s1;
	[smem:$0x7FF] =	sst s2  }
0xa: {  	s3 =	sshll.u32 s3, $0xB;
	s4 =	sshll.u32 s1, $0xA;
	s1 =	ssub.s32 $0x2, s1  }
0xb: {  	_ =	strace $0x8000004A;
	s4 =	sor.u32 s4, s3;
	s26 =	sshrl.u32 s1, $0x1  }
0xc: {  	s3 =	sadd.s32 $0x202000, s0;
	s0 =	sadd.s32 s4, s0;
	s1 =	ssub.s32 s1, s26  }
0xd: {  	s26 =	simm.s32 $0xA80;
	s4 =	sadd.s32 $0x402000, s0;
	s5 =	sadd.s32 $0x40A000, s0  }
0xe: {  	s6 =	smax.u32 s1, $0x1;
	s0 =	simm.s32 $0x2B80;
	s1 =	simm.s32 $0x1  }
.LBB2_1:
0xf: {  	[tilespmem:s2], [sflag:$0x2] =	stream.linear.gather [hbm4b:s4+s2], $0x2000, $0x38;
	[tilespmem:$0x4000] =	vst v63  }
0x10: {  	_ =	swait.ge [sflag:s7], $0x2000  }
0x11: {  	[sflag:s7] =	ssyncset.done $0x0  }
0x12: {  	[sflag:s7] =	ssyncadd.s32 $0xFFFFE000  }
0x13: {  	[tilespmem:s9], [sflag:$0x1] =	stream.indirect.gather [hbm4b:s3+s8], $0x1, s2, s8, $0xb8;
	[tilespmem:$0x4000] =	vst v63  }
0x14: {  	s11 =	simm.s32 $0x2080  }
0x15: {  	[tilespmem:s11], [sflag:$0x1] =	stream.indirect.gather [hbm4b:s3+s8], $0x1, s8, s8, $0xb8;
	[tilespmem:$0x4000] =	vst v63  }
0x16: {  	s13 =	simm.s32 $0x100;
	s12 =	simm.s32 $0x2100  }
0x17: {  	[tilespmem:s12], [sflag:$0x1] =	stream.indirect.gather [hbm4b:s3+s8], $0x1, s13, s8, $0xb8;
	[tilespmem:$0x4000] =	vst v63  }
0x18: {  	s12 =	simm.s32 $0x180;
	s13 =	simm.s32 $0x2180  }
0x19: {  	[tilespmem:s13], [sflag:$0x1] =	stream.indirect.gather [hbm4b:s3+s8], $0x1, s12, s8, $0xb8;
	[tilespmem:$0x4000] =	vst v63  }
0x1a: {  	s12 =	simm.s32 $0x200;
	s13 =	simm.s32 $0x2200  }
0x1b: {  	[tilespmem:s13], [sflag:$0x1] =	stream.indirect.gather [hbm4b:s3+s8], $0x1, s12, s8, $0xb8;
	[tilespmem:$0x4000] =	vst v63  }
0x1c: {  	s12 =	simm.s32 $0x280;
	s13 =	simm.s32 $0x2280  }
0x1d: {  	[tilespmem:s13], [sflag:$0x1] =	stream.indirect.gather [hbm4b:s3+s8], $0x1, s12, s8, $0xb8;
	[tilespmem:$0x4000] =	vst v63  }
0x1e: {  	s12 =	simm.s32 $0x300;
	s13 =	simm.s32 $0x2300  }
0x1f: {  	[tilespmem:s13], [sflag:$0x1] =	stream.indirect.gather [hbm4b:s3+s8], $0x1, s12, s8, $0xb8;
	[tilespmem:$0x4000] =	vst v63  }
0x20: {  	s12 =	simm.s32 $0x380;
	s13 =	simm.s32 $0x2380  }
0x21: {  	[tilespmem:s13], [sflag:$0x1] =	stream.indirect.gather [hbm4b:s3+s8], $0x1, s12, s8, $0xb8;
	[tilespmem:$0x4000] =	vst v63  }
0x22: {  	s12 =	simm.s32 $0x400;
	s13 =	simm.s32 $0x2400  }
0x23: {  	[tilespmem:s13], [sflag:$0x1] =	stream.indirect.gather [hbm4b:s3+s8], $0x1, s12, s8, $0xb8;
	[tilespmem:$0x4000] =	vst v63  }
0x24: {  	s12 =	simm.s32 $0x480;
	s13 =	simm.s32 $0x2480  }
0x25: {  	[tilespmem:s13], [sflag:$0x1] =	stream.indirect.gather [hbm4b:s3+s8], $0x1, s12, s8, $0xb8;
	[tilespmem:$0x4000] =	vst v63  }
0x26: {  	s12 =	simm.s32 $0x500;
	s13 =	simm.s32 $0x2500  }
0x27: {  	[tilespmem:s13], [sflag:$0x1] =	stream.indirect.gather [hbm4b:s3+s8], $0x1, s12, s8, $0xb8;
	[tilespmem:$0x4000] =	vst v63  }
0x28: {  	s12 =	simm.s32 $0x580;
	s13 =	simm.s32 $0x2580  }
0x29: {  	[tilespmem:s13], [sflag:$0x1] =	stream.indirect.gather [hbm4b:s3+s8], $0x1, s12, s8, $0xb8;
	[tilespmem:$0x4000] =	vst v63  }
0x2a: {  	s12 =	simm.s32 $0x600;
	s13 =	simm.s32 $0x2600  }
0x2b: {  	[tilespmem:s13], [sflag:$0x1] =	stream.indirect.gather [hbm4b:s3+s8], $0x1, s12, s8, $0xb8;
	[tilespmem:$0x4000] =	vst v63  }
0x2c: {  	s12 =	simm.s32 $0x680;
	s13 =	simm.s32 $0x2680  }
0x2d: {  	[tilespmem:s13], [sflag:$0x1] =	stream.indirect.gather [hbm4b:s3+s8], $0x1, s12, s8, $0xb8;
	[tilespmem:$0x4000] =	vst v63  }
0x2e: {  	s12 =	simm.s32 $0x700;
	s13 =	simm.s32 $0x2700  }
0x2f: {  	[tilespmem:s13], [sflag:$0x1] =	stream.indirect.gather [hbm4b:s3+s8], $0x1, s12, s8, $0xb8;
	[tilespmem:$0x4000] =	vst v63  }
0x30: {  	_ = 	snop  }
0x31: {  	[tilespmem:s15], [sflag:$0x1] =	stream.indirect.gather [hbm4b:s3+s8], $0x1, s14, s8, $0xb8;
	[tilespmem:$0x4000] =	vst v63  }
0x32: {  	_ = 	snop  }
0x33: {  	[tilespmem:s17], [sflag:$0x1] =	stream.indirect.gather [hbm4b:s3+s8], $0x1, s16, s8, $0xb8;
	[tilespmem:$0x4000] =	vst v63  }
0x34: {  	_ = 	snop  }
0x35: {  	[tilespmem:s19], [sflag:$0x1] =	stream.indirect.gather [hbm4b:s3+s8], $0x1, s18, s8, $0xb8;
	[tilespmem:$0x4000] =	vst v63  }
0x36: {  	_ = 	snop  }
0x37: {  	[tilespmem:s21], [sflag:$0x1] =	stream.indirect.gather [hbm4b:s3+s8], $0x1, s20, s8, $0xb8;
	[tilespmem:$0x4000] =	vst v63  }
0x38: {  	_ = 	snop  }
0x39: {  	[tilespmem:s23], [sflag:$0x1] =	stream.indirect.gather [hbm4b:s3+s8], $0x1, s22, s8, $0xb8;
	[tilespmem:$0x4000] =	vst v63  }
0x3a: {  	_ = 	snop  }
0x3b: {  	[tilespmem:s25], [sflag:$0x1] =	stream.indirect.gather [hbm4b:s3+s8], $0x1, s24, s8, $0xb8;
	[tilespmem:$0x4000] =	vst v63  }
0x3c: {  	_ = 	snop  }
0x3d: {  	[tilespmem:s28], [sflag:$0x1] =	stream.indirect.gather [hbm4b:s3+s8], $0x1, s26, s8, $0xb8;
	[tilespmem:$0x4000] =	vst v63  }
0x3e: {  	_ = 	snop  }
0x3f: {  	[tilespmem:s30], [sflag:$0x1] =	stream.indirect.gather [hbm4b:s3+s8], $0x1, s29, s8, $0xb8;
	[tilespmem:$0x4000] =	vst v63  }
0x40: {  	_ = 	snop  }
0x41: {  	[tilespmem:s0], [sflag:$0x1] =	stream.indirect.gather [hbm4b:s3+s8], $0x1, s31, s8, $0xb8;
	[tilespmem:$0x4000] =	vst v63  }
0x42: {  	s12 =	simm.s32 $0xC00;
	s13 =	simm.s32 $0x2C00  }
0x43: {  	[tilespmem:s13], [sflag:$0x1] =	stream.indirect.gather [hbm4b:s3+s8], $0x1, s12, s8, $0xb8;
	[tilespmem:$0x4000] =	vst v63  }
0x44: {  	s11 =	simm.s32 $0x3200;
	_ =	swait.ge [sflag:s1], $0x80  }
.LBB2_2:
0x45: {  	s12 =	sshra.s32 s11, $0x2;
	[sflag:s1] =	ssyncset.done $0x0;
	p0 =	sne.s32 s11, $0x7E00  }
.Ltmp0:
0x46: {  	s13 =	sadd.s32 $0x2000, s12;
	[sflag:s1] =	ssyncadd.s32 $0xFFFFFF80;
	(pc) =	sbr.rel @p0 .LBB2_2-.Ltmp0, $3  }
0x47: {  	[tilespmem:s13], [sflag:$0x1] =	stream.indirect.gather [hbm4b:s3+s8], $0x1, s12, s8, $0xb8;
	[tilespmem:$0x4000] =	vst v63  }
0x48: {  	s11 =	sadd.s32 $0x200, s11;
	_ =	sdelay $0x1  }
0x49: {  	_ =	swait.ge [sflag:s1], $0x80  }
0x4a: {  	[sflag:s1] =	ssyncset.done $0x0  }
0x4b: {  	[sflag:s1] =	ssyncadd.s32 $0xFFFFFF80  }
0x4c: {  	_ =	swait.ge [sflag:s1], $0x80  }
0x4d: {  	[sflag:s1] =	ssyncset.done $0x0  }
0x4e: {  	[sflag:s1] =	ssyncadd.s32 $0xFFFFFF80  }
0x4f: {  	_ =	swait.ge [sflag:s1], $0x80  }
0x50: {  	[sflag:s1] =	ssyncset.done $0x0  }
0x51: {  	[sflag:s1] =	ssyncadd.s32 $0xFFFFFF80  }
0x52: {  	_ =	swait.ge [sflag:s1], $0x80  }
0x53: {  	[sflag:s1] =	ssyncset.done $0x0  }
0x54: {  	[sflag:s1] =	ssyncadd.s32 $0xFFFFFF80  }
0x55: {  	_ =	swait.ge [sflag:s1], $0x80  }
0x56: {  	[sflag:s1] =	ssyncset.done $0x0  }
0x57: {  	[sflag:s1] =	ssyncadd.s32 $0xFFFFFF80  }
0x58: {  	_ =	swait.ge [sflag:s1], $0x80  }
0x59: {  	[sflag:s1] =	ssyncset.done $0x0  }
0x5a: {  	[sflag:s1] =	ssyncadd.s32 $0xFFFFFF80  }
0x5b: {  	_ =	swait.ge [sflag:s1], $0x80  }
0x5c: {  	[sflag:s1] =	ssyncset.done $0x0  }
0x5d: {  	[sflag:s1] =	ssyncadd.s32 $0xFFFFFF80  }
0x5e: {  	_ =	swait.ge [sflag:s1], $0x80  }
0x5f: {  	[sflag:s1] =	ssyncset.done $0x0  }
0x60: {  	[sflag:s1] =	ssyncadd.s32 $0xFFFFFF80  }
0x61: {  	_ =	swait.ge [sflag:s1], $0x80  }
0x62: {  	[sflag:s1] =	ssyncset.done $0x0  }
0x63: {  	[sflag:s1] =	ssyncadd.s32 $0xFFFFFF80  }
0x64: {  	_ =	swait.ge [sflag:s1], $0x80  }
0x65: {  	[sflag:s1] =	ssyncset.done $0x0  }
0x66: {  	[sflag:s1] =	ssyncadd.s32 $0xFFFFFF80  }
0x67: {  	_ =	swait.ge [sflag:s1], $0x80  }
0x68: {  	[sflag:s1] =	ssyncset.done $0x0  }
0x69: {  	[sflag:s1] =	ssyncadd.s32 $0xFFFFFF80  }
0x6a: {  	_ =	swait.ge [sflag:s1], $0x80  }
0x6b: {  	[sflag:s1] =	ssyncset.done $0x0  }
0x6c: {  	[sflag:s1] =	ssyncadd.s32 $0xFFFFFF80  }
0x6d: {  	_ =	swait.ge [sflag:s1], $0x80  }
0x6e: {  	[sflag:s1] =	ssyncset.done $0x0  }
0x6f: {  	[sflag:s1] =	ssyncadd.s32 $0xFFFFFF80  }
0x70: {  	_ =	swait.ge [sflag:s1], $0x80  }
0x71: {  	[sflag:s1] =	ssyncset.done $0x0  }
0x72: {  	[sflag:s1] =	ssyncadd.s32 $0xFFFFFF80  }
0x73: {  	_ =	swait.ge [sflag:s1], $0x80  }
0x74: {  	[sflag:s1] =	ssyncset.done $0x0  }
0x75: {  	[sflag:s1] =	ssyncadd.s32 $0xFFFFFF80  }
0x76: {  	_ =	swait.ge [sflag:s1], $0x80  }
0x77: {  	[sflag:s1] =	ssyncset.done $0x0  }
0x78: {  	[sflag:s1] =	ssyncadd.s32 $0xFFFFFF80  }
0x79: {  	_ =	swait.ge [sflag:s1], $0x80  }
0x7a: {  	[sflag:s1] =	ssyncset.done $0x0  }
0x7b: {  	[sflag:s1] =	ssyncadd.s32 $0xFFFFFF80  }
0x7c: {  	_ =	swait.ge [sflag:s1], $0x80  }
0x7d: {  	[sflag:s1] =	ssyncset.done $0x0  }
0x7e: {  	[sflag:s1] =	ssyncadd.s32 $0xFFFFFF80  }
0x7f: {  	_ =	swait.ge [sflag:s1], $0x80  }
0x80: {  	[sflag:s1] =	ssyncset.done $0x0  }
0x81: {  	[sflag:s1] =	ssyncadd.s32 $0xFFFFFF80  }
0x82: {  	_ =	swait.ge [sflag:s1], $0x80  }
0x83: {  	[sflag:s1] =	ssyncset.done $0x0  }
0x84: {  	[sflag:s1] =	ssyncadd.s32 $0xFFFFFF80  }
0x85: {  	_ =	swait.ge [sflag:s1], $0x80  }
0x86: {  	[sflag:s1] =	ssyncset.done $0x0  }
0x87: {  	[sflag:s1] =	ssyncadd.s32 $0xFFFFFF80  }
0x88: {  	_ =	swait.ge [sflag:s1], $0x80  }
0x89: {  	[sflag:s1] =	ssyncset.done $0x0  }
0x8a: {  	[sflag:s1] =	ssyncadd.s32 $0xFFFFFF80  }
0x8b: {  	_ =	swait.ge [sflag:s1], $0x80  }
0x8c: {  	[sflag:s1] =	ssyncset.done $0x0  }
0x8d: {  	[sflag:s1] =	ssyncadd.s32 $0xFFFFFF80  }
0x8e: {  	_ =	swait.ge [sflag:s1], $0x80  }
0x8f: {  	[sflag:s1] =	ssyncset.done $0x0  }
0x90: {  	[sflag:s1] =	ssyncadd.s32 $0xFFFFFF80  }
0x91: {  	s10 =	sadd.s32 $0x1, s10;
	_ =	swait.ge [sflag:s1], $0x80  }
0x92: {  	p0 =	sne.s32 s10, s6;
	[sflag:s1] =	ssyncset.done $0x0  }
.Ltmp1:
0x93: {  	[sflag:s1] =	ssyncadd.s32 $0xFFFFFF80;
	(pc) =	sbr.rel @p0 .LBB2_1-.Ltmp1, $4  }
0x94: {  	[hbm4b:s5+s2] =	stream.linear.scatter [tilespmem:s9], [sflag:$0x2], $0x2000, $0x38;
	[tilespmem:$0x4000] =	vst v63  }
0x95: {  	_ =	swait.ge [sflag:s7], $0x2000  }
0x96: {  	[sflag:s7] =	ssyncset.done $0x0  }
0x97: {  	[sflag:s7] =	ssyncadd.s32 $0xFFFFE000  }
0x98: {  	_ =	sfence.sel $0x180000  }
0x99: {  	[bflag:$0x0] =	sbarrier.arrive $0xFFFF  }
0x9a: {  	_ =	strace $0x9000004A  }
0x9b: {  	s0 =	stileid.u32;
	[bflag:$0x2] =	sbarrier.arrive $0xFFFF  }
0x9c: {  	p0 =	sne.s32 s0, $0x0;
	s0 =	rddreg [dreg:$0x1]  }
0x9d: {  	s0 =	sadd.s32 @!p0 $0x100000, s0  }
0x9e: {  	[sflag:s0] =	ssyncadd.tile.s32 @!p0 $0x1;
	_ =	shalt  }
.Lfunc_end2:
_tile_overlayer_lowered:
.L_overlay_start_2:
0x9f: {  	(tag) =	ssettag $0x2  }
0xa0: {  	s0 =	rddreg [dreg:$0x0];
	s2 =	stileid.u32  }
0xa1: {  	s1 =	rddreg [dreg:$0x1];
	p0 =	sne.s32 s2, $0x0  }
0xa2: {  	s3 =	rddreg [dreg:$0x2];
	[bflag:$0x3] =	sbarrier.arrive $0xFFFF;
	s2 =	simm.s32 @!p0 $0x1C02  }
0xa3: {  	[timem:s3], [sflag:s2] =	dma.local @!p0 [hbm:s0], s1  }
0xa4: {  	s0 =	simm.s32 @!p0 $0x2  }
0xa5: {  	_ =	swait.ge @!p0 [sflag:s0], s1  }
0xa6: {  	s1 =	ssub.s32 @!p0 $0x0, s1;
	[sflag:s0] =	ssyncset.done @!p0 $0x0  }
0xa7: {  	[sflag:s0] =	ssyncadd.s32 @!p0 s1  }
0xa8: {  	[bflag:$0x3] =	sbarrier.arrive $0xFFFF  }
0xa9: {  	_ =	shalt  }

// kernel: kernel.9.cloned.1.call-start
scs
__scs_entry_jumppad:
0x0: {  	(pc) =	sbr.rel $0x88, $3  }
0x1: {  	(tag) =	ssettag $0x0;
	lr =	simm.s32 $0x1  }
0x2: {  	[smem:$0x3F9E] =	sst lr;
	_ =	strace $0xD0000000  }
0x3: {  	_ = 	snop  }
0x4: {  	_ = 	snop  }
0x5: {  	_ = 	snop  }
0x6: {  	_ = 	snop  }
0x7: {  	_ = 	snop  }
__scs_overlays_trampoline_lowered:
0x8: {  	[smem:$0x3FAD] =	sst s0  }
0x9: {  	[smem:$0x3FAE] =	sst s1  }
0xa: {  	[smem:$0x3FAF] =	sst s2  }
0xb: {  	[smem:$0x3FB0] =	sst s3  }
0xc: {  	[smem:$0x3FB1] =	sst s4  }
0xd: {  	[smem:$0x3FB2] =	sst s5  }
0xe: {  	[smem:$0x3FB3] =	sst s6  }
0xf: {  	[smem:$0x3FB4] =	sst s7  }
0x10: {  	[smem:$0x3FB5] =	sst s8  }
0x11: {  	[smem:$0x3FB6] =	sst s9;
	s0 =	simm.s32 @!p0 $0x0  }
0x12: {  	s1 =	sld [smem:$0x3F9C];
	s0 =	simm.s32 @p0 $0x1  }
0x13: {  	[smem:$0x3FB7] =	sst s0;
	s0 =	simm.s32 @!p1 $0x0  }
0x14: {  	s2 =	sld [smem:$0x3F9B];
	s0 =	simm.s32 @p1 $0x1  }
0x15: {  	[smem:$0x3FB8] =	sst s0;
	s0 =	simm.s32 @!p2 $0x0  }
0x16: {  	s3 =	sld [smem:$0x3FDB];
	s0 =	simm.s32 @p2 $0x1  }
0x17: {  	s4 =	simm.s32 $0x1BF5;
	[smem:$0x3FBA] =	sst s0  }
0x18: {  	s0 =	sld [smem:$0x3F9D];
	_ =	swait.ge [sflag:s4], $0x0  }
0x19: {  	s7 =	sld [smem:$0x3F9E]  }
0x1a: {  	s8 =	sadd.s32 $0xFFFFE003, lr  }
0x1b: {  	s9 =	sadd.s32 $0xFFFFFEF7, lr;
	s5 =	simm.s32 $0xFFFFFFFF;
	p2 =	slt.u32 s8, $0xFFFFF086  }
0x1c: {  	p1 =	slt.u32 s9, $0xF7A;
	s5 =	simm.s32 @!p2 $0x0  }
0x1d: {  	s5 =	simm.s32 @p1 $0x1;
	p0 =	seq.s32 s7, s2  }
0x1e: {  	s7 =	smul.u32 @!p0 $0xF7A, s2;
	p2 =	seq.s32 @!p0 s5, $0x0  }
0x1f: {  	s9 =	smul.u32 $0xF7A, s1;
	s8 =	simm.s32 @!p0 $0x1BF5;
	p2 =	por !p2, p0  }
0x20: {  	[sflag:s8] =	ssyncset.s32 @!p0 $0xFFFFF086;
	s6 =	sadd.s32 @!p0 s3, s7;
	s7 =	simm.s32 @!p0 $0x108  }
0x21: {  	s3 =	sadd.s32 s3, s9;
	s6 =	sadd.s32 @!p0 $0x88, s6;
	s7 =	simm.s32 @p2 $0x1082  }
0x22: {  	[simem:s7], [sflag:s8] =	dma.local @!p0 [hbm:s6], $0xF7A  }
0x23: {  	s9 =	sor.u32 $0xD0000000, s2;
	s6 =	simm.s32 $0x108;
	_ =	swait.ge @!p0 [sflag:s8], $0x0  }
0x24: {  	s3 =	sadd.s32 $0x88, s3;
	s6 =	simm.s32 @!p1 $0x1082;
	[sflag:s4] =	ssyncset.s32 $0xFFFFF086  }
0x25: {  	[simem:s6], [sflag:s4] =	dma.local [hbm:s3], $0xF7A  }
0x26: {  	[smem:$0x3F9E] =	sst s1;
	(tag) =	ssettag s2;
	_ =	strace s9  }
0x27: {  	s1 =	sld [smem:$0x3FAE]  }
0x28: {  	s2 =	sld [smem:$0x3FAF]  }
0x29: {  	s4 =	sld [smem:$0x3FB1]  }
0x2a: {  	p0 =	seq.s32 s5, $0x0;
	s5 =	sld [smem:$0x3FB2]  }
0x2b: {  	s6 =	sld [smem:$0x3FB3]  }
0x2c: {  	s7 =	sld [smem:$0x3FB4]  }
0x2d: {  	s3 =	simm.s32 $0x108;
	s8 =	sld [smem:$0x3FB5]  }
0x2e: {  	s3 =	simm.s32 @!p0 $0x1082;
	s9 =	sld [smem:$0x3FB6]  }
0x2f: {  	lr =	sadd.s32 s0, s3;
	s0 =	sld [smem:$0x3FAD]  }
0x30: {  	s3 =	sld [smem:$0x3FB0]  }
0x31: {  	[smem:$0x3FB9] =	sst s10  }
0x32: {  	s10 =	sld [smem:$0x3FB7];
	_ =	sdelay $0x3  }
0x33: {  	p0 =	seq.s32 s10, $0x1;
	s10 =	sld [smem:$0x3FB9];
	_ =	sdelay $0x3  }
0x34: {  	[smem:$0x3FB9] =	sst s10  }
0x35: {  	s10 =	sld [smem:$0x3FB8];
	_ =	sdelay $0x3  }
0x36: {  	p1 =	seq.s32 s10, $0x1;
	s10 =	sld [smem:$0x3FB9];
	_ =	sdelay $0x3  }
0x37: {  	[smem:$0x3FB9] =	sst s10  }
0x38: {  	s10 =	sld [smem:$0x3FBA]  }
0x39: {  	_ = 	snop;
	(pc) =	sbr.ind lr, $3  }
0x3a: {  	_ = 	snop  }
0x3b: {  	_ = 	snop  }
0x3c: {  	p2 =	seq.s32 s10, $0x1;
	s10 =	sld [smem:$0x3FB9]  }
0x3d: {  	_ =	shalt  }
0x3e: {  	_ =	shalt  }
0x3f: {  	_ =	shalt  }
0x40: {  	_ =	shalt  }
0x41: {  	_ =	shalt  }
0x42: {  	_ =	shalt  }
0x43: {  	_ =	shalt  }
0x44: {  	_ =	shalt  }
0x45: {  	_ =	shalt  }
0x46: {  	_ =	shalt  }
0x47: {  	_ =	shalt  }
0x48: {  	_ =	shalt  }
0x49: {  	_ =	shalt  }
0x4a: {  	_ =	shalt  }
0x4b: {  	_ =	shalt  }
0x4c: {  	_ =	shalt  }
0x4d: {  	_ =	shalt  }
0x4e: {  	_ =	shalt  }
0x4f: {  	_ =	shalt  }
0x50: {  	_ =	shalt  }
0x51: {  	_ =	shalt  }
0x52: {  	_ =	shalt  }
0x53: {  	_ =	shalt  }
0x54: {  	_ =	shalt  }
0x55: {  	_ =	shalt  }
0x56: {  	_ =	shalt  }
0x57: {  	_ =	shalt  }
0x58: {  	_ =	shalt  }
0x59: {  	_ =	shalt  }
0x5a: {  	_ =	shalt  }
0x5b: {  	_ =	shalt  }
0x5c: {  	_ =	shalt  }
0x5d: {  	_ =	shalt  }
0x5e: {  	_ =	shalt  }
0x5f: {  	_ =	shalt  }
0x60: {  	_ =	shalt  }
0x61: {  	_ =	shalt  }
0x62: {  	_ =	shalt  }
0x63: {  	_ =	shalt  }
0x64: {  	_ =	shalt  }
0x65: {  	_ =	shalt  }
0x66: {  	_ =	shalt  }
0x67: {  	_ =	shalt  }
0x68: {  	_ =	shalt  }
0x69: {  	_ =	shalt  }
0x6a: {  	_ =	shalt  }
0x6b: {  	_ =	shalt  }
0x6c: {  	_ =	shalt  }
0x6d: {  	_ =	shalt  }
0x6e: {  	_ =	shalt  }
0x6f: {  	_ =	shalt  }
0x70: {  	_ =	shalt  }
0x71: {  	_ =	shalt  }
0x72: {  	_ =	shalt  }
0x73: {  	_ =	shalt  }
0x74: {  	_ =	shalt  }
0x75: {  	_ =	shalt  }
0x76: {  	_ =	shalt  }
0x77: {  	_ =	shalt  }
0x78: {  	_ =	shalt  }
0x79: {  	_ =	shalt  }
0x7a: {  	_ =	shalt  }
0x7b: {  	_ =	shalt  }
0x7c: {  	_ =	shalt  }
0x7d: {  	_ =	shalt  }
0x7e: {  	_ =	shalt  }
0x7f: {  	_ =	shalt  }
0x80: {  	_ =	shalt  }
0x81: {  	_ =	shalt  }
0x82: {  	_ =	shalt  }
0x83: {  	_ =	shalt  }
0x84: {  	_ =	shalt  }
0x85: {  	_ =	shalt  }
0x86: {  	_ =	shalt  }
0x87: {  	_ =	shalt  }
.Lfunc_end0:
.L_simem_size_0:
called_computation.1_lowered:
.L_overlay_start_0:
0x88: {  	s2 =	sld [smem:$0x3FD9]  }
0x89: {  	s3 =	sld [smem:$0x3FFE];
	_ =	sdelay $0x1  }
0x8a: {  	s1 =	srdreg.scid  }
0x8b: {  	s0 =	sand.u32 $0x1, s1  }
0x8c: {  	s17 =	sshll.u32 s0, $0xA;
	s2 =	sadd.s32 s3, s2  }
0x8d: {  	s2 =	sadd.s32 s2, s17  }
0x8e: {  	[smem:$0x3FC5] =	sst s2  }
0x8f: {  	_ = 	snop  }
0x90: {  	(tm) =	ssettm $0x1  }
0x91: {  	s18 =	sld [smem:$0x3FFB];
	_ =	sdelay $0x3  }
0x92: {  	_ =	strace s18  }
0x93: {  	s2 =	sld [smem:$0x3FFC];
	_ =	sdelay $0x3  }
0x94: {  	_ =	strace s2  }
0x95: {  	s2 =	sld [smem:$0x3FFD];
	_ =	sdelay $0x3  }
0x96: {  	_ =	strace s2  }
0x97: {  	_ =	strace $0x8FFFFFFF  }
0x98: {  	s19 =	sld [smem:$0x3FDB];
	_ =	sdelay $0x1  }
0x99: {  	s20 =	simm.s32 $_scs_section_size  }
0x9a: {  	s4 =	simm.s32 $_size__tile_overlayer_lowered;
	s5 =	simm.s32 $_tile_overlayer_lowered  }
0x9b: {  	s6 =	simm.s32 $0x1BFF;
	s21 =	sshll.u32 s5, $0x1;
	s3 =	sadd.s32 s20, s19  }
0x9c: {  	s22 =	simm.s32 $0x0;
	s4 =	sshll.u32 s4, $0x1;
	s5 =	sadd.s32 s21, s3  }
0x9d: {  	[timem:s22], [sflag:s6] =	dma.local [hbm:s5], s4  }
0x9e: {  	_ =	swait.ge [sflag:s6], s4  }
0x9f: {  	s4 =	ssub.s32 $0x0, s4;
	[sflag:s6] =	ssyncset.done $0x0  }
0xa0: {  	[sflag:s6] =	ssyncadd.s32 s4;
	_ =	sdelay $0x1  }
0xa1: {  	s23 =	simm.s32 $0x1B8B  }
0xa2: {  	_ =	swait.ge [sflag:s23], $0x1  }
0xa3: {  	[sflag:s23] =	ssyncset.done $0x0  }
0xa4: {  	[sflag:s23] =	ssyncadd.s32 $0xFFFFFFFF  }
0xa5: {  	s4 =	sld [smem:$0x0]  }
0xa6: {  	s5 =	sand.u32 $0xFFFFFFFE, s1  }
0xa7: {  	p0 =	sne.s32 s1, s5  }
0xa8: {  	s5 =	sshll.u32 @p0 s5, $0xE  }
0xa9: {  	s5 =	sadd.s32 @p0 $0x11B8D, s5;
	s6 =	sshll.u32 @p0 s4, $0x11  }
0xaa: {  	s5 =	sor.u32 @p0 s6, s5  }
0xab: {  	[sflag:s5] =	ssyncadd.remote.s32 @p0 $0x1;
	_ =	sdelay $0x1  }
0xac: {  	s5 =	simm.s32 @p0 $0x1B8D  }
0xad: {  	_ =	swait.eq @p0 [sflag:s5], $0x1  }
0xae: {  	[sflag:s5] =	ssyncadd.s32 @p0 $0xFFFFFFFF  }
0xaf: {  	s6 =	sshll.u32 @!p0 s1, $0xE  }
0xb0: {  	s6 =	sor.u32 @!p0 $0x4000, s6;
	s5 =	simm.s32 @!p0 $0x1B8D  }
0xb1: {  	s4 =	sshll.u32 @!p0 s4, $0x11;
	s6 =	sadd.s32 @!p0 $0x11B8D, s6;
	_ =	swait.eq @!p0 [sflag:s5], $0x1  }
0xb2: {  	s4 =	sor.u32 @!p0 s4, s6;
	[sflag:s5] =	ssyncadd.s32 @!p0 $0xFFFFFFFF  }
0xb3: {  	s25 =	simm.s32 $0x1B8E;
	s24 =	sld [smem:$0x3FFE];
	[sflag:s4] =	ssyncadd.remote.s32 @!p0 $0x1  }
0xb4: {  	s26 =	simm.s32 $execute0_lowered;
	[smem:$0x3FD2] =	sst s25  }
0xb5: {  	s5 =	sshll.u32 s26, $0x1;
	_ =	strace $0x8000004C;
	[dreg:$0x1] =	wrdreg $0xFFFFFFFF  }
0xb6: {  	s28 =	simm.s32 $_size_execute0_lowered;
	s3 =	sadd.s32 s3, s5;
	[dreg:$0x0] =	wrdreg $0x0  }
0xb7: {  	s5 =	sshll.u32 s28, $0x1;
	[dreg:$0x2] =	wrdreg s3  }
0xb8: {  	[dreg:$0x3] =	wrdreg s5  }
0xb9: {  	[dreg:$0x4] =	wrdreg $0xC0  }
0xba: {  	_ =	task [dreg:s22], $0x5FFFF  }
0xbb: {  	[dreg:$0x1] =	wrdreg $0xFFFFFFFF  }
0xbc: {  	[dreg:$0x0] =	wrdreg $0x60  }
0xbd: {  	[dreg:$0x2] =	wrdreg s24  }
0xbe: {  	[dreg:$0x3] =	wrdreg $0x9  }
0xbf: {  	_ =	task.clear_ibuf [dreg:s22], $0x4FFFF;
	_ =	strace $0x9000004C  }
0xc0: {  	s29 =	simm.s32 $0x9;
	_ =	strace $0x8000004E  }
0xc1: {  	_ =	swait.ge [sflag:s29], $0x1  }
0xc2: {  	[sflag:s29] =	ssyncadd.s32 $0xFFFFFFFF  }
0xc3: {  	_ =	strace $0x9000004E  }
0xc4: {  	_ =	sfence  }
0xc5: {  	s30 =	sld [smem:$0x0];
	_ =	sdelay $0x2  }
0xc6: {  	s31 =	sshll.u32 s1, $0xD;
	s1 =	sshrl.u32 s1, $0x2  }
0xc7: {  	s4 =	sand.u32 $0x4000, s31;
	s1 =	sadd.s32 s1, s30  }
0xc8: {  	s0 =	sor.u32 s4, s0;
	s1 =	sshll.u32 s1, $0x11  }
0xc9: {  	s0 =	sor.u32 s1, s0  }
0xca: {  	s0 =	sadd.s32 $0x8F2B, s0  }
0xcb: {  	[sflag:s0] =	ssyncadd.remote.s32 $0x1  }
0xcc: {  	_ =	sfence.sel $0xFFFF  }
0xcd: {  	[dreg:$0x0] =	wrdreg $0xFFFFFFFF;
	(pc) =	sbr.abs _section_cstart, $3  }
0xce: {  	[dreg:$0x1] =	wrdreg $0xFFFFFFFF  }
0xcf: {  	_ =	task.clear_ibuf [dreg:s22], $0x2FFFF;
	_ =	strace $0x9FFFFFFF  }
0xd0: {  	(tm) =	ssettm $0x7FFFFFFF  }
0xd1: {  	_ =	shalt  }
tec
execute0_lowered:
.L_overlay_start_1:
0x0: {  	(tag) =	ssettag $0x1  }
0x1: {  	s0 =	rddreg [dreg:$0x0];
	s1 =	srdreg.scid  }
0x2: {  	s2 =	simm.s32 $0x0;
	s3 =	stileid.u32;
	s7 =	simm.s32 $0x2  }
0x3: {  	s8 =	simm.s32 $0x80;
	s9 =	simm.s32 $0x2000;
	s14 =	simm.s32 $0x780  }
0x4: {  	s15 =	simm.s32 $0x2780;
	s16 =	simm.s32 $0x800;
	s17 =	simm.s32 $0x2800  }
0x5: {  	s18 =	simm.s32 $0x880;
	s19 =	simm.s32 $0x2880;
	s20 =	simm.s32 $0x900  }
0x6: {  	s21 =	simm.s32 $0x2900;
	s22 =	simm.s32 $0x980;
	s23 =	simm.s32 $0x2980  }
0x7: {  	s24 =	simm.s32 $0xA00;
	s25 =	simm.s32 $0x2A00;
	s28 =	simm.s32 $0x2A80  }
0x8: {  	s29 =	simm.s32 $0xB00;
	s30 =	simm.s32 $0x2B00;
	s31 =	simm.s32 $0xB80  }
0x9: {  	s10 =	simm.s32 $0x0;
	s1 =	sand.u32 $0x1, s1;
	[smem:$0x7FF] =	sst s2  }
0xa: {  	s3 =	sshll.u32 s3, $0xB;
	s4 =	sshll.u32 s1, $0xA;
	s1 =	ssub.s32 $0x2, s1  }
0xb: {  	_ =	strace $0x8000004D;
	s4 =	sor.u32 s4, s3;
	s26 =	sshrl.u32 s1, $0x1  }
0xc: {  	s3 =	sadd.s32 $0x202000, s0;
	s0 =	sadd.s32 s4, s0;
	s1 =	ssub.s32 s1, s26  }
0xd: {  	s26 =	simm.s32 $0xA80;
	s4 =	sadd.s32 $0x2000, s0;
	s5 =	sadd.s32 $0xA000, s0  }
0xe: {  	s6 =	smax.u32 s1, $0x1;
	s0 =	simm.s32 $0x2B80;
	s1 =	simm.s32 $0x1  }
.LBB2_1:
0xf: {  	[tilespmem:s2], [sflag:$0x2] =	stream.linear.gather [hbm4b:s4+s2], $0x2000, $0x38;
	[tilespmem:$0x4000] =	vst v63  }
0x10: {  	_ =	swait.ge [sflag:s7], $0x2000  }
0x11: {  	[sflag:s7] =	ssyncset.done $0x0  }
0x12: {  	[sflag:s7] =	ssyncadd.s32 $0xFFFFE000  }
0x13: {  	[tilespmem:s9], [sflag:$0x1] =	stream.indirect.gather [hbm4b:s3+s8], $0x1, s2, s8, $0xb8;
	[tilespmem:$0x4000] =	vst v63  }
0x14: {  	s11 =	simm.s32 $0x2080  }
0x15: {  	[tilespmem:s11], [sflag:$0x1] =	stream.indirect.gather [hbm4b:s3+s8], $0x1, s8, s8, $0xb8;
	[tilespmem:$0x4000] =	vst v63  }
0x16: {  	s13 =	simm.s32 $0x100;
	s12 =	simm.s32 $0x2100  }
0x17: {  	[tilespmem:s12], [sflag:$0x1] =	stream.indirect.gather [hbm4b:s3+s8], $0x1, s13, s8, $0xb8;
	[tilespmem:$0x4000] =	vst v63  }
0x18: {  	s12 =	simm.s32 $0x180;
	s13 =	simm.s32 $0x2180  }
0x19: {  	[tilespmem:s13], [sflag:$0x1] =	stream.indirect.gather [hbm4b:s3+s8], $0x1, s12, s8, $0xb8;
	[tilespmem:$0x4000] =	vst v63  }
0x1a: {  	s12 =	simm.s32 $0x200;
	s13 =	simm.s32 $0x2200  }
0x1b: {  	[tilespmem:s13], [sflag:$0x1] =	stream.indirect.gather [hbm4b:s3+s8], $0x1, s12, s8, $0xb8;
	[tilespmem:$0x4000] =	vst v63  }
0x1c: {  	s12 =	simm.s32 $0x280;
	s13 =	simm.s32 $0x2280  }
0x1d: {  	[tilespmem:s13], [sflag:$0x1] =	stream.indirect.gather [hbm4b:s3+s8], $0x1, s12, s8, $0xb8;
	[tilespmem:$0x4000] =	vst v63  }
0x1e: {  	s12 =	simm.s32 $0x300;
	s13 =	simm.s32 $0x2300  }
0x1f: {  	[tilespmem:s13], [sflag:$0x1] =	stream.indirect.gather [hbm4b:s3+s8], $0x1, s12, s8, $0xb8;
	[tilespmem:$0x4000] =	vst v63  }
0x20: {  	s12 =	simm.s32 $0x380;
	s13 =	simm.s32 $0x2380  }
0x21: {  	[tilespmem:s13], [sflag:$0x1] =	stream.indirect.gather [hbm4b:s3+s8], $0x1, s12, s8, $0xb8;
	[tilespmem:$0x4000] =	vst v63  }
0x22: {  	s12 =	simm.s32 $0x400;
	s13 =	simm.s32 $0x2400  }
0x23: {  	[tilespmem:s13], [sflag:$0x1] =	stream.indirect.gather [hbm4b:s3+s8], $0x1, s12, s8, $0xb8;
	[tilespmem:$0x4000] =	vst v63  }
0x24: {  	s12 =	simm.s32 $0x480;
	s13 =	simm.s32 $0x2480  }
0x25: {  	[tilespmem:s13], [sflag:$0x1] =	stream.indirect.gather [hbm4b:s3+s8], $0x1, s12, s8, $0xb8;
	[tilespmem:$0x4000] =	vst v63  }
0x26: {  	s12 =	simm.s32 $0x500;
	s13 =	simm.s32 $0x2500  }
0x27: {  	[tilespmem:s13], [sflag:$0x1] =	stream.indirect.gather [hbm4b:s3+s8], $0x1, s12, s8, $0xb8;
	[tilespmem:$0x4000] =	vst v63  }
0x28: {  	s12 =	simm.s32 $0x580;
	s13 =	simm.s32 $0x2580  }
0x29: {  	[tilespmem:s13], [sflag:$0x1] =	stream.indirect.gather [hbm4b:s3+s8], $0x1, s12, s8, $0xb8;
	[tilespmem:$0x4000] =	vst v63  }
0x2a: {  	s12 =	simm.s32 $0x600;
	s13 =	simm.s32 $0x2600  }
0x2b: {  	[tilespmem:s13], [sflag:$0x1] =	stream.indirect.gather [hbm4b:s3+s8], $0x1, s12, s8, $0xb8;
	[tilespmem:$0x4000] =	vst v63  }
0x2c: {  	s12 =	simm.s32 $0x680;
	s13 =	simm.s32 $0x2680  }
0x2d: {  	[tilespmem:s13], [sflag:$0x1] =	stream.indirect.gather [hbm4b:s3+s8], $0x1, s12, s8, $0xb8;
	[tilespmem:$0x4000] =	vst v63  }
0x2e: {  	s12 =	simm.s32 $0x700;
	s13 =	simm.s32 $0x2700  }
0x2f: {  	[tilespmem:s13], [sflag:$0x1] =	stream.indirect.gather [hbm4b:s3+s8], $0x1, s12, s8, $0xb8;
	[tilespmem:$0x4000] =	vst v63  }
0x30: {  	_ = 	snop  }
0x31: {  	[tilespmem:s15], [sflag:$0x1] =	stream.indirect.gather [hbm4b:s3+s8], $0x1, s14, s8, $0xb8;
	[tilespmem:$0x4000] =	vst v63  }
0x32: {  	_ = 	snop  }
0x33: {  	[tilespmem:s17], [sflag:$0x1] =	stream.indirect.gather [hbm4b:s3+s8], $0x1, s16, s8, $0xb8;
	[tilespmem:$0x4000] =	vst v63  }
0x34: {  	_ = 	snop  }
0x35: {  	[tilespmem:s19], [sflag:$0x1] =	stream.indirect.gather [hbm4b:s3+s8], $0x1, s18, s8, $0xb8;
	[tilespmem:$0x4000] =	vst v63  }
0x36: {  	_ = 	snop  }
0x37: {  	[tilespmem:s21], [sflag:$0x1] =	stream.indirect.gather [hbm4b:s3+s8], $0x1, s20, s8, $0xb8;
	[tilespmem:$0x4000] =	vst v63  }
0x38: {  	_ = 	snop  }
0x39: {  	[tilespmem:s23], [sflag:$0x1] =	stream.indirect.gather [hbm4b:s3+s8], $0x1, s22, s8, $0xb8;
	[tilespmem:$0x4000] =	vst v63  }
0x3a: {  	_ = 	snop  }
0x3b: {  	[tilespmem:s25], [sflag:$0x1] =	stream.indirect.gather [hbm4b:s3+s8], $0x1, s24, s8, $0xb8;
	[tilespmem:$0x4000] =	vst v63  }
0x3c: {  	_ = 	snop  }
0x3d: {  	[tilespmem:s28], [sflag:$0x1] =	stream.indirect.gather [hbm4b:s3+s8], $0x1, s26, s8, $0xb8;
	[tilespmem:$0x4000] =	vst v63  }
0x3e: {  	_ = 	snop  }
0x3f: {  	[tilespmem:s30], [sflag:$0x1] =	stream.indirect.gather [hbm4b:s3+s8], $0x1, s29, s8, $0xb8;
	[tilespmem:$0x4000] =	vst v63  }
0x40: {  	_ = 	snop  }
0x41: {  	[tilespmem:s0], [sflag:$0x1] =	stream.indirect.gather [hbm4b:s3+s8], $0x1, s31, s8, $0xb8;
	[tilespmem:$0x4000] =	vst v63  }
0x42: {  	s12 =	simm.s32 $0xC00;
	s13 =	simm.s32 $0x2C00  }
0x43: {  	[tilespmem:s13], [sflag:$0x1] =	stream.indirect.gather [hbm4b:s3+s8], $0x1, s12, s8, $0xb8;
	[tilespmem:$0x4000] =	vst v63  }
0x44: {  	s11 =	simm.s32 $0x3200;
	_ =	swait.ge [sflag:s1], $0x80  }
.LBB2_2:
0x45: {  	s12 =	sshra.s32 s11, $0x2;
	[sflag:s1] =	ssyncset.done $0x0;
	p0 =	sne.s32 s11, $0x7E00  }
.Ltmp0:
0x46: {  	s13 =	sadd.s32 $0x2000, s12;
	[sflag:s1] =	ssyncadd.s32 $0xFFFFFF80;
	(pc) =	sbr.rel @p0 .LBB2_2-.Ltmp0, $3  }
0x47: {  	[tilespmem:s13], [sflag:$0x1] =	stream.indirect.gather [hbm4b:s3+s8], $0x1, s12, s8, $0xb8;
	[tilespmem:$0x4000] =	vst v63  }
0x48: {  	s11 =	sadd.s32 $0x200, s11;
	_ =	sdelay $0x1  }
0x49: {  	_ =	swait.ge [sflag:s1], $0x80  }
0x4a: {  	[sflag:s1] =	ssyncset.done $0x0  }
0x4b: {  	[sflag:s1] =	ssyncadd.s32 $0xFFFFFF80  }
0x4c: {  	_ =	swait.ge [sflag:s1], $0x80  }
0x4d: {  	[sflag:s1] =	ssyncset.done $0x0  }
0x4e: {  	[sflag:s1] =	ssyncadd.s32 $0xFFFFFF80  }
0x4f: {  	_ =	swait.ge [sflag:s1], $0x80  }
0x50: {  	[sflag:s1] =	ssyncset.done $0x0  }
0x51: {  	[sflag:s1] =	ssyncadd.s32 $0xFFFFFF80  }
0x52: {  	_ =	swait.ge [sflag:s1], $0x80  }
0x53: {  	[sflag:s1] =	ssyncset.done $0x0  }
0x54: {  	[sflag:s1] =	ssyncadd.s32 $0xFFFFFF80  }
0x55: {  	_ =	swait.ge [sflag:s1], $0x80  }
0x56: {  	[sflag:s1] =	ssyncset.done $0x0  }
0x57: {  	[sflag:s1] =	ssyncadd.s32 $0xFFFFFF80  }
0x58: {  	_ =	swait.ge [sflag:s1], $0x80  }
0x59: {  	[sflag:s1] =	ssyncset.done $0x0  }
0x5a: {  	[sflag:s1] =	ssyncadd.s32 $0xFFFFFF80  }
0x5b: {  	_ =	swait.ge [sflag:s1], $0x80  }
0x5c: {  	[sflag:s1] =	ssyncset.done $0x0  }
0x5d: {  	[sflag:s1] =	ssyncadd.s32 $0xFFFFFF80  }
0x5e: {  	_ =	swait.ge [sflag:s1], $0x80  }
0x5f: {  	[sflag:s1] =	ssyncset.done $0x0  }
0x60: {  	[sflag:s1] =	ssyncadd.s32 $0xFFFFFF80  }
0x61: {  	_ =	swait.ge [sflag:s1], $0x80  }
0x62: {  	[sflag:s1] =	ssyncset.done $0x0  }
0x63: {  	[sflag:s1] =	ssyncadd.s32 $0xFFFFFF80  }
0x64: {  	_ =	swait.ge [sflag:s1], $0x80  }
0x65: {  	[sflag:s1] =	ssyncset.done $0x0  }
0x66: {  	[sflag:s1] =	ssyncadd.s32 $0xFFFFFF80  }
0x67: {  	_ =	swait.ge [sflag:s1], $0x80  }
0x68: {  	[sflag:s1] =	ssyncset.done $0x0  }
0x69: {  	[sflag:s1] =	ssyncadd.s32 $0xFFFFFF80  }
0x6a: {  	_ =	swait.ge [sflag:s1], $0x80  }
0x6b: {  	[sflag:s1] =	ssyncset.done $0x0  }
0x6c: {  	[sflag:s1] =	ssyncadd.s32 $0xFFFFFF80  }
0x6d: {  	_ =	swait.ge [sflag:s1], $0x80  }
0x6e: {  	[sflag:s1] =	ssyncset.done $0x0  }
0x6f: {  	[sflag:s1] =	ssyncadd.s32 $0xFFFFFF80  }
0x70: {  	_ =	swait.ge [sflag:s1], $0x80  }
0x71: {  	[sflag:s1] =	ssyncset.done $0x0  }
0x72: {  	[sflag:s1] =	ssyncadd.s32 $0xFFFFFF80  }
0x73: {  	_ =	swait.ge [sflag:s1], $0x80  }
0x74: {  	[sflag:s1] =	ssyncset.done $0x0  }
0x75: {  	[sflag:s1] =	ssyncadd.s32 $0xFFFFFF80  }
0x76: {  	_ =	swait.ge [sflag:s1], $0x80  }
0x77: {  	[sflag:s1] =	ssyncset.done $0x0  }
0x78: {  	[sflag:s1] =	ssyncadd.s32 $0xFFFFFF80  }
0x79: {  	_ =	swait.ge [sflag:s1], $0x80  }
0x7a: {  	[sflag:s1] =	ssyncset.done $0x0  }
0x7b: {  	[sflag:s1] =	ssyncadd.s32 $0xFFFFFF80  }
0x7c: {  	_ =	swait.ge [sflag:s1], $0x80  }
0x7d: {  	[sflag:s1] =	ssyncset.done $0x0  }
0x7e: {  	[sflag:s1] =	ssyncadd.s32 $0xFFFFFF80  }
0x7f: {  	_ =	swait.ge [sflag:s1], $0x80  }
0x80: {  	[sflag:s1] =	ssyncset.done $0x0  }
0x81: {  	[sflag:s1] =	ssyncadd.s32 $0xFFFFFF80  }
0x82: {  	_ =	swait.ge [sflag:s1], $0x80  }
0x83: {  	[sflag:s1] =	ssyncset.done $0x0  }
0x84: {  	[sflag:s1] =	ssyncadd.s32 $0xFFFFFF80  }
0x85: {  	_ =	swait.ge [sflag:s1], $0x80  }
0x86: {  	[sflag:s1] =	ssyncset.done $0x0  }
0x87: {  	[sflag:s1] =	ssyncadd.s32 $0xFFFFFF80  }
0x88: {  	_ =	swait.ge [sflag:s1], $0x80  }
0x89: {  	[sflag:s1] =	ssyncset.done $0x0  }
0x8a: {  	[sflag:s1] =	ssyncadd.s32 $0xFFFFFF80  }
0x8b: {  	_ =	swait.ge [sflag:s1], $0x80  }
0x8c: {  	[sflag:s1] =	ssyncset.done $0x0  }
0x8d: {  	[sflag:s1] =	ssyncadd.s32 $0xFFFFFF80  }
0x8e: {  	_ =	swait.ge [sflag:s1], $0x80  }
0x8f: {  	[sflag:s1] =	ssyncset.done $0x0  }
0x90: {  	[sflag:s1] =	ssyncadd.s32 $0xFFFFFF80  }
0x91: {  	s10 =	sadd.s32 $0x1, s10;
	_ =	swait.ge [sflag:s1], $0x80  }
0x92: {  	p0 =	sne.s32 s10, s6;
	[sflag:s1] =	ssyncset.done $0x0  }
.Ltmp1:
0x93: {  	[sflag:s1] =	ssyncadd.s32 $0xFFFFFF80;
	(pc) =	sbr.rel @p0 .LBB2_1-.Ltmp1, $4  }
0x94: {  	[hbm4b:s5+s2] =	stream.linear.scatter [tilespmem:s9], [sflag:$0x2], $0x2000, $0x38;
	[tilespmem:$0x4000] =	vst v63  }
0x95: {  	_ =	swait.ge [sflag:s7], $0x2000  }
0x96: {  	[sflag:s7] =	ssyncset.done $0x0  }
0x97: {  	[sflag:s7] =	ssyncadd.s32 $0xFFFFE000  }
0x98: {  	_ =	sfence.sel $0x180000  }
0x99: {  	[bflag:$0x0] =	sbarrier.arrive $0xFFFF  }
0x9a: {  	_ =	strace $0x9000004D  }
0x9b: {  	s0 =	stileid.u32;
	[bflag:$0x2] =	sbarrier.arrive $0xFFFF  }
0x9c: {  	p0 =	sne.s32 s0, $0x0;
	s0 =	rddreg [dreg:$0x1]  }
0x9d: {  	s0 =	sadd.s32 @!p0 $0x100000, s0  }
0x9e: {  	[sflag:s0] =	ssyncadd.tile.s32 @!p0 $0x1;
	_ =	shalt  }
.Lfunc_end2:
_tile_overlayer_lowered:
.L_overlay_start_2:
0x9f: {  	(tag) =	ssettag $0x2  }
0xa0: {  	s0 =	rddreg [dreg:$0x0];
	s2 =	stileid.u32  }
0xa1: {  	s1 =	rddreg [dreg:$0x1];
	p0 =	sne.s32 s2, $0x0  }
0xa2: {  	s3 =	rddreg [dreg:$0x2];
	[bflag:$0x3] =	sbarrier.arrive $0xFFFF;
	s2 =	simm.s32 @!p0 $0x1C02  }
0xa3: {  	[timem:s3], [sflag:s2] =	dma.local @!p0 [hbm:s0], s1  }
0xa4: {  	s0 =	simm.s32 @!p0 $0x2  }
0xa5: {  	_ =	swait.ge @!p0 [sflag:s0], s1  }
0xa6: {  	s1 =	ssub.s32 @!p0 $0x0, s1;
	[sflag:s0] =	ssyncset.done @!p0 $0x0  }
0xa7: {  	[sflag:s0] =	ssyncadd.s32 @!p0 s1  }
0xa8: {  	[bflag:$0x3] =	sbarrier.arrive $0xFFFF  }
0xa9: {  	_ =	shalt  }

// kernel: sparse-core-data-format-call.cloned.1.call-start
scs
called_computation_lowered:
.L_overlay_start_0:
0x0: {  	s1 =	sld [smem:$0x3FD9]  }
0x1: {  	s2 =	sld [smem:$0x3FFE];
	_ =	sdelay $0x1  }
0x2: {  	s3 =	srdreg.scid  }
0x3: {  	s0 =	sand.u32 $0x1, s3  }
0x4: {  	s17 =	sshll.u32 s0, $0xA;
	s1 =	sadd.s32 s2, s1  }
0x5: {  	s1 =	sadd.s32 s1, s17  }
0x6: {  	[smem:$0x3FC5] =	sst s1  }
0x7: {  	_ = 	snop  }
0x8: {  	(tm) =	ssettm $0x1  }
0x9: {  	s18 =	sld [smem:$0x3FFB];
	_ =	sdelay $0x3  }
0xa: {  	_ =	strace s18  }
0xb: {  	s1 =	sld [smem:$0x3FFC];
	_ =	sdelay $0x3  }
0xc: {  	_ =	strace s1  }
0xd: {  	s1 =	sld [smem:$0x3FFD];
	_ =	sdelay $0x3  }
0xe: {  	_ =	strace s1  }
0xf: {  	_ =	strace $0x8FFFFFFF  }
0x10: {  	s19 =	sld [smem:$0x3FDB];
	_ =	sdelay $0x1  }
0x11: {  	s20 =	simm.s32 $_scs_section_size  }
0x12: {  	s4 =	simm.s32 $_size__tile_overlayer_lowered;
	s5 =	simm.s32 $_tile_overlayer_lowered  }
0x13: {  	s23 =	simm.s32 $0x1BFF;
	s22 =	sshll.u32 s5, $0x1;
	s1 =	sadd.s32 s20, s19  }
0x14: {  	s6 =	simm.s32 $0x0;
	s21 =	sshll.u32 s4, $0x1;
	s4 =	sadd.s32 s22, s1  }
0x15: {  	[timem:s6], [sflag:s23] =	dma.local [hbm:s4], s21  }
0x16: {  	_ =	swait.ge [sflag:s23], s21  }
0x17: {  	s2 =	ssub.s32 $0x0, s21;
	[sflag:s23] =	ssyncset.done $0x0  }
0x18: {  	[sflag:s23] =	ssyncadd.s32 s2;
	_ =	sdelay $0x1  }
0x19: {  	s24 =	simm.s32 $0x1B8B  }
0x1a: {  	_ =	swait.ge [sflag:s24], $0x1  }
0x1b: {  	[sflag:s24] =	ssyncset.done $0x0  }
0x1c: {  	s26 =	simm.s32 $0x1B8E;
	s25 =	sld [smem:$0x3FFE];
	[sflag:s24] =	ssyncadd.s32 $0xFFFFFFFF  }
0x1d: {  	s27 =	simm.s32 $execute0_lowered;
	[smem:$0x3FD2] =	sst s26  }
0x1e: {  	s4 =	sshll.u32 s27, $0x1;
	_ =	strace $0x80000046;
	[dreg:$0x1] =	wrdreg $0xFFFFFFFF  }
0x1f: {  	s28 =	simm.s32 $_size_execute0_lowered;
	s1 =	sadd.s32 s1, s4;
	[dreg:$0x0] =	wrdreg $0x0  }
0x20: {  	s4 =	sshll.u32 s28, $0x1;
	[dreg:$0x2] =	wrdreg s1  }
0x21: {  	[dreg:$0x3] =	wrdreg s4  }
0x22: {  	[dreg:$0x4] =	wrdreg $0xC0  }
0x23: {  	_ =	task [dreg:s6], $0x5FFFF  }
0x24: {  	[dreg:$0x1] =	wrdreg $0xFFFFFFFF  }
0x25: {  	[dreg:$0x0] =	wrdreg $0x60  }
0x26: {  	[dreg:$0x2] =	wrdreg s25  }
0x27: {  	[dreg:$0x3] =	wrdreg $0x9  }
0x28: {  	_ =	task.clear_ibuf [dreg:s6], $0x4FFFF;
	_ =	strace $0x90000046  }
0x29: {  	s29 =	simm.s32 $0x9;
	_ =	strace $0x80000048  }
0x2a: {  	_ =	swait.ge [sflag:s29], $0x1  }
0x2b: {  	[sflag:s29] =	ssyncadd.s32 $0xFFFFFFFF  }
0x2c: {  	_ =	strace $0x90000048  }
0x2d: {  	_ =	sfence  }
0x2e: {  	s30 =	sld [smem:$0x0];
	_ =	sdelay $0x2  }
0x2f: {  	s31 =	sshll.u32 s3, $0xD;
	s3 =	sshrl.u32 s3, $0x2  }
0x30: {  	s2 =	sand.u32 $0x4000, s31;
	s1 =	sadd.s32 s3, s30  }
0x31: {  	s0 =	sor.u32 s2, s0;
	s1 =	sshll.u32 s1, $0x11  }
0x32: {  	s0 =	sor.u32 s1, s0  }
0x33: {  	s0 =	sadd.s32 $0x8F2B, s0  }
0x34: {  	[sflag:s0] =	ssyncadd.remote.s32 $0x1  }
0x35: {  	_ =	sfence.sel $0xFFFF  }
0x36: {  	[dreg:$0x0] =	wrdreg $0xFFFFFFFF;
	(pc) =	sbr.abs _section_cstart, $3  }
0x37: {  	[dreg:$0x1] =	wrdreg $0xFFFFFFFF  }
0x38: {  	_ =	task.clear_ibuf [dreg:s6], $0x2FFFF;
	_ =	strace $0x9FFFFFFF  }
0x39: {  	(tm) =	ssettm $0x7FFFFFFF  }
tec
execute0_lowered:
.L_overlay_start_1:
0x0: {  	(tag) =	ssettag $0x1  }
0x1: {  	s1 =	rddreg [dreg:$0x0]  }
0x2: {  	s0 =	rddreg [dreg:$0x1]  }
0x3: {  	_ =	strace $0x80000047;
	s4 =	srdreg.scid;
	s6 =	simm.s32 $0x2  }
0x4: {  	s11 =	simm.s32 $0x0;
	p0 =	por $0x0, $0x0;
	s7 =	simm.s32 $0x1000  }
.Ltmp0:
0x5: {  	s12 =	simm.s32 $0x0;
	s9 =	simm.s32 $0x0;
	(pc) =	sbr.rel .LBB1_1-.Ltmp0, $4  }
0x6: {  	s2 =	sadd.s32 $0x2000, s1;
	s3 =	sadd.s32 $0x202000, s1;
	s5 =	sshll.u32 s4, $0x4  }
0x7: {  	s1 =	stileid.u32;
	s4 =	simm.s32 $0x1;
	s5 =	sand.u32 $0x10, s5  }
0x8: {  	s8 =	simm.s32 $0x0;
	[sflag:s4] =	ssyncpa.u1 $0x0;
	s5 =	sor.u32 s1, s5  }
0x9: {  	[sflag:s6] =	ssyncpa.u1 $0x0;
	s6 =	simm.s32 $0x800;
	s10 =	smov.u32 s5  }
.LBB1_7:
0xa: {  	s13 =	sadd.s32 $0x10, s9  }
0xb: {  	s11 =	sadd.s32 $0x20, s10;
	s15 =	smov.u32 s10;
	p2 =	sgt.s32 s13, $0x1F  }
0xc: {  	p1 =	slt.u32 s8, $0x2;
	s15 =	smov.u32 @p2 s11  }
0xd: {  	s8 =	sadd.s32 $0x1, s8;
	s13 =	simm.s32 @p2 $0x0;
	p2 =	sgt.s32 s15, $0x1FF  }
0xe: {  	s15 =	smov.u32 @p2 s5;
	p2 =	sne.s32 s8, $0x22  }
.Ltmp1:
0xf: {  	_ = 	snop;
	(pc) =	sbr.rel @!p2 .LBB1_8-.Ltmp1, $4  }
0x10: {  	s14 =	simm.s32 @!p1 $0x2  }
0x11: {  	s12 =	smov.u32 s10;
	_ =	swait.ge @!p1 [sflag:s14], $0x4000  }
0x12: {  	p0 =	por !p0, !p0;
	s11 =	smov.u32 s9;
	[sflag:s14] =	ssyncset.done @!p1 $0x0  }
0x13: {  	s9 =	smov.u32 s13;
	[sflag:s14] =	ssyncadd.s32 @!p1 $0xFFFFC000;
	s10 =	smov.u32 s15  }
.LBB1_1:
0x14: {  	p1 =	sgt.u32 s8, $0x1F  }
0x15: {  	s13 =	sxor.u32 @!p1 $0xFFFFFFFF, s8;
	s14 =	sshll.u32 @!p1 s10, $0xC  }
0x16: {  	s15 =	sshll.u32 @!p1 s9, $0x7;
	s13 =	sshll.u32 @!p1 s13, $0xE;
	s14 =	sadd.s32 @!p1 s2, s14  }
0x17: {  	s13 =	sand.u32 @!p1 $0x4000, s13;
	s14 =	sadd.s32 @!p1 s15, s14;
	s15 =	simm.s32 @!p1 $0x0  }
0x18: {  	[tilespmem:s13], [sflag:$0x1] =	stream.linear.gather @!p1 [hbm4b:s14+s15], $0x4000, $0x38;
	[tilespmem:$0x10000] =	vst v63  }
0x19: {  	p1 =	seq.s32 s8, $0x0  }
0x1a: {  	p2 =	seq.s32 @!p1 s8, $0x21  }
0x1b: {  	p1 =	por p1, p2  }
.Ltmp2:
0x1c: {  	_ = 	snop;
	(pc) =	sbr.rel @p1 .LBB1_7-.Ltmp2, $1  }
0x1d: {  	_ =	sdelay $0x3  }
0x1e: {  	s13 =	simm.s32 $0x1;
	_ =	swait.ge [sflag:s4], $0x4000;
	s16 =	sshll.u32 s8, $0xE  }
0x1f: {  	s13 =	simm.s32 @!p0 $0x0;
	[sflag:s4] =	ssyncset.done $0x0;
	s31 =	sand.u32 $0x4000, s16  }
0x20: {  	s16 =	simm.s32 $0x0;
	s14 =	sshll.u32 s13, $0xE;
	[sflag:s4] =	ssyncadd.s32 $0xFFFFC000  }
0x21: {  	s13 =	sor.u32 $0x8040, s14;
	s15 =	sor.u32 $0x40, s14;
	s14 =	sor.u32 $0x8000, s31  }
.LBB1_3:
0x22: {  	v0 =	vmov s15;
	_ =	sdelay $0x3  }
0x23: {  	s18 =	simm.s32 $0x0  }
0x24: {  	v6 =	vld.idx.msk [tilespmem:v0+s18+$0x30 ss:$0x1], $0xffff  }
0x25: {  	v7 =	vld.idx.msk [tilespmem:v0+s18+$0xFFFFFFC0 ss:$0x1], $0xffff  }
0x26: {  	v5 =	vld.idx.msk [tilespmem:v0+s18+$0xFFFFFFD0 ss:$0x1], $0xffff  }
0x27: {  	v4 =	vld.idx.msk [tilespmem:v0+s18+$0xFFFFFFE0 ss:$0x1], $0xffff  }
0x28: {  	v3 =	vld.idx.msk [tilespmem:v0+s18+$0xFFFFFFF0 ss:$0x1], $0xffff  }
0x29: {  	v1 =	vld.idx.msk [tilespmem:v0+s18+$0x0 ss:$0x1], $0xffff  }
0x2a: {  	v2 =	vld.idx.msk [tilespmem:v0+s18+$0x10 ss:$0x1], $0xffff;
	[tilespmem:s13+$0x30] =	vst v6  }
0x2b: {  	s17 =	simm.s32 $0x80;
	s19 =	simm.s32 $0x400;
	[tilespmem:s13+$0xFFFFFFC0] =	vst v7;
	v6 =	vld.idx.msk [tilespmem:v0+s18+$0x20 ss:$0x1], $0xffff;
	s18 =	smov.u32 s13  }
.LBB1_4:
0x2c: {  	p1 =	sne.s32 s19, $0xE00;
	v7 =	vld.idx.msk [tilespmem:v0+s17+$0x30 ss:$0x1], $0xffff;
	[tilespmem:s18+$0xFFFFFFD0] =	vst v5  }
0x2d: {  	v8 =	vld.idx.msk [tilespmem:v0+s17+$0xFFFFFFC0 ss:$0x1], $0xffff;
	[tilespmem:s18+$0xFFFFFFE0] =	vst v4  }
0x2e: {  	v5 =	vld.idx.msk [tilespmem:v0+s17+$0xFFFFFFD0 ss:$0x1], $0xffff;
	[tilespmem:s18+$0xFFFFFFF0] =	vst v3  }
.Ltmp3:
0x2f: {  	v4 =	vld.idx.msk [tilespmem:v0+s17+$0xFFFFFFE0 ss:$0x1], $0xffff;
	[tilespmem:s18+$0x0] =	vst v1;
	(pc) =	sbr.rel @p1 .LBB1_4-.Ltmp3, $4  }
0x30: {  	v3 =	vld.idx.msk [tilespmem:v0+s17+$0xFFFFFFF0 ss:$0x1], $0xffff;
	[tilespmem:s18+$0x10] =	vst v2  }
0x31: {  	v1 =	vld.idx.msk [tilespmem:v0+s17+$0x0 ss:$0x1], $0xffff;
	[tilespmem:s18+$0x20] =	vst v6;
	s18 =	sadd.s32 $0x800, s18  }
0x32: {  	v2 =	vld.idx.msk [tilespmem:v0+s17+$0x10 ss:$0x1], $0xffff;
	[tilespmem:s18+$0x30] =	vst v7  }
0x33: {  	[tilespmem:s18+$0xFFFFFFC0] =	vst v8;
	v6 =	vld.idx.msk [tilespmem:v0+s17+$0x20 ss:$0x1], $0xffff;
	s17 =	sshra.s32 s19, $0x2;
	s19 =	sadd.s32 $0x200, s19  }
0x34: {  	_ =	sdelay $0x2  }
0x35: {  	[tilespmem:s18+$0xFFFFFFD0] =	vst v5  }
0x36: {  	v56 =	vld.idx.msk [tilespmem:v0+s17+$0x30 ss:$0x1], $0xffff;
	[tilespmem:s18+$0xFFFFFFE0] =	vst v4  }
0x37: {  	v57 =	vld.idx.msk [tilespmem:v0+s17+$0xFFFFFFC0 ss:$0x1], $0xffff;
	[tilespmem:s18+$0xFFFFFFF0] =	vst v3  }
0x38: {  	v58 =	vld.idx.msk [tilespmem:v0+s17+$0xFFFFFFD0 ss:$0x1], $0xffff;
	[tilespmem:s18+$0x0] =	vst v1  }
0x39: {  	v59 =	vld.idx.msk [tilespmem:v0+s17+$0xFFFFFFE0 ss:$0x1], $0xffff;
	[tilespmem:s18+$0x10] =	vst v2  }
0x3a: {  	v60 =	vld.idx.msk [tilespmem:v0+s17+$0xFFFFFFF0 ss:$0x1], $0xffff;
	s31 =	sadd.s32 $0x800, s18;
	[tilespmem:s18+$0x20] =	vst v6  }
0x3b: {  	v61 =	vld.idx.msk [tilespmem:v0+s17+$0x0 ss:$0x1], $0xffff;
	[tilespmem:s31+$0x30] =	vst v56  }
0x3c: {  	v62 =	vld.idx.msk [tilespmem:v0+s17+$0x10 ss:$0x1], $0xffff;
	s16 =	sadd.s32 $0x1, s16;
	[tilespmem:s31+$0xFFFFFFC0] =	vst v57  }
0x3d: {  	v63 =	vld.idx.msk [tilespmem:v0+s17+$0x20 ss:$0x1], $0xffff;
	p1 =	sne.s32 s16, $0x10;
	[tilespmem:s31+$0xFFFFFFD0] =	vst v58  }
.Ltmp4:
0x3e: {  	[tilespmem:s31+$0xFFFFFFE0] =	vst v59;
	(pc) =	sbr.rel @p1 .LBB1_3-.Ltmp4, $4  }
0x3f: {  	[tilespmem:s31+$0xFFFFFFF0] =	vst v60  }
0x40: {  	[tilespmem:s31+$0x0] =	vst v61  }
0x41: {  	[tilespmem:s31+$0x10] =	vst v62  }
0x42: {  	s13 =	sadd.s32 $0x80, s13;
	s15 =	sadd.s32 $0x400, s15;
	[tilespmem:s31+$0x20] =	vst v63  }
.Ltmp5:
0x43: {  	(pc) =	sbr.rel .LBB1_7-.Ltmp5, $4  }
0x44: {  	s12 =	sshll.u32 s12, $0xC;
	s11 =	sshll.u32 s11, $0x4  }
0x45: {  	s11 =	sand.u32 $0x1F0, s11;
	s12 =	sadd.s32 s3, s12  }
0x46: {  	s11 =	sadd.s32 s11, s12  }
0x47: {  	[hbm4b:s11+s6] =	stream.strided.scatter [tilespmem:s14], [sflag:$0x2], $0x4000, s7, s6, $0x38;
	[tilespmem:$0x10000] =	vst v63  }
.LBB1_8:
0x48: {  	_ =	sfence.sel $0x180000  }
0x49: {  	s2 =	simm.s32 $0x1;
	[bflag:$0x0] =	sbarrier.arrive $0xFFFF  }
0x4a: {  	s31 =	simm.s32 $0x2;
	[sflag:s2] =	ssyncpa.u1 $0x1  }
0x4b: {  	[sflag:s31] =	ssyncpa.u1 $0x1  }
0x4c: {  	p0 =	sne.s32 s1, $0x0;
	_ =	strace $0x90000047  }
0x4d: {  	s0 =	sadd.s32 @!p0 $0x100000, s0;
	[bflag:$0x2] =	sbarrier.arrive $0xFFFF  }
0x4e: {  	[sflag:s0] =	ssyncadd.tile.s32 @!p0 $0x1;
	_ =	shalt  }
.Lfunc_end1:
_tile_overlayer_lowered:
.L_overlay_start_2:
0x4f: {  	(tag) =	ssettag $0x2  }
0x50: {  	s0 =	rddreg [dreg:$0x0];
	s2 =	stileid.u32  }
0x51: {  	s1 =	rddreg [dreg:$0x1];
	p0 =	sne.s32 s2, $0x0  }
0x52: {  	s3 =	rddreg [dreg:$0x2];
	[bflag:$0x3] =	sbarrier.arrive $0xFFFF;
	s2 =	simm.s32 @!p0 $0x1C01  }
0x53: {  	[timem:s3], [sflag:s2] =	dma.local @!p0 [hbm:s0], s1  }
0x54: {  	s0 =	simm.s32 @!p0 $0x1  }
0x55: {  	_ =	swait.ge @!p0 [sflag:s0], s1  }
0x56: {  	s1 =	ssub.s32 @!p0 $0x0, s1;
	[sflag:s0] =	ssyncset.done @!p0 $0x0  }
0x57: {  	[sflag:s0] =	ssyncadd.s32 @!p0 s1  }
0x58: {  	[bflag:$0x3] =	sbarrier.arrive $0xFFFF  }
0x59: {  	_ =	shalt  }

</sc_bundles>
